<compile_context>
chip_gen: v7x
topology: tpu7x:2x2x1
jax: 0.10.2.dev20260603
libtpu: 0.0.44.dev20260713+nightly
codegen_flags: <defaults>
</compile_context>

<pallas_src>
import functools

import jax
import jax.numpy as jnp
from jax import lax
from jax.experimental import pallas as pl
from jax.experimental.pallas import tpu as pltpu
from jax.experimental.pallas import tpu_sc as plsc

N = 10000
E = 320000
D = 128
H = 8
HD = H * D

NC = 2
NS = 16
EPC = E // NC
EPT = EPC // NS
NP = 10240
RPT = NP // NS

CE = 40
NCH = EPT // CE
CEB = 40
NCHB = EPT // CEB

BN = 1000
GN = N // BN
BNP = 1024
GNP = NP // BNP


def _logit_mat(W, a_src, a_dst):
    s_cols = []
    d_cols = []
    for h in range(H):
        Wh = W[:, h * D:(h + 1) * D]
        s_cols.append(jnp.sum(Wh * a_src[h:h + 1, :], axis=1, keepdims=True))
        d_cols.append(jnp.sum(Wh * a_dst[h:h + 1, :], axis=1, keepdims=True))
    z = jnp.zeros((D, D - 32), jnp.float32)
    return jnp.concatenate(s_cols + s_cols + d_cols + d_cols + [z], axis=1)


def _tc_layer1_body(x_ref, W_ref, asrc_ref, adst_ref,
                    pj0_ref, pj1_ref, pj2_ref, pj3_ref, etab_ref):
    xb = x_ref[:]
    W = W_ref[:]
    pb = jnp.dot(xb, W, preferred_element_type=jnp.float32)
    for q, r in enumerate((pj0_ref, pj1_ref, pj2_ref, pj3_ref)):
        r[:] = pb[:, q * 256:(q + 1) * 256]
    M = _logit_mat(W, asrc_ref[:], adst_ref[:])
    etab_ref[:] = jnp.dot(xb, M, preferred_element_type=jnp.float32)


def _tc_layer2_body(p0_ref, p1_ref, xp_ref, W_ref, asrc_ref, adst_ref,
                    x1_ref, pj0_ref, pj1_ref, pj2_ref, pj3_ref, etab_ref):
    xb = (p0_ref[:] + p1_ref[:]) * (1.0 / H) + xp_ref[:]
    xb = jnp.where(xb > 0, xb, jnp.exp(jnp.minimum(xb, 0.0)) - 1.0)
    x1_ref[:] = xb
    W = W_ref[:]
    pb = jnp.dot(xb, W, preferred_element_type=jnp.float32)
    for q, r in enumerate((pj0_ref, pj1_ref, pj2_ref, pj3_ref)):
        r[:] = pb[:, q * 256:(q + 1) * 256]
    M = _logit_mat(W, asrc_ref[:], adst_ref[:])
    etab_ref[:] = jnp.dot(xb, M, preferred_element_type=jnp.float32)


def _tc_recip_body(w0_ref, w1_ref, r_ref):
    d = w0_ref[:, :16] + w1_ref[:, :16] + 1e-16
    r = 1.0 / d
    r_ref[:] = jnp.concatenate(
        [r, jnp.zeros((BNP, D - 16), jnp.float32)], axis=1)


def _tc_final_body(p0_ref, p1_ref, xp_ref, Wg_ref, bg_ref, Wp_ref, bp_ref,
                   Wh_ref, bh_ref, Wout_ref, bout_ref,
                   out_ref, s_acc, t_acc):
    i = pl.program_id(0)
    x2 = (p0_ref[:] + p1_ref[:]) * (1.0 / H) + xp_ref[:]
    g = jnp.dot(x2, Wg_ref[:], preferred_element_type=jnp.float32) + bg_ref[:]
    gate = jax.nn.sigmoid(g)
    eg = jnp.exp(gate)

    @pl.when(i == 0)
    def _init():
        s_acc[:] = jnp.zeros_like(s_acc)
        t_acc[:] = jnp.zeros_like(t_acc)

    s_acc[:] += jnp.sum(eg, axis=0, keepdims=True)
    t_acc[:] += jnp.sum(eg * x2, axis=0, keepdims=True)

    @pl.when(i == GN - 1)
    def _finish():
        graph = t_acc[:] / s_acc[:]
        y = jnp.dot(graph, Wp_ref[:],
                    preferred_element_type=jnp.float32) + bp_ref[:]
        for k in range(7):
            y = jnp.dot(y, Wh_ref[k],
                        preferred_element_type=jnp.float32) + bh_ref[k]
            y = jnp.maximum(y, 0.0)
        o = jnp.dot(y, Wout_ref[:],
                    preferred_element_type=jnp.float32) + bout_ref[:]
        out_ref[:] = jax.nn.sigmoid(o)


def _tc_layer1(x, W, a_src, a_dst):
    return pl.pallas_call(
        _tc_layer1_body,
        grid=(GN,),
        in_specs=[
            pl.BlockSpec((BN, D), lambda i: (i, 0)),
            pl.BlockSpec((D, HD), lambda i: (0, 0)),
            pl.BlockSpec((H, D), lambda i: (0, 0)),
            pl.BlockSpec((H, D), lambda i: (0, 0)),
        ],
        out_specs=[
            pl.BlockSpec((BN, 256), lambda i: (i, 0)),
            pl.BlockSpec((BN, 256), lambda i: (i, 0)),
            pl.BlockSpec((BN, 256), lambda i: (i, 0)),
            pl.BlockSpec((BN, 256), lambda i: (i, 0)),
            pl.BlockSpec((BN, D), lambda i: (i, 0)),
        ],
        out_shape=[
            jax.ShapeDtypeStruct((N, 256), jnp.float32),
            jax.ShapeDtypeStruct((N, 256), jnp.float32),
            jax.ShapeDtypeStruct((N, 256), jnp.float32),
            jax.ShapeDtypeStruct((N, 256), jnp.float32),
            jax.ShapeDtypeStruct((N, D), jnp.float32),
        ],
    )(x, W, a_src, a_dst)


def _tc_layer2(p0, p1, xprev, W, a_src, a_dst):
    return pl.pallas_call(
        _tc_layer2_body,
        grid=(GN,),
        in_specs=[
            pl.BlockSpec((BN, D), lambda i: (i, 0)),
            pl.BlockSpec((BN, D), lambda i: (i, 0)),
            pl.BlockSpec((BN, D), lambda i: (i, 0)),
            pl.BlockSpec((D, HD), lambda i: (0, 0)),
            pl.BlockSpec((H, D), lambda i: (0, 0)),
            pl.BlockSpec((H, D), lambda i: (0, 0)),
        ],
        out_specs=[
            pl.BlockSpec((BN, D), lambda i: (i, 0)),
            pl.BlockSpec((BN, 256), lambda i: (i, 0)),
            pl.BlockSpec((BN, 256), lambda i: (i, 0)),
            pl.BlockSpec((BN, 256), lambda i: (i, 0)),
            pl.BlockSpec((BN, 256), lambda i: (i, 0)),
            pl.BlockSpec((BN, D), lambda i: (i, 0)),
        ],
        out_shape=[
            jax.ShapeDtypeStruct((N, D), jnp.float32),
            jax.ShapeDtypeStruct((N, 256), jnp.float32),
            jax.ShapeDtypeStruct((N, 256), jnp.float32),
            jax.ShapeDtypeStruct((N, 256), jnp.float32),
            jax.ShapeDtypeStruct((N, 256), jnp.float32),
            jax.ShapeDtypeStruct((N, D), jnp.float32),
        ],
    )(p0, p1, xprev, W, a_src, a_dst)


def _tc_recip(ws0, ws1):
    return pl.pallas_call(
        _tc_recip_body,
        grid=(GNP,),
        in_specs=[
            pl.BlockSpec((BNP, D), lambda i: (i, 0)),
            pl.BlockSpec((BNP, D), lambda i: (i, 0)),
        ],
        out_specs=pl.BlockSpec((BNP, D), lambda i: (i, 0)),
        out_shape=jax.ShapeDtypeStruct((NP, D), jnp.float32),
    )(ws0, ws1)


def _tc_final(p0, p1, xprev, Wg, bg, Wp, bp, Wh, bh, Wout_pad, bout_pad):
    return pl.pallas_call(
        _tc_final_body,
        grid=(GN,),
        in_specs=[
            pl.BlockSpec((BN, D), lambda i: (i, 0)),
            pl.BlockSpec((BN, D), lambda i: (i, 0)),
            pl.BlockSpec((BN, D), lambda i: (i, 0)),
            pl.BlockSpec((D, D), lambda i: (0, 0)),
            pl.BlockSpec((1, D), lambda i: (0, 0)),
            pl.BlockSpec((D, D), lambda i: (0, 0)),
            pl.BlockSpec((1, D), lambda i: (0, 0)),
            pl.BlockSpec((7, D, D), lambda i: (0, 0, 0)),
            pl.BlockSpec((7, 1, D), lambda i: (0, 0, 0)),
            pl.BlockSpec((D, D), lambda i: (0, 0)),
            pl.BlockSpec((1, D), lambda i: (0, 0)),
        ],
        out_specs=pl.BlockSpec((1, D), lambda i: (0, 0)),
        out_shape=jax.ShapeDtypeStruct((1, D), jnp.float32),
        scratch_shapes=[
            pltpu.VMEM((1, D), jnp.float32),
            pltpu.VMEM((1, D), jnp.float32),
        ],
    )(p0, p1, xprev, Wg, bg, Wp, bp, Wh, bh, Wout_pad, bout_pad)


def _sc_phase_a(src, dst, etab, zerosD):
    mesh = plsc.VectorSubcoreMesh(core_axis_name="c", subcore_axis_name="s")

    @functools.partial(
        pl.kernel,
        out_type=[
            jax.ShapeDtypeStruct((NC * NP, D), jnp.float32),
            jax.ShapeDtypeStruct((E, 16), jnp.float32),
        ],
        mesh=mesh,
        scratch_types=[
            pltpu.VMEM((CE,), jnp.int32),
            pltpu.VMEM((CE,), jnp.int32),
            pltpu.VMEM((CE,), jnp.int32),
            pltpu.VMEM((CE,), jnp.int32),
            pltpu.VMEM((CE, D), jnp.float32),
            pltpu.VMEM((CE, D), jnp.float32),
            pltpu.VMEM((CE, D), jnp.float32),
            pltpu.VMEM((CE, D), jnp.float32),
            pltpu.VMEM((CE, D), jnp.float32),
            pltpu.VMEM((CE, 16), jnp.float32),
            pltpu.VMEM_SHARED((NP, D), jnp.float32),
            pltpu.SemaphoreType.DMA,
            pltpu.SemaphoreType.DMA,
            pltpu.SemaphoreType.DMA,
            pltpu.SemaphoreType.DMA,
            pltpu.SemaphoreType.DMA,
            pltpu.SemaphoreType.DMA,
            pltpu.SemaphoreType.DMA,
            pltpu.SemaphoreType.DMA,
        ],
    )
    def k(src_h, dst_h, etab_h, z_h, wsum_h, w_h,
          sidxa, didxa, sidxb, didxb, esg, edg, esg2, edg2, wv, wv16,
          wsum_sh, sem1, sem2, sem3, sem4, semia, semja, semib, semjb):
        c = lax.axis_index("c")
        s = lax.axis_index("s")
        pltpu.sync_copy(z_h.at[pl.ds(s * RPT, RPT)],
                        wsum_sh.at[pl.ds(s * RPT, RPT)])
        pltpu.sync_copy(z_h.at[pl.ds(0, CE)], wv)
        plsc.subcore_barrier()
        tile_base = c * EPC + s * EPT

        def row_loop(es_ref, ed_ref):
            def row(i, rc):
                ev = es_ref[i, pl.ds(0, 16)] + ed_ref[i, pl.ds(16, 16)]
                ev = jnp.where(ev > 0, ev, 0.2 * ev)
                w = jnp.exp(ev)
                wv[i, pl.ds(0, 16)] = w
                wv16[i, :] = w
                return rc

            lax.fori_loop(0, CE, row, 0, unroll=4)

        def chunk(g2, carry):
            a = tile_base + (2 * g2) * CE
            b = a + CE
            cpia = pltpu.async_copy(src_h.at[pl.ds(a, CE)], sidxa, semia)
            cpja = pltpu.async_copy(dst_h.at[pl.ds(a, CE)], didxa, semja)
            cpib = pltpu.async_copy(src_h.at[pl.ds(b, CE)], sidxb, semib)
            cpjb = pltpu.async_copy(dst_h.at[pl.ds(b, CE)], didxb, semjb)
            cpia.wait()
            cpja.wait()
            cp1 = pltpu.async_copy(etab_h.at[sidxa], esg, sem1)
            cp2 = pltpu.async_copy(etab_h.at[didxa], edg, sem2)
            cpib.wait()
            cpjb.wait()
            cp1b = pltpu.async_copy(etab_h.at[sidxb], esg2, sem3)
            cp2b = pltpu.async_copy(etab_h.at[didxb], edg2, sem4)
            cp1.wait()
            cp2.wait()
            row_loop(esg, edg)
            pltpu.sync_copy(wv16, w_h.at[pl.ds(a, CE)])
            pltpu.sync_copy(wv, wsum_sh.at[didxa], add=True)
            cp1b.wait()
            cp2b.wait()
            row_loop(esg2, edg2)
            pltpu.sync_copy(wv16, w_h.at[pl.ds(b, CE)])
            pltpu.sync_copy(wv, wsum_sh.at[didxb], add=True)
            return carry

        lax.fori_loop(0, NCH // 2, chunk, 0)
        plsc.subcore_barrier()
        pltpu.sync_copy(wsum_sh.at[pl.ds(s * RPT, RPT)],
                        wsum_h.at[pl.ds(c * NP + s * RPT, RPT)])

    return k(src, dst, etab, zerosD)


def _sc_phase_b(src, dst, w_e, recip, projq, zerosD):
    mesh = plsc.VectorSubcoreMesh(core_axis_name="c", subcore_axis_name="s")

    @functools.partial(
        pl.kernel,
        out_type=jax.ShapeDtypeStruct((NC * NP, D), jnp.float32),
        mesh=mesh,
        scratch_types=[
            pltpu.VMEM((CEB,), jnp.int32),
            pltpu.VMEM((CEB,), jnp.int32),
            pltpu.VMEM((CEB,), jnp.int32),
            pltpu.VMEM((CEB,), jnp.int32),
            pltpu.VMEM((CEB, 16), jnp.float32),
            pltpu.VMEM((CEB, D), jnp.float32),
            pltpu.VMEM((CEB, 16), jnp.float32),
            pltpu.VMEM((CEB, 256), jnp.float32),
            pltpu.VMEM((CEB, 256), jnp.float32),
            pltpu.VMEM((CEB, D), jnp.float32),
            pltpu.VMEM_SHARED((NP, D), jnp.float32),
            pltpu.SemaphoreType.DMA,
            pltpu.SemaphoreType.DMA,
            pltpu.SemaphoreType.DMA,
            pltpu.SemaphoreType.DMA,
            pltpu.SemaphoreType.DMA,
            pltpu.SemaphoreType.DMA,
            pltpu.SemaphoreType.DMA,
            pltpu.SemaphoreType.DMA,
        ],
    )
    def k(src_h, dst_h, w_h, r_h, pj0_h, pj1_h, pj2_h, pj3_h, z_h, acc_h,
          sidxa, didxa, sidxb, didxb, wrow, rg, av, pba, pbb, msg, acc_sh,
          semia, semja, semib, semjb, semw, semr, sema, semb):
        c = lax.axis_index("c")
        s = lax.axis_index("s")
        pltpu.sync_copy(z_h.at[pl.ds(s * RPT, RPT)],
                        acc_sh.at[pl.ds(s * RPT, RPT)])
        plsc.subcore_barrier()
        tile_base = c * EPC + s * EPT
        pjs = (pj0_h, pj1_h, pj2_h, pj3_h)
        pbufs = (pba, pbb)
        psems = (sema, semb)

        def arow_loop():
            def arow(i, rc):
                av[i, :] = wrow[i, :] * rg[i, pl.ds(0, 16)]
                return rc

            lax.fori_loop(0, CEB, arow, 0, unroll=4)

        def erow_loop(q, pb):
            @functools.partial(plsc.parallel_loop, 0, CEB, unroll=4)
            def erow(i, q=q, pb=pb):
                av_row = av[i, :]
                a0 = av_row[2 * q]
                a1 = av_row[2 * q + 1]
                for kk in range(D // 16):
                    p0v = pb[i, pl.ds(kk * 16, 16)]
                    p1v = pb[i, pl.ds(D + kk * 16, 16)]
                    v = a0 * p0v + a1 * p1v
                    if q == 0:
                        msg[i, pl.ds(kk * 16, 16)] = v
                    else:
                        plsc.addupdate(msg.at[i, pl.ds(kk * 16, 16)], v)

        def chunk(g2, carry):
            a = tile_base + (2 * g2) * CEB
            b = a + CEB
            cpia = pltpu.async_copy(src_h.at[pl.ds(a, CEB)], sidxa, semia)
            cpja = pltpu.async_copy(dst_h.at[pl.ds(a, CEB)], didxa, semja)
            cpib = pltpu.async_copy(src_h.at[pl.ds(b, CEB)], sidxb, semib)
            cpjb = pltpu.async_copy(dst_h.at[pl.ds(b, CEB)], didxb, semjb)
            cpia.wait()
            cpja.wait()
            cpw = pltpu.async_copy(w_h.at[pl.ds(a, CEB)], wrow, semw)
            cpr = pltpu.async_copy(r_h.at[didxa], rg, semr)
            cp0 = pltpu.async_copy(pjs[0].at[sidxa], pba, sema)
            cp1 = pltpu.async_copy(pjs[1].at[sidxa], pbb, semb)
            cpw.wait()
            cpr.wait()
            arow_loop()
            cp0.wait()
            erow_loop(0, pba)
            cp2 = pltpu.async_copy(pjs[2].at[sidxa], pba, sema)
            cp1.wait()
            erow_loop(1, pbb)
            cp3 = pltpu.async_copy(pjs[3].at[sidxa], pbb, semb)
            cpib.wait()
            cpjb.wait()
            cp2.wait()
            erow_loop(2, pba)
            cpw2 = pltpu.async_copy(w_h.at[pl.ds(b, CEB)], wrow, semw)
            cpr2 = pltpu.async_copy(r_h.at[didxb], rg, semr)
            cp3.wait()
            erow_loop(3, pbb)
            cp0b = pltpu.async_copy(pjs[0].at[sidxb], pba, sema)
            pltpu.sync_copy(msg, acc_sh.at[didxa], add=True)
            cp1b = pltpu.async_copy(pjs[1].at[sidxb], pbb, semb)
            cpw2.wait()
            cpr2.wait()
            arow_loop()
            cp0b.wait()
            erow_loop(0, pba)
            cp2b = pltpu.async_copy(pjs[2].at[sidxb], pba, sema)
            cp1b.wait()
            erow_loop(1, pbb)
            cp3b = pltpu.async_copy(pjs[3].at[sidxb], pbb, semb)
            cp2b.wait()
            erow_loop(2, pba)
            cp3b.wait()
            erow_loop(3, pbb)
            pltpu.sync_copy(msg, acc_sh.at[didxb], add=True)
            return carry

        lax.fori_loop(0, NCHB // 2, chunk, 0)
        plsc.subcore_barrier()
        pltpu.sync_copy(acc_sh.at[pl.ds(s * RPT, RPT)],
                        acc_h.at[pl.ds(c * NP + s * RPT, RPT)])

    return k(src, dst, w_e, recip, projq[0], projq[1], projq[2], projq[3],
             zerosD)


def _gat_sc(src, dst, projq, etab, zerosD):
    wsum, w_e = _sc_phase_a(src, dst, etab, zerosD)
    recip = _tc_recip(wsum[:NP], wsum[NP:])
    acc = _sc_phase_b(src, dst, w_e, recip, projq, zerosD)
    return acc[:N], acc[NP:NP + N]


def kernel(node_feat, edge_index, edges_direction, degree_tensor,
           W1, a_src1, a_dst1, W2, a_src2, a_dst2,
           Wg, bg, Wp, bp, Wh, bh, Wout, bout):
    del edges_direction, degree_tensor
    src = edge_index[0].astype(jnp.int32)
    dst = edge_index[1].astype(jnp.int32)
    zerosD = jnp.zeros((NP, D), jnp.float32)

    pa, pb_, pc, pd, etab1 = _tc_layer1(node_feat, W1, a_src1, a_dst1)
    p0, p1 = _gat_sc(src, dst, (pa, pb_, pc, pd), etab1, zerosD)

    x1, qa, qb, qc, qd, etab2 = _tc_layer2(p0, p1, node_feat, W2, a_src2, a_dst2)
    q0, q1 = _gat_sc(src, dst, (qa, qb, qc, qd), etab2, zerosD)

    Wout_pad = jnp.zeros((D, D), jnp.float32).at[:, :3].set(Wout)
    bout_pad = jnp.zeros((1, D), jnp.float32).at[0, :3].set(bout)
    out = _tc_final(q0, q1, x1, Wg, bg.reshape(1, D), Wp, bp.reshape(1, D),
                    Wh, bh.reshape(7, 1, D), Wout_pad, bout_pad)
    return out[:, :3]

# --- scband reference (transcript-rebuilt; emitter-appended) ---
"""Pipeline reference for scband-deeps-rshxc-56281251446793 (READ-ONLY COPY).

The authoritative reference and input builder live on the scoring server;
editing this copy changes nothing except your own understanding.
"""

import jax, jax.numpy as jnp
import numpy as np

N = 10000
E = 320000
D = 128
H = 8


def setup_inputs(seed: int = 0) -> dict:
    key = jax.random.key(seed)
    ks = jax.random.split(key, 24)
    inp = {}
    inp['node_feat'] = jax.random.normal(ks[0], (N, D), dtype=jnp.float32)
    inp['edge_index'] = jax.random.randint(ks[1], (2, E), 0, N, dtype=jnp.int64)
    inp['edges_direction'] = jax.random.normal(ks[2], (E, 3), dtype=jnp.float32)
    inp['degree_tensor'] = jax.random.uniform(ks[3], (N,), dtype=jnp.float32)
    s = 1.0 / np.sqrt(D)
    # GAT layer 1 params
    inp['W1'] = jax.random.normal(ks[4], (D, H * D), dtype=jnp.float32) * s
    inp['a_src1'] = jax.random.normal(ks[5], (H, D), dtype=jnp.float32) * s
    inp['a_dst1'] = jax.random.normal(ks[6], (H, D), dtype=jnp.float32) * s
    # GAT layer 2 params
    inp['W2'] = jax.random.normal(ks[7], (D, H * D), dtype=jnp.float32) * s
    inp['a_src2'] = jax.random.normal(ks[8], (H, D), dtype=jnp.float32) * s
    inp['a_dst2'] = jax.random.normal(ks[9], (H, D), dtype=jnp.float32) * s
    # Gated attention pooling
    inp['Wg'] = jax.random.normal(ks[10], (D, D), dtype=jnp.float32) * s
    inp['bg'] = jnp.zeros((D,), dtype=jnp.float32)
    inp['Wp'] = jax.random.normal(ks[11], (D, D), dtype=jnp.float32) * s
    inp['bp'] = jnp.zeros((D,), dtype=jnp.float32)
    # ParameterNN: 7 hidden linear layers (128->128) + output (128->3)
    inp['Wh'] = jax.random.normal(ks[12], (7, D, D), dtype=jnp.float32) * s
    inp['bh'] = jnp.zeros((7, D), dtype=jnp.float32)
    inp['Wout'] = jax.random.normal(ks[13], (D, 3), dtype=jnp.float32) * s
    inp['bout'] = jnp.zeros((3,), dtype=jnp.float32)
    return inp


def _gat_layer(x, src, dst, W, a_src, a_dst, activation):
    n = x.shape[0]
    proj = (x @ W).reshape(n, H, D)
    e_src = jnp.sum(proj * a_src[None, :, :], axis=-1)  # [N, H]
    e_dst = jnp.sum(proj * a_dst[None, :, :], axis=-1)  # [N, H]
    e = e_src[src] + e_dst[dst]                          # [E, H]
    e = jax.nn.leaky_relu(e, negative_slope=0.2)
    m = jax.ops.segment_max(e, dst, num_segments=n)
    m = jnp.where(jnp.isfinite(m), m, 0.0)
    ex = jnp.exp(e - m[dst])
    denom = jax.ops.segment_sum(ex, dst, num_segments=n)
    alpha = ex / (denom[dst] + 1e-16)                    # [E, H]
    msgs = proj[src] * alpha[:, :, None]                 # [E, H, D]
    out = jax.ops.segment_sum(msgs, dst, num_segments=n) # [N, H, D]
    out = jnp.mean(out, axis=1)                          # concat=False -> mean over heads
    out = out + x                                        # skip connection
    if activation:
        out = jax.nn.elu(out)
    return out


def reference(node_feat, edge_index, edges_direction, degree_tensor,
              W1, a_src1, a_dst1, W2, a_src2, a_dst2,
              Wg, bg, Wp, bp, Wh, bh, Wout, bout):
    src = edge_index[0]
    dst = edge_index[1]
    # GNNLayer: two GAT layers, ELU on all but last; dropout omitted (eval mode)
    x = _gat_layer(node_feat, src, dst, W1, a_src1, a_dst1, activation=True)
    x = _gat_layer(x, src, dst, W2, a_src2, a_dst2, activation=False)
    # GatedAttentionPooling (single graph, batch all zeros):
    gate = jax.nn.sigmoid(x @ Wg + bg)                   # [N, D]
    gate = jax.nn.softmax(gate, axis=0)                  # softmax over nodes per feature
    graph = jnp.sum(gate * x, axis=0, keepdims=True)     # [1, D]
    graph = graph @ Wp + bp                              # projection
    # ParameterNN
    h = graph
    for i in range(7):
        h = jax.nn.relu(h @ Wh[i] + bh[i])
    params = jax.nn.sigmoid(h @ Wout + bout)             # [1, 3]
    return params


if False:  # reference __main__ guard neutralized (emitter)
    out = reference(**setup_inputs())
    print(out.shape, out)

if __name__ == "__main__":
    import jax
    _d = setup_inputs()
    print(jax.jit(kernel)(*tuple(_d.values())))

</pallas_src>

<mosaic_0001>
#map = affine_map<(d0, d1) -> (0)>
#map1 = affine_map<(d0, d1) -> (0, 0)>
module attributes {stable_mosaic.version = 14 : i64} {
  func.func @k(%arg0: i32, %arg1: i32, %arg2: memref<320000xi32, #tpu.memory_space<hbm>>, %arg3: memref<320000xi32, #tpu.memory_space<hbm>>, %arg4: memref<320000x16xf32, #tpu.memory_space<hbm>>, %arg5: memref<10240x128xf32, #tpu.memory_space<hbm>>, %arg6: memref<10000x256xf32, #tpu.memory_space<hbm>>, %arg7: memref<10000x256xf32, #tpu.memory_space<hbm>>, %arg8: memref<10000x256xf32, #tpu.memory_space<hbm>>, %arg9: memref<10000x256xf32, #tpu.memory_space<hbm>>, %arg10: memref<10240x128xf32, #tpu.memory_space<hbm>>, %arg11: memref<20480x128xf32, #tpu.memory_space<hbm>>, %arg12: memref<40xi32, #tpu.memory_space<vmem>>, %arg13: memref<40xi32, #tpu.memory_space<vmem>>, %arg14: memref<40xi32, #tpu.memory_space<vmem>>, %arg15: memref<40xi32, #tpu.memory_space<vmem>>, %arg16: memref<40x16xf32, #tpu.memory_space<vmem>>, %arg17: memref<40x128xf32, #tpu.memory_space<vmem>>, %arg18: memref<40x16xf32, #tpu.memory_space<vmem>>, %arg19: memref<40x256xf32, #tpu.memory_space<vmem>>, %arg20: memref<40x256xf32, #tpu.memory_space<vmem>>, %arg21: memref<40x128xf32, #tpu.memory_space<vmem>>, %arg22: memref<10240x128xf32, #tpu.memory_space<vmem_shared>>, %arg23: memref<!tpu.dma_semaphore, #tpu.memory_space<semaphore_mem>>, %arg24: memref<!tpu.dma_semaphore, #tpu.memory_space<semaphore_mem>>, %arg25: memref<!tpu.dma_semaphore, #tpu.memory_space<semaphore_mem>>, %arg26: memref<!tpu.dma_semaphore, #tpu.memory_space<semaphore_mem>>, %arg27: memref<!tpu.dma_semaphore, #tpu.memory_space<semaphore_mem>>, %arg28: memref<!tpu.dma_semaphore, #tpu.memory_space<semaphore_mem>>, %arg29: memref<!tpu.dma_semaphore, #tpu.memory_space<semaphore_mem>>, %arg30: memref<!tpu.dma_semaphore, #tpu.memory_space<semaphore_mem>>) attributes {dimension_semantics = [#tpu.dimension_semantics<core_parallel>, #tpu.dimension_semantics<subcore_parallel>], iteration_bounds = array<i64: 2, 16>, scalar_prefetch = 0 : i64, scratch_operands = 19 : i64, tpu.core_type = #tpu.core_type<sc_vector_subcore>, window_params = [{transform_indices = #map}, {transform_indices = #map}, {transform_indices = #map1}, {transform_indices = #map1}, {transform_indices = #map1}, {transform_indices = #map1}, {transform_indices = #map1}, {transform_indices = #map1}, {transform_indices = #map1}, {transform_indices = #map1}]} {
    %mul3A = arith.constant 640 : i32
    %mul3A_0 = arith.muli %arg1, %mul3A : i32
    %mul3A_1 = arith.constant 640 : i32
    %mul3A_2 = arith.muli %arg1, %mul3A_1 : i32
    "tpu.region"() ({
      %run_scoped3A = tpu.sem_alloc : memref<!tpu.dma_semaphore, #tpu.memory_space<semaphore_mem>>
      %dma_start3A = arith.constant 0 : i32
      %dma_start3A_20 = tpu.memref_slice %arg22[%mul3A_2, %dma_start3A] : memref<10240x128xf32, #tpu.memory_space<vmem_shared>> -> memref<640x128xf32, #tpu.memory_space<vmem_shared>>
      %dma_start3A_21 = arith.constant 0 : i32
      %dma_start3A_22 = tpu.memref_slice %arg10[%mul3A_0, %dma_start3A_21] : memref<10240x128xf32, #tpu.memory_space<hbm>> -> memref<640x128xf32, #tpu.memory_space<hbm>>
      tpu.enqueue_dma source(%dma_start3A_22 : memref<640x128xf32, #tpu.memory_space<hbm>>) target(%dma_start3A_20 : memref<640x128xf32, #tpu.memory_space<vmem_shared>>) target_semaphore(%run_scoped3A : memref<!tpu.dma_semaphore, #tpu.memory_space<semaphore_mem>>)
      %dma_wait3A = arith.constant 0 : i32
      %dma_wait3A_23 = tpu.memref_slice %arg22[%mul3A_2, %dma_wait3A] : memref<10240x128xf32, #tpu.memory_space<vmem_shared>> -> memref<640x128xf32, #tpu.memory_space<vmem_shared>>
      %dma_wait3A_24 = arith.constant 0 : i32
      %dma_wait3A_25 = tpu.memref_slice %arg10[%mul3A_0, %dma_wait3A_24] : memref<10240x128xf32, #tpu.memory_space<hbm>> -> memref<640x128xf32, #tpu.memory_space<hbm>>
      tpu.wait_dma2 semaphore(%run_scoped3A : memref<!tpu.dma_semaphore, #tpu.memory_space<semaphore_mem>>) src(%dma_wait3A_25 : memref<640x128xf32, #tpu.memory_space<hbm>>) dst(%dma_wait3A_23 : memref<640x128xf32, #tpu.memory_space<vmem_shared>>)
      tpu.yield
    }) : () -> ()
    %barrier3A = arith.constant 0 : index
    tpu.barrier barrier_id(%barrier3A)
    %mul3A_3 = arith.constant 160000 : i32
    %mul3A_4 = arith.muli %arg0, %mul3A_3 : i32
    %mul3A_5 = arith.constant 10000 : i32
    %mul3A_6 = arith.muli %arg1, %mul3A_5 : i32
    %add3A = arith.addi %mul3A_4, %mul3A_6 : i32
    %scan3A = arith.constant 0 : i32
    %scan3A_7 = arith.constant 0 : i32
    %scan3A_8 = arith.constant 125 : i32
    %scan3A_9 = arith.addi %scan3A_7, %scan3A_8 : i32
    %scan3A_10 = arith.constant 1 : i32
    scf.for %scan3A_20 = %scan3A_7 to %scan3A_9 step %scan3A_10  : i32 {
      %mul3A_21 = arith.constant 2 : i32
      %mul3A_22 = arith.muli %mul3A_21, %scan3A_20 : i32
      %mul3A_23 = arith.constant 40 : i32
      %mul3A_24 = arith.muli %mul3A_22, %mul3A_23 : i32
      %add3A_25 = arith.addi %add3A, %mul3A_24 : i32
      %add3A_26 = arith.constant 40 : i32
      %add3A_27 = arith.addi %add3A_25, %add3A_26 : i32
      %dma_start3A = tpu.memref_slice %arg2[%add3A_25] : memref<320000xi32, #tpu.memory_space<hbm>> -> memref<40xi32, #tpu.memory_space<hbm>>
      %dma_start3A_28 = tpu.memref_slice %arg2[%add3A_25] : memref<320000xi32, #tpu.memory_space<hbm>> -> memref<40xi32, #tpu.memory_space<hbm>>
      tpu.enqueue_dma source(%dma_start3A_28 : memref<40xi32, #tpu.memory_space<hbm>>) target(%arg12 : memref<40xi32, #tpu.memory_space<vmem>>) target_semaphore(%arg23 : memref<!tpu.dma_semaphore, #tpu.memory_space<semaphore_mem>>)
      %dma_start3A_29 = tpu.memref_slice %arg3[%add3A_25] : memref<320000xi32, #tpu.memory_space<hbm>> -> memref<40xi32, #tpu.memory_space<hbm>>
      %dma_start3A_30 = tpu.memref_slice %arg3[%add3A_25] : memref<320000xi32, #tpu.memory_space<hbm>> -> memref<40xi32, #tpu.memory_space<hbm>>
      tpu.enqueue_dma source(%dma_start3A_30 : memref<40xi32, #tpu.memory_space<hbm>>) target(%arg13 : memref<40xi32, #tpu.memory_space<vmem>>) target_semaphore(%arg24 : memref<!tpu.dma_semaphore, #tpu.memory_space<semaphore_mem>>)
      %dma_start3A_31 = tpu.memref_slice %arg2[%add3A_27] : memref<320000xi32, #tpu.memory_space<hbm>> -> memref<40xi32, #tpu.memory_space<hbm>>
      %dma_start3A_32 = tpu.memref_slice %arg2[%add3A_27] : memref<320000xi32, #tpu.memory_space<hbm>> -> memref<40xi32, #tpu.memory_space<hbm>>
      tpu.enqueue_dma source(%dma_start3A_32 : memref<40xi32, #tpu.memory_space<hbm>>) target(%arg14 : memref<40xi32, #tpu.memory_space<vmem>>) target_semaphore(%arg25 : memref<!tpu.dma_semaphore, #tpu.memory_space<semaphore_mem>>)
      %dma_start3A_33 = tpu.memref_slice %arg3[%add3A_27] : memref<320000xi32, #tpu.memory_space<hbm>> -> memref<40xi32, #tpu.memory_space<hbm>>
      %dma_start3A_34 = tpu.memref_slice %arg3[%add3A_27] : memref<320000xi32, #tpu.memory_space<hbm>> -> memref<40xi32, #tpu.memory_space<hbm>>
      tpu.enqueue_dma source(%dma_start3A_34 : memref<40xi32, #tpu.memory_space<hbm>>) target(%arg15 : memref<40xi32, #tpu.memory_space<vmem>>) target_semaphore(%arg26 : memref<!tpu.dma_semaphore, #tpu.memory_space<semaphore_mem>>)
      %dma_wait3A = tpu.memref_slice %arg2[%add3A_25] : memref<320000xi32, #tpu.memory_space<hbm>> -> memref<40xi32, #tpu.memory_space<hbm>>
      %dma_wait3A_35 = tpu.memref_slice %arg2[%add3A_25] : memref<320000xi32, #tpu.memory_space<hbm>> -> memref<40xi32, #tpu.memory_space<hbm>>
      tpu.wait_dma2 semaphore(%arg23 : memref<!tpu.dma_semaphore, #tpu.memory_space<semaphore_mem>>) src(%dma_wait3A_35 : memref<40xi32, #tpu.memory_space<hbm>>) dst(%arg12 : memref<40xi32, #tpu.memory_space<vmem>>)
      %dma_wait3A_36 = tpu.memref_slice %arg3[%add3A_25] : memref<320000xi32, #tpu.memory_space<hbm>> -> memref<40xi32, #tpu.memory_space<hbm>>
      %dma_wait3A_37 = tpu.memref_slice %arg3[%add3A_25] : memref<320000xi32, #tpu.memory_space<hbm>> -> memref<40xi32, #tpu.memory_space<hbm>>
      tpu.wait_dma2 semaphore(%arg24 : memref<!tpu.dma_semaphore, #tpu.memory_space<semaphore_mem>>) src(%dma_wait3A_37 : memref<40xi32, #tpu.memory_space<hbm>>) dst(%arg13 : memref<40xi32, #tpu.memory_space<vmem>>)
      %dma_start3A_38 = arith.constant 0 : i32
      %dma_start3A_39 = tpu.memref_slice %arg4[%add3A_25, %dma_start3A_38] : memref<320000x16xf32, #tpu.memory_space<hbm>> -> memref<40x16xf32, #tpu.memory_space<hbm>>
      %dma_start3A_40 = arith.constant 0 : i32
      %dma_start3A_41 = tpu.memref_slice %arg4[%add3A_25, %dma_start3A_40] : memref<320000x16xf32, #tpu.memory_space<hbm>> -> memref<40x16xf32, #tpu.memory_space<hbm>>
      tpu.enqueue_dma source(%dma_start3A_41 : memref<40x16xf32, #tpu.memory_space<hbm>>) target(%arg16 : memref<40x16xf32, #tpu.memory_space<vmem>>) target_semaphore(%arg27 : memref<!tpu.dma_semaphore, #tpu.memory_space<semaphore_mem>>)
      %dma_start3A_42 = arith.constant 0 : i32
      %dma_start3A_43 = arith.constant 0 : i32
      %dma_start3A_44 = tpu.memref_slice %arg5[%dma_start3A_42, %dma_start3A_43] : memref<10240x128xf32, #tpu.memory_space<hbm>> -> memref<10240x128xf32, #tpu.memory_space<hbm>>
      tpu.enqueue_indirect_dma source(%dma_start3A_44 : memref<10240x128xf32, #tpu.memory_space<hbm>>) target(%arg17 : memref<40x128xf32, #tpu.memory_space<vmem>>) offsets(%arg13 : memref<40xi32, #tpu.memory_space<vmem>>) semaphore(%arg28 : memref<!tpu.dma_semaphore, #tpu.memory_space<semaphore_mem>>)
      %dma_start3A_45 = arith.constant 0 : i32
      %dma_start3A_46 = arith.constant 0 : i32
      %dma_start3A_47 = tpu.memref_slice %arg6[%dma_start3A_45, %dma_start3A_46] : memref<10000x256xf32, #tpu.memory_space<hbm>> -> memref<10000x256xf32, #tpu.memory_space<hbm>>
      tpu.enqueue_indirect_dma source(%dma_start3A_47 : memref<10000x256xf32, #tpu.memory_space<hbm>>) target(%arg19 : memref<40x256xf32, #tpu.memory_space<vmem>>) offsets(%arg12 : memref<40xi32, #tpu.memory_space<vmem>>) semaphore(%arg29 : memref<!tpu.dma_semaphore, #tpu.memory_space<semaphore_mem>>)
      %dma_start3A_48 = arith.constant 0 : i32
      %dma_start3A_49 = arith.constant 0 : i32
      %dma_start3A_50 = tpu.memref_slice %arg7[%dma_start3A_48, %dma_start3A_49] : memref<10000x256xf32, #tpu.memory_space<hbm>> -> memref<10000x256xf32, #tpu.memory_space<hbm>>
      tpu.enqueue_indirect_dma source(%dma_start3A_50 : memref<10000x256xf32, #tpu.memory_space<hbm>>) target(%arg20 : memref<40x256xf32, #tpu.memory_space<vmem>>) offsets(%arg12 : memref<40xi32, #tpu.memory_space<vmem>>) semaphore(%arg30 : memref<!tpu.dma_semaphore, #tpu.memory_space<semaphore_mem>>)
      %dma_wait3A_51 = arith.constant 0 : i32
      %dma_wait3A_52 = tpu.memref_slice %arg4[%add3A_25, %dma_wait3A_51] : memref<320000x16xf32, #tpu.memory_space<hbm>> -> memref<40x16xf32, #tpu.memory_space<hbm>>
      %dma_wait3A_53 = arith.constant 0 : i32
      %dma_wait3A_54 = tpu.memref_slice %arg4[%add3A_25, %dma_wait3A_53] : memref<320000x16xf32, #tpu.memory_space<hbm>> -> memref<40x16xf32, #tpu.memory_space<hbm>>
      tpu.wait_dma2 semaphore(%arg27 : memref<!tpu.dma_semaphore, #tpu.memory_space<semaphore_mem>>) src(%dma_wait3A_54 : memref<40x16xf32, #tpu.memory_space<hbm>>) dst(%arg16 : memref<40x16xf32, #tpu.memory_space<vmem>>)
      %dma_wait3A_55 = arith.constant 0 : i32
      %dma_wait3A_56 = arith.constant 0 : i32
      %dma_wait3A_57 = tpu.memref_slice %arg5[%dma_wait3A_55, %dma_wait3A_56] : memref<10240x128xf32, #tpu.memory_space<hbm>> -> memref<10240x128xf32, #tpu.memory_space<hbm>>
      tpu.wait_indirect_dma semaphore(%arg28 : memref<!tpu.dma_semaphore, #tpu.memory_space<semaphore_mem>>) src(%dma_wait3A_57 : memref<10240x128xf32, #tpu.memory_space<hbm>>) dst(%arg17 : memref<40x128xf32, #tpu.memory_space<vmem>>)
      %scan3A_58 = arith.constant 0 : i32
      %scan3A_59 = arith.constant 0 : i32
      %scan3A_60 = arith.constant 40 : i32
      %scan3A_61 = arith.addi %scan3A_59, %scan3A_60 : i32
      %scan3A_62 = arith.constant 4 : i32
      scf.for %scan3A_130 = %scan3A_59 to %scan3A_61 step %scan3A_62  : i32 {
        %get3A = arith.index_cast %scan3A_130 : i32 to index
        %get3A_131 = arith.constant 0 : index
        %get3A_132 = tpu.vector_load %arg16[%get3A, %get3A_131] {strides = array<i32>} : memref<40x16xf32, #tpu.memory_space<vmem>>, vector<1x16xf32>,
        %get3A_133 = vector.shape_cast %get3A_132 : vector<1x16xf32> to vector<16xf32>
        %get3A_134 = arith.index_cast %scan3A_130 : i32 to index
        %get3A_135 = arith.constant 0 : index
        %get3A_136 = tpu.vector_load %arg17[%get3A_134, %get3A_135] {strides = array<i32>} : memref<40x128xf32, #tpu.memory_space<vmem>>, vector<1x16xf32>,
        %get3A_137 = vector.shape_cast %get3A_136 : vector<1x16xf32> to vector<16xf32>
        %mul3A_138 = arith.mulf %get3A_133, %get3A_137 : vector<16xf32>
        %swap3A = arith.index_cast %scan3A_130 : i32 to index
        %swap3A_139 = arith.constant 0 : index
        %swap3A_140 = tpu.vector_load %arg18[%swap3A, %swap3A_139] {strides = array<i32>} : memref<40x16xf32, #tpu.memory_space<vmem>>, vector<1x16xf32>,
        %swap3A_141 = vector.shape_cast %swap3A_140 : vector<1x16xf32> to vector<16xf32>
        %swap3A_142 = vector.shape_cast %mul3A_138 : vector<16xf32> to vector<1x16xf32>
        tpu.vector_store %arg18[%swap3A, %swap3A_139], %swap3A_142 {strides = array<i32>} : memref<40x16xf32, #tpu.memory_space<vmem>>, vector<1x16xf32>,
        %scan3A_143 = arith.constant 1 : i32
        %scan3A_144 = arith.addi %scan3A_130, %scan3A_143 : i32
        %get3A_145 = arith.index_cast %scan3A_144 : i32 to index
        %get3A_146 = arith.constant 0 : index
        %get3A_147 = tpu.vector_load %arg16[%get3A_145, %get3A_146] {strides = array<i32>} : memref<40x16xf32, #tpu.memory_space<vmem>>, vector<1x16xf32>,
        %get3A_148 = vector.shape_cast %get3A_147 : vector<1x16xf32> to vector<16xf32>
        %get3A_149 = arith.index_cast %scan3A_144 : i32 to index
        %get3A_150 = arith.constant 0 : index
        %get3A_151 = tpu.vector_load %arg17[%get3A_149, %get3A_150] {strides = array<i32>} : memref<40x128xf32, #tpu.memory_space<vmem>>, vector<1x16xf32>,
        %get3A_152 = vector.shape_cast %get3A_151 : vector<1x16xf32> to vector<16xf32>
        %mul3A_153 = arith.mulf %get3A_148, %get3A_152 : vector<16xf32>
        %swap3A_154 = arith.index_cast %scan3A_144 : i32 to index
        %swap3A_155 = arith.constant 0 : index
        %swap3A_156 = tpu.vector_load %arg18[%swap3A_154, %swap3A_155] {strides = array<i32>} : memref<40x16xf32, #tpu.memory_space<vmem>>, vector<1x16xf32>,
        %swap3A_157 = vector.shape_cast %swap3A_156 : vector<1x16xf32> to vector<16xf32>
        %swap3A_158 = vector.shape_cast %mul3A_153 : vector<16xf32> to vector<1x16xf32>
        tpu.vector_store %arg18[%swap3A_154, %swap3A_155], %swap3A_158 {strides = array<i32>} : memref<40x16xf32, #tpu.memory_space<vmem>>, vector<1x16xf32>,
        %scan3A_159 = arith.constant 2 : i32
        %scan3A_160 = arith.addi %scan3A_130, %scan3A_159 : i32
        %get3A_161 = arith.index_cast %scan3A_160 : i32 to index
        %get3A_162 = arith.constant 0 : index
        %get3A_163 = tpu.vector_load %arg16[%get3A_161, %get3A_162] {strides = array<i32>} : memref<40x16xf32, #tpu.memory_space<vmem>>, vector<1x16xf32>,
        %get3A_164 = vector.shape_cast %get3A_163 : vector<1x16xf32> to vector<16xf32>
        %get3A_165 = arith.index_cast %scan3A_160 : i32 to index
        %get3A_166 = arith.constant 0 : index
        %get3A_167 = tpu.vector_load %arg17[%get3A_165, %get3A_166] {strides = array<i32>} : memref<40x128xf32, #tpu.memory_space<vmem>>, vector<1x16xf32>,
        %get3A_168 = vector.shape_cast %get3A_167 : vector<1x16xf32> to vector<16xf32>
        %mul3A_169 = arith.mulf %get3A_164, %get3A_168 : vector<16xf32>
        %swap3A_170 = arith.index_cast %scan3A_160 : i32 to index
        %swap3A_171 = arith.constant 0 : index
        %swap3A_172 = tpu.vector_load %arg18[%swap3A_170, %swap3A_171] {strides = array<i32>} : memref<40x16xf32, #tpu.memory_space<vmem>>, vector<1x16xf32>,
        %swap3A_173 = vector.shape_cast %swap3A_172 : vector<1x16xf32> to vector<16xf32>
        %swap3A_174 = vector.shape_cast %mul3A_169 : vector<16xf32> to vector<1x16xf32>
        tpu.vector_store %arg18[%swap3A_170, %swap3A_171], %swap3A_174 {strides = array<i32>} : memref<40x16xf32, #tpu.memory_space<vmem>>, vector<1x16xf32>,
        %scan3A_175 = arith.constant 3 : i32
        %scan3A_176 = arith.addi %scan3A_130, %scan3A_175 : i32
        %get3A_177 = arith.index_cast %scan3A_176 : i32 to index
        %get3A_178 = arith.constant 0 : index
        %get3A_179 = tpu.vector_load %arg16[%get3A_177, %get3A_178] {strides = array<i32>} : memref<40x16xf32, #tpu.memory_space<vmem>>, vector<1x16xf32>,
        %get3A_180 = vector.shape_cast %get3A_179 : vector<1x16xf32> to vector<16xf32>
        %get3A_181 = arith.index_cast %scan3A_176 : i32 to index
        %get3A_182 = arith.constant 0 : index
        %get3A_183 = tpu.vector_load %arg17[%get3A_181, %get3A_182] {strides = array<i32>} : memref<40x128xf32, #tpu.memory_space<vmem>>, vector<1x16xf32>,
        %get3A_184 = vector.shape_cast %get3A_183 : vector<1x16xf32> to vector<16xf32>
        %mul3A_185 = arith.mulf %get3A_180, %get3A_184 : vector<16xf32>
        %swap3A_186 = arith.index_cast %scan3A_176 : i32 to index
        %swap3A_187 = arith.constant 0 : index
        %swap3A_188 = tpu.vector_load %arg18[%swap3A_186, %swap3A_187] {strides = array<i32>} : memref<40x16xf32, #tpu.memory_space<vmem>>, vector<1x16xf32>,
        %swap3A_189 = vector.shape_cast %swap3A_188 : vector<1x16xf32> to vector<16xf32>
        %swap3A_190 = vector.shape_cast %mul3A_185 : vector<16xf32> to vector<1x16xf32>
        tpu.vector_store %arg18[%swap3A_186, %swap3A_187], %swap3A_190 {strides = array<i32>} : memref<40x16xf32, #tpu.memory_space<vmem>>, vector<1x16xf32>,
      }
      %scan3A_63 = arith.constant 40 : i32
      %dma_wait3A_64 = arith.constant 0 : i32
      %dma_wait3A_65 = arith.constant 0 : i32
      %dma_wait3A_66 = tpu.memref_slice %arg6[%dma_wait3A_64, %dma_wait3A_65] : memref<10000x256xf32, #tpu.memory_space<hbm>> -> memref<10000x256xf32, #tpu.memory_space<hbm>>
      tpu.wait_indirect_dma semaphore(%arg29 : memref<!tpu.dma_semaphore, #tpu.memory_space<semaphore_mem>>) src(%dma_wait3A_66 : memref<10000x256xf32, #tpu.memory_space<hbm>>) dst(%arg19 : memref<40x256xf32, #tpu.memory_space<vmem>>)
      %dma_start3A_67 = arith.constant 0 : i32
      %dma_start3A_68 = arith.constant 0 : i32
      %dma_start3A_69 = tpu.memref_slice %arg8[%dma_start3A_67, %dma_start3A_68] : memref<10000x256xf32, #tpu.memory_space<hbm>> -> memref<10000x256xf32, #tpu.memory_space<hbm>>
      tpu.enqueue_indirect_dma source(%dma_start3A_69 : memref<10000x256xf32, #tpu.memory_space<hbm>>) target(%arg19 : memref<40x256xf32, #tpu.memory_space<vmem>>) offsets(%arg12 : memref<40xi32, #tpu.memory_space<vmem>>) semaphore(%arg29 : memref<!tpu.dma_semaphore, #tpu.memory_space<semaphore_mem>>)
      %dma_wait3A_70 = arith.constant 0 : i32
      %dma_wait3A_71 = arith.constant 0 : i32
      %dma_wait3A_72 = tpu.memref_slice %arg7[%dma_wait3A_70, %dma_wait3A_71] : memref<10000x256xf32, #tpu.memory_space<hbm>> -> memref<10000x256xf32, #tpu.memory_space<hbm>>
      tpu.wait_indirect_dma semaphore(%arg30 : memref<!tpu.dma_semaphore, #tpu.memory_space<semaphore_mem>>) src(%dma_wait3A_72 : memref<10000x256xf32, #tpu.memory_space<hbm>>) dst(%arg20 : memref<40x256xf32, #tpu.memory_space<vmem>>)
      %dma_start3A_73 = arith.constant 0 : i32
      %dma_start3A_74 = arith.constant 0 : i32
      %dma_start3A_75 = tpu.memref_slice %arg9[%dma_start3A_73, %dma_start3A_74] : memref<10000x256xf32, #tpu.memory_space<hbm>> -> memref<10000x256xf32, #tpu.memory_space<hbm>>
      tpu.enqueue_indirect_dma source(%dma_start3A_75 : memref<10000x256xf32, #tpu.memory_space<hbm>>) target(%arg20 : memref<40x256xf32, #tpu.memory_space<vmem>>) offsets(%arg12 : memref<40xi32, #tpu.memory_space<vmem>>) semaphore(%arg30 : memref<!tpu.dma_semaphore, #tpu.memory_space<semaphore_mem>>)
      %dma_wait3A_76 = tpu.memref_slice %arg2[%add3A_27] : memref<320000xi32, #tpu.memory_space<hbm>> -> memref<40xi32, #tpu.memory_space<hbm>>
      %dma_wait3A_77 = tpu.memref_slice %arg2[%add3A_27] : memref<320000xi32, #tpu.memory_space<hbm>> -> memref<40xi32, #tpu.memory_space<hbm>>
      tpu.wait_dma2 semaphore(%arg25 : memref<!tpu.dma_semaphore, #tpu.memory_space<semaphore_mem>>) src(%dma_wait3A_77 : memref<40xi32, #tpu.memory_space<hbm>>) dst(%arg14 : memref<40xi32, #tpu.memory_space<vmem>>)
      %dma_wait3A_78 = tpu.memref_slice %arg3[%add3A_27] : memref<320000xi32, #tpu.memory_space<hbm>> -> memref<40xi32, #tpu.memory_space<hbm>>
      %dma_wait3A_79 = tpu.memref_slice %arg3[%add3A_27] : memref<320000xi32, #tpu.memory_space<hbm>> -> memref<40xi32, #tpu.memory_space<hbm>>
      tpu.wait_dma2 semaphore(%arg26 : memref<!tpu.dma_semaphore, #tpu.memory_space<semaphore_mem>>) src(%dma_wait3A_79 : memref<40xi32, #tpu.memory_space<hbm>>) dst(%arg15 : memref<40xi32, #tpu.memory_space<vmem>>)
      %dma_wait3A_80 = arith.constant 0 : i32
      %dma_wait3A_81 = arith.constant 0 : i32
      %dma_wait3A_82 = tpu.memref_slice %arg8[%dma_wait3A_80, %dma_wait3A_81] : memref<10000x256xf32, #tpu.memory_space<hbm>> -> memref<10000x256xf32, #tpu.memory_space<hbm>>
      tpu.wait_indirect_dma semaphore(%arg29 : memref<!tpu.dma_semaphore, #tpu.memory_space<semaphore_mem>>) src(%dma_wait3A_82 : memref<10000x256xf32, #tpu.memory_space<hbm>>) dst(%arg19 : memref<40x256xf32, #tpu.memory_space<vmem>>)
      %dma_start3A_83 = arith.constant 0 : i32
      %dma_start3A_84 = tpu.memref_slice %arg4[%add3A_27, %dma_start3A_83] : memref<320000x16xf32, #tpu.memory_space<hbm>> -> memref<40x16xf32, #tpu.memory_space<hbm>>
      %dma_start3A_85 = arith.constant 0 : i32
      %dma_start3A_86 = tpu.memref_slice %arg4[%add3A_27, %dma_start3A_85] : memref<320000x16xf32, #tpu.memory_space<hbm>> -> memref<40x16xf32, #tpu.memory_space<hbm>>
      tpu.enqueue_dma source(%dma_start3A_86 : memref<40x16xf32, #tpu.memory_space<hbm>>) target(%arg16 : memref<40x16xf32, #tpu.memory_space<vmem>>) target_semaphore(%arg27 : memref<!tpu.dma_semaphore, #tpu.memory_space<semaphore_mem>>)
      %dma_start3A_87 = arith.constant 0 : i32
      %dma_start3A_88 = arith.constant 0 : i32
      %dma_start3A_89 = tpu.memref_slice %arg5[%dma_start3A_87, %dma_start3A_88] : memref<10240x128xf32, #tpu.memory_space<hbm>> -> memref<10240x128xf32, #tpu.memory_space<hbm>>
      tpu.enqueue_indirect_dma source(%dma_start3A_89 : memref<10240x128xf32, #tpu.memory_space<hbm>>) target(%arg17 : memref<40x128xf32, #tpu.memory_space<vmem>>) offsets(%arg15 : memref<40xi32, #tpu.memory_space<vmem>>) semaphore(%arg28 : memref<!tpu.dma_semaphore, #tpu.memory_space<semaphore_mem>>)
      %dma_wait3A_90 = arith.constant 0 : i32
      %dma_wait3A_91 = arith.constant 0 : i32
      %dma_wait3A_92 = tpu.memref_slice %arg9[%dma_wait3A_90, %dma_wait3A_91] : memref<10000x256xf32, #tpu.memory_space<hbm>> -> memref<10000x256xf32, #tpu.memory_space<hbm>>
      tpu.wait_indirect_dma semaphore(%arg30 : memref<!tpu.dma_semaphore, #tpu.memory_space<semaphore_mem>>) src(%dma_wait3A_92 : memref<10000x256xf32, #tpu.memory_space<hbm>>) dst(%arg20 : memref<40x256xf32, #tpu.memory_space<vmem>>)
      %dma_start3A_93 = arith.constant 0 : i32
      %dma_start3A_94 = arith.constant 0 : i32
      %dma_start3A_95 = tpu.memref_slice %arg6[%dma_start3A_93, %dma_start3A_94] : memref<10000x256xf32, #tpu.memory_space<hbm>> -> memref<10000x256xf32, #tpu.memory_space<hbm>>
      tpu.enqueue_indirect_dma source(%dma_start3A_95 : memref<10000x256xf32, #tpu.memory_space<hbm>>) target(%arg19 : memref<40x256xf32, #tpu.memory_space<vmem>>) offsets(%arg14 : memref<40xi32, #tpu.memory_space<vmem>>) semaphore(%arg29 : memref<!tpu.dma_semaphore, #tpu.memory_space<semaphore_mem>>)
      "tpu.region"() ({
        %run_scoped3A = tpu.sem_alloc : memref<!tpu.dma_semaphore, #tpu.memory_space<semaphore_mem>>
        %dma_start3A_130 = arith.constant 0 : i32
        %dma_start3A_131 = arith.constant 0 : i32
        %dma_start3A_132 = tpu.memref_slice %arg22[%dma_start3A_130, %dma_start3A_131] : memref<10240x128xf32, #tpu.memory_space<vmem_shared>> -> memref<10240x128xf32, #tpu.memory_space<vmem_shared>>
        tpu.enqueue_indirect_dma source(%arg21 : memref<40x128xf32, #tpu.memory_space<vmem>>) target(%dma_start3A_132 : memref<10240x128xf32, #tpu.memory_space<vmem_shared>>) offsets(%arg13 : memref<40xi32, #tpu.memory_space<vmem>>) semaphore(%run_scoped3A : memref<!tpu.dma_semaphore, #tpu.memory_space<semaphore_mem>>) {add = true}
        %dma_wait3A_133 = arith.constant 0 : i32
        %dma_wait3A_134 = arith.constant 0 : i32
        %dma_wait3A_135 = tpu.memref_slice %arg22[%dma_wait3A_133, %dma_wait3A_134] : memref<10240x128xf32, #tpu.memory_space<vmem_shared>> -> memref<10240x128xf32, #tpu.memory_space<vmem_shared>>
        tpu.wait_indirect_dma semaphore(%run_scoped3A : memref<!tpu.dma_semaphore, #tpu.memory_space<semaphore_mem>>) src(%arg21 : memref<40x128xf32, #tpu.memory_space<vmem>>) dst(%dma_wait3A_135 : memref<10240x128xf32, #tpu.memory_space<vmem_shared>>)
        tpu.yield
      }) : () -> ()
      %dma_start3A_96 = arith.constant 0 : i32
      %dma_start3A_97 = arith.constant 0 : i32
      %dma_start3A_98 = tpu.memref_slice %arg7[%dma_start3A_96, %dma_start3A_97] : memref<10000x256xf32, #tpu.memory_space<hbm>> -> memref<10000x256xf32, #tpu.memory_space<hbm>>
      tpu.enqueue_indirect_dma source(%dma_start3A_98 : memref<10000x256xf32, #tpu.memory_space<hbm>>) target(%arg20 : memref<40x256xf32, #tpu.memory_space<vmem>>) offsets(%arg14 : memref<40xi32, #tpu.memory_space<vmem>>) semaphore(%arg30 : memref<!tpu.dma_semaphore, #tpu.memory_space<semaphore_mem>>)
      %dma_wait3A_99 = arith.constant 0 : i32
      %dma_wait3A_100 = tpu.memref_slice %arg4[%add3A_27, %dma_wait3A_99] : memref<320000x16xf32, #tpu.memory_space<hbm>> -> memref<40x16xf32, #tpu.memory_space<hbm>>
      %dma_wait3A_101 = arith.constant 0 : i32
      %dma_wait3A_102 = tpu.memref_slice %arg4[%add3A_27, %dma_wait3A_101] : memref<320000x16xf32, #tpu.memory_space<hbm>> -> memref<40x16xf32, #tpu.memory_space<hbm>>
      tpu.wait_dma2 semaphore(%arg27 : memref<!tpu.dma_semaphore, #tpu.memory_space<semaphore_mem>>) src(%dma_wait3A_102 : memref<40x16xf32, #tpu.memory_space<hbm>>) dst(%arg16 : memref<40x16xf32, #tpu.memory_space<vmem>>)
      %dma_wait3A_103 = arith.constant 0 : i32
      %dma_wait3A_104 = arith.constant 0 : i32
      %dma_wait3A_105 = tpu.memref_slice %arg5[%dma_wait3A_103, %dma_wait3A_104] : memref<10240x128xf32, #tpu.memory_space<hbm>> -> memref<10240x128xf32, #tpu.memory_space<hbm>>
      tpu.wait_indirect_dma semaphore(%arg28 : memref<!tpu.dma_semaphore, #tpu.memory_space<semaphore_mem>>) src(%dma_wait3A_105 : memref<10240x128xf32, #tpu.memory_space<hbm>>) dst(%arg17 : memref<40x128xf32, #tpu.memory_space<vmem>>)
      %scan3A_106 = arith.constant 0 : i32
      %scan3A_107 = arith.constant 0 : i32
      %scan3A_108 = arith.constant 40 : i32
      %scan3A_109 = arith.addi %scan3A_107, %scan3A_108 : i32
      %scan3A_110 = arith.constant 4 : i32
      scf.for %scan3A_130 = %scan3A_107 to %scan3A_109 step %scan3A_110  : i32 {
        %get3A = arith.index_cast %scan3A_130 : i32 to index
        %get3A_131 = arith.constant 0 : index
        %get3A_132 = tpu.vector_load %arg16[%get3A, %get3A_131] {strides = array<i32>} : memref<40x16xf32, #tpu.memory_space<vmem>>, vector<1x16xf32>,
        %get3A_133 = vector.shape_cast %get3A_132 : vector<1x16xf32> to vector<16xf32>
        %get3A_134 = arith.index_cast %scan3A_130 : i32 to index
        %get3A_135 = arith.constant 0 : index
        %get3A_136 = tpu.vector_load %arg17[%get3A_134, %get3A_135] {strides = array<i32>} : memref<40x128xf32, #tpu.memory_space<vmem>>, vector<1x16xf32>,
        %get3A_137 = vector.shape_cast %get3A_136 : vector<1x16xf32> to vector<16xf32>
        %mul3A_138 = arith.mulf %get3A_133, %get3A_137 : vector<16xf32>
        %swap3A = arith.index_cast %scan3A_130 : i32 to index
        %swap3A_139 = arith.constant 0 : index
        %swap3A_140 = tpu.vector_load %arg18[%swap3A, %swap3A_139] {strides = array<i32>} : memref<40x16xf32, #tpu.memory_space<vmem>>, vector<1x16xf32>,
        %swap3A_141 = vector.shape_cast %swap3A_140 : vector<1x16xf32> to vector<16xf32>
        %swap3A_142 = vector.shape_cast %mul3A_138 : vector<16xf32> to vector<1x16xf32>
        tpu.vector_store %arg18[%swap3A, %swap3A_139], %swap3A_142 {strides = array<i32>} : memref<40x16xf32, #tpu.memory_space<vmem>>, vector<1x16xf32>,
        %scan3A_143 = arith.constant 1 : i32
        %scan3A_144 = arith.addi %scan3A_130, %scan3A_143 : i32
        %get3A_145 = arith.index_cast %scan3A_144 : i32 to index
        %get3A_146 = arith.constant 0 : index
        %get3A_147 = tpu.vector_load %arg16[%get3A_145, %get3A_146] {strides = array<i32>} : memref<40x16xf32, #tpu.memory_space<vmem>>, vector<1x16xf32>,
        %get3A_148 = vector.shape_cast %get3A_147 : vector<1x16xf32> to vector<16xf32>
        %get3A_149 = arith.index_cast %scan3A_144 : i32 to index
        %get3A_150 = arith.constant 0 : index
        %get3A_151 = tpu.vector_load %arg17[%get3A_149, %get3A_150] {strides = array<i32>} : memref<40x128xf32, #tpu.memory_space<vmem>>, vector<1x16xf32>,
        %get3A_152 = vector.shape_cast %get3A_151 : vector<1x16xf32> to vector<16xf32>
        %mul3A_153 = arith.mulf %get3A_148, %get3A_152 : vector<16xf32>
        %swap3A_154 = arith.index_cast %scan3A_144 : i32 to index
        %swap3A_155 = arith.constant 0 : index
        %swap3A_156 = tpu.vector_load %arg18[%swap3A_154, %swap3A_155] {strides = array<i32>} : memref<40x16xf32, #tpu.memory_space<vmem>>, vector<1x16xf32>,
        %swap3A_157 = vector.shape_cast %swap3A_156 : vector<1x16xf32> to vector<16xf32>
        %swap3A_158 = vector.shape_cast %mul3A_153 : vector<16xf32> to vector<1x16xf32>
        tpu.vector_store %arg18[%swap3A_154, %swap3A_155], %swap3A_158 {strides = array<i32>} : memref<40x16xf32, #tpu.memory_space<vmem>>, vector<1x16xf32>,
        %scan3A_159 = arith.constant 2 : i32
        %scan3A_160 = arith.addi %scan3A_130, %scan3A_159 : i32
        %get3A_161 = arith.index_cast %scan3A_160 : i32 to index
        %get3A_162 = arith.constant 0 : index
        %get3A_163 = tpu.vector_load %arg16[%get3A_161, %get3A_162] {strides = array<i32>} : memref<40x16xf32, #tpu.memory_space<vmem>>, vector<1x16xf32>,
        %get3A_164 = vector.shape_cast %get3A_163 : vector<1x16xf32> to vector<16xf32>
        %get3A_165 = arith.index_cast %scan3A_160 : i32 to index
        %get3A_166 = arith.constant 0 : index
        %get3A_167 = tpu.vector_load %arg17[%get3A_165, %get3A_166] {strides = array<i32>} : memref<40x128xf32, #tpu.memory_space<vmem>>, vector<1x16xf32>,
        %get3A_168 = vector.shape_cast %get3A_167 : vector<1x16xf32> to vector<16xf32>
        %mul3A_169 = arith.mulf %get3A_164, %get3A_168 : vector<16xf32>
        %swap3A_170 = arith.index_cast %scan3A_160 : i32 to index
        %swap3A_171 = arith.constant 0 : index
        %swap3A_172 = tpu.vector_load %arg18[%swap3A_170, %swap3A_171] {strides = array<i32>} : memref<40x16xf32, #tpu.memory_space<vmem>>, vector<1x16xf32>,
        %swap3A_173 = vector.shape_cast %swap3A_172 : vector<1x16xf32> to vector<16xf32>
        %swap3A_174 = vector.shape_cast %mul3A_169 : vector<16xf32> to vector<1x16xf32>
        tpu.vector_store %arg18[%swap3A_170, %swap3A_171], %swap3A_174 {strides = array<i32>} : memref<40x16xf32, #tpu.memory_space<vmem>>, vector<1x16xf32>,
        %scan3A_175 = arith.constant 3 : i32
        %scan3A_176 = arith.addi %scan3A_130, %scan3A_175 : i32
        %get3A_177 = arith.index_cast %scan3A_176 : i32 to index
        %get3A_178 = arith.constant 0 : index
        %get3A_179 = tpu.vector_load %arg16[%get3A_177, %get3A_178] {strides = array<i32>} : memref<40x16xf32, #tpu.memory_space<vmem>>, vector<1x16xf32>,
        %get3A_180 = vector.shape_cast %get3A_179 : vector<1x16xf32> to vector<16xf32>
        %get3A_181 = arith.index_cast %scan3A_176 : i32 to index
        %get3A_182 = arith.constant 0 : index
        %get3A_183 = tpu.vector_load %arg17[%get3A_181, %get3A_182] {strides = array<i32>} : memref<40x128xf32, #tpu.memory_space<vmem>>, vector<1x16xf32>,
        %get3A_184 = vector.shape_cast %get3A_183 : vector<1x16xf32> to vector<16xf32>
        %mul3A_185 = arith.mulf %get3A_180, %get3A_184 : vector<16xf32>
        %swap3A_186 = arith.index_cast %scan3A_176 : i32 to index
        %swap3A_187 = arith.constant 0 : index
        %swap3A_188 = tpu.vector_load %arg18[%swap3A_186, %swap3A_187] {strides = array<i32>} : memref<40x16xf32, #tpu.memory_space<vmem>>, vector<1x16xf32>,
        %swap3A_189 = vector.shape_cast %swap3A_188 : vector<1x16xf32> to vector<16xf32>
        %swap3A_190 = vector.shape_cast %mul3A_185 : vector<16xf32> to vector<1x16xf32>
        tpu.vector_store %arg18[%swap3A_186, %swap3A_187], %swap3A_190 {strides = array<i32>} : memref<40x16xf32, #tpu.memory_space<vmem>>, vector<1x16xf32>,
      }
      %scan3A_111 = arith.constant 40 : i32
      %dma_wait3A_112 = arith.constant 0 : i32
      %dma_wait3A_113 = arith.constant 0 : i32
      %dma_wait3A_114 = tpu.memref_slice %arg6[%dma_wait3A_112, %dma_wait3A_113] : memref<10000x256xf32, #tpu.memory_space<hbm>> -> memref<10000x256xf32, #tpu.memory_space<hbm>>
      tpu.wait_indirect_dma semaphore(%arg29 : memref<!tpu.dma_semaphore, #tpu.memory_space<semaphore_mem>>) src(%dma_wait3A_114 : memref<10000x256xf32, #tpu.memory_space<hbm>>) dst(%arg19 : memref<40x256xf32, #tpu.memory_space<vmem>>)
      %dma_start3A_115 = arith.constant 0 : i32
      %dma_start3A_116 = arith.constant 0 : i32
      %dma_start3A_117 = tpu.memref_slice %arg8[%dma_start3A_115, %dma_start3A_116] : memref<10000x256xf32, #tpu.memory_space<hbm>> -> memref<10000x256xf32, #tpu.memory_space<hbm>>
      tpu.enqueue_indirect_dma source(%dma_start3A_117 : memref<10000x256xf32, #tpu.memory_space<hbm>>) target(%arg19 : memref<40x256xf32, #tpu.memory_space<vmem>>) offsets(%arg14 : memref<40xi32, #tpu.memory_space<vmem>>) semaphore(%arg29 : memref<!tpu.dma_semaphore, #tpu.memory_space<semaphore_mem>>)
      %dma_wait3A_118 = arith.constant 0 : i32
      %dma_wait3A_119 = arith.constant 0 : i32
      %dma_wait3A_120 = tpu.memref_slice %arg7[%dma_wait3A_118, %dma_wait3A_119] : memref<10000x256xf32, #tpu.memory_space<hbm>> -> memref<10000x256xf32, #tpu.memory_space<hbm>>
      tpu.wait_indirect_dma semaphore(%arg30 : memref<!tpu.dma_semaphore, #tpu.memory_space<semaphore_mem>>) src(%dma_wait3A_120 : memref<10000x256xf32, #tpu.memory_space<hbm>>) dst(%arg20 : memref<40x256xf32, #tpu.memory_space<vmem>>)
      %dma_start3A_121 = arith.constant 0 : i32
      %dma_start3A_122 = arith.constant 0 : i32
      %dma_start3A_123 = tpu.memref_slice %arg9[%dma_start3A_121, %dma_start3A_122] : memref<10000x256xf32, #tpu.memory_space<hbm>> -> memref<10000x256xf32, #tpu.memory_space<hbm>>
      tpu.enqueue_indirect_dma source(%dma_start3A_123 : memref<10000x256xf32, #tpu.memory_space<hbm>>) target(%arg20 : memref<40x256xf32, #tpu.memory_space<vmem>>) offsets(%arg14 : memref<40xi32, #tpu.memory_space<vmem>>) semaphore(%arg30 : memref<!tpu.dma_semaphore, #tpu.memory_space<semaphore_mem>>)
      %dma_wait3A_124 = arith.constant 0 : i32
      %dma_wait3A_125 = arith.constant 0 : i32
      %dma_wait3A_126 = tpu.memref_slice %arg8[%dma_wait3A_124, %dma_wait3A_125] : memref<10000x256xf32, #tpu.memory_space<hbm>> -> memref<10000x256xf32, #tpu.memory_space<hbm>>
      tpu.wait_indirect_dma semaphore(%arg29 : memref<!tpu.dma_semaphore, #tpu.memory_space<semaphore_mem>>) src(%dma_wait3A_126 : memref<10000x256xf32, #tpu.memory_space<hbm>>) dst(%arg19 : memref<40x256xf32, #tpu.memory_space<vmem>>)
      %dma_wait3A_127 = arith.constant 0 : i32
      %dma_wait3A_128 = arith.constant 0 : i32
      %dma_wait3A_129 = tpu.memref_slice %arg9[%dma_wait3A_127, %dma_wait3A_128] : memref<10000x256xf32, #tpu.memory_space<hbm>> -> memref<10000x256xf32, #tpu.memory_space<hbm>>
      tpu.wait_indirect_dma semaphore(%arg30 : memref<!tpu.dma_semaphore, #tpu.memory_space<semaphore_mem>>) src(%dma_wait3A_129 : memref<10000x256xf32, #tpu.memory_space<hbm>>) dst(%arg20 : memref<40x256xf32, #tpu.memory_space<vmem>>)
      "tpu.region"() ({
        %run_scoped3A = tpu.sem_alloc : memref<!tpu.dma_semaphore, #tpu.memory_space<semaphore_mem>>
        %dma_start3A_130 = arith.constant 0 : i32
        %dma_start3A_131 = arith.constant 0 : i32
        %dma_start3A_132 = tpu.memref_slice %arg22[%dma_start3A_130, %dma_start3A_131] : memref<10240x128xf32, #tpu.memory_space<vmem_shared>> -> memref<10240x128xf32, #tpu.memory_space<vmem_shared>>
        tpu.enqueue_indirect_dma source(%arg21 : memref<40x128xf32, #tpu.memory_space<vmem>>) target(%dma_start3A_132 : memref<10240x128xf32, #tpu.memory_space<vmem_shared>>) offsets(%arg15 : memref<40xi32, #tpu.memory_space<vmem>>) semaphore(%run_scoped3A : memref<!tpu.dma_semaphore, #tpu.memory_space<semaphore_mem>>) {add = true}
        %dma_wait3A_133 = arith.constant 0 : i32
        %dma_wait3A_134 = arith.constant 0 : i32
        %dma_wait3A_135 = tpu.memref_slice %arg22[%dma_wait3A_133, %dma_wait3A_134] : memref<10240x128xf32, #tpu.memory_space<vmem_shared>> -> memref<10240x128xf32, #tpu.memory_space<vmem_shared>>
        tpu.wait_indirect_dma semaphore(%run_scoped3A : memref<!tpu.dma_semaphore, #tpu.memory_space<semaphore_mem>>) src(%arg21 : memref<40x128xf32, #tpu.memory_space<vmem>>) dst(%dma_wait3A_135 : memref<10240x128xf32, #tpu.memory_space<vmem_shared>>)
        tpu.yield
      }) : () -> ()
    }
    %scan3A_11 = arith.constant 125 : i32
    %barrier3A_12 = arith.constant 0 : index
    tpu.barrier barrier_id(%barrier3A_12)
    %mul3A_13 = arith.constant 640 : i32
    %mul3A_14 = arith.muli %arg1, %mul3A_13 : i32
    %mul3A_15 = arith.constant 10240 : i32
    %mul3A_16 = arith.muli %arg0, %mul3A_15 : i32
    %mul3A_17 = arith.constant 640 : i32
    %mul3A_18 = arith.muli %arg1, %mul3A_17 : i32
    %add3A_19 = arith.addi %mul3A_16, %mul3A_18 : i32
    "tpu.region"() ({
      %run_scoped3A = tpu.sem_alloc : memref<!tpu.dma_semaphore, #tpu.memory_space<semaphore_mem>>
      %dma_start3A = arith.constant 0 : i32
      %dma_start3A_20 = tpu.memref_slice %arg11[%add3A_19, %dma_start3A] : memref<20480x128xf32, #tpu.memory_space<hbm>> -> memref<640x128xf32, #tpu.memory_space<hbm>>
      %dma_start3A_21 = arith.constant 0 : i32
      %dma_start3A_22 = tpu.memref_slice %arg22[%mul3A_14, %dma_start3A_21] : memref<10240x128xf32, #tpu.memory_space<vmem_shared>> -> memref<640x128xf32, #tpu.memory_space<vmem_shared>>
      tpu.enqueue_dma source(%dma_start3A_22 : memref<640x128xf32, #tpu.memory_space<vmem_shared>>) target(%dma_start3A_20 : memref<640x128xf32, #tpu.memory_space<hbm>>) target_semaphore(%run_scoped3A : memref<!tpu.dma_semaphore, #tpu.memory_space<semaphore_mem>>)
      %dma_wait3A = arith.constant 0 : i32
      %dma_wait3A_23 = tpu.memref_slice %arg11[%add3A_19, %dma_wait3A] : memref<20480x128xf32, #tpu.memory_space<hbm>> -> memref<640x128xf32, #tpu.memory_space<hbm>>
      %dma_wait3A_24 = arith.constant 0 : i32
      %dma_wait3A_25 = tpu.memref_slice %arg22[%mul3A_14, %dma_wait3A_24] : memref<10240x128xf32, #tpu.memory_space<vmem_shared>> -> memref<640x128xf32, #tpu.memory_space<vmem_shared>>
      tpu.wait_dma2 semaphore(%run_scoped3A : memref<!tpu.dma_semaphore, #tpu.memory_space<semaphore_mem>>) src(%dma_wait3A_25 : memref<640x128xf32, #tpu.memory_space<vmem_shared>>) dst(%dma_wait3A_23 : memref<640x128xf32, #tpu.memory_space<hbm>>)
      tpu.yield
    }) : () -> ()
    return
  }
}

#map = affine_map<(d0, d1) -> (0)>
#map1 = affine_map<(d0, d1) -> (0, 0)>
module attributes {stable_mosaic.version = 14 : i64} {
  func.func @k(%arg0: i32, %arg1: i32, %arg2: memref<320000xi32, #tpu.memory_space<hbm>>, %arg3: memref<320000xi32, #tpu.memory_space<hbm>>, %arg4: memref<10000x128xf32, #tpu.memory_space<hbm>>, %arg5: memref<10240x128xf32, #tpu.memory_space<hbm>>, %arg6: memref<20480x128xf32, #tpu.memory_space<hbm>>, %arg7: memref<320000x16xf32, #tpu.memory_space<hbm>>, %arg8: memref<40xi32, #tpu.memory_space<vmem>>, %arg9: memref<40xi32, #tpu.memory_space<vmem>>, %arg10: memref<40xi32, #tpu.memory_space<vmem>>, %arg11: memref<40xi32, #tpu.memory_space<vmem>>, %arg12: memref<40x128xf32, #tpu.memory_space<vmem>>, %arg13: memref<40x128xf32, #tpu.memory_space<vmem>>, %arg14: memref<40x128xf32, #tpu.memory_space<vmem>>, %arg15: memref<40x128xf32, #tpu.memory_space<vmem>>, %arg16: memref<40x128xf32, #tpu.memory_space<vmem>>, %arg17: memref<40x16xf32, #tpu.memory_space<vmem>>, %arg18: memref<10240x128xf32, #tpu.memory_space<vmem_shared>>, %arg19: memref<!tpu.dma_semaphore, #tpu.memory_space<semaphore_mem>>, %arg20: memref<!tpu.dma_semaphore, #tpu.memory_space<semaphore_mem>>, %arg21: memref<!tpu.dma_semaphore, #tpu.memory_space<semaphore_mem>>, %arg22: memref<!tpu.dma_semaphore, #tpu.memory_space<semaphore_mem>>, %arg23: memref<!tpu.dma_semaphore, #tpu.memory_space<semaphore_mem>>, %arg24: memref<!tpu.dma_semaphore, #tpu.memory_space<semaphore_mem>>, %arg25: memref<!tpu.dma_semaphore, #tpu.memory_space<semaphore_mem>>, %arg26: memref<!tpu.dma_semaphore, #tpu.memory_space<semaphore_mem>>) attributes {dimension_semantics = [#tpu.dimension_semantics<core_parallel>, #tpu.dimension_semantics<subcore_parallel>], iteration_bounds = array<i64: 2, 16>, scalar_prefetch = 0 : i64, scratch_operands = 19 : i64, tpu.core_type = #tpu.core_type<sc_vector_subcore>, window_params = [{transform_indices = #map}, {transform_indices = #map}, {transform_indices = #map1}, {transform_indices = #map1}, {transform_indices = #map1}, {transform_indices = #map1}]} {
    %mul3A = arith.constant 640 : i32
    %mul3A_0 = arith.muli %arg1, %mul3A : i32
    %mul3A_1 = arith.constant 640 : i32
    %mul3A_2 = arith.muli %arg1, %mul3A_1 : i32
    "tpu.region"() ({
      %run_scoped3A = tpu.sem_alloc : memref<!tpu.dma_semaphore, #tpu.memory_space<semaphore_mem>>
      %dma_start3A = arith.constant 0 : i32
      %dma_start3A_20 = tpu.memref_slice %arg18[%mul3A_2, %dma_start3A] : memref<10240x128xf32, #tpu.memory_space<vmem_shared>> -> memref<640x128xf32, #tpu.memory_space<vmem_shared>>
      %dma_start3A_21 = arith.constant 0 : i32
      %dma_start3A_22 = tpu.memref_slice %arg5[%mul3A_0, %dma_start3A_21] : memref<10240x128xf32, #tpu.memory_space<hbm>> -> memref<640x128xf32, #tpu.memory_space<hbm>>
      tpu.enqueue_dma source(%dma_start3A_22 : memref<640x128xf32, #tpu.memory_space<hbm>>) target(%dma_start3A_20 : memref<640x128xf32, #tpu.memory_space<vmem_shared>>) target_semaphore(%run_scoped3A : memref<!tpu.dma_semaphore, #tpu.memory_space<semaphore_mem>>)
      %dma_wait3A = arith.constant 0 : i32
      %dma_wait3A_23 = tpu.memref_slice %arg18[%mul3A_2, %dma_wait3A] : memref<10240x128xf32, #tpu.memory_space<vmem_shared>> -> memref<640x128xf32, #tpu.memory_space<vmem_shared>>
      %dma_wait3A_24 = arith.constant 0 : i32
      %dma_wait3A_25 = tpu.memref_slice %arg5[%mul3A_0, %dma_wait3A_24] : memref<10240x128xf32, #tpu.memory_space<hbm>> -> memref<640x128xf32, #tpu.memory_space<hbm>>
      tpu.wait_dma2 semaphore(%run_scoped3A : memref<!tpu.dma_semaphore, #tpu.memory_space<semaphore_mem>>) src(%dma_wait3A_25 : memref<640x128xf32, #tpu.memory_space<hbm>>) dst(%dma_wait3A_23 : memref<640x128xf32, #tpu.memory_space<vmem_shared>>)
      tpu.yield
    }) : () -> ()
    "tpu.region"() ({
      %run_scoped3A = tpu.sem_alloc : memref<!tpu.dma_semaphore, #tpu.memory_space<semaphore_mem>>
      %dma_start3A = arith.constant 0 : i32
      %dma_start3A_20 = arith.constant 0 : i32
      %dma_start3A_21 = tpu.memref_slice %arg5[%dma_start3A, %dma_start3A_20] : memref<10240x128xf32, #tpu.memory_space<hbm>> -> memref<40x128xf32, #tpu.memory_space<hbm>>
      %dma_start3A_22 = arith.constant 0 : i32
      %dma_start3A_23 = arith.constant 0 : i32
      %dma_start3A_24 = tpu.memref_slice %arg5[%dma_start3A_22, %dma_start3A_23] : memref<10240x128xf32, #tpu.memory_space<hbm>> -> memref<40x128xf32, #tpu.memory_space<hbm>>
      tpu.enqueue_dma source(%dma_start3A_24 : memref<40x128xf32, #tpu.memory_space<hbm>>) target(%arg16 : memref<40x128xf32, #tpu.memory_space<vmem>>) target_semaphore(%run_scoped3A : memref<!tpu.dma_semaphore, #tpu.memory_space<semaphore_mem>>)
      %dma_wait3A = arith.constant 0 : i32
      %dma_wait3A_25 = arith.constant 0 : i32
      %dma_wait3A_26 = tpu.memref_slice %arg5[%dma_wait3A, %dma_wait3A_25] : memref<10240x128xf32, #tpu.memory_space<hbm>> -> memref<40x128xf32, #tpu.memory_space<hbm>>
      %dma_wait3A_27 = arith.constant 0 : i32
      %dma_wait3A_28 = arith.constant 0 : i32
      %dma_wait3A_29 = tpu.memref_slice %arg5[%dma_wait3A_27, %dma_wait3A_28] : memref<10240x128xf32, #tpu.memory_space<hbm>> -> memref<40x128xf32, #tpu.memory_space<hbm>>
      tpu.wait_dma2 semaphore(%run_scoped3A : memref<!tpu.dma_semaphore, #tpu.memory_space<semaphore_mem>>) src(%dma_wait3A_29 : memref<40x128xf32, #tpu.memory_space<hbm>>) dst(%arg16 : memref<40x128xf32, #tpu.memory_space<vmem>>)
      tpu.yield
    }) : () -> ()
    %barrier3A = arith.constant 0 : index
    tpu.barrier barrier_id(%barrier3A)
    %mul3A_3 = arith.constant 160000 : i32
    %mul3A_4 = arith.muli %arg0, %mul3A_3 : i32
    %mul3A_5 = arith.constant 10000 : i32
    %mul3A_6 = arith.muli %arg1, %mul3A_5 : i32
    %add3A = arith.addi %mul3A_4, %mul3A_6 : i32
    %scan3A = arith.constant 0 : i32
    %scan3A_7 = arith.constant 0 : i32
    %scan3A_8 = arith.constant 125 : i32
    %scan3A_9 = arith.addi %scan3A_7, %scan3A_8 : i32
    %scan3A_10 = arith.constant 1 : i32
    scf.for %scan3A_20 = %scan3A_7 to %scan3A_9 step %scan3A_10  : i32 {
      %mul3A_21 = arith.constant 2 : i32
      %mul3A_22 = arith.muli %mul3A_21, %scan3A_20 : i32
      %mul3A_23 = arith.constant 40 : i32
      %mul3A_24 = arith.muli %mul3A_22, %mul3A_23 : i32
      %add3A_25 = arith.addi %add3A, %mul3A_24 : i32
      %add3A_26 = arith.constant 40 : i32
      %add3A_27 = arith.addi %add3A_25, %add3A_26 : i32
      %dma_start3A = tpu.memref_slice %arg2[%add3A_25] : memref<320000xi32, #tpu.memory_space<hbm>> -> memref<40xi32, #tpu.memory_space<hbm>>
      %dma_start3A_28 = tpu.memref_slice %arg2[%add3A_25] : memref<320000xi32, #tpu.memory_space<hbm>> -> memref<40xi32, #tpu.memory_space<hbm>>
      tpu.enqueue_dma source(%dma_start3A_28 : memref<40xi32, #tpu.memory_space<hbm>>) target(%arg8 : memref<40xi32, #tpu.memory_space<vmem>>) target_semaphore(%arg23 : memref<!tpu.dma_semaphore, #tpu.memory_space<semaphore_mem>>)
      %dma_start3A_29 = tpu.memref_slice %arg3[%add3A_25] : memref<320000xi32, #tpu.memory_space<hbm>> -> memref<40xi32, #tpu.memory_space<hbm>>
      %dma_start3A_30 = tpu.memref_slice %arg3[%add3A_25] : memref<320000xi32, #tpu.memory_space<hbm>> -> memref<40xi32, #tpu.memory_space<hbm>>
      tpu.enqueue_dma source(%dma_start3A_30 : memref<40xi32, #tpu.memory_space<hbm>>) target(%arg9 : memref<40xi32, #tpu.memory_space<vmem>>) target_semaphore(%arg24 : memref<!tpu.dma_semaphore, #tpu.memory_space<semaphore_mem>>)
      %dma_start3A_31 = tpu.memref_slice %arg2[%add3A_27] : memref<320000xi32, #tpu.memory_space<hbm>> -> memref<40xi32, #tpu.memory_space<hbm>>
      %dma_start3A_32 = tpu.memref_slice %arg2[%add3A_27] : memref<320000xi32, #tpu.memory_space<hbm>> -> memref<40xi32, #tpu.memory_space<hbm>>
      tpu.enqueue_dma source(%dma_start3A_32 : memref<40xi32, #tpu.memory_space<hbm>>) target(%arg10 : memref<40xi32, #tpu.memory_space<vmem>>) target_semaphore(%arg25 : memref<!tpu.dma_semaphore, #tpu.memory_space<semaphore_mem>>)
      %dma_start3A_33 = tpu.memref_slice %arg3[%add3A_27] : memref<320000xi32, #tpu.memory_space<hbm>> -> memref<40xi32, #tpu.memory_space<hbm>>
      %dma_start3A_34 = tpu.memref_slice %arg3[%add3A_27] : memref<320000xi32, #tpu.memory_space<hbm>> -> memref<40xi32, #tpu.memory_space<hbm>>
      tpu.enqueue_dma source(%dma_start3A_34 : memref<40xi32, #tpu.memory_space<hbm>>) target(%arg11 : memref<40xi32, #tpu.memory_space<vmem>>) target_semaphore(%arg26 : memref<!tpu.dma_semaphore, #tpu.memory_space<semaphore_mem>>)
      %dma_wait3A = tpu.memref_slice %arg2[%add3A_25] : memref<320000xi32, #tpu.memory_space<hbm>> -> memref<40xi32, #tpu.memory_space<hbm>>
      %dma_wait3A_35 = tpu.memref_slice %arg2[%add3A_25] : memref<320000xi32, #tpu.memory_space<hbm>> -> memref<40xi32, #tpu.memory_space<hbm>>
      tpu.wait_dma2 semaphore(%arg23 : memref<!tpu.dma_semaphore, #tpu.memory_space<semaphore_mem>>) src(%dma_wait3A_35 : memref<40xi32, #tpu.memory_space<hbm>>) dst(%arg8 : memref<40xi32, #tpu.memory_space<vmem>>)
      %dma_wait3A_36 = tpu.memref_slice %arg3[%add3A_25] : memref<320000xi32, #tpu.memory_space<hbm>> -> memref<40xi32, #tpu.memory_space<hbm>>
      %dma_wait3A_37 = tpu.memref_slice %arg3[%add3A_25] : memref<320000xi32, #tpu.memory_space<hbm>> -> memref<40xi32, #tpu.memory_space<hbm>>
      tpu.wait_dma2 semaphore(%arg24 : memref<!tpu.dma_semaphore, #tpu.memory_space<semaphore_mem>>) src(%dma_wait3A_37 : memref<40xi32, #tpu.memory_space<hbm>>) dst(%arg9 : memref<40xi32, #tpu.memory_space<vmem>>)
      %dma_start3A_38 = arith.constant 0 : i32
      %dma_start3A_39 = arith.constant 0 : i32
      %dma_start3A_40 = tpu.memref_slice %arg4[%dma_start3A_38, %dma_start3A_39] : memref<10000x128xf32, #tpu.memory_space<hbm>> -> memref<10000x128xf32, #tpu.memory_space<hbm>>
      tpu.enqueue_indirect_dma source(%dma_start3A_40 : memref<10000x128xf32, #tpu.memory_space<hbm>>) target(%arg12 : memref<40x128xf32, #tpu.memory_space<vmem>>) offsets(%arg8 : memref<40xi32, #tpu.memory_space<vmem>>) semaphore(%arg19 : memref<!tpu.dma_semaphore, #tpu.memory_space<semaphore_mem>>)
      %dma_start3A_41 = arith.constant 0 : i32
      %dma_start3A_42 = arith.constant 0 : i32
      %dma_start3A_43 = tpu.memref_slice %arg4[%dma_start3A_41, %dma_start3A_42] : memref<10000x128xf32, #tpu.memory_space<hbm>> -> memref<10000x128xf32, #tpu.memory_space<hbm>>
      tpu.enqueue_indirect_dma source(%dma_start3A_43 : memref<10000x128xf32, #tpu.memory_space<hbm>>) target(%arg13 : memref<40x128xf32, #tpu.memory_space<vmem>>) offsets(%arg9 : memref<40xi32, #tpu.memory_space<vmem>>) semaphore(%arg20 : memref<!tpu.dma_semaphore, #tpu.memory_space<semaphore_mem>>)
      %dma_wait3A_44 = tpu.memref_slice %arg2[%add3A_27] : memref<320000xi32, #tpu.memory_space<hbm>> -> memref<40xi32, #tpu.memory_space<hbm>>
      %dma_wait3A_45 = tpu.memref_slice %arg2[%add3A_27] : memref<320000xi32, #tpu.memory_space<hbm>> -> memref<40xi32, #tpu.memory_space<hbm>>
      tpu.wait_dma2 semaphore(%arg25 : memref<!tpu.dma_semaphore, #tpu.memory_space<semaphore_mem>>) src(%dma_wait3A_45 : memref<40xi32, #tpu.memory_space<hbm>>) dst(%arg10 : memref<40xi32, #tpu.memory_space<vmem>>)
      %dma_wait3A_46 = tpu.memref_slice %arg3[%add3A_27] : memref<320000xi32, #tpu.memory_space<hbm>> -> memref<40xi32, #tpu.memory_space<hbm>>
      %dma_wait3A_47 = tpu.memref_slice %arg3[%add3A_27] : memref<320000xi32, #tpu.memory_space<hbm>> -> memref<40xi32, #tpu.memory_space<hbm>>
      tpu.wait_dma2 semaphore(%arg26 : memref<!tpu.dma_semaphore, #tpu.memory_space<semaphore_mem>>) src(%dma_wait3A_47 : memref<40xi32, #tpu.memory_space<hbm>>) dst(%arg11 : memref<40xi32, #tpu.memory_space<vmem>>)
      %dma_start3A_48 = arith.constant 0 : i32
      %dma_start3A_49 = arith.constant 0 : i32
      %dma_start3A_50 = tpu.memref_slice %arg4[%dma_start3A_48, %dma_start3A_49] : memref<10000x128xf32, #tpu.memory_space<hbm>> -> memref<10000x128xf32, #tpu.memory_space<hbm>>
      tpu.enqueue_indirect_dma source(%dma_start3A_50 : memref<10000x128xf32, #tpu.memory_space<hbm>>) target(%arg14 : memref<40x128xf32, #tpu.memory_space<vmem>>) offsets(%arg10 : memref<40xi32, #tpu.memory_space<vmem>>) semaphore(%arg21 : memref<!tpu.dma_semaphore, #tpu.memory_space<semaphore_mem>>)
      %dma_start3A_51 = arith.constant 0 : i32
      %dma_start3A_52 = arith.constant 0 : i32
      %dma_start3A_53 = tpu.memref_slice %arg4[%dma_start3A_51, %dma_start3A_52] : memref<10000x128xf32, #tpu.memory_space<hbm>> -> memref<10000x128xf32, #tpu.memory_space<hbm>>
      tpu.enqueue_indirect_dma source(%dma_start3A_53 : memref<10000x128xf32, #tpu.memory_space<hbm>>) target(%arg15 : memref<40x128xf32, #tpu.memory_space<vmem>>) offsets(%arg11 : memref<40xi32, #tpu.memory_space<vmem>>) semaphore(%arg22 : memref<!tpu.dma_semaphore, #tpu.memory_space<semaphore_mem>>)
      %dma_wait3A_54 = arith.constant 0 : i32
      %dma_wait3A_55 = arith.constant 0 : i32
      %dma_wait3A_56 = tpu.memref_slice %arg4[%dma_wait3A_54, %dma_wait3A_55] : memref<10000x128xf32, #tpu.memory_space<hbm>> -> memref<10000x128xf32, #tpu.memory_space<hbm>>
      tpu.wait_indirect_dma semaphore(%arg19 : memref<!tpu.dma_semaphore, #tpu.memory_space<semaphore_mem>>) src(%dma_wait3A_56 : memref<10000x128xf32, #tpu.memory_space<hbm>>) dst(%arg12 : memref<40x128xf32, #tpu.memory_space<vmem>>)
      %dma_wait3A_57 = arith.constant 0 : i32
      %dma_wait3A_58 = arith.constant 0 : i32
      %dma_wait3A_59 = tpu.memref_slice %arg4[%dma_wait3A_57, %dma_wait3A_58] : memref<10000x128xf32, #tpu.memory_space<hbm>> -> memref<10000x128xf32, #tpu.memory_space<hbm>>
      tpu.wait_indirect_dma semaphore(%arg20 : memref<!tpu.dma_semaphore, #tpu.memory_space<semaphore_mem>>) src(%dma_wait3A_59 : memref<10000x128xf32, #tpu.memory_space<hbm>>) dst(%arg13 : memref<40x128xf32, #tpu.memory_space<vmem>>)
      %scan3A_60 = arith.constant 0 : i32
      %scan3A_61 = arith.constant 0 : i32
      %scan3A_62 = arith.constant 40 : i32
      %scan3A_63 = arith.addi %scan3A_61, %scan3A_62 : i32
      %scan3A_64 = arith.constant 4 : i32
      scf.for %scan3A_78 = %scan3A_61 to %scan3A_63 step %scan3A_64  : i32 {
        %get3A = arith.index_cast %scan3A_78 : i32 to index
        %get3A_79 = arith.constant 0 : index
        %get3A_80 = tpu.vector_load %arg12[%get3A, %get3A_79] {strides = array<i32>} : memref<40x128xf32, #tpu.memory_space<vmem>>, vector<1x16xf32>,
        %get3A_81 = vector.shape_cast %get3A_80 : vector<1x16xf32> to vector<16xf32>
        %get3A_82 = arith.index_cast %scan3A_78 : i32 to index
        %get3A_83 = arith.constant 16 : index
        %get3A_84 = tpu.vector_load %arg13[%get3A_82, %get3A_83] {strides = array<i32>} : memref<40x128xf32, #tpu.memory_space<vmem>>, vector<1x16xf32>,
        %get3A_85 = vector.shape_cast %get3A_84 : vector<1x16xf32> to vector<16xf32>
        %add3A_86 = arith.addf %get3A_81, %get3A_85 : vector<16xf32>
        %gt3A = arith.constant 0.000000e+00 : f32
        %gt3A_87 = vector.broadcast %gt3A : f32 to vector<16xf32>
        %gt3A_88 = arith.cmpf ogt, %add3A_86, %gt3A_87 : vector<16xf32>
        %mul3A_89 = arith.constant 2.000000e-01 : f32
        %mul3A_90 = vector.broadcast %mul3A_89 : f32 to vector<16xf32>
        %mul3A_91 = arith.mulf %mul3A_90, %add3A_86 : vector<16xf32>
        %select_n3A = arith.select %gt3A_88, %add3A_86, %mul3A_91 : vector<16xi1>, vector<16xf32>
        %exp3A = math.exp %select_n3A : vector<16xf32>
        %swap3A = arith.index_cast %scan3A_78 : i32 to index
        %swap3A_92 = arith.constant 0 : index
        %swap3A_93 = tpu.vector_load %arg16[%swap3A, %swap3A_92] {strides = array<i32>} : memref<40x128xf32, #tpu.memory_space<vmem>>, vector<1x16xf32>,
        %swap3A_94 = vector.shape_cast %swap3A_93 : vector<1x16xf32> to vector<16xf32>
        %swap3A_95 = vector.shape_cast %exp3A : vector<16xf32> to vector<1x16xf32>
        tpu.vector_store %arg16[%swap3A, %swap3A_92], %swap3A_95 {strides = array<i32>} : memref<40x128xf32, #tpu.memory_space<vmem>>, vector<1x16xf32>,
        %swap3A_96 = arith.index_cast %scan3A_78 : i32 to index
        %swap3A_97 = arith.constant 0 : index
        %swap3A_98 = tpu.vector_load %arg17[%swap3A_96, %swap3A_97] {strides = array<i32>} : memref<40x16xf32, #tpu.memory_space<vmem>>, vector<1x16xf32>,
        %swap3A_99 = vector.shape_cast %swap3A_98 : vector<1x16xf32> to vector<16xf32>
        %swap3A_100 = vector.shape_cast %exp3A : vector<16xf32> to vector<1x16xf32>
        tpu.vector_store %arg17[%swap3A_96, %swap3A_97], %swap3A_100 {strides = array<i32>} : memref<40x16xf32, #tpu.memory_space<vmem>>, vector<1x16xf32>,
        %scan3A_101 = arith.constant 1 : i32
        %scan3A_102 = arith.addi %scan3A_78, %scan3A_101 : i32
        %get3A_103 = arith.index_cast %scan3A_102 : i32 to index
        %get3A_104 = arith.constant 0 : index
        %get3A_105 = tpu.vector_load %arg12[%get3A_103, %get3A_104] {strides = array<i32>} : memref<40x128xf32, #tpu.memory_space<vmem>>, vector<1x16xf32>,
        %get3A_106 = vector.shape_cast %get3A_105 : vector<1x16xf32> to vector<16xf32>
        %get3A_107 = arith.index_cast %scan3A_102 : i32 to index
        %get3A_108 = arith.constant 16 : index
        %get3A_109 = tpu.vector_load %arg13[%get3A_107, %get3A_108] {strides = array<i32>} : memref<40x128xf32, #tpu.memory_space<vmem>>, vector<1x16xf32>,
        %get3A_110 = vector.shape_cast %get3A_109 : vector<1x16xf32> to vector<16xf32>
        %add3A_111 = arith.addf %get3A_106, %get3A_110 : vector<16xf32>
        %gt3A_112 = arith.constant 0.000000e+00 : f32
        %gt3A_113 = vector.broadcast %gt3A_112 : f32 to vector<16xf32>
        %gt3A_114 = arith.cmpf ogt, %add3A_111, %gt3A_113 : vector<16xf32>
        %mul3A_115 = arith.constant 2.000000e-01 : f32
        %mul3A_116 = vector.broadcast %mul3A_115 : f32 to vector<16xf32>
        %mul3A_117 = arith.mulf %mul3A_116, %add3A_111 : vector<16xf32>
        %select_n3A_118 = arith.select %gt3A_114, %add3A_111, %mul3A_117 : vector<16xi1>, vector<16xf32>
        %exp3A_119 = math.exp %select_n3A_118 : vector<16xf32>
        %swap3A_120 = arith.index_cast %scan3A_102 : i32 to index
        %swap3A_121 = arith.constant 0 : index
        %swap3A_122 = tpu.vector_load %arg16[%swap3A_120, %swap3A_121] {strides = array<i32>} : memref<40x128xf32, #tpu.memory_space<vmem>>, vector<1x16xf32>,
        %swap3A_123 = vector.shape_cast %swap3A_122 : vector<1x16xf32> to vector<16xf32>
        %swap3A_124 = vector.shape_cast %exp3A_119 : vector<16xf32> to vector<1x16xf32>
        tpu.vector_store %arg16[%swap3A_120, %swap3A_121], %swap3A_124 {strides = array<i32>} : memref<40x128xf32, #tpu.memory_space<vmem>>, vector<1x16xf32>,
        %swap3A_125 = arith.index_cast %scan3A_102 : i32 to index
        %swap3A_126 = arith.constant 0 : index
        %swap3A_127 = tpu.vector_load %arg17[%swap3A_125, %swap3A_126] {strides = array<i32>} : memref<40x16xf32, #tpu.memory_space<vmem>>, vector<1x16xf32>,
        %swap3A_128 = vector.shape_cast %swap3A_127 : vector<1x16xf32> to vector<16xf32>
        %swap3A_129 = vector.shape_cast %exp3A_119 : vector<16xf32> to vector<1x16xf32>
        tpu.vector_store %arg17[%swap3A_125, %swap3A_126], %swap3A_129 {strides = array<i32>} : memref<40x16xf32, #tpu.memory_space<vmem>>, vector<1x16xf32>,
        %scan3A_130 = arith.constant 2 : i32
        %scan3A_131 = arith.addi %scan3A_78, %scan3A_130 : i32
        %get3A_132 = arith.index_cast %scan3A_131 : i32 to index
        %get3A_133 = arith.constant 0 : index
        %get3A_134 = tpu.vector_load %arg12[%get3A_132, %get3A_133] {strides = array<i32>} : memref<40x128xf32, #tpu.memory_space<vmem>>, vector<1x16xf32>,
        %get3A_135 = vector.shape_cast %get3A_134 : vector<1x16xf32> to vector<16xf32>
        %get3A_136 = arith.index_cast %scan3A_131 : i32 to index
        %get3A_137 = arith.constant 16 : index
        %get3A_138 = tpu.vector_load %arg13[%get3A_136, %get3A_137] {strides = array<i32>} : memref<40x128xf32, #tpu.memory_space<vmem>>, vector<1x16xf32>,
        %get3A_139 = vector.shape_cast %get3A_138 : vector<1x16xf32> to vector<16xf32>
        %add3A_140 = arith.addf %get3A_135, %get3A_139 : vector<16xf32>
        %gt3A_141 = arith.constant 0.000000e+00 : f32
        %gt3A_142 = vector.broadcast %gt3A_141 : f32 to vector<16xf32>
        %gt3A_143 = arith.cmpf ogt, %add3A_140, %gt3A_142 : vector<16xf32>
        %mul3A_144 = arith.constant 2.000000e-01 : f32
        %mul3A_145 = vector.broadcast %mul3A_144 : f32 to vector<16xf32>
        %mul3A_146 = arith.mulf %mul3A_145, %add3A_140 : vector<16xf32>
        %select_n3A_147 = arith.select %gt3A_143, %add3A_140, %mul3A_146 : vector<16xi1>, vector<16xf32>
        %exp3A_148 = math.exp %select_n3A_147 : vector<16xf32>
        %swap3A_149 = arith.index_cast %scan3A_131 : i32 to index
        %swap3A_150 = arith.constant 0 : index
        %swap3A_151 = tpu.vector_load %arg16[%swap3A_149, %swap3A_150] {strides = array<i32>} : memref<40x128xf32, #tpu.memory_space<vmem>>, vector<1x16xf32>,
        %swap3A_152 = vector.shape_cast %swap3A_151 : vector<1x16xf32> to vector<16xf32>
        %swap3A_153 = vector.shape_cast %exp3A_148 : vector<16xf32> to vector<1x16xf32>
        tpu.vector_store %arg16[%swap3A_149, %swap3A_150], %swap3A_153 {strides = array<i32>} : memref<40x128xf32, #tpu.memory_space<vmem>>, vector<1x16xf32>,
        %swap3A_154 = arith.index_cast %scan3A_131 : i32 to index
        %swap3A_155 = arith.constant 0 : index
        %swap3A_156 = tpu.vector_load %arg17[%swap3A_154, %swap3A_155] {strides = array<i32>} : memref<40x16xf32, #tpu.memory_space<vmem>>, vector<1x16xf32>,
        %swap3A_157 = vector.shape_cast %swap3A_156 : vector<1x16xf32> to vector<16xf32>
        %swap3A_158 = vector.shape_cast %exp3A_148 : vector<16xf32> to vector<1x16xf32>
        tpu.vector_store %arg17[%swap3A_154, %swap3A_155], %swap3A_158 {strides = array<i32>} : memref<40x16xf32, #tpu.memory_space<vmem>>, vector<1x16xf32>,
        %scan3A_159 = arith.constant 3 : i32
        %scan3A_160 = arith.addi %scan3A_78, %scan3A_159 : i32
        %get3A_161 = arith.index_cast %scan3A_160 : i32 to index
        %get3A_162 = arith.constant 0 : index
        %get3A_163 = tpu.vector_load %arg12[%get3A_161, %get3A_162] {strides = array<i32>} : memref<40x128xf32, #tpu.memory_space<vmem>>, vector<1x16xf32>,
        %get3A_164 = vector.shape_cast %get3A_163 : vector<1x16xf32> to vector<16xf32>
        %get3A_165 = arith.index_cast %scan3A_160 : i32 to index
        %get3A_166 = arith.constant 16 : index
        %get3A_167 = tpu.vector_load %arg13[%get3A_165, %get3A_166] {strides = array<i32>} : memref<40x128xf32, #tpu.memory_space<vmem>>, vector<1x16xf32>,
        %get3A_168 = vector.shape_cast %get3A_167 : vector<1x16xf32> to vector<16xf32>
        %add3A_169 = arith.addf %get3A_164, %get3A_168 : vector<16xf32>
        %gt3A_170 = arith.constant 0.000000e+00 : f32
        %gt3A_171 = vector.broadcast %gt3A_170 : f32 to vector<16xf32>
        %gt3A_172 = arith.cmpf ogt, %add3A_169, %gt3A_171 : vector<16xf32>
        %mul3A_173 = arith.constant 2.000000e-01 : f32
        %mul3A_174 = vector.broadcast %mul3A_173 : f32 to vector<16xf32>
        %mul3A_175 = arith.mulf %mul3A_174, %add3A_169 : vector<16xf32>
        %select_n3A_176 = arith.select %gt3A_172, %add3A_169, %mul3A_175 : vector<16xi1>, vector<16xf32>
        %exp3A_177 = math.exp %select_n3A_176 : vector<16xf32>
        %swap3A_178 = arith.index_cast %scan3A_160 : i32 to index
        %swap3A_179 = arith.constant 0 : index
        %swap3A_180 = tpu.vector_load %arg16[%swap3A_178, %swap3A_179] {strides = array<i32>} : memref<40x128xf32, #tpu.memory_space<vmem>>, vector<1x16xf32>,
        %swap3A_181 = vector.shape_cast %swap3A_180 : vector<1x16xf32> to vector<16xf32>
        %swap3A_182 = vector.shape_cast %exp3A_177 : vector<16xf32> to vector<1x16xf32>
        tpu.vector_store %arg16[%swap3A_178, %swap3A_179], %swap3A_182 {strides = array<i32>} : memref<40x128xf32, #tpu.memory_space<vmem>>, vector<1x16xf32>,
        %swap3A_183 = arith.index_cast %scan3A_160 : i32 to index
        %swap3A_184 = arith.constant 0 : index
        %swap3A_185 = tpu.vector_load %arg17[%swap3A_183, %swap3A_184] {strides = array<i32>} : memref<40x16xf32, #tpu.memory_space<vmem>>, vector<1x16xf32>,
        %swap3A_186 = vector.shape_cast %swap3A_185 : vector<1x16xf32> to vector<16xf32>
        %swap3A_187 = vector.shape_cast %exp3A_177 : vector<16xf32> to vector<1x16xf32>
        tpu.vector_store %arg17[%swap3A_183, %swap3A_184], %swap3A_187 {strides = array<i32>} : memref<40x16xf32, #tpu.memory_space<vmem>>, vector<1x16xf32>,
      }
      %scan3A_65 = arith.constant 40 : i32
      "tpu.region"() ({
        %run_scoped3A = tpu.sem_alloc : memref<!tpu.dma_semaphore, #tpu.memory_space<semaphore_mem>>
        %dma_start3A_78 = arith.constant 0 : i32
        %dma_start3A_79 = tpu.memref_slice %arg7[%add3A_25, %dma_start3A_78] : memref<320000x16xf32, #tpu.memory_space<hbm>> -> memref<40x16xf32, #tpu.memory_space<hbm>>
        %dma_start3A_80 = arith.constant 0 : i32
        %dma_start3A_81 = tpu.memref_slice %arg7[%add3A_25, %dma_start3A_80] : memref<320000x16xf32, #tpu.memory_space<hbm>> -> memref<40x16xf32, #tpu.memory_space<hbm>>
        tpu.enqueue_dma source(%arg17 : memref<40x16xf32, #tpu.memory_space<vmem>>) target(%dma_start3A_81 : memref<40x16xf32, #tpu.memory_space<hbm>>) target_semaphore(%run_scoped3A : memref<!tpu.dma_semaphore, #tpu.memory_space<semaphore_mem>>)
        %dma_wait3A_82 = arith.constant 0 : i32
        %dma_wait3A_83 = tpu.memref_slice %arg7[%add3A_25, %dma_wait3A_82] : memref<320000x16xf32, #tpu.memory_space<hbm>> -> memref<40x16xf32, #tpu.memory_space<hbm>>
        %dma_wait3A_84 = arith.constant 0 : i32
        %dma_wait3A_85 = tpu.memref_slice %arg7[%add3A_25, %dma_wait3A_84] : memref<320000x16xf32, #tpu.memory_space<hbm>> -> memref<40x16xf32, #tpu.memory_space<hbm>>
        tpu.wait_dma2 semaphore(%run_scoped3A : memref<!tpu.dma_semaphore, #tpu.memory_space<semaphore_mem>>) src(%arg17 : memref<40x16xf32, #tpu.memory_space<vmem>>) dst(%dma_wait3A_85 : memref<40x16xf32, #tpu.memory_space<hbm>>)
        tpu.yield
      }) : () -> ()
      "tpu.region"() ({
        %run_scoped3A = tpu.sem_alloc : memref<!tpu.dma_semaphore, #tpu.memory_space<semaphore_mem>>
        %dma_start3A_78 = arith.constant 0 : i32
        %dma_start3A_79 = arith.constant 0 : i32
        %dma_start3A_80 = tpu.memref_slice %arg18[%dma_start3A_78, %dma_start3A_79] : memref<10240x128xf32, #tpu.memory_space<vmem_shared>> -> memref<10240x128xf32, #tpu.memory_space<vmem_shared>>
        tpu.enqueue_indirect_dma source(%arg16 : memref<40x128xf32, #tpu.memory_space<vmem>>) target(%dma_start3A_80 : memref<10240x128xf32, #tpu.memory_space<vmem_shared>>) offsets(%arg9 : memref<40xi32, #tpu.memory_space<vmem>>) semaphore(%run_scoped3A : memref<!tpu.dma_semaphore, #tpu.memory_space<semaphore_mem>>) {add = true}
        %dma_wait3A_81 = arith.constant 0 : i32
        %dma_wait3A_82 = arith.constant 0 : i32
        %dma_wait3A_83 = tpu.memref_slice %arg18[%dma_wait3A_81, %dma_wait3A_82] : memref<10240x128xf32, #tpu.memory_space<vmem_shared>> -> memref<10240x128xf32, #tpu.memory_space<vmem_shared>>
        tpu.wait_indirect_dma semaphore(%run_scoped3A : memref<!tpu.dma_semaphore, #tpu.memory_space<semaphore_mem>>) src(%arg16 : memref<40x128xf32, #tpu.memory_space<vmem>>) dst(%dma_wait3A_83 : memref<10240x128xf32, #tpu.memory_space<vmem_shared>>)
        tpu.yield
      }) : () -> ()
      %dma_wait3A_66 = arith.constant 0 : i32
      %dma_wait3A_67 = arith.constant 0 : i32
      %dma_wait3A_68 = tpu.memref_slice %arg4[%dma_wait3A_66, %dma_wait3A_67] : memref<10000x128xf32, #tpu.memory_space<hbm>> -> memref<10000x128xf32, #tpu.memory_space<hbm>>
      tpu.wait_indirect_dma semaphore(%arg21 : memref<!tpu.dma_semaphore, #tpu.memory_space<semaphore_mem>>) src(%dma_wait3A_68 : memref<10000x128xf32, #tpu.memory_space<hbm>>) dst(%arg14 : memref<40x128xf32, #tpu.memory_space<vmem>>)
      %dma_wait3A_69 = arith.constant 0 : i32
      %dma_wait3A_70 = arith.constant 0 : i32
      %dma_wait3A_71 = tpu.memref_slice %arg4[%dma_wait3A_69, %dma_wait3A_70] : memref<10000x128xf32, #tpu.memory_space<hbm>> -> memref<10000x128xf32, #tpu.memory_space<hbm>>
      tpu.wait_indirect_dma semaphore(%arg22 : memref<!tpu.dma_semaphore, #tpu.memory_space<semaphore_mem>>) src(%dma_wait3A_71 : memref<10000x128xf32, #tpu.memory_space<hbm>>) dst(%arg15 : memref<40x128xf32, #tpu.memory_space<vmem>>)
      %scan3A_72 = arith.constant 0 : i32
      %scan3A_73 = arith.constant 0 : i32
      %scan3A_74 = arith.constant 40 : i32
      %scan3A_75 = arith.addi %scan3A_73, %scan3A_74 : i32
      %scan3A_76 = arith.constant 4 : i32
      scf.for %scan3A_78 = %scan3A_73 to %scan3A_75 step %scan3A_76  : i32 {
        %get3A = arith.index_cast %scan3A_78 : i32 to index
        %get3A_79 = arith.constant 0 : index
        %get3A_80 = tpu.vector_load %arg14[%get3A, %get3A_79] {strides = array<i32>} : memref<40x128xf32, #tpu.memory_space<vmem>>, vector<1x16xf32>,
        %get3A_81 = vector.shape_cast %get3A_80 : vector<1x16xf32> to vector<16xf32>
        %get3A_82 = arith.index_cast %scan3A_78 : i32 to index
        %get3A_83 = arith.constant 16 : index
        %get3A_84 = tpu.vector_load %arg15[%get3A_82, %get3A_83] {strides = array<i32>} : memref<40x128xf32, #tpu.memory_space<vmem>>, vector<1x16xf32>,
        %get3A_85 = vector.shape_cast %get3A_84 : vector<1x16xf32> to vector<16xf32>
        %add3A_86 = arith.addf %get3A_81, %get3A_85 : vector<16xf32>
        %gt3A = arith.constant 0.000000e+00 : f32
        %gt3A_87 = vector.broadcast %gt3A : f32 to vector<16xf32>
        %gt3A_88 = arith.cmpf ogt, %add3A_86, %gt3A_87 : vector<16xf32>
        %mul3A_89 = arith.constant 2.000000e-01 : f32
        %mul3A_90 = vector.broadcast %mul3A_89 : f32 to vector<16xf32>
        %mul3A_91 = arith.mulf %mul3A_90, %add3A_86 : vector<16xf32>
        %select_n3A = arith.select %gt3A_88, %add3A_86, %mul3A_91 : vector<16xi1>, vector<16xf32>
        %exp3A = math.exp %select_n3A : vector<16xf32>
        %swap3A = arith.index_cast %scan3A_78 : i32 to index
        %swap3A_92 = arith.constant 0 : index
        %swap3A_93 = tpu.vector_load %arg16[%swap3A, %swap3A_92] {strides = array<i32>} : memref<40x128xf32, #tpu.memory_space<vmem>>, vector<1x16xf32>,
        %swap3A_94 = vector.shape_cast %swap3A_93 : vector<1x16xf32> to vector<16xf32>
        %swap3A_95 = vector.shape_cast %exp3A : vector<16xf32> to vector<1x16xf32>
        tpu.vector_store %arg16[%swap3A, %swap3A_92], %swap3A_95 {strides = array<i32>} : memref<40x128xf32, #tpu.memory_space<vmem>>, vector<1x16xf32>,
        %swap3A_96 = arith.index_cast %scan3A_78 : i32 to index
        %swap3A_97 = arith.constant 0 : index
        %swap3A_98 = tpu.vector_load %arg17[%swap3A_96, %swap3A_97] {strides = array<i32>} : memref<40x16xf32, #tpu.memory_space<vmem>>, vector<1x16xf32>,
        %swap3A_99 = vector.shape_cast %swap3A_98 : vector<1x16xf32> to vector<16xf32>
        %swap3A_100 = vector.shape_cast %exp3A : vector<16xf32> to vector<1x16xf32>
        tpu.vector_store %arg17[%swap3A_96, %swap3A_97], %swap3A_100 {strides = array<i32>} : memref<40x16xf32, #tpu.memory_space<vmem>>, vector<1x16xf32>,
        %scan3A_101 = arith.constant 1 : i32
        %scan3A_102 = arith.addi %scan3A_78, %scan3A_101 : i32
        %get3A_103 = arith.index_cast %scan3A_102 : i32 to index
        %get3A_104 = arith.constant 0 : index
        %get3A_105 = tpu.vector_load %arg14[%get3A_103, %get3A_104] {strides = array<i32>} : memref<40x128xf32, #tpu.memory_space<vmem>>, vector<1x16xf32>,
        %get3A_106 = vector.shape_cast %get3A_105 : vector<1x16xf32> to vector<16xf32>
        %get3A_107 = arith.index_cast %scan3A_102 : i32 to index
        %get3A_108 = arith.constant 16 : index
        %get3A_109 = tpu.vector_load %arg15[%get3A_107, %get3A_108] {strides = array<i32>} : memref<40x128xf32, #tpu.memory_space<vmem>>, vector<1x16xf32>,
        %get3A_110 = vector.shape_cast %get3A_109 : vector<1x16xf32> to vector<16xf32>
        %add3A_111 = arith.addf %get3A_106, %get3A_110 : vector<16xf32>
        %gt3A_112 = arith.constant 0.000000e+00 : f32
        %gt3A_113 = vector.broadcast %gt3A_112 : f32 to vector<16xf32>
        %gt3A_114 = arith.cmpf ogt, %add3A_111, %gt3A_113 : vector<16xf32>
        %mul3A_115 = arith.constant 2.000000e-01 : f32
        %mul3A_116 = vector.broadcast %mul3A_115 : f32 to vector<16xf32>
        %mul3A_117 = arith.mulf %mul3A_116, %add3A_111 : vector<16xf32>
        %select_n3A_118 = arith.select %gt3A_114, %add3A_111, %mul3A_117 : vector<16xi1>, vector<16xf32>
        %exp3A_119 = math.exp %select_n3A_118 : vector<16xf32>
        %swap3A_120 = arith.index_cast %scan3A_102 : i32 to index
        %swap3A_121 = arith.constant 0 : index
        %swap3A_122 = tpu.vector_load %arg16[%swap3A_120, %swap3A_121] {strides = array<i32>} : memref<40x128xf32, #tpu.memory_space<vmem>>, vector<1x16xf32>,
        %swap3A_123 = vector.shape_cast %swap3A_122 : vector<1x16xf32> to vector<16xf32>
        %swap3A_124 = vector.shape_cast %exp3A_119 : vector<16xf32> to vector<1x16xf32>
        tpu.vector_store %arg16[%swap3A_120, %swap3A_121], %swap3A_124 {strides = array<i32>} : memref<40x128xf32, #tpu.memory_space<vmem>>, vector<1x16xf32>,
        %swap3A_125 = arith.index_cast %scan3A_102 : i32 to index
        %swap3A_126 = arith.constant 0 : index
        %swap3A_127 = tpu.vector_load %arg17[%swap3A_125, %swap3A_126] {strides = array<i32>} : memref<40x16xf32, #tpu.memory_space<vmem>>, vector<1x16xf32>,
        %swap3A_128 = vector.shape_cast %swap3A_127 : vector<1x16xf32> to vector<16xf32>
        %swap3A_129 = vector.shape_cast %exp3A_119 : vector<16xf32> to vector<1x16xf32>
        tpu.vector_store %arg17[%swap3A_125, %swap3A_126], %swap3A_129 {strides = array<i32>} : memref<40x16xf32, #tpu.memory_space<vmem>>, vector<1x16xf32>,
        %scan3A_130 = arith.constant 2 : i32
        %scan3A_131 = arith.addi %scan3A_78, %scan3A_130 : i32
        %get3A_132 = arith.index_cast %scan3A_131 : i32 to index
        %get3A_133 = arith.constant 0 : index
        %get3A_134 = tpu.vector_load %arg14[%get3A_132, %get3A_133] {strides = array<i32>} : memref<40x128xf32, #tpu.memory_space<vmem>>, vector<1x16xf32>,
        %get3A_135 = vector.shape_cast %get3A_134 : vector<1x16xf32> to vector<16xf32>
        %get3A_136 = arith.index_cast %scan3A_131 : i32 to index
        %get3A_137 = arith.constant 16 : index
        %get3A_138 = tpu.vector_load %arg15[%get3A_136, %get3A_137] {strides = array<i32>} : memref<40x128xf32, #tpu.memory_space<vmem>>, vector<1x16xf32>,
        %get3A_139 = vector.shape_cast %get3A_138 : vector<1x16xf32> to vector<16xf32>
        %add3A_140 = arith.addf %get3A_135, %get3A_139 : vector<16xf32>
        %gt3A_141 = arith.constant 0.000000e+00 : f32
        %gt3A_142 = vector.broadcast %gt3A_141 : f32 to vector<16xf32>
        %gt3A_143 = arith.cmpf ogt, %add3A_140, %gt3A_142 : vector<16xf32>
        %mul3A_144 = arith.constant 2.000000e-01 : f32
        %mul3A_145 = vector.broadcast %mul3A_144 : f32 to vector<16xf32>
        %mul3A_146 = arith.mulf %mul3A_145, %add3A_140 : vector<16xf32>
        %select_n3A_147 = arith.select %gt3A_143, %add3A_140, %mul3A_146 : vector<16xi1>, vector<16xf32>
        %exp3A_148 = math.exp %select_n3A_147 : vector<16xf32>
        %swap3A_149 = arith.index_cast %scan3A_131 : i32 to index
        %swap3A_150 = arith.constant 0 : index
        %swap3A_151 = tpu.vector_load %arg16[%swap3A_149, %swap3A_150] {strides = array<i32>} : memref<40x128xf32, #tpu.memory_space<vmem>>, vector<1x16xf32>,
        %swap3A_152 = vector.shape_cast %swap3A_151 : vector<1x16xf32> to vector<16xf32>
        %swap3A_153 = vector.shape_cast %exp3A_148 : vector<16xf32> to vector<1x16xf32>
        tpu.vector_store %arg16[%swap3A_149, %swap3A_150], %swap3A_153 {strides = array<i32>} : memref<40x128xf32, #tpu.memory_space<vmem>>, vector<1x16xf32>,
        %swap3A_154 = arith.index_cast %scan3A_131 : i32 to index
        %swap3A_155 = arith.constant 0 : index
        %swap3A_156 = tpu.vector_load %arg17[%swap3A_154, %swap3A_155] {strides = array<i32>} : memref<40x16xf32, #tpu.memory_space<vmem>>, vector<1x16xf32>,
        %swap3A_157 = vector.shape_cast %swap3A_156 : vector<1x16xf32> to vector<16xf32>
        %swap3A_158 = vector.shape_cast %exp3A_148 : vector<16xf32> to vector<1x16xf32>
        tpu.vector_store %arg17[%swap3A_154, %swap3A_155], %swap3A_158 {strides = array<i32>} : memref<40x16xf32, #tpu.memory_space<vmem>>, vector<1x16xf32>,
        %scan3A_159 = arith.constant 3 : i32
        %scan3A_160 = arith.addi %scan3A_78, %scan3A_159 : i32
        %get3A_161 = arith.index_cast %scan3A_160 : i32 to index
        %get3A_162 = arith.constant 0 : index
        %get3A_163 = tpu.vector_load %arg14[%get3A_161, %get3A_162] {strides = array<i32>} : memref<40x128xf32, #tpu.memory_space<vmem>>, vector<1x16xf32>,
        %get3A_164 = vector.shape_cast %get3A_163 : vector<1x16xf32> to vector<16xf32>
        %get3A_165 = arith.index_cast %scan3A_160 : i32 to index
        %get3A_166 = arith.constant 16 : index
        %get3A_167 = tpu.vector_load %arg15[%get3A_165, %get3A_166] {strides = array<i32>} : memref<40x128xf32, #tpu.memory_space<vmem>>, vector<1x16xf32>,
        %get3A_168 = vector.shape_cast %get3A_167 : vector<1x16xf32> to vector<16xf32>
        %add3A_169 = arith.addf %get3A_164, %get3A_168 : vector<16xf32>
        %gt3A_170 = arith.constant 0.000000e+00 : f32
        %gt3A_171 = vector.broadcast %gt3A_170 : f32 to vector<16xf32>
        %gt3A_172 = arith.cmpf ogt, %add3A_169, %gt3A_171 : vector<16xf32>
        %mul3A_173 = arith.constant 2.000000e-01 : f32
        %mul3A_174 = vector.broadcast %mul3A_173 : f32 to vector<16xf32>
        %mul3A_175 = arith.mulf %mul3A_174, %add3A_169 : vector<16xf32>
        %select_n3A_176 = arith.select %gt3A_172, %add3A_169, %mul3A_175 : vector<16xi1>, vector<16xf32>
        %exp3A_177 = math.exp %select_n3A_176 : vector<16xf32>
        %swap3A_178 = arith.index_cast %scan3A_160 : i32 to index
        %swap3A_179 = arith.constant 0 : index
        %swap3A_180 = tpu.vector_load %arg16[%swap3A_178, %swap3A_179] {strides = array<i32>} : memref<40x128xf32, #tpu.memory_space<vmem>>, vector<1x16xf32>,
        %swap3A_181 = vector.shape_cast %swap3A_180 : vector<1x16xf32> to vector<16xf32>
        %swap3A_182 = vector.shape_cast %exp3A_177 : vector<16xf32> to vector<1x16xf32>
        tpu.vector_store %arg16[%swap3A_178, %swap3A_179], %swap3A_182 {strides = array<i32>} : memref<40x128xf32, #tpu.memory_space<vmem>>, vector<1x16xf32>,
        %swap3A_183 = arith.index_cast %scan3A_160 : i32 to index
        %swap3A_184 = arith.constant 0 : index
        %swap3A_185 = tpu.vector_load %arg17[%swap3A_183, %swap3A_184] {strides = array<i32>} : memref<40x16xf32, #tpu.memory_space<vmem>>, vector<1x16xf32>,
        %swap3A_186 = vector.shape_cast %swap3A_185 : vector<1x16xf32> to vector<16xf32>
        %swap3A_187 = vector.shape_cast %exp3A_177 : vector<16xf32> to vector<1x16xf32>
        tpu.vector_store %arg17[%swap3A_183, %swap3A_184], %swap3A_187 {strides = array<i32>} : memref<40x16xf32, #tpu.memory_space<vmem>>, vector<1x16xf32>,
      }
      %scan3A_77 = arith.constant 40 : i32
      "tpu.region"() ({
        %run_scoped3A = tpu.sem_alloc : memref<!tpu.dma_semaphore, #tpu.memory_space<semaphore_mem>>
        %dma_start3A_78 = arith.constant 0 : i32
        %dma_start3A_79 = tpu.memref_slice %arg7[%add3A_27, %dma_start3A_78] : memref<320000x16xf32, #tpu.memory_space<hbm>> -> memref<40x16xf32, #tpu.memory_space<hbm>>
        %dma_start3A_80 = arith.constant 0 : i32
        %dma_start3A_81 = tpu.memref_slice %arg7[%add3A_27, %dma_start3A_80] : memref<320000x16xf32, #tpu.memory_space<hbm>> -> memref<40x16xf32, #tpu.memory_space<hbm>>
        tpu.enqueue_dma source(%arg17 : memref<40x16xf32, #tpu.memory_space<vmem>>) target(%dma_start3A_81 : memref<40x16xf32, #tpu.memory_space<hbm>>) target_semaphore(%run_scoped3A : memref<!tpu.dma_semaphore, #tpu.memory_space<semaphore_mem>>)
        %dma_wait3A_82 = arith.constant 0 : i32
        %dma_wait3A_83 = tpu.memref_slice %arg7[%add3A_27, %dma_wait3A_82] : memref<320000x16xf32, #tpu.memory_space<hbm>> -> memref<40x16xf32, #tpu.memory_space<hbm>>
        %dma_wait3A_84 = arith.constant 0 : i32
        %dma_wait3A_85 = tpu.memref_slice %arg7[%add3A_27, %dma_wait3A_84] : memref<320000x16xf32, #tpu.memory_space<hbm>> -> memref<40x16xf32, #tpu.memory_space<hbm>>
        tpu.wait_dma2 semaphore(%run_scoped3A : memref<!tpu.dma_semaphore, #tpu.memory_space<semaphore_mem>>) src(%arg17 : memref<40x16xf32, #tpu.memory_space<vmem>>) dst(%dma_wait3A_85 : memref<40x16xf32, #tpu.memory_space<hbm>>)
        tpu.yield
      }) : () -> ()
      "tpu.region"() ({
        %run_scoped3A = tpu.sem_alloc : memref<!tpu.dma_semaphore, #tpu.memory_space<semaphore_mem>>
        %dma_start3A_78 = arith.constant 0 : i32
        %dma_start3A_79 = arith.constant 0 : i32
        %dma_start3A_80 = tpu.memref_slice %arg18[%dma_start3A_78, %dma_start3A_79] : memref<10240x128xf32, #tpu.memory_space<vmem_shared>> -> memref<10240x128xf32, #tpu.memory_space<vmem_shared>>
        tpu.enqueue_indirect_dma source(%arg16 : memref<40x128xf32, #tpu.memory_space<vmem>>) target(%dma_start3A_80 : memref<10240x128xf32, #tpu.memory_space<vmem_shared>>) offsets(%arg11 : memref<40xi32, #tpu.memory_space<vmem>>) semaphore(%run_scoped3A : memref<!tpu.dma_semaphore, #tpu.memory_space<semaphore_mem>>) {add = true}
        %dma_wait3A_81 = arith.constant 0 : i32
        %dma_wait3A_82 = arith.constant 0 : i32
        %dma_wait3A_83 = tpu.memref_slice %arg18[%dma_wait3A_81, %dma_wait3A_82] : memref<10240x128xf32, #tpu.memory_space<vmem_shared>> -> memref<10240x128xf32, #tpu.memory_space<vmem_shared>>
        tpu.wait_indirect_dma semaphore(%run_scoped3A : memref<!tpu.dma_semaphore, #tpu.memory_space<semaphore_mem>>) src(%arg16 : memref<40x128xf32, #tpu.memory_space<vmem>>) dst(%dma_wait3A_83 : memref<10240x128xf32, #tpu.memory_space<vmem_shared>>)
        tpu.yield
      }) : () -> ()
    }
    %scan3A_11 = arith.constant 125 : i32
    %barrier3A_12 = arith.constant 0 : index
    tpu.barrier barrier_id(%barrier3A_12)
    %mul3A_13 = arith.constant 640 : i32
    %mul3A_14 = arith.muli %arg1, %mul3A_13 : i32
    %mul3A_15 = arith.constant 10240 : i32
    %mul3A_16 = arith.muli %arg0, %mul3A_15 : i32
    %mul3A_17 = arith.constant 640 : i32
    %mul3A_18 = arith.muli %arg1, %mul3A_17 : i32
    %add3A_19 = arith.addi %mul3A_16, %mul3A_18 : i32
    "tpu.region"() ({
      %run_scoped3A = tpu.sem_alloc : memref<!tpu.dma_semaphore, #tpu.memory_space<semaphore_mem>>
      %dma_start3A = arith.constant 0 : i32
      %dma_start3A_20 = tpu.memref_slice %arg6[%add3A_19, %dma_start3A] : memref<20480x128xf32, #tpu.memory_space<hbm>> -> memref<640x128xf32, #tpu.memory_space<hbm>>
      %dma_start3A_21 = arith.constant 0 : i32
      %dma_start3A_22 = tpu.memref_slice %arg18[%mul3A_14, %dma_start3A_21] : memref<10240x128xf32, #tpu.memory_space<vmem_shared>> -> memref<640x128xf32, #tpu.memory_space<vmem_shared>>
      tpu.enqueue_dma source(%dma_start3A_22 : memref<640x128xf32, #tpu.memory_space<vmem_shared>>) target(%dma_start3A_20 : memref<640x128xf32, #tpu.memory_space<hbm>>) target_semaphore(%run_scoped3A : memref<!tpu.dma_semaphore, #tpu.memory_space<semaphore_mem>>)
      %dma_wait3A = arith.constant 0 : i32
      %dma_wait3A_23 = tpu.memref_slice %arg6[%add3A_19, %dma_wait3A] : memref<20480x128xf32, #tpu.memory_space<hbm>> -> memref<640x128xf32, #tpu.memory_space<hbm>>
      %dma_wait3A_24 = arith.constant 0 : i32
      %dma_wait3A_25 = tpu.memref_slice %arg18[%mul3A_14, %dma_wait3A_24] : memref<10240x128xf32, #tpu.memory_space<vmem_shared>> -> memref<640x128xf32, #tpu.memory_space<vmem_shared>>
      tpu.wait_dma2 semaphore(%run_scoped3A : memref<!tpu.dma_semaphore, #tpu.memory_space<semaphore_mem>>) src(%dma_wait3A_25 : memref<640x128xf32, #tpu.memory_space<vmem_shared>>) dst(%dma_wait3A_23 : memref<640x128xf32, #tpu.memory_space<hbm>>)
      tpu.yield
    }) : () -> ()
    return
  }
}

#map = affine_map<(d0, d1) -> (0)>
#map1 = affine_map<(d0, d1) -> (0, 0)>
module attributes {stable_mosaic.version = 14 : i64} {
  func.func @k(%arg0: i32, %arg1: i32, %arg2: memref<320000xi32, #tpu.memory_space<hbm>>, %arg3: memref<320000xi32, #tpu.memory_space<hbm>>, %arg4: memref<10000x128xf32, #tpu.memory_space<hbm>>, %arg5: memref<10240x128xf32, #tpu.memory_space<hbm>>, %arg6: memref<20480x128xf32, #tpu.memory_space<hbm>>, %arg7: memref<320000x16xf32, #tpu.memory_space<hbm>>, %arg8: memref<40xi32, #tpu.memory_space<vmem>>, %arg9: memref<40xi32, #tpu.memory_space<vmem>>, %arg10: memref<40xi32, #tpu.memory_space<vmem>>, %arg11: memref<40xi32, #tpu.memory_space<vmem>>, %arg12: memref<40x128xf32, #tpu.memory_space<vmem>>, %arg13: memref<40x128xf32, #tpu.memory_space<vmem>>, %arg14: memref<40x128xf32, #tpu.memory_space<vmem>>, %arg15: memref<40x128xf32, #tpu.memory_space<vmem>>, %arg16: memref<40x128xf32, #tpu.memory_space<vmem>>, %arg17: memref<40x16xf32, #tpu.memory_space<vmem>>, %arg18: memref<10240x128xf32, #tpu.memory_space<vmem_shared>>, %arg19: memref<!tpu.dma_semaphore, #tpu.memory_space<semaphore_mem>>, %arg20: memref<!tpu.dma_semaphore, #tpu.memory_space<semaphore_mem>>, %arg21: memref<!tpu.dma_semaphore, #tpu.memory_space<semaphore_mem>>, %arg22: memref<!tpu.dma_semaphore, #tpu.memory_space<semaphore_mem>>, %arg23: memref<!tpu.dma_semaphore, #tpu.memory_space<semaphore_mem>>, %arg24: memref<!tpu.dma_semaphore, #tpu.memory_space<semaphore_mem>>, %arg25: memref<!tpu.dma_semaphore, #tpu.memory_space<semaphore_mem>>, %arg26: memref<!tpu.dma_semaphore, #tpu.memory_space<semaphore_mem>>) attributes {dimension_semantics = [#tpu.dimension_semantics<core_parallel>, #tpu.dimension_semantics<subcore_parallel>], iteration_bounds = array<i64: 2, 16>, scalar_prefetch = 0 : i64, scratch_operands = 19 : i64, tpu.core_type = #tpu.core_type<sc_vector_subcore>, window_params = [{transform_indices = #map}, {transform_indices = #map}, {transform_indices = #map1}, {transform_indices = #map1}, {transform_indices = #map1}, {transform_indices = #map1}]} {
    %mul3A = arith.constant 640 : i32
    %mul3A_0 = arith.muli %arg1, %mul3A : i32
    %mul3A_1 = arith.constant 640 : i32
    %mul3A_2 = arith.muli %arg1, %mul3A_1 : i32
    "tpu.region"() ({
      %run_scoped3A = tpu.sem_alloc : memref<!tpu.dma_semaphore, #tpu.memory_space<semaphore_mem>>
      %dma_start3A = arith.constant 0 : i32
      %dma_start3A_20 = tpu.memref_slice %arg18[%mul3A_2, %dma_start3A] : memref<10240x128xf32, #tpu.memory_space<vmem_shared>> -> memref<640x128xf32, #tpu.memory_space<vmem_shared>>
      %dma_start3A_21 = arith.constant 0 : i32
      %dma_start3A_22 = tpu.memref_slice %arg5[%mul3A_0, %dma_start3A_21] : memref<10240x128xf32, #tpu.memory_space<hbm>> -> memref<640x128xf32, #tpu.memory_space<hbm>>
      tpu.enqueue_dma source(%dma_start3A_22 : memref<640x128xf32, #tpu.memory_space<hbm>>) target(%dma_start3A_20 : memref<640x128xf32, #tpu.memory_space<vmem_shared>>) target_semaphore(%run_scoped3A : memref<!tpu.dma_semaphore, #tpu.memory_space<semaphore_mem>>)
      %dma_wait3A = arith.constant 0 : i32
      %dma_wait3A_23 = tpu.memref_slice %arg18[%mul3A_2, %dma_wait3A] : memref<10240x128xf32, #tpu.memory_space<vmem_shared>> -> memref<640x128xf32, #tpu.memory_space<vmem_shared>>
      %dma_wait3A_24 = arith.constant 0 : i32
      %dma_wait3A_25 = tpu.memref_slice %arg5[%mul3A_0, %dma_wait3A_24] : memref<10240x128xf32, #tpu.memory_space<hbm>> -> memref<640x128xf32, #tpu.memory_space<hbm>>
      tpu.wait_dma2 semaphore(%run_scoped3A : memref<!tpu.dma_semaphore, #tpu.memory_space<semaphore_mem>>) src(%dma_wait3A_25 : memref<640x128xf32, #tpu.memory_space<hbm>>) dst(%dma_wait3A_23 : memref<640x128xf32, #tpu.memory_space<vmem_shared>>)
      tpu.yield
    }) : () -> ()
    "tpu.region"() ({
      %run_scoped3A = tpu.sem_alloc : memref<!tpu.dma_semaphore, #tpu.memory_space<semaphore_mem>>
      %dma_start3A = arith.constant 0 : i32
      %dma_start3A_20 = arith.constant 0 : i32
      %dma_start3A_21 = tpu.memref_slice %arg5[%dma_start3A, %dma_start3A_20] : memref<10240x128xf32, #tpu.memory_space<hbm>> -> memref<40x128xf32, #tpu.memory_space<hbm>>
      %dma_start3A_22 = arith.constant 0 : i32
      %dma_start3A_23 = arith.constant 0 : i32
      %dma_start3A_24 = tpu.memref_slice %arg5[%dma_start3A_22, %dma_start3A_23] : memref<10240x128xf32, #tpu.memory_space<hbm>> -> memref<40x128xf32, #tpu.memory_space<hbm>>
      tpu.enqueue_dma source(%dma_start3A_24 : memref<40x128xf32, #tpu.memory_space<hbm>>) target(%arg16 : memref<40x128xf32, #tpu.memory_space<vmem>>) target_semaphore(%run_scoped3A : memref<!tpu.dma_semaphore, #tpu.memory_space<semaphore_mem>>)
      %dma_wait3A = arith.constant 0 : i32
      %dma_wait3A_25 = arith.constant 0 : i32
      %dma_wait3A_26 = tpu.memref_slice %arg5[%dma_wait3A, %dma_wait3A_25] : memref<10240x128xf32, #tpu.memory_space<hbm>> -> memref<40x128xf32, #tpu.memory_space<hbm>>
      %dma_wait3A_27 = arith.constant 0 : i32
      %dma_wait3A_28 = arith.constant 0 : i32
      %dma_wait3A_29 = tpu.memref_slice %arg5[%dma_wait3A_27, %dma_wait3A_28] : memref<10240x128xf32, #tpu.memory_space<hbm>> -> memref<40x128xf32, #tpu.memory_space<hbm>>
      tpu.wait_dma2 semaphore(%run_scoped3A : memref<!tpu.dma_semaphore, #tpu.memory_space<semaphore_mem>>) src(%dma_wait3A_29 : memref<40x128xf32, #tpu.memory_space<hbm>>) dst(%arg16 : memref<40x128xf32, #tpu.memory_space<vmem>>)
      tpu.yield
    }) : () -> ()
    %barrier3A = arith.constant 0 : index
    tpu.barrier barrier_id(%barrier3A)
    %mul3A_3 = arith.constant 160000 : i32
    %mul3A_4 = arith.muli %arg0, %mul3A_3 : i32
    %mul3A_5 = arith.constant 10000 : i32
    %mul3A_6 = arith.muli %arg1, %mul3A_5 : i32
    %add3A = arith.addi %mul3A_4, %mul3A_6 : i32
    %scan3A = arith.constant 0 : i32
    %scan3A_7 = arith.constant 0 : i32
    %scan3A_8 = arith.constant 125 : i32
    %scan3A_9 = arith.addi %scan3A_7, %scan3A_8 : i32
    %scan3A_10 = arith.constant 1 : i32
    scf.for %scan3A_20 = %scan3A_7 to %scan3A_9 step %scan3A_10  : i32 {
      %mul3A_21 = arith.constant 2 : i32
      %mul3A_22 = arith.muli %mul3A_21, %scan3A_20 : i32
      %mul3A_23 = arith.constant 40 : i32
      %mul3A_24 = arith.muli %mul3A_22, %mul3A_23 : i32
      %add3A_25 = arith.addi %add3A, %mul3A_24 : i32
      %add3A_26 = arith.constant 40 : i32
      %add3A_27 = arith.addi %add3A_25, %add3A_26 : i32
      %dma_start3A = tpu.memref_slice %arg2[%add3A_25] : memref<320000xi32, #tpu.memory_space<hbm>> -> memref<40xi32, #tpu.memory_space<hbm>>
      %dma_start3A_28 = tpu.memref_slice %arg2[%add3A_25] : memref<320000xi32, #tpu.memory_space<hbm>> -> memref<40xi32, #tpu.memory_space<hbm>>
      tpu.enqueue_dma source(%dma_start3A_28 : memref<40xi32, #tpu.memory_space<hbm>>) target(%arg8 : memref<40xi32, #tpu.memory_space<vmem>>) target_semaphore(%arg23 : memref<!tpu.dma_semaphore, #tpu.memory_space<semaphore_mem>>)
      %dma_start3A_29 = tpu.memref_slice %arg3[%add3A_25] : memref<320000xi32, #tpu.memory_space<hbm>> -> memref<40xi32, #tpu.memory_space<hbm>>
      %dma_start3A_30 = tpu.memref_slice %arg3[%add3A_25] : memref<320000xi32, #tpu.memory_space<hbm>> -> memref<40xi32, #tpu.memory_space<hbm>>
      tpu.enqueue_dma source(%dma_start3A_30 : memref<40xi32, #tpu.memory_space<hbm>>) target(%arg9 : memref<40xi32, #tpu.memory_space<vmem>>) target_semaphore(%arg24 : memref<!tpu.dma_semaphore, #tpu.memory_space<semaphore_mem>>)
      %dma_start3A_31 = tpu.memref_slice %arg2[%add3A_27] : memref<320000xi32, #tpu.memory_space<hbm>> -> memref<40xi32, #tpu.memory_space<hbm>>
      %dma_start3A_32 = tpu.memref_slice %arg2[%add3A_27] : memref<320000xi32, #tpu.memory_space<hbm>> -> memref<40xi32, #tpu.memory_space<hbm>>
      tpu.enqueue_dma source(%dma_start3A_32 : memref<40xi32, #tpu.memory_space<hbm>>) target(%arg10 : memref<40xi32, #tpu.memory_space<vmem>>) target_semaphore(%arg25 : memref<!tpu.dma_semaphore, #tpu.memory_space<semaphore_mem>>)
      %dma_start3A_33 = tpu.memref_slice %arg3[%add3A_27] : memref<320000xi32, #tpu.memory_space<hbm>> -> memref<40xi32, #tpu.memory_space<hbm>>
      %dma_start3A_34 = tpu.memref_slice %arg3[%add3A_27] : memref<320000xi32, #tpu.memory_space<hbm>> -> memref<40xi32, #tpu.memory_space<hbm>>
      tpu.enqueue_dma source(%dma_start3A_34 : memref<40xi32, #tpu.memory_space<hbm>>) target(%arg11 : memref<40xi32, #tpu.memory_space<vmem>>) target_semaphore(%arg26 : memref<!tpu.dma_semaphore, #tpu.memory_space<semaphore_mem>>)
      %dma_wait3A = tpu.memref_slice %arg2[%add3A_25] : memref<320000xi32, #tpu.memory_space<hbm>> -> memref<40xi32, #tpu.memory_space<hbm>>
      %dma_wait3A_35 = tpu.memref_slice %arg2[%add3A_25] : memref<320000xi32, #tpu.memory_space<hbm>> -> memref<40xi32, #tpu.memory_space<hbm>>
      tpu.wait_dma2 semaphore(%arg23 : memref<!tpu.dma_semaphore, #tpu.memory_space<semaphore_mem>>) src(%dma_wait3A_35 : memref<40xi32, #tpu.memory_space<hbm>>) dst(%arg8 : memref<40xi32, #tpu.memory_space<vmem>>)
      %dma_wait3A_36 = tpu.memref_slice %arg3[%add3A_25] : memref<320000xi32, #tpu.memory_space<hbm>> -> memref<40xi32, #tpu.memory_space<hbm>>
      %dma_wait3A_37 = tpu.memref_slice %arg3[%add3A_25] : memref<320000xi32, #tpu.memory_space<hbm>> -> memref<40xi32, #tpu.memory_space<hbm>>
      tpu.wait_dma2 semaphore(%arg24 : memref<!tpu.dma_semaphore, #tpu.memory_space<semaphore_mem>>) src(%dma_wait3A_37 : memref<40xi32, #tpu.memory_space<hbm>>) dst(%arg9 : memref<40xi32, #tpu.memory_space<vmem>>)
      %dma_start3A_38 = arith.constant 0 : i32
      %dma_start3A_39 = arith.constant 0 : i32
      %dma_start3A_40 = tpu.memref_slice %arg4[%dma_start3A_38, %dma_start3A_39] : memref<10000x128xf32, #tpu.memory_space<hbm>> -> memref<10000x128xf32, #tpu.memory_space<hbm>>
      tpu.enqueue_indirect_dma source(%dma_start3A_40 : memref<10000x128xf32, #tpu.memory_space<hbm>>) target(%arg12 : memref<40x128xf32, #tpu.memory_space<vmem>>) offsets(%arg8 : memref<40xi32, #tpu.memory_space<vmem>>) semaphore(%arg19 : memref<!tpu.dma_semaphore, #tpu.memory_space<semaphore_mem>>)
      %dma_start3A_41 = arith.constant 0 : i32
      %dma_start3A_42 = arith.constant 0 : i32
      %dma_start3A_43 = tpu.memref_slice %arg4[%dma_start3A_41, %dma_start3A_42] : memref<10000x128xf32, #tpu.memory_space<hbm>> -> memref<10000x128xf32, #tpu.memory_space<hbm>>
      tpu.enqueue_indirect_dma source(%dma_start3A_43 : memref<10000x128xf32, #tpu.memory_space<hbm>>) target(%arg13 : memref<40x128xf32, #tpu.memory_space<vmem>>) offsets(%arg9 : memref<40xi32, #tpu.memory_space<vmem>>) semaphore(%arg20 : memref<!tpu.dma_semaphore, #tpu.memory_space<semaphore_mem>>)
      %dma_wait3A_44 = tpu.memref_slice %arg2[%add3A_27] : memref<320000xi32, #tpu.memory_space<hbm>> -> memref<40xi32, #tpu.memory_space<hbm>>
      %dma_wait3A_45 = tpu.memref_slice %arg2[%add3A_27] : memref<320000xi32, #tpu.memory_space<hbm>> -> memref<40xi32, #tpu.memory_space<hbm>>
      tpu.wait_dma2 semaphore(%arg25 : memref<!tpu.dma_semaphore, #tpu.memory_space<semaphore_mem>>) src(%dma_wait3A_45 : memref<40xi32, #tpu.memory_space<hbm>>) dst(%arg10 : memref<40xi32, #tpu.memory_space<vmem>>)
      %dma_wait3A_46 = tpu.memref_slice %arg3[%add3A_27] : memref<320000xi32, #tpu.memory_space<hbm>> -> memref<40xi32, #tpu.memory_space<hbm>>
      %dma_wait3A_47 = tpu.memref_slice %arg3[%add3A_27] : memref<320000xi32, #tpu.memory_space<hbm>> -> memref<40xi32, #tpu.memory_space<hbm>>
      tpu.wait_dma2 semaphore(%arg26 : memref<!tpu.dma_semaphore, #tpu.memory_space<semaphore_mem>>) src(%dma_wait3A_47 : memref<40xi32, #tpu.memory_space<hbm>>) dst(%arg11 : memref<40xi32, #tpu.memory_space<vmem>>)
      %dma_start3A_48 = arith.constant 0 : i32
      %dma_start3A_49 = arith.constant 0 : i32
      %dma_start3A_50 = tpu.memref_slice %arg4[%dma_start3A_48, %dma_start3A_49] : memref<10000x128xf32, #tpu.memory_space<hbm>> -> memref<10000x128xf32, #tpu.memory_space<hbm>>
      tpu.enqueue_indirect_dma source(%dma_start3A_50 : memref<10000x128xf32, #tpu.memory_space<hbm>>) target(%arg14 : memref<40x128xf32, #tpu.memory_space<vmem>>) offsets(%arg10 : memref<40xi32, #tpu.memory_space<vmem>>) semaphore(%arg21 : memref<!tpu.dma_semaphore, #tpu.memory_space<semaphore_mem>>)
      %dma_start3A_51 = arith.constant 0 : i32
      %dma_start3A_52 = arith.constant 0 : i32
      %dma_start3A_53 = tpu.memref_slice %arg4[%dma_start3A_51, %dma_start3A_52] : memref<10000x128xf32, #tpu.memory_space<hbm>> -> memref<10000x128xf32, #tpu.memory_space<hbm>>
      tpu.enqueue_indirect_dma source(%dma_start3A_53 : memref<10000x128xf32, #tpu.memory_space<hbm>>) target(%arg15 : memref<40x128xf32, #tpu.memory_space<vmem>>) offsets(%arg11 : memref<40xi32, #tpu.memory_space<vmem>>) semaphore(%arg22 : memref<!tpu.dma_semaphore, #tpu.memory_space<semaphore_mem>>)
      %dma_wait3A_54 = arith.constant 0 : i32
      %dma_wait3A_55 = arith.constant 0 : i32
      %dma_wait3A_56 = tpu.memref_slice %arg4[%dma_wait3A_54, %dma_wait3A_55] : memref<10000x128xf32, #tpu.memory_space<hbm>> -> memref<10000x128xf32, #tpu.memory_space<hbm>>
      tpu.wait_indirect_dma semaphore(%arg19 : memref<!tpu.dma_semaphore, #tpu.memory_space<semaphore_mem>>) src(%dma_wait3A_56 : memref<10000x128xf32, #tpu.memory_space<hbm>>) dst(%arg12 : memref<40x128xf32, #tpu.memory_space<vmem>>)
      %dma_wait3A_57 = arith.constant 0 : i32
      %dma_wait3A_58 = arith.constant 0 : i32
      %dma_wait3A_59 = tpu.memref_slice %arg4[%dma_wait3A_57, %dma_wait3A_58] : memref<10000x128xf32, #tpu.memory_space<hbm>> -> memref<10000x128xf32, #tpu.memory_space<hbm>>
      tpu.wait_indirect_dma semaphore(%arg20 : memref<!tpu.dma_semaphore, #tpu.memory_space<semaphore_mem>>) src(%dma_wait3A_59 : memref<10000x128xf32, #tpu.memory_space<hbm>>) dst(%arg13 : memref<40x128xf32, #tpu.memory_space<vmem>>)
      %scan3A_60 = arith.constant 0 : i32
      %scan3A_61 = arith.constant 0 : i32
      %scan3A_62 = arith.constant 40 : i32
      %scan3A_63 = arith.addi %scan3A_61, %scan3A_62 : i32
      %scan3A_64 = arith.constant 4 : i32
      scf.for %scan3A_78 = %scan3A_61 to %scan3A_63 step %scan3A_64  : i32 {
        %get3A = arith.index_cast %scan3A_78 : i32 to index
        %get3A_79 = arith.constant 0 : index
        %get3A_80 = tpu.vector_load %arg12[%get3A, %get3A_79] {strides = array<i32>} : memref<40x128xf32, #tpu.memory_space<vmem>>, vector<1x16xf32>,
        %get3A_81 = vector.shape_cast %get3A_80 : vector<1x16xf32> to vector<16xf32>
        %get3A_82 = arith.index_cast %scan3A_78 : i32 to index
        %get3A_83 = arith.constant 16 : index
        %get3A_84 = tpu.vector_load %arg13[%get3A_82, %get3A_83] {strides = array<i32>} : memref<40x128xf32, #tpu.memory_space<vmem>>, vector<1x16xf32>,
        %get3A_85 = vector.shape_cast %get3A_84 : vector<1x16xf32> to vector<16xf32>
        %add3A_86 = arith.addf %get3A_81, %get3A_85 : vector<16xf32>
        %gt3A = arith.constant 0.000000e+00 : f32
        %gt3A_87 = vector.broadcast %gt3A : f32 to vector<16xf32>
        %gt3A_88 = arith.cmpf ogt, %add3A_86, %gt3A_87 : vector<16xf32>
        %mul3A_89 = arith.constant 2.000000e-01 : f32
        %mul3A_90 = vector.broadcast %mul3A_89 : f32 to vector<16xf32>
        %mul3A_91 = arith.mulf %mul3A_90, %add3A_86 : vector<16xf32>
        %select_n3A = arith.select %gt3A_88, %add3A_86, %mul3A_91 : vector<16xi1>, vector<16xf32>
        %exp3A = math.exp %select_n3A : vector<16xf32>
        %swap3A = arith.index_cast %scan3A_78 : i32 to index
        %swap3A_92 = arith.constant 0 : index
        %swap3A_93 = tpu.vector_load %arg16[%swap3A, %swap3A_92] {strides = array<i32>} : memref<40x128xf32, #tpu.memory_space<vmem>>, vector<1x16xf32>,
        %swap3A_94 = vector.shape_cast %swap3A_93 : vector<1x16xf32> to vector<16xf32>
        %swap3A_95 = vector.shape_cast %exp3A : vector<16xf32> to vector<1x16xf32>
        tpu.vector_store %arg16[%swap3A, %swap3A_92], %swap3A_95 {strides = array<i32>} : memref<40x128xf32, #tpu.memory_space<vmem>>, vector<1x16xf32>,
        %swap3A_96 = arith.index_cast %scan3A_78 : i32 to index
        %swap3A_97 = arith.constant 0 : index
        %swap3A_98 = tpu.vector_load %arg17[%swap3A_96, %swap3A_97] {strides = array<i32>} : memref<40x16xf32, #tpu.memory_space<vmem>>, vector<1x16xf32>,
        %swap3A_99 = vector.shape_cast %swap3A_98 : vector<1x16xf32> to vector<16xf32>
        %swap3A_100 = vector.shape_cast %exp3A : vector<16xf32> to vector<1x16xf32>
        tpu.vector_store %arg17[%swap3A_96, %swap3A_97], %swap3A_100 {strides = array<i32>} : memref<40x16xf32, #tpu.memory_space<vmem>>, vector<1x16xf32>,
        %scan3A_101 = arith.constant 1 : i32
        %scan3A_102 = arith.addi %scan3A_78, %scan3A_101 : i32
        %get3A_103 = arith.index_cast %scan3A_102 : i32 to index
        %get3A_104 = arith.constant 0 : index
        %get3A_105 = tpu.vector_load %arg12[%get3A_103, %get3A_104] {strides = array<i32>} : memref<40x128xf32, #tpu.memory_space<vmem>>, vector<1x16xf32>,
        %get3A_106 = vector.shape_cast %get3A_105 : vector<1x16xf32> to vector<16xf32>
        %get3A_107 = arith.index_cast %scan3A_102 : i32 to index
        %get3A_108 = arith.constant 16 : index
        %get3A_109 = tpu.vector_load %arg13[%get3A_107, %get3A_108] {strides = array<i32>} : memref<40x128xf32, #tpu.memory_space<vmem>>, vector<1x16xf32>,
        %get3A_110 = vector.shape_cast %get3A_109 : vector<1x16xf32> to vector<16xf32>
        %add3A_111 = arith.addf %get3A_106, %get3A_110 : vector<16xf32>
        %gt3A_112 = arith.constant 0.000000e+00 : f32
        %gt3A_113 = vector.broadcast %gt3A_112 : f32 to vector<16xf32>
        %gt3A_114 = arith.cmpf ogt, %add3A_111, %gt3A_113 : vector<16xf32>
        %mul3A_115 = arith.constant 2.000000e-01 : f32
        %mul3A_116 = vector.broadcast %mul3A_115 : f32 to vector<16xf32>
        %mul3A_117 = arith.mulf %mul3A_116, %add3A_111 : vector<16xf32>
        %select_n3A_118 = arith.select %gt3A_114, %add3A_111, %mul3A_117 : vector<16xi1>, vector<16xf32>
        %exp3A_119 = math.exp %select_n3A_118 : vector<16xf32>
        %swap3A_120 = arith.index_cast %scan3A_102 : i32 to index
        %swap3A_121 = arith.constant 0 : index
        %swap3A_122 = tpu.vector_load %arg16[%swap3A_120, %swap3A_121] {strides = array<i32>} : memref<40x128xf32, #tpu.memory_space<vmem>>, vector<1x16xf32>,
        %swap3A_123 = vector.shape_cast %swap3A_122 : vector<1x16xf32> to vector<16xf32>
        %swap3A_124 = vector.shape_cast %exp3A_119 : vector<16xf32> to vector<1x16xf32>
        tpu.vector_store %arg16[%swap3A_120, %swap3A_121], %swap3A_124 {strides = array<i32>} : memref<40x128xf32, #tpu.memory_space<vmem>>, vector<1x16xf32>,
        %swap3A_125 = arith.index_cast %scan3A_102 : i32 to index
        %swap3A_126 = arith.constant 0 : index
        %swap3A_127 = tpu.vector_load %arg17[%swap3A_125, %swap3A_126] {strides = array<i32>} : memref<40x16xf32, #tpu.memory_space<vmem>>, vector<1x16xf32>,
        %swap3A_128 = vector.shape_cast %swap3A_127 : vector<1x16xf32> to vector<16xf32>
        %swap3A_129 = vector.shape_cast %exp3A_119 : vector<16xf32> to vector<1x16xf32>
        tpu.vector_store %arg17[%swap3A_125, %swap3A_126], %swap3A_129 {strides = array<i32>} : memref<40x16xf32, #tpu.memory_space<vmem>>, vector<1x16xf32>,
        %scan3A_130 = arith.constant 2 : i32
        %scan3A_131 = arith.addi %scan3A_78, %scan3A_130 : i32
        %get3A_132 = arith.index_cast %scan3A_131 : i32 to index
        %get3A_133 = arith.constant 0 : index
        %get3A_134 = tpu.vector_load %arg12[%get3A_132, %get3A_133] {strides = array<i32>} : memref<40x128xf32, #tpu.memory_space<vmem>>, vector<1x16xf32>,
        %get3A_135 = vector.shape_cast %get3A_134 : vector<1x16xf32> to vector<16xf32>
        %get3A_136 = arith.index_cast %scan3A_131 : i32 to index
        %get3A_137 = arith.constant 16 : index
        %get3A_138 = tpu.vector_load %arg13[%get3A_136, %get3A_137] {strides = array<i32>} : memref<40x128xf32, #tpu.memory_space<vmem>>, vector<1x16xf32>,
        %get3A_139 = vector.shape_cast %get3A_138 : vector<1x16xf32> to vector<16xf32>
        %add3A_140 = arith.addf %get3A_135, %get3A_139 : vector<16xf32>
        %gt3A_141 = arith.constant 0.000000e+00 : f32
        %gt3A_142 = vector.broadcast %gt3A_141 : f32 to vector<16xf32>
        %gt3A_143 = arith.cmpf ogt, %add3A_140, %gt3A_142 : vector<16xf32>
        %mul3A_144 = arith.constant 2.000000e-01 : f32
        %mul3A_145 = vector.broadcast %mul3A_144 : f32 to vector<16xf32>
        %mul3A_146 = arith.mulf %mul3A_145, %add3A_140 : vector<16xf32>
        %select_n3A_147 = arith.select %gt3A_143, %add3A_140, %mul3A_146 : vector<16xi1>, vector<16xf32>
        %exp3A_148 = math.exp %select_n3A_147 : vector<16xf32>
        %swap3A_149 = arith.index_cast %scan3A_131 : i32 to index
        %swap3A_150 = arith.constant 0 : index
        %swap3A_151 = tpu.vector_load %arg16[%swap3A_149, %swap3A_150] {strides = array<i32>} : memref<40x128xf32, #tpu.memory_space<vmem>>, vector<1x16xf32>,
        %swap3A_152 = vector.shape_cast %swap3A_151 : vector<1x16xf32> to vector<16xf32>
        %swap3A_153 = vector.shape_cast %exp3A_148 : vector<16xf32> to vector<1x16xf32>
        tpu.vector_store %arg16[%swap3A_149, %swap3A_150], %swap3A_153 {strides = array<i32>} : memref<40x128xf32, #tpu.memory_space<vmem>>, vector<1x16xf32>,
        %swap3A_154 = arith.index_cast %scan3A_131 : i32 to index
        %swap3A_155 = arith.constant 0 : index
        %swap3A_156 = tpu.vector_load %arg17[%swap3A_154, %swap3A_155] {strides = array<i32>} : memref<40x16xf32, #tpu.memory_space<vmem>>, vector<1x16xf32>,
        %swap3A_157 = vector.shape_cast %swap3A_156 : vector<1x16xf32> to vector<16xf32>
        %swap3A_158 = vector.shape_cast %exp3A_148 : vector<16xf32> to vector<1x16xf32>
        tpu.vector_store %arg17[%swap3A_154, %swap3A_155], %swap3A_158 {strides = array<i32>} : memref<40x16xf32, #tpu.memory_space<vmem>>, vector<1x16xf32>,
        %scan3A_159 = arith.constant 3 : i32
        %scan3A_160 = arith.addi %scan3A_78, %scan3A_159 : i32
        %get3A_161 = arith.index_cast %scan3A_160 : i32 to index
        %get3A_162 = arith.constant 0 : index
        %get3A_163 = tpu.vector_load %arg12[%get3A_161, %get3A_162] {strides = array<i32>} : memref<40x128xf32, #tpu.memory_space<vmem>>, vector<1x16xf32>,
        %get3A_164 = vector.shape_cast %get3A_163 : vector<1x16xf32> to vector<16xf32>
        %get3A_165 = arith.index_cast %scan3A_160 : i32 to index
        %get3A_166 = arith.constant 16 : index
        %get3A_167 = tpu.vector_load %arg13[%get3A_165, %get3A_166] {strides = array<i32>} : memref<40x128xf32, #tpu.memory_space<vmem>>, vector<1x16xf32>,
        %get3A_168 = vector.shape_cast %get3A_167 : vector<1x16xf32> to vector<16xf32>
        %add3A_169 = arith.addf %get3A_164, %get3A_168 : vector<16xf32>
        %gt3A_170 = arith.constant 0.000000e+00 : f32
        %gt3A_171 = vector.broadcast %gt3A_170 : f32 to vector<16xf32>
        %gt3A_172 = arith.cmpf ogt, %add3A_169, %gt3A_171 : vector<16xf32>
        %mul3A_173 = arith.constant 2.000000e-01 : f32
        %mul3A_174 = vector.broadcast %mul3A_173 : f32 to vector<16xf32>
        %mul3A_175 = arith.mulf %mul3A_174, %add3A_169 : vector<16xf32>
        %select_n3A_176 = arith.select %gt3A_172, %add3A_169, %mul3A_175 : vector<16xi1>, vector<16xf32>
        %exp3A_177 = math.exp %select_n3A_176 : vector<16xf32>
        %swap3A_178 = arith.index_cast %scan3A_160 : i32 to index
        %swap3A_179 = arith.constant 0 : index
        %swap3A_180 = tpu.vector_load %arg16[%swap3A_178, %swap3A_179] {strides = array<i32>} : memref<40x128xf32, #tpu.memory_space<vmem>>, vector<1x16xf32>,
        %swap3A_181 = vector.shape_cast %swap3A_180 : vector<1x16xf32> to vector<16xf32>
        %swap3A_182 = vector.shape_cast %exp3A_177 : vector<16xf32> to vector<1x16xf32>
        tpu.vector_store %arg16[%swap3A_178, %swap3A_179], %swap3A_182 {strides = array<i32>} : memref<40x128xf32, #tpu.memory_space<vmem>>, vector<1x16xf32>,
        %swap3A_183 = arith.index_cast %scan3A_160 : i32 to index
        %swap3A_184 = arith.constant 0 : index
        %swap3A_185 = tpu.vector_load %arg17[%swap3A_183, %swap3A_184] {strides = array<i32>} : memref<40x16xf32, #tpu.memory_space<vmem>>, vector<1x16xf32>,
        %swap3A_186 = vector.shape_cast %swap3A_185 : vector<1x16xf32> to vector<16xf32>
        %swap3A_187 = vector.shape_cast %exp3A_177 : vector<16xf32> to vector<1x16xf32>
        tpu.vector_store %arg17[%swap3A_183, %swap3A_184], %swap3A_187 {strides = array<i32>} : memref<40x16xf32, #tpu.memory_space<vmem>>, vector<1x16xf32>,
      }
      %scan3A_65 = arith.constant 40 : i32
      "tpu.region"() ({
        %run_scoped3A = tpu.sem_alloc : memref<!tpu.dma_semaphore, #tpu.memory_space<semaphore_mem>>
        %dma_start3A_78 = arith.constant 0 : i32
        %dma_start3A_79 = tpu.memref_slice %arg7[%add3A_25, %dma_start3A_78] : memref<320000x16xf32, #tpu.memory_space<hbm>> -> memref<40x16xf32, #tpu.memory_space<hbm>>
        %dma_start3A_80 = arith.constant 0 : i32
        %dma_start3A_81 = tpu.memref_slice %arg7[%add3A_25, %dma_start3A_80] : memref<320000x16xf32, #tpu.memory_space<hbm>> -> memref<40x16xf32, #tpu.memory_space<hbm>>
        tpu.enqueue_dma source(%arg17 : memref<40x16xf32, #tpu.memory_space<vmem>>) target(%dma_start3A_81 : memref<40x16xf32, #tpu.memory_space<hbm>>) target_semaphore(%run_scoped3A : memref<!tpu.dma_semaphore, #tpu.memory_space<semaphore_mem>>)
        %dma_wait3A_82 = arith.constant 0 : i32
        %dma_wait3A_83 = tpu.memref_slice %arg7[%add3A_25, %dma_wait3A_82] : memref<320000x16xf32, #tpu.memory_space<hbm>> -> memref<40x16xf32, #tpu.memory_space<hbm>>
        %dma_wait3A_84 = arith.constant 0 : i32
        %dma_wait3A_85 = tpu.memref_slice %arg7[%add3A_25, %dma_wait3A_84] : memref<320000x16xf32, #tpu.memory_space<hbm>> -> memref<40x16xf32, #tpu.memory_space<hbm>>
        tpu.wait_dma2 semaphore(%run_scoped3A : memref<!tpu.dma_semaphore, #tpu.memory_space<semaphore_mem>>) src(%arg17 : memref<40x16xf32, #tpu.memory_space<vmem>>) dst(%dma_wait3A_85 : memref<40x16xf32, #tpu.memory_space<hbm>>)
        tpu.yield
      }) : () -> ()
      "tpu.region"() ({
        %run_scoped3A = tpu.sem_alloc : memref<!tpu.dma_semaphore, #tpu.memory_space<semaphore_mem>>
        %dma_start3A_78 = arith.constant 0 : i32
        %dma_start3A_79 = arith.constant 0 : i32
        %dma_start3A_80 = tpu.memref_slice %arg18[%dma_start3A_78, %dma_start3A_79] : memref<10240x128xf32, #tpu.memory_space<vmem_shared>> -> memref<10240x128xf32, #tpu.memory_space<vmem_shared>>
        tpu.enqueue_indirect_dma source(%arg16 : memref<40x128xf32, #tpu.memory_space<vmem>>) target(%dma_start3A_80 : memref<10240x128xf32, #tpu.memory_space<vmem_shared>>) offsets(%arg9 : memref<40xi32, #tpu.memory_space<vmem>>) semaphore(%run_scoped3A : memref<!tpu.dma_semaphore, #tpu.memory_space<semaphore_mem>>) {add = true}
        %dma_wait3A_81 = arith.constant 0 : i32
        %dma_wait3A_82 = arith.constant 0 : i32
        %dma_wait3A_83 = tpu.memref_slice %arg18[%dma_wait3A_81, %dma_wait3A_82] : memref<10240x128xf32, #tpu.memory_space<vmem_shared>> -> memref<10240x128xf32, #tpu.memory_space<vmem_shared>>
        tpu.wait_indirect_dma semaphore(%run_scoped3A : memref<!tpu.dma_semaphore, #tpu.memory_space<semaphore_mem>>) src(%arg16 : memref<40x128xf32, #tpu.memory_space<vmem>>) dst(%dma_wait3A_83 : memref<10240x128xf32, #tpu.memory_space<vmem_shared>>)
        tpu.yield
      }) : () -> ()
      %dma_wait3A_66 = arith.constant 0 : i32
      %dma_wait3A_67 = arith.constant 0 : i32
      %dma_wait3A_68 = tpu.memref_slice %arg4[%dma_wait3A_66, %dma_wait3A_67] : memref<10000x128xf32, #tpu.memory_space<hbm>> -> memref<10000x128xf32, #tpu.memory_space<hbm>>
      tpu.wait_indirect_dma semaphore(%arg21 : memref<!tpu.dma_semaphore, #tpu.memory_space<semaphore_mem>>) src(%dma_wait3A_68 : memref<10000x128xf32, #tpu.memory_space<hbm>>) dst(%arg14 : memref<40x128xf32, #tpu.memory_space<vmem>>)
      %dma_wait3A_69 = arith.constant 0 : i32
      %dma_wait3A_70 = arith.constant 0 : i32
      %dma_wait3A_71 = tpu.memref_slice %arg4[%dma_wait3A_69, %dma_wait3A_70] : memref<10000x128xf32, #tpu.memory_space<hbm>> -> memref<10000x128xf32, #tpu.memory_space<hbm>>
      tpu.wait_indirect_dma semaphore(%arg22 : memref<!tpu.dma_semaphore, #tpu.memory_space<semaphore_mem>>) src(%dma_wait3A_71 : memref<10000x128xf32, #tpu.memory_space<hbm>>) dst(%arg15 : memref<40x128xf32, #tpu.memory_space<vmem>>)
      %scan3A_72 = arith.constant 0 : i32
      %scan3A_73 = arith.constant 0 : i32
      %scan3A_74 = arith.constant 40 : i32
      %scan3A_75 = arith.addi %scan3A_73, %scan3A_74 : i32
      %scan3A_76 = arith.constant 4 : i32
      scf.for %scan3A_78 = %scan3A_73 to %scan3A_75 step %scan3A_76  : i32 {
        %get3A = arith.index_cast %scan3A_78 : i32 to index
        %get3A_79 = arith.constant 0 : index
        %get3A_80 = tpu.vector_load %arg14[%get3A, %get3A_79] {strides = array<i32>} : memref<40x128xf32, #tpu.memory_space<vmem>>, vector<1x16xf32>,
        %get3A_81 = vector.shape_cast %get3A_80 : vector<1x16xf32> to vector<16xf32>
        %get3A_82 = arith.index_cast %scan3A_78 : i32 to index
        %get3A_83 = arith.constant 16 : index
        %get3A_84 = tpu.vector_load %arg15[%get3A_82, %get3A_83] {strides = array<i32>} : memref<40x128xf32, #tpu.memory_space<vmem>>, vector<1x16xf32>,
        %get3A_85 = vector.shape_cast %get3A_84 : vector<1x16xf32> to vector<16xf32>
        %add3A_86 = arith.addf %get3A_81, %get3A_85 : vector<16xf32>
        %gt3A = arith.constant 0.000000e+00 : f32
        %gt3A_87 = vector.broadcast %gt3A : f32 to vector<16xf32>
        %gt3A_88 = arith.cmpf ogt, %add3A_86, %gt3A_87 : vector<16xf32>
        %mul3A_89 = arith.constant 2.000000e-01 : f32
        %mul3A_90 = vector.broadcast %mul3A_89 : f32 to vector<16xf32>
        %mul3A_91 = arith.mulf %mul3A_90, %add3A_86 : vector<16xf32>
        %select_n3A = arith.select %gt3A_88, %add3A_86, %mul3A_91 : vector<16xi1>, vector<16xf32>
        %exp3A = math.exp %select_n3A : vector<16xf32>
        %swap3A = arith.index_cast %scan3A_78 : i32 to index
        %swap3A_92 = arith.constant 0 : index
        %swap3A_93 = tpu.vector_load %arg16[%swap3A, %swap3A_92] {strides = array<i32>} : memref<40x128xf32, #tpu.memory_space<vmem>>, vector<1x16xf32>,
        %swap3A_94 = vector.shape_cast %swap3A_93 : vector<1x16xf32> to vector<16xf32>
        %swap3A_95 = vector.shape_cast %exp3A : vector<16xf32> to vector<1x16xf32>
        tpu.vector_store %arg16[%swap3A, %swap3A_92], %swap3A_95 {strides = array<i32>} : memref<40x128xf32, #tpu.memory_space<vmem>>, vector<1x16xf32>,
        %swap3A_96 = arith.index_cast %scan3A_78 : i32 to index
        %swap3A_97 = arith.constant 0 : index
        %swap3A_98 = tpu.vector_load %arg17[%swap3A_96, %swap3A_97] {strides = array<i32>} : memref<40x16xf32, #tpu.memory_space<vmem>>, vector<1x16xf32>,
        %swap3A_99 = vector.shape_cast %swap3A_98 : vector<1x16xf32> to vector<16xf32>
        %swap3A_100 = vector.shape_cast %exp3A : vector<16xf32> to vector<1x16xf32>
        tpu.vector_store %arg17[%swap3A_96, %swap3A_97], %swap3A_100 {strides = array<i32>} : memref<40x16xf32, #tpu.memory_space<vmem>>, vector<1x16xf32>,
        %scan3A_101 = arith.constant 1 : i32
        %scan3A_102 = arith.addi %scan3A_78, %scan3A_101 : i32
        %get3A_103 = arith.index_cast %scan3A_102 : i32 to index
        %get3A_104 = arith.constant 0 : index
        %get3A_105 = tpu.vector_load %arg14[%get3A_103, %get3A_104] {strides = array<i32>} : memref<40x128xf32, #tpu.memory_space<vmem>>, vector<1x16xf32>,
        %get3A_106 = vector.shape_cast %get3A_105 : vector<1x16xf32> to vector<16xf32>
        %get3A_107 = arith.index_cast %scan3A_102 : i32 to index
        %get3A_108 = arith.constant 16 : index
        %get3A_109 = tpu.vector_load %arg15[%get3A_107, %get3A_108] {strides = array<i32>} : memref<40x128xf32, #tpu.memory_space<vmem>>, vector<1x16xf32>,
        %get3A_110 = vector.shape_cast %get3A_109 : vector<1x16xf32> to vector<16xf32>
        %add3A_111 = arith.addf %get3A_106, %get3A_110 : vector<16xf32>
        %gt3A_112 = arith.constant 0.000000e+00 : f32
        %gt3A_113 = vector.broadcast %gt3A_112 : f32 to vector<16xf32>
        %gt3A_114 = arith.cmpf ogt, %add3A_111, %gt3A_113 : vector<16xf32>
        %mul3A_115 = arith.constant 2.000000e-01 : f32
        %mul3A_116 = vector.broadcast %mul3A_115 : f32 to vector<16xf32>
        %mul3A_117 = arith.mulf %mul3A_116, %add3A_111 : vector<16xf32>
        %select_n3A_118 = arith.select %gt3A_114, %add3A_111, %mul3A_117 : vector<16xi1>, vector<16xf32>
        %exp3A_119 = math.exp %select_n3A_118 : vector<16xf32>
        %swap3A_120 = arith.index_cast %scan3A_102 : i32 to index
        %swap3A_121 = arith.constant 0 : index
        %swap3A_122 = tpu.vector_load %arg16[%swap3A_120, %swap3A_121] {strides = array<i32>} : memref<40x128xf32, #tpu.memory_space<vmem>>, vector<1x16xf32>,
        %swap3A_123 = vector.shape_cast %swap3A_122 : vector<1x16xf32> to vector<16xf32>
        %swap3A_124 = vector.shape_cast %exp3A_119 : vector<16xf32> to vector<1x16xf32>
        tpu.vector_store %arg16[%swap3A_120, %swap3A_121], %swap3A_124 {strides = array<i32>} : memref<40x128xf32, #tpu.memory_space<vmem>>, vector<1x16xf32>,
        %swap3A_125 = arith.index_cast %scan3A_102 : i32 to index
        %swap3A_126 = arith.constant 0 : index
        %swap3A_127 = tpu.vector_load %arg17[%swap3A_125, %swap3A_126] {strides = array<i32>} : memref<40x16xf32, #tpu.memory_space<vmem>>, vector<1x16xf32>,
        %swap3A_128 = vector.shape_cast %swap3A_127 : vector<1x16xf32> to vector<16xf32>
        %swap3A_129 = vector.shape_cast %exp3A_119 : vector<16xf32> to vector<1x16xf32>
        tpu.vector_store %arg17[%swap3A_125, %swap3A_126], %swap3A_129 {strides = array<i32>} : memref<40x16xf32, #tpu.memory_space<vmem>>, vector<1x16xf32>,
        %scan3A_130 = arith.constant 2 : i32
        %scan3A_131 = arith.addi %scan3A_78, %scan3A_130 : i32
        %get3A_132 = arith.index_cast %scan3A_131 : i32 to index
        %get3A_133 = arith.constant 0 : index
        %get3A_134 = tpu.vector_load %arg14[%get3A_132, %get3A_133] {strides = array<i32>} : memref<40x128xf32, #tpu.memory_space<vmem>>, vector<1x16xf32>,
        %get3A_135 = vector.shape_cast %get3A_134 : vector<1x16xf32> to vector<16xf32>
        %get3A_136 = arith.index_cast %scan3A_131 : i32 to index
        %get3A_137 = arith.constant 16 : index
        %get3A_138 = tpu.vector_load %arg15[%get3A_136, %get3A_137] {strides = array<i32>} : memref<40x128xf32, #tpu.memory_space<vmem>>, vector<1x16xf32>,
        %get3A_139 = vector.shape_cast %get3A_138 : vector<1x16xf32> to vector<16xf32>
        %add3A_140 = arith.addf %get3A_135, %get3A_139 : vector<16xf32>
        %gt3A_141 = arith.constant 0.000000e+00 : f32
        %gt3A_142 = vector.broadcast %gt3A_141 : f32 to vector<16xf32>
        %gt3A_143 = arith.cmpf ogt, %add3A_140, %gt3A_142 : vector<16xf32>
        %mul3A_144 = arith.constant 2.000000e-01 : f32
        %mul3A_145 = vector.broadcast %mul3A_144 : f32 to vector<16xf32>
        %mul3A_146 = arith.mulf %mul3A_145, %add3A_140 : vector<16xf32>
        %select_n3A_147 = arith.select %gt3A_143, %add3A_140, %mul3A_146 : vector<16xi1>, vector<16xf32>
        %exp3A_148 = math.exp %select_n3A_147 : vector<16xf32>
        %swap3A_149 = arith.index_cast %scan3A_131 : i32 to index
        %swap3A_150 = arith.constant 0 : index
        %swap3A_151 = tpu.vector_load %arg16[%swap3A_149, %swap3A_150] {strides = array<i32>} : memref<40x128xf32, #tpu.memory_space<vmem>>, vector<1x16xf32>,
        %swap3A_152 = vector.shape_cast %swap3A_151 : vector<1x16xf32> to vector<16xf32>
        %swap3A_153 = vector.shape_cast %exp3A_148 : vector<16xf32> to vector<1x16xf32>
        tpu.vector_store %arg16[%swap3A_149, %swap3A_150], %swap3A_153 {strides = array<i32>} : memref<40x128xf32, #tpu.memory_space<vmem>>, vector<1x16xf32>,
        %swap3A_154 = arith.index_cast %scan3A_131 : i32 to index
        %swap3A_155 = arith.constant 0 : index
        %swap3A_156 = tpu.vector_load %arg17[%swap3A_154, %swap3A_155] {strides = array<i32>} : memref<40x16xf32, #tpu.memory_space<vmem>>, vector<1x16xf32>,
        %swap3A_157 = vector.shape_cast %swap3A_156 : vector<1x16xf32> to vector<16xf32>
        %swap3A_158 = vector.shape_cast %exp3A_148 : vector<16xf32> to vector<1x16xf32>
        tpu.vector_store %arg17[%swap3A_154, %swap3A_155], %swap3A_158 {strides = array<i32>} : memref<40x16xf32, #tpu.memory_space<vmem>>, vector<1x16xf32>,
        %scan3A_159 = arith.constant 3 : i32
        %scan3A_160 = arith.addi %scan3A_78, %scan3A_159 : i32
        %get3A_161 = arith.index_cast %scan3A_160 : i32 to index
        %get3A_162 = arith.constant 0 : index
        %get3A_163 = tpu.vector_load %arg14[%get3A_161, %get3A_162] {strides = array<i32>} : memref<40x128xf32, #tpu.memory_space<vmem>>, vector<1x16xf32>,
        %get3A_164 = vector.shape_cast %get3A_163 : vector<1x16xf32> to vector<16xf32>
        %get3A_165 = arith.index_cast %scan3A_160 : i32 to index
        %get3A_166 = arith.constant 16 : index
        %get3A_167 = tpu.vector_load %arg15[%get3A_165, %get3A_166] {strides = array<i32>} : memref<40x128xf32, #tpu.memory_space<vmem>>, vector<1x16xf32>,
        %get3A_168 = vector.shape_cast %get3A_167 : vector<1x16xf32> to vector<16xf32>
        %add3A_169 = arith.addf %get3A_164, %get3A_168 : vector<16xf32>
        %gt3A_170 = arith.constant 0.000000e+00 : f32
        %gt3A_171 = vector.broadcast %gt3A_170 : f32 to vector<16xf32>
        %gt3A_172 = arith.cmpf ogt, %add3A_169, %gt3A_171 : vector<16xf32>
        %mul3A_173 = arith.constant 2.000000e-01 : f32
        %mul3A_174 = vector.broadcast %mul3A_173 : f32 to vector<16xf32>
        %mul3A_175 = arith.mulf %mul3A_174, %add3A_169 : vector<16xf32>
        %select_n3A_176 = arith.select %gt3A_172, %add3A_169, %mul3A_175 : vector<16xi1>, vector<16xf32>
        %exp3A_177 = math.exp %select_n3A_176 : vector<16xf32>
        %swap3A_178 = arith.index_cast %scan3A_160 : i32 to index
        %swap3A_179 = arith.constant 0 : index
        %swap3A_180 = tpu.vector_load %arg16[%swap3A_178, %swap3A_179] {strides = array<i32>} : memref<40x128xf32, #tpu.memory_space<vmem>>, vector<1x16xf32>,
        %swap3A_181 = vector.shape_cast %swap3A_180 : vector<1x16xf32> to vector<16xf32>
        %swap3A_182 = vector.shape_cast %exp3A_177 : vector<16xf32> to vector<1x16xf32>
        tpu.vector_store %arg16[%swap3A_178, %swap3A_179], %swap3A_182 {strides = array<i32>} : memref<40x128xf32, #tpu.memory_space<vmem>>, vector<1x16xf32>,
        %swap3A_183 = arith.index_cast %scan3A_160 : i32 to index
        %swap3A_184 = arith.constant 0 : index
        %swap3A_185 = tpu.vector_load %arg17[%swap3A_183, %swap3A_184] {strides = array<i32>} : memref<40x16xf32, #tpu.memory_space<vmem>>, vector<1x16xf32>,
        %swap3A_186 = vector.shape_cast %swap3A_185 : vector<1x16xf32> to vector<16xf32>
        %swap3A_187 = vector.shape_cast %exp3A_177 : vector<16xf32> to vector<1x16xf32>
        tpu.vector_store %arg17[%swap3A_183, %swap3A_184], %swap3A_187 {strides = array<i32>} : memref<40x16xf32, #tpu.memory_space<vmem>>, vector<1x16xf32>,
      }
      %scan3A_77 = arith.constant 40 : i32
      "tpu.region"() ({
        %run_scoped3A = tpu.sem_alloc : memref<!tpu.dma_semaphore, #tpu.memory_space<semaphore_mem>>
        %dma_start3A_78 = arith.constant 0 : i32
        %dma_start3A_79 = tpu.memref_slice %arg7[%add3A_27, %dma_start3A_78] : memref<320000x16xf32, #tpu.memory_space<hbm>> -> memref<40x16xf32, #tpu.memory_space<hbm>>
        %dma_start3A_80 = arith.constant 0 : i32
        %dma_start3A_81 = tpu.memref_slice %arg7[%add3A_27, %dma_start3A_80] : memref<320000x16xf32, #tpu.memory_space<hbm>> -> memref<40x16xf32, #tpu.memory_space<hbm>>
        tpu.enqueue_dma source(%arg17 : memref<40x16xf32, #tpu.memory_space<vmem>>) target(%dma_start3A_81 : memref<40x16xf32, #tpu.memory_space<hbm>>) target_semaphore(%run_scoped3A : memref<!tpu.dma_semaphore, #tpu.memory_space<semaphore_mem>>)
        %dma_wait3A_82 = arith.constant 0 : i32
        %dma_wait3A_83 = tpu.memref_slice %arg7[%add3A_27, %dma_wait3A_82] : memref<320000x16xf32, #tpu.memory_space<hbm>> -> memref<40x16xf32, #tpu.memory_space<hbm>>
        %dma_wait3A_84 = arith.constant 0 : i32
        %dma_wait3A_85 = tpu.memref_slice %arg7[%add3A_27, %dma_wait3A_84] : memref<320000x16xf32, #tpu.memory_space<hbm>> -> memref<40x16xf32, #tpu.memory_space<hbm>>
        tpu.wait_dma2 semaphore(%run_scoped3A : memref<!tpu.dma_semaphore, #tpu.memory_space<semaphore_mem>>) src(%arg17 : memref<40x16xf32, #tpu.memory_space<vmem>>) dst(%dma_wait3A_85 : memref<40x16xf32, #tpu.memory_space<hbm>>)
        tpu.yield
      }) : () -> ()
      "tpu.region"() ({
        %run_scoped3A = tpu.sem_alloc : memref<!tpu.dma_semaphore, #tpu.memory_space<semaphore_mem>>
        %dma_start3A_78 = arith.constant 0 : i32
        %dma_start3A_79 = arith.constant 0 : i32
        %dma_start3A_80 = tpu.memref_slice %arg18[%dma_start3A_78, %dma_start3A_79] : memref<10240x128xf32, #tpu.memory_space<vmem_shared>> -> memref<10240x128xf32, #tpu.memory_space<vmem_shared>>
        tpu.enqueue_indirect_dma source(%arg16 : memref<40x128xf32, #tpu.memory_space<vmem>>) target(%dma_start3A_80 : memref<10240x128xf32, #tpu.memory_space<vmem_shared>>) offsets(%arg11 : memref<40xi32, #tpu.memory_space<vmem>>) semaphore(%run_scoped3A : memref<!tpu.dma_semaphore, #tpu.memory_space<semaphore_mem>>) {add = true}
        %dma_wait3A_81 = arith.constant 0 : i32
        %dma_wait3A_82 = arith.constant 0 : i32
        %dma_wait3A_83 = tpu.memref_slice %arg18[%dma_wait3A_81, %dma_wait3A_82] : memref<10240x128xf32, #tpu.memory_space<vmem_shared>> -> memref<10240x128xf32, #tpu.memory_space<vmem_shared>>
        tpu.wait_indirect_dma semaphore(%run_scoped3A : memref<!tpu.dma_semaphore, #tpu.memory_space<semaphore_mem>>) src(%arg16 : memref<40x128xf32, #tpu.memory_space<vmem>>) dst(%dma_wait3A_83 : memref<10240x128xf32, #tpu.memory_space<vmem_shared>>)
        tpu.yield
      }) : () -> ()
    }
    %scan3A_11 = arith.constant 125 : i32
    %barrier3A_12 = arith.constant 0 : index
    tpu.barrier barrier_id(%barrier3A_12)
    %mul3A_13 = arith.constant 640 : i32
    %mul3A_14 = arith.muli %arg1, %mul3A_13 : i32
    %mul3A_15 = arith.constant 10240 : i32
    %mul3A_16 = arith.muli %arg0, %mul3A_15 : i32
    %mul3A_17 = arith.constant 640 : i32
    %mul3A_18 = arith.muli %arg1, %mul3A_17 : i32
    %add3A_19 = arith.addi %mul3A_16, %mul3A_18 : i32
    "tpu.region"() ({
      %run_scoped3A = tpu.sem_alloc : memref<!tpu.dma_semaphore, #tpu.memory_space<semaphore_mem>>
      %dma_start3A = arith.constant 0 : i32
      %dma_start3A_20 = tpu.memref_slice %arg6[%add3A_19, %dma_start3A] : memref<20480x128xf32, #tpu.memory_space<hbm>> -> memref<640x128xf32, #tpu.memory_space<hbm>>
      %dma_start3A_21 = arith.constant 0 : i32
      %dma_start3A_22 = tpu.memref_slice %arg18[%mul3A_14, %dma_start3A_21] : memref<10240x128xf32, #tpu.memory_space<vmem_shared>> -> memref<640x128xf32, #tpu.memory_space<vmem_shared>>
      tpu.enqueue_dma source(%dma_start3A_22 : memref<640x128xf32, #tpu.memory_space<vmem_shared>>) target(%dma_start3A_20 : memref<640x128xf32, #tpu.memory_space<hbm>>) target_semaphore(%run_scoped3A : memref<!tpu.dma_semaphore, #tpu.memory_space<semaphore_mem>>)
      %dma_wait3A = arith.constant 0 : i32
      %dma_wait3A_23 = tpu.memref_slice %arg6[%add3A_19, %dma_wait3A] : memref<20480x128xf32, #tpu.memory_space<hbm>> -> memref<640x128xf32, #tpu.memory_space<hbm>>
      %dma_wait3A_24 = arith.constant 0 : i32
      %dma_wait3A_25 = tpu.memref_slice %arg18[%mul3A_14, %dma_wait3A_24] : memref<10240x128xf32, #tpu.memory_space<vmem_shared>> -> memref<640x128xf32, #tpu.memory_space<vmem_shared>>
      tpu.wait_dma2 semaphore(%run_scoped3A : memref<!tpu.dma_semaphore, #tpu.memory_space<semaphore_mem>>) src(%dma_wait3A_25 : memref<640x128xf32, #tpu.memory_space<vmem_shared>>) dst(%dma_wait3A_23 : memref<640x128xf32, #tpu.memory_space<hbm>>)
      tpu.yield
    }) : () -> ()
    return
  }
}

#map = affine_map<(d0, d1) -> (0)>
#map1 = affine_map<(d0, d1) -> (0, 0)>
module attributes {stable_mosaic.version = 14 : i64} {
  func.func @k(%arg0: i32, %arg1: i32, %arg2: memref<320000xi32, #tpu.memory_space<hbm>>, %arg3: memref<320000xi32, #tpu.memory_space<hbm>>, %arg4: memref<320000x16xf32, #tpu.memory_space<hbm>>, %arg5: memref<10240x128xf32, #tpu.memory_space<hbm>>, %arg6: memref<10000x256xf32, #tpu.memory_space<hbm>>, %arg7: memref<10000x256xf32, #tpu.memory_space<hbm>>, %arg8: memref<10000x256xf32, #tpu.memory_space<hbm>>, %arg9: memref<10000x256xf32, #tpu.memory_space<hbm>>, %arg10: memref<10240x128xf32, #tpu.memory_space<hbm>>, %arg11: memref<20480x128xf32, #tpu.memory_space<hbm>>, %arg12: memref<40xi32, #tpu.memory_space<vmem>>, %arg13: memref<40xi32, #tpu.memory_space<vmem>>, %arg14: memref<40xi32, #tpu.memory_space<vmem>>, %arg15: memref<40xi32, #tpu.memory_space<vmem>>, %arg16: memref<40x16xf32, #tpu.memory_space<vmem>>, %arg17: memref<40x128xf32, #tpu.memory_space<vmem>>, %arg18: memref<40x16xf32, #tpu.memory_space<vmem>>, %arg19: memref<40x256xf32, #tpu.memory_space<vmem>>, %arg20: memref<40x256xf32, #tpu.memory_space<vmem>>, %arg21: memref<40x128xf32, #tpu.memory_space<vmem>>, %arg22: memref<10240x128xf32, #tpu.memory_space<vmem_shared>>, %arg23: memref<!tpu.dma_semaphore, #tpu.memory_space<semaphore_mem>>, %arg24: memref<!tpu.dma_semaphore, #tpu.memory_space<semaphore_mem>>, %arg25: memref<!tpu.dma_semaphore, #tpu.memory_space<semaphore_mem>>, %arg26: memref<!tpu.dma_semaphore, #tpu.memory_space<semaphore_mem>>, %arg27: memref<!tpu.dma_semaphore, #tpu.memory_space<semaphore_mem>>, %arg28: memref<!tpu.dma_semaphore, #tpu.memory_space<semaphore_mem>>, %arg29: memref<!tpu.dma_semaphore, #tpu.memory_space<semaphore_mem>>, %arg30: memref<!tpu.dma_semaphore, #tpu.memory_space<semaphore_mem>>) attributes {dimension_semantics = [#tpu.dimension_semantics<core_parallel>, #tpu.dimension_semantics<subcore_parallel>], iteration_bounds = array<i64: 2, 16>, scalar_prefetch = 0 : i64, scratch_operands = 19 : i64, tpu.core_type = #tpu.core_type<sc_vector_subcore>, window_params = [{transform_indices = #map}, {transform_indices = #map}, {transform_indices = #map1}, {transform_indices = #map1}, {transform_indices = #map1}, {transform_indices = #map1}, {transform_indices = #map1}, {transform_indices = #map1}, {transform_indices = #map1}, {transform_indices = #map1}]} {
    %mul3A = arith.constant 640 : i32
    %mul3A_0 = arith.muli %arg1, %mul3A : i32
    %mul3A_1 = arith.constant 640 : i32
    %mul3A_2 = arith.muli %arg1, %mul3A_1 : i32
    "tpu.region"() ({
      %run_scoped3A = tpu.sem_alloc : memref<!tpu.dma_semaphore, #tpu.memory_space<semaphore_mem>>
      %dma_start3A = arith.constant 0 : i32
      %dma_start3A_20 = tpu.memref_slice %arg22[%mul3A_2, %dma_start3A] : memref<10240x128xf32, #tpu.memory_space<vmem_shared>> -> memref<640x128xf32, #tpu.memory_space<vmem_shared>>
      %dma_start3A_21 = arith.constant 0 : i32
      %dma_start3A_22 = tpu.memref_slice %arg10[%mul3A_0, %dma_start3A_21] : memref<10240x128xf32, #tpu.memory_space<hbm>> -> memref<640x128xf32, #tpu.memory_space<hbm>>
      tpu.enqueue_dma source(%dma_start3A_22 : memref<640x128xf32, #tpu.memory_space<hbm>>) target(%dma_start3A_20 : memref<640x128xf32, #tpu.memory_space<vmem_shared>>) target_semaphore(%run_scoped3A : memref<!tpu.dma_semaphore, #tpu.memory_space<semaphore_mem>>)
      %dma_wait3A = arith.constant 0 : i32
      %dma_wait3A_23 = tpu.memref_slice %arg22[%mul3A_2, %dma_wait3A] : memref<10240x128xf32, #tpu.memory_space<vmem_shared>> -> memref<640x128xf32, #tpu.memory_space<vmem_shared>>
      %dma_wait3A_24 = arith.constant 0 : i32
      %dma_wait3A_25 = tpu.memref_slice %arg10[%mul3A_0, %dma_wait3A_24] : memref<10240x128xf32, #tpu.memory_space<hbm>> -> memref<640x128xf32, #tpu.memory_space<hbm>>
      tpu.wait_dma2 semaphore(%run_scoped3A : memref<!tpu.dma_semaphore, #tpu.memory_space<semaphore_mem>>) src(%dma_wait3A_25 : memref<640x128xf32, #tpu.memory_space<hbm>>) dst(%dma_wait3A_23 : memref<640x128xf32, #tpu.memory_space<vmem_shared>>)
      tpu.yield
    }) : () -> ()
    %barrier3A = arith.constant 0 : index
    tpu.barrier barrier_id(%barrier3A)
    %mul3A_3 = arith.constant 160000 : i32
    %mul3A_4 = arith.muli %arg0, %mul3A_3 : i32
    %mul3A_5 = arith.constant 10000 : i32
    %mul3A_6 = arith.muli %arg1, %mul3A_5 : i32
    %add3A = arith.addi %mul3A_4, %mul3A_6 : i32
    %scan3A = arith.constant 0 : i32
    %scan3A_7 = arith.constant 0 : i32
    %scan3A_8 = arith.constant 125 : i32
    %scan3A_9 = arith.addi %scan3A_7, %scan3A_8 : i32
    %scan3A_10 = arith.constant 1 : i32
    scf.for %scan3A_20 = %scan3A_7 to %scan3A_9 step %scan3A_10  : i32 {
      %mul3A_21 = arith.constant 2 : i32
      %mul3A_22 = arith.muli %mul3A_21, %scan3A_20 : i32
      %mul3A_23 = arith.constant 40 : i32
      %mul3A_24 = arith.muli %mul3A_22, %mul3A_23 : i32
      %add3A_25 = arith.addi %add3A, %mul3A_24 : i32
      %add3A_26 = arith.constant 40 : i32
      %add3A_27 = arith.addi %add3A_25, %add3A_26 : i32
      %dma_start3A = tpu.memref_slice %arg2[%add3A_25] : memref<320000xi32, #tpu.memory_space<hbm>> -> memref<40xi32, #tpu.memory_space<hbm>>
      %dma_start3A_28 = tpu.memref_slice %arg2[%add3A_25] : memref<320000xi32, #tpu.memory_space<hbm>> -> memref<40xi32, #tpu.memory_space<hbm>>
      tpu.enqueue_dma source(%dma_start3A_28 : memref<40xi32, #tpu.memory_space<hbm>>) target(%arg12 : memref<40xi32, #tpu.memory_space<vmem>>) target_semaphore(%arg23 : memref<!tpu.dma_semaphore, #tpu.memory_space<semaphore_mem>>)
      %dma_start3A_29 = tpu.memref_slice %arg3[%add3A_25] : memref<320000xi32, #tpu.memory_space<hbm>> -> memref<40xi32, #tpu.memory_space<hbm>>
      %dma_start3A_30 = tpu.memref_slice %arg3[%add3A_25] : memref<320000xi32, #tpu.memory_space<hbm>> -> memref<40xi32, #tpu.memory_space<hbm>>
      tpu.enqueue_dma source(%dma_start3A_30 : memref<40xi32, #tpu.memory_space<hbm>>) target(%arg13 : memref<40xi32, #tpu.memory_space<vmem>>) target_semaphore(%arg24 : memref<!tpu.dma_semaphore, #tpu.memory_space<semaphore_mem>>)
      %dma_start3A_31 = tpu.memref_slice %arg2[%add3A_27] : memref<320000xi32, #tpu.memory_space<hbm>> -> memref<40xi32, #tpu.memory_space<hbm>>
      %dma_start3A_32 = tpu.memref_slice %arg2[%add3A_27] : memref<320000xi32, #tpu.memory_space<hbm>> -> memref<40xi32, #tpu.memory_space<hbm>>
      tpu.enqueue_dma source(%dma_start3A_32 : memref<40xi32, #tpu.memory_space<hbm>>) target(%arg14 : memref<40xi32, #tpu.memory_space<vmem>>) target_semaphore(%arg25 : memref<!tpu.dma_semaphore, #tpu.memory_space<semaphore_mem>>)
      %dma_start3A_33 = tpu.memref_slice %arg3[%add3A_27] : memref<320000xi32, #tpu.memory_space<hbm>> -> memref<40xi32, #tpu.memory_space<hbm>>
      %dma_start3A_34 = tpu.memref_slice %arg3[%add3A_27] : memref<320000xi32, #tpu.memory_space<hbm>> -> memref<40xi32, #tpu.memory_space<hbm>>
      tpu.enqueue_dma source(%dma_start3A_34 : memref<40xi32, #tpu.memory_space<hbm>>) target(%arg15 : memref<40xi32, #tpu.memory_space<vmem>>) target_semaphore(%arg26 : memref<!tpu.dma_semaphore, #tpu.memory_space<semaphore_mem>>)
      %dma_wait3A = tpu.memref_slice %arg2[%add3A_25] : memref<320000xi32, #tpu.memory_space<hbm>> -> memref<40xi32, #tpu.memory_space<hbm>>
      %dma_wait3A_35 = tpu.memref_slice %arg2[%add3A_25] : memref<320000xi32, #tpu.memory_space<hbm>> -> memref<40xi32, #tpu.memory_space<hbm>>
      tpu.wait_dma2 semaphore(%arg23 : memref<!tpu.dma_semaphore, #tpu.memory_space<semaphore_mem>>) src(%dma_wait3A_35 : memref<40xi32, #tpu.memory_space<hbm>>) dst(%arg12 : memref<40xi32, #tpu.memory_space<vmem>>)
      %dma_wait3A_36 = tpu.memref_slice %arg3[%add3A_25] : memref<320000xi32, #tpu.memory_space<hbm>> -> memref<40xi32, #tpu.memory_space<hbm>>
      %dma_wait3A_37 = tpu.memref_slice %arg3[%add3A_25] : memref<320000xi32, #tpu.memory_space<hbm>> -> memref<40xi32, #tpu.memory_space<hbm>>
      tpu.wait_dma2 semaphore(%arg24 : memref<!tpu.dma_semaphore, #tpu.memory_space<semaphore_mem>>) src(%dma_wait3A_37 : memref<40xi32, #tpu.memory_space<hbm>>) dst(%arg13 : memref<40xi32, #tpu.memory_space<vmem>>)
      %dma_start3A_38 = arith.constant 0 : i32
      %dma_start3A_39 = tpu.memref_slice %arg4[%add3A_25, %dma_start3A_38] : memref<320000x16xf32, #tpu.memory_space<hbm>> -> memref<40x16xf32, #tpu.memory_space<hbm>>
      %dma_start3A_40 = arith.constant 0 : i32
      %dma_start3A_41 = tpu.memref_slice %arg4[%add3A_25, %dma_start3A_40] : memref<320000x16xf32, #tpu.memory_space<hbm>> -> memref<40x16xf32, #tpu.memory_space<hbm>>
      tpu.enqueue_dma source(%dma_start3A_41 : memref<40x16xf32, #tpu.memory_space<hbm>>) target(%arg16 : memref<40x16xf32, #tpu.memory_space<vmem>>) target_semaphore(%arg27 : memref<!tpu.dma_semaphore, #tpu.memory_space<semaphore_mem>>)
      %dma_start3A_42 = arith.constant 0 : i32
      %dma_start3A_43 = arith.constant 0 : i32
      %dma_start3A_44 = tpu.memref_slice %arg5[%dma_start3A_42, %dma_start3A_43] : memref<10240x128xf32, #tpu.memory_space<hbm>> -> memref<10240x128xf32, #tpu.memory_space<hbm>>
      tpu.enqueue_indirect_dma source(%dma_start3A_44 : memref<10240x128xf32, #tpu.memory_space<hbm>>) target(%arg17 : memref<40x128xf32, #tpu.memory_space<vmem>>) offsets(%arg13 : memref<40xi32, #tpu.memory_space<vmem>>) semaphore(%arg28 : memref<!tpu.dma_semaphore, #tpu.memory_space<semaphore_mem>>)
      %dma_start3A_45 = arith.constant 0 : i32
      %dma_start3A_46 = arith.constant 0 : i32
      %dma_start3A_47 = tpu.memref_slice %arg6[%dma_start3A_45, %dma_start3A_46] : memref<10000x256xf32, #tpu.memory_space<hbm>> -> memref<10000x256xf32, #tpu.memory_space<hbm>>
      tpu.enqueue_indirect_dma source(%dma_start3A_47 : memref<10000x256xf32, #tpu.memory_space<hbm>>) target(%arg19 : memref<40x256xf32, #tpu.memory_space<vmem>>) offsets(%arg12 : memref<40xi32, #tpu.memory_space<vmem>>) semaphore(%arg29 : memref<!tpu.dma_semaphore, #tpu.memory_space<semaphore_mem>>)
      %dma_start3A_48 = arith.constant 0 : i32
      %dma_start3A_49 = arith.constant 0 : i32
      %dma_start3A_50 = tpu.memref_slice %arg7[%dma_start3A_48, %dma_start3A_49] : memref<10000x256xf32, #tpu.memory_space<hbm>> -> memref<10000x256xf32, #tpu.memory_space<hbm>>
      tpu.enqueue_indirect_dma source(%dma_start3A_50 : memref<10000x256xf32, #tpu.memory_space<hbm>>) target(%arg20 : memref<40x256xf32, #tpu.memory_space<vmem>>) offsets(%arg12 : memref<40xi32, #tpu.memory_space<vmem>>) semaphore(%arg30 : memref<!tpu.dma_semaphore, #tpu.memory_space<semaphore_mem>>)
      %dma_wait3A_51 = arith.constant 0 : i32
      %dma_wait3A_52 = tpu.memref_slice %arg4[%add3A_25, %dma_wait3A_51] : memref<320000x16xf32, #tpu.memory_space<hbm>> -> memref<40x16xf32, #tpu.memory_space<hbm>>
      %dma_wait3A_53 = arith.constant 0 : i32
      %dma_wait3A_54 = tpu.memref_slice %arg4[%add3A_25, %dma_wait3A_53] : memref<320000x16xf32, #tpu.memory_space<hbm>> -> memref<40x16xf32, #tpu.memory_space<hbm>>
      tpu.wait_dma2 semaphore(%arg27 : memref<!tpu.dma_semaphore, #tpu.memory_space<semaphore_mem>>) src(%dma_wait3A_54 : memref<40x16xf32, #tpu.memory_space<hbm>>) dst(%arg16 : memref<40x16xf32, #tpu.memory_space<vmem>>)
      %dma_wait3A_55 = arith.constant 0 : i32
      %dma_wait3A_56 = arith.constant 0 : i32
      %dma_wait3A_57 = tpu.memref_slice %arg5[%dma_wait3A_55, %dma_wait3A_56] : memref<10240x128xf32, #tpu.memory_space<hbm>> -> memref<10240x128xf32, #tpu.memory_space<hbm>>
      tpu.wait_indirect_dma semaphore(%arg28 : memref<!tpu.dma_semaphore, #tpu.memory_space<semaphore_mem>>) src(%dma_wait3A_57 : memref<10240x128xf32, #tpu.memory_space<hbm>>) dst(%arg17 : memref<40x128xf32, #tpu.memory_space<vmem>>)
      %scan3A_58 = arith.constant 0 : i32
      %scan3A_59 = arith.constant 0 : i32
      %scan3A_60 = arith.constant 40 : i32
      %scan3A_61 = arith.addi %scan3A_59, %scan3A_60 : i32
      %scan3A_62 = arith.constant 4 : i32
      scf.for %scan3A_130 = %scan3A_59 to %scan3A_61 step %scan3A_62  : i32 {
        %get3A = arith.index_cast %scan3A_130 : i32 to index
        %get3A_131 = arith.constant 0 : index
        %get3A_132 = tpu.vector_load %arg16[%get3A, %get3A_131] {strides = array<i32>} : memref<40x16xf32, #tpu.memory_space<vmem>>, vector<1x16xf32>,
        %get3A_133 = vector.shape_cast %get3A_132 : vector<1x16xf32> to vector<16xf32>
        %get3A_134 = arith.index_cast %scan3A_130 : i32 to index
        %get3A_135 = arith.constant 0 : index
        %get3A_136 = tpu.vector_load %arg17[%get3A_134, %get3A_135] {strides = array<i32>} : memref<40x128xf32, #tpu.memory_space<vmem>>, vector<1x16xf32>,
        %get3A_137 = vector.shape_cast %get3A_136 : vector<1x16xf32> to vector<16xf32>
        %mul3A_138 = arith.mulf %get3A_133, %get3A_137 : vector<16xf32>
        %swap3A = arith.index_cast %scan3A_130 : i32 to index
        %swap3A_139 = arith.constant 0 : index
        %swap3A_140 = tpu.vector_load %arg18[%swap3A, %swap3A_139] {strides = array<i32>} : memref<40x16xf32, #tpu.memory_space<vmem>>, vector<1x16xf32>,
        %swap3A_141 = vector.shape_cast %swap3A_140 : vector<1x16xf32> to vector<16xf32>
        %swap3A_142 = vector.shape_cast %mul3A_138 : vector<16xf32> to vector<1x16xf32>
        tpu.vector_store %arg18[%swap3A, %swap3A_139], %swap3A_142 {strides = array<i32>} : memref<40x16xf32, #tpu.memory_space<vmem>>, vector<1x16xf32>,
        %scan3A_143 = arith.constant 1 : i32
        %scan3A_144 = arith.addi %scan3A_130, %scan3A_143 : i32
        %get3A_145 = arith.index_cast %scan3A_144 : i32 to index
        %get3A_146 = arith.constant 0 : index
        %get3A_147 = tpu.vector_load %arg16[%get3A_145, %get3A_146] {strides = array<i32>} : memref<40x16xf32, #tpu.memory_space<vmem>>, vector<1x16xf32>,
        %get3A_148 = vector.shape_cast %get3A_147 : vector<1x16xf32> to vector<16xf32>
        %get3A_149 = arith.index_cast %scan3A_144 : i32 to index
        %get3A_150 = arith.constant 0 : index
        %get3A_151 = tpu.vector_load %arg17[%get3A_149, %get3A_150] {strides = array<i32>} : memref<40x128xf32, #tpu.memory_space<vmem>>, vector<1x16xf32>,
        %get3A_152 = vector.shape_cast %get3A_151 : vector<1x16xf32> to vector<16xf32>
        %mul3A_153 = arith.mulf %get3A_148, %get3A_152 : vector<16xf32>
        %swap3A_154 = arith.index_cast %scan3A_144 : i32 to index
        %swap3A_155 = arith.constant 0 : index
        %swap3A_156 = tpu.vector_load %arg18[%swap3A_154, %swap3A_155] {strides = array<i32>} : memref<40x16xf32, #tpu.memory_space<vmem>>, vector<1x16xf32>,
        %swap3A_157 = vector.shape_cast %swap3A_156 : vector<1x16xf32> to vector<16xf32>
        %swap3A_158 = vector.shape_cast %mul3A_153 : vector<16xf32> to vector<1x16xf32>
        tpu.vector_store %arg18[%swap3A_154, %swap3A_155], %swap3A_158 {strides = array<i32>} : memref<40x16xf32, #tpu.memory_space<vmem>>, vector<1x16xf32>,
        %scan3A_159 = arith.constant 2 : i32
        %scan3A_160 = arith.addi %scan3A_130, %scan3A_159 : i32
        %get3A_161 = arith.index_cast %scan3A_160 : i32 to index
        %get3A_162 = arith.constant 0 : index
        %get3A_163 = tpu.vector_load %arg16[%get3A_161, %get3A_162] {strides = array<i32>} : memref<40x16xf32, #tpu.memory_space<vmem>>, vector<1x16xf32>,
        %get3A_164 = vector.shape_cast %get3A_163 : vector<1x16xf32> to vector<16xf32>
        %get3A_165 = arith.index_cast %scan3A_160 : i32 to index
        %get3A_166 = arith.constant 0 : index
        %get3A_167 = tpu.vector_load %arg17[%get3A_165, %get3A_166] {strides = array<i32>} : memref<40x128xf32, #tpu.memory_space<vmem>>, vector<1x16xf32>,
        %get3A_168 = vector.shape_cast %get3A_167 : vector<1x16xf32> to vector<16xf32>
        %mul3A_169 = arith.mulf %get3A_164, %get3A_168 : vector<16xf32>
        %swap3A_170 = arith.index_cast %scan3A_160 : i32 to index
        %swap3A_171 = arith.constant 0 : index
        %swap3A_172 = tpu.vector_load %arg18[%swap3A_170, %swap3A_171] {strides = array<i32>} : memref<40x16xf32, #tpu.memory_space<vmem>>, vector<1x16xf32>,
        %swap3A_173 = vector.shape_cast %swap3A_172 : vector<1x16xf32> to vector<16xf32>
        %swap3A_174 = vector.shape_cast %mul3A_169 : vector<16xf32> to vector<1x16xf32>
        tpu.vector_store %arg18[%swap3A_170, %swap3A_171], %swap3A_174 {strides = array<i32>} : memref<40x16xf32, #tpu.memory_space<vmem>>, vector<1x16xf32>,
        %scan3A_175 = arith.constant 3 : i32
        %scan3A_176 = arith.addi %scan3A_130, %scan3A_175 : i32
        %get3A_177 = arith.index_cast %scan3A_176 : i32 to index
        %get3A_178 = arith.constant 0 : index
        %get3A_179 = tpu.vector_load %arg16[%get3A_177, %get3A_178] {strides = array<i32>} : memref<40x16xf32, #tpu.memory_space<vmem>>, vector<1x16xf32>,
        %get3A_180 = vector.shape_cast %get3A_179 : vector<1x16xf32> to vector<16xf32>
        %get3A_181 = arith.index_cast %scan3A_176 : i32 to index
        %get3A_182 = arith.constant 0 : index
        %get3A_183 = tpu.vector_load %arg17[%get3A_181, %get3A_182] {strides = array<i32>} : memref<40x128xf32, #tpu.memory_space<vmem>>, vector<1x16xf32>,
        %get3A_184 = vector.shape_cast %get3A_183 : vector<1x16xf32> to vector<16xf32>
        %mul3A_185 = arith.mulf %get3A_180, %get3A_184 : vector<16xf32>
        %swap3A_186 = arith.index_cast %scan3A_176 : i32 to index
        %swap3A_187 = arith.constant 0 : index
        %swap3A_188 = tpu.vector_load %arg18[%swap3A_186, %swap3A_187] {strides = array<i32>} : memref<40x16xf32, #tpu.memory_space<vmem>>, vector<1x16xf32>,
        %swap3A_189 = vector.shape_cast %swap3A_188 : vector<1x16xf32> to vector<16xf32>
        %swap3A_190 = vector.shape_cast %mul3A_185 : vector<16xf32> to vector<1x16xf32>
        tpu.vector_store %arg18[%swap3A_186, %swap3A_187], %swap3A_190 {strides = array<i32>} : memref<40x16xf32, #tpu.memory_space<vmem>>, vector<1x16xf32>,
      }
      %scan3A_63 = arith.constant 40 : i32
      %dma_wait3A_64 = arith.constant 0 : i32
      %dma_wait3A_65 = arith.constant 0 : i32
      %dma_wait3A_66 = tpu.memref_slice %arg6[%dma_wait3A_64, %dma_wait3A_65] : memref<10000x256xf32, #tpu.memory_space<hbm>> -> memref<10000x256xf32, #tpu.memory_space<hbm>>
      tpu.wait_indirect_dma semaphore(%arg29 : memref<!tpu.dma_semaphore, #tpu.memory_space<semaphore_mem>>) src(%dma_wait3A_66 : memref<10000x256xf32, #tpu.memory_space<hbm>>) dst(%arg19 : memref<40x256xf32, #tpu.memory_space<vmem>>)
      %dma_start3A_67 = arith.constant 0 : i32
      %dma_start3A_68 = arith.constant 0 : i32
      %dma_start3A_69 = tpu.memref_slice %arg8[%dma_start3A_67, %dma_start3A_68] : memref<10000x256xf32, #tpu.memory_space<hbm>> -> memref<10000x256xf32, #tpu.memory_space<hbm>>
      tpu.enqueue_indirect_dma source(%dma_start3A_69 : memref<10000x256xf32, #tpu.memory_space<hbm>>) target(%arg19 : memref<40x256xf32, #tpu.memory_space<vmem>>) offsets(%arg12 : memref<40xi32, #tpu.memory_space<vmem>>) semaphore(%arg29 : memref<!tpu.dma_semaphore, #tpu.memory_space<semaphore_mem>>)
      %dma_wait3A_70 = arith.constant 0 : i32
      %dma_wait3A_71 = arith.constant 0 : i32
      %dma_wait3A_72 = tpu.memref_slice %arg7[%dma_wait3A_70, %dma_wait3A_71] : memref<10000x256xf32, #tpu.memory_space<hbm>> -> memref<10000x256xf32, #tpu.memory_space<hbm>>
      tpu.wait_indirect_dma semaphore(%arg30 : memref<!tpu.dma_semaphore, #tpu.memory_space<semaphore_mem>>) src(%dma_wait3A_72 : memref<10000x256xf32, #tpu.memory_space<hbm>>) dst(%arg20 : memref<40x256xf32, #tpu.memory_space<vmem>>)
      %dma_start3A_73 = arith.constant 0 : i32
      %dma_start3A_74 = arith.constant 0 : i32
      %dma_start3A_75 = tpu.memref_slice %arg9[%dma_start3A_73, %dma_start3A_74] : memref<10000x256xf32, #tpu.memory_space<hbm>> -> memref<10000x256xf32, #tpu.memory_space<hbm>>
      tpu.enqueue_indirect_dma source(%dma_start3A_75 : memref<10000x256xf32, #tpu.memory_space<hbm>>) target(%arg20 : memref<40x256xf32, #tpu.memory_space<vmem>>) offsets(%arg12 : memref<40xi32, #tpu.memory_space<vmem>>) semaphore(%arg30 : memref<!tpu.dma_semaphore, #tpu.memory_space<semaphore_mem>>)
      %dma_wait3A_76 = tpu.memref_slice %arg2[%add3A_27] : memref<320000xi32, #tpu.memory_space<hbm>> -> memref<40xi32, #tpu.memory_space<hbm>>
      %dma_wait3A_77 = tpu.memref_slice %arg2[%add3A_27] : memref<320000xi32, #tpu.memory_space<hbm>> -> memref<40xi32, #tpu.memory_space<hbm>>
      tpu.wait_dma2 semaphore(%arg25 : memref<!tpu.dma_semaphore, #tpu.memory_space<semaphore_mem>>) src(%dma_wait3A_77 : memref<40xi32, #tpu.memory_space<hbm>>) dst(%arg14 : memref<40xi32, #tpu.memory_space<vmem>>)
      %dma_wait3A_78 = tpu.memref_slice %arg3[%add3A_27] : memref<320000xi32, #tpu.memory_space<hbm>> -> memref<40xi32, #tpu.memory_space<hbm>>
      %dma_wait3A_79 = tpu.memref_slice %arg3[%add3A_27] : memref<320000xi32, #tpu.memory_space<hbm>> -> memref<40xi32, #tpu.memory_space<hbm>>
      tpu.wait_dma2 semaphore(%arg26 : memref<!tpu.dma_semaphore, #tpu.memory_space<semaphore_mem>>) src(%dma_wait3A_79 : memref<40xi32, #tpu.memory_space<hbm>>) dst(%arg15 : memref<40xi32, #tpu.memory_space<vmem>>)
      %dma_wait3A_80 = arith.constant 0 : i32
      %dma_wait3A_81 = arith.constant 0 : i32
      %dma_wait3A_82 = tpu.memref_slice %arg8[%dma_wait3A_80, %dma_wait3A_81] : memref<10000x256xf32, #tpu.memory_space<hbm>> -> memref<10000x256xf32, #tpu.memory_space<hbm>>
      tpu.wait_indirect_dma semaphore(%arg29 : memref<!tpu.dma_semaphore, #tpu.memory_space<semaphore_mem>>) src(%dma_wait3A_82 : memref<10000x256xf32, #tpu.memory_space<hbm>>) dst(%arg19 : memref<40x256xf32, #tpu.memory_space<vmem>>)
      %dma_start3A_83 = arith.constant 0 : i32
      %dma_start3A_84 = tpu.memref_slice %arg4[%add3A_27, %dma_start3A_83] : memref<320000x16xf32, #tpu.memory_space<hbm>> -> memref<40x16xf32, #tpu.memory_space<hbm>>
      %dma_start3A_85 = arith.constant 0 : i32
      %dma_start3A_86 = tpu.memref_slice %arg4[%add3A_27, %dma_start3A_85] : memref<320000x16xf32, #tpu.memory_space<hbm>> -> memref<40x16xf32, #tpu.memory_space<hbm>>
      tpu.enqueue_dma source(%dma_start3A_86 : memref<40x16xf32, #tpu.memory_space<hbm>>) target(%arg16 : memref<40x16xf32, #tpu.memory_space<vmem>>) target_semaphore(%arg27 : memref<!tpu.dma_semaphore, #tpu.memory_space<semaphore_mem>>)
      %dma_start3A_87 = arith.constant 0 : i32
      %dma_start3A_88 = arith.constant 0 : i32
      %dma_start3A_89 = tpu.memref_slice %arg5[%dma_start3A_87, %dma_start3A_88] : memref<10240x128xf32, #tpu.memory_space<hbm>> -> memref<10240x128xf32, #tpu.memory_space<hbm>>
      tpu.enqueue_indirect_dma source(%dma_start3A_89 : memref<10240x128xf32, #tpu.memory_space<hbm>>) target(%arg17 : memref<40x128xf32, #tpu.memory_space<vmem>>) offsets(%arg15 : memref<40xi32, #tpu.memory_space<vmem>>) semaphore(%arg28 : memref<!tpu.dma_semaphore, #tpu.memory_space<semaphore_mem>>)
      %dma_wait3A_90 = arith.constant 0 : i32
      %dma_wait3A_91 = arith.constant 0 : i32
      %dma_wait3A_92 = tpu.memref_slice %arg9[%dma_wait3A_90, %dma_wait3A_91] : memref<10000x256xf32, #tpu.memory_space<hbm>> -> memref<10000x256xf32, #tpu.memory_space<hbm>>
      tpu.wait_indirect_dma semaphore(%arg30 : memref<!tpu.dma_semaphore, #tpu.memory_space<semaphore_mem>>) src(%dma_wait3A_92 : memref<10000x256xf32, #tpu.memory_space<hbm>>) dst(%arg20 : memref<40x256xf32, #tpu.memory_space<vmem>>)
      %dma_start3A_93 = arith.constant 0 : i32
      %dma_start3A_94 = arith.constant 0 : i32
      %dma_start3A_95 = tpu.memref_slice %arg6[%dma_start3A_93, %dma_start3A_94] : memref<10000x256xf32, #tpu.memory_space<hbm>> -> memref<10000x256xf32, #tpu.memory_space<hbm>>
      tpu.enqueue_indirect_dma source(%dma_start3A_95 : memref<10000x256xf32, #tpu.memory_space<hbm>>) target(%arg19 : memref<40x256xf32, #tpu.memory_space<vmem>>) offsets(%arg14 : memref<40xi32, #tpu.memory_space<vmem>>) semaphore(%arg29 : memref<!tpu.dma_semaphore, #tpu.memory_space<semaphore_mem>>)
      "tpu.region"() ({
        %run_scoped3A = tpu.sem_alloc : memref<!tpu.dma_semaphore, #tpu.memory_space<semaphore_mem>>
        %dma_start3A_130 = arith.constant 0 : i32
        %dma_start3A_131 = arith.constant 0 : i32
        %dma_start3A_132 = tpu.memref_slice %arg22[%dma_start3A_130, %dma_start3A_131] : memref<10240x128xf32, #tpu.memory_space<vmem_shared>> -> memref<10240x128xf32, #tpu.memory_space<vmem_shared>>
        tpu.enqueue_indirect_dma source(%arg21 : memref<40x128xf32, #tpu.memory_space<vmem>>) target(%dma_start3A_132 : memref<10240x128xf32, #tpu.memory_space<vmem_shared>>) offsets(%arg13 : memref<40xi32, #tpu.memory_space<vmem>>) semaphore(%run_scoped3A : memref<!tpu.dma_semaphore, #tpu.memory_space<semaphore_mem>>) {add = true}
        %dma_wait3A_133 = arith.constant 0 : i32
        %dma_wait3A_134 = arith.constant 0 : i32
        %dma_wait3A_135 = tpu.memref_slice %arg22[%dma_wait3A_133, %dma_wait3A_134] : memref<10240x128xf32, #tpu.memory_space<vmem_shared>> -> memref<10240x128xf32, #tpu.memory_space<vmem_shared>>
        tpu.wait_indirect_dma semaphore(%run_scoped3A : memref<!tpu.dma_semaphore, #tpu.memory_space<semaphore_mem>>) src(%arg21 : memref<40x128xf32, #tpu.memory_space<vmem>>) dst(%dma_wait3A_135 : memref<10240x128xf32, #tpu.memory_space<vmem_shared>>)
        tpu.yield
      }) : () -> ()
      %dma_start3A_96 = arith.constant 0 : i32
      %dma_start3A_97 = arith.constant 0 : i32
      %dma_start3A_98 = tpu.memref_slice %arg7[%dma_start3A_96, %dma_start3A_97] : memref<10000x256xf32, #tpu.memory_space<hbm>> -> memref<10000x256xf32, #tpu.memory_space<hbm>>
      tpu.enqueue_indirect_dma source(%dma_start3A_98 : memref<10000x256xf32, #tpu.memory_space<hbm>>) target(%arg20 : memref<40x256xf32, #tpu.memory_space<vmem>>) offsets(%arg14 : memref<40xi32, #tpu.memory_space<vmem>>) semaphore(%arg30 : memref<!tpu.dma_semaphore, #tpu.memory_space<semaphore_mem>>)
      %dma_wait3A_99 = arith.constant 0 : i32
      %dma_wait3A_100 = tpu.memref_slice %arg4[%add3A_27, %dma_wait3A_99] : memref<320000x16xf32, #tpu.memory_space<hbm>> -> memref<40x16xf32, #tpu.memory_space<hbm>>
      %dma_wait3A_101 = arith.constant 0 : i32
      %dma_wait3A_102 = tpu.memref_slice %arg4[%add3A_27, %dma_wait3A_101] : memref<320000x16xf32, #tpu.memory_space<hbm>> -> memref<40x16xf32, #tpu.memory_space<hbm>>
      tpu.wait_dma2 semaphore(%arg27 : memref<!tpu.dma_semaphore, #tpu.memory_space<semaphore_mem>>) src(%dma_wait3A_102 : memref<40x16xf32, #tpu.memory_space<hbm>>) dst(%arg16 : memref<40x16xf32, #tpu.memory_space<vmem>>)
      %dma_wait3A_103 = arith.constant 0 : i32
      %dma_wait3A_104 = arith.constant 0 : i32
      %dma_wait3A_105 = tpu.memref_slice %arg5[%dma_wait3A_103, %dma_wait3A_104] : memref<10240x128xf32, #tpu.memory_space<hbm>> -> memref<10240x128xf32, #tpu.memory_space<hbm>>
      tpu.wait_indirect_dma semaphore(%arg28 : memref<!tpu.dma_semaphore, #tpu.memory_space<semaphore_mem>>) src(%dma_wait3A_105 : memref<10240x128xf32, #tpu.memory_space<hbm>>) dst(%arg17 : memref<40x128xf32, #tpu.memory_space<vmem>>)
      %scan3A_106 = arith.constant 0 : i32
      %scan3A_107 = arith.constant 0 : i32
      %scan3A_108 = arith.constant 40 : i32
      %scan3A_109 = arith.addi %scan3A_107, %scan3A_108 : i32
      %scan3A_110 = arith.constant 4 : i32
      scf.for %scan3A_130 = %scan3A_107 to %scan3A_109 step %scan3A_110  : i32 {
        %get3A = arith.index_cast %scan3A_130 : i32 to index
        %get3A_131 = arith.constant 0 : index
        %get3A_132 = tpu.vector_load %arg16[%get3A, %get3A_131] {strides = array<i32>} : memref<40x16xf32, #tpu.memory_space<vmem>>, vector<1x16xf32>,
        %get3A_133 = vector.shape_cast %get3A_132 : vector<1x16xf32> to vector<16xf32>
        %get3A_134 = arith.index_cast %scan3A_130 : i32 to index
        %get3A_135 = arith.constant 0 : index
        %get3A_136 = tpu.vector_load %arg17[%get3A_134, %get3A_135] {strides = array<i32>} : memref<40x128xf32, #tpu.memory_space<vmem>>, vector<1x16xf32>,
        %get3A_137 = vector.shape_cast %get3A_136 : vector<1x16xf32> to vector<16xf32>
        %mul3A_138 = arith.mulf %get3A_133, %get3A_137 : vector<16xf32>
        %swap3A = arith.index_cast %scan3A_130 : i32 to index
        %swap3A_139 = arith.constant 0 : index
        %swap3A_140 = tpu.vector_load %arg18[%swap3A, %swap3A_139] {strides = array<i32>} : memref<40x16xf32, #tpu.memory_space<vmem>>, vector<1x16xf32>,
        %swap3A_141 = vector.shape_cast %swap3A_140 : vector<1x16xf32> to vector<16xf32>
        %swap3A_142 = vector.shape_cast %mul3A_138 : vector<16xf32> to vector<1x16xf32>
        tpu.vector_store %arg18[%swap3A, %swap3A_139], %swap3A_142 {strides = array<i32>} : memref<40x16xf32, #tpu.memory_space<vmem>>, vector<1x16xf32>,
        %scan3A_143 = arith.constant 1 : i32
        %scan3A_144 = arith.addi %scan3A_130, %scan3A_143 : i32
        %get3A_145 = arith.index_cast %scan3A_144 : i32 to index
        %get3A_146 = arith.constant 0 : index
        %get3A_147 = tpu.vector_load %arg16[%get3A_145, %get3A_146] {strides = array<i32>} : memref<40x16xf32, #tpu.memory_space<vmem>>, vector<1x16xf32>,
        %get3A_148 = vector.shape_cast %get3A_147 : vector<1x16xf32> to vector<16xf32>
        %get3A_149 = arith.index_cast %scan3A_144 : i32 to index
        %get3A_150 = arith.constant 0 : index
        %get3A_151 = tpu.vector_load %arg17[%get3A_149, %get3A_150] {strides = array<i32>} : memref<40x128xf32, #tpu.memory_space<vmem>>, vector<1x16xf32>,
        %get3A_152 = vector.shape_cast %get3A_151 : vector<1x16xf32> to vector<16xf32>
        %mul3A_153 = arith.mulf %get3A_148, %get3A_152 : vector<16xf32>
        %swap3A_154 = arith.index_cast %scan3A_144 : i32 to index
        %swap3A_155 = arith.constant 0 : index
        %swap3A_156 = tpu.vector_load %arg18[%swap3A_154, %swap3A_155] {strides = array<i32>} : memref<40x16xf32, #tpu.memory_space<vmem>>, vector<1x16xf32>,
        %swap3A_157 = vector.shape_cast %swap3A_156 : vector<1x16xf32> to vector<16xf32>
        %swap3A_158 = vector.shape_cast %mul3A_153 : vector<16xf32> to vector<1x16xf32>
        tpu.vector_store %arg18[%swap3A_154, %swap3A_155], %swap3A_158 {strides = array<i32>} : memref<40x16xf32, #tpu.memory_space<vmem>>, vector<1x16xf32>,
        %scan3A_159 = arith.constant 2 : i32
        %scan3A_160 = arith.addi %scan3A_130, %scan3A_159 : i32
        %get3A_161 = arith.index_cast %scan3A_160 : i32 to index
        %get3A_162 = arith.constant 0 : index
        %get3A_163 = tpu.vector_load %arg16[%get3A_161, %get3A_162] {strides = array<i32>} : memref<40x16xf32, #tpu.memory_space<vmem>>, vector<1x16xf32>,
        %get3A_164 = vector.shape_cast %get3A_163 : vector<1x16xf32> to vector<16xf32>
        %get3A_165 = arith.index_cast %scan3A_160 : i32 to index
        %get3A_166 = arith.constant 0 : index
        %get3A_167 = tpu.vector_load %arg17[%get3A_165, %get3A_166] {strides = array<i32>} : memref<40x128xf32, #tpu.memory_space<vmem>>, vector<1x16xf32>,
        %get3A_168 = vector.shape_cast %get3A_167 : vector<1x16xf32> to vector<16xf32>
        %mul3A_169 = arith.mulf %get3A_164, %get3A_168 : vector<16xf32>
        %swap3A_170 = arith.index_cast %scan3A_160 : i32 to index
        %swap3A_171 = arith.constant 0 : index
        %swap3A_172 = tpu.vector_load %arg18[%swap3A_170, %swap3A_171] {strides = array<i32>} : memref<40x16xf32, #tpu.memory_space<vmem>>, vector<1x16xf32>,
        %swap3A_173 = vector.shape_cast %swap3A_172 : vector<1x16xf32> to vector<16xf32>
        %swap3A_174 = vector.shape_cast %mul3A_169 : vector<16xf32> to vector<1x16xf32>
        tpu.vector_store %arg18[%swap3A_170, %swap3A_171], %swap3A_174 {strides = array<i32>} : memref<40x16xf32, #tpu.memory_space<vmem>>, vector<1x16xf32>,
        %scan3A_175 = arith.constant 3 : i32
        %scan3A_176 = arith.addi %scan3A_130, %scan3A_175 : i32
        %get3A_177 = arith.index_cast %scan3A_176 : i32 to index
        %get3A_178 = arith.constant 0 : index
        %get3A_179 = tpu.vector_load %arg16[%get3A_177, %get3A_178] {strides = array<i32>} : memref<40x16xf32, #tpu.memory_space<vmem>>, vector<1x16xf32>,
        %get3A_180 = vector.shape_cast %get3A_179 : vector<1x16xf32> to vector<16xf32>
        %get3A_181 = arith.index_cast %scan3A_176 : i32 to index
        %get3A_182 = arith.constant 0 : index
        %get3A_183 = tpu.vector_load %arg17[%get3A_181, %get3A_182] {strides = array<i32>} : memref<40x128xf32, #tpu.memory_space<vmem>>, vector<1x16xf32>,
        %get3A_184 = vector.shape_cast %get3A_183 : vector<1x16xf32> to vector<16xf32>
        %mul3A_185 = arith.mulf %get3A_180, %get3A_184 : vector<16xf32>
        %swap3A_186 = arith.index_cast %scan3A_176 : i32 to index
        %swap3A_187 = arith.constant 0 : index
        %swap3A_188 = tpu.vector_load %arg18[%swap3A_186, %swap3A_187] {strides = array<i32>} : memref<40x16xf32, #tpu.memory_space<vmem>>, vector<1x16xf32>,
        %swap3A_189 = vector.shape_cast %swap3A_188 : vector<1x16xf32> to vector<16xf32>
        %swap3A_190 = vector.shape_cast %mul3A_185 : vector<16xf32> to vector<1x16xf32>
        tpu.vector_store %arg18[%swap3A_186, %swap3A_187], %swap3A_190 {strides = array<i32>} : memref<40x16xf32, #tpu.memory_space<vmem>>, vector<1x16xf32>,
      }
      %scan3A_111 = arith.constant 40 : i32
      %dma_wait3A_112 = arith.constant 0 : i32
      %dma_wait3A_113 = arith.constant 0 : i32
      %dma_wait3A_114 = tpu.memref_slice %arg6[%dma_wait3A_112, %dma_wait3A_113] : memref<10000x256xf32, #tpu.memory_space<hbm>> -> memref<10000x256xf32, #tpu.memory_space<hbm>>
      tpu.wait_indirect_dma semaphore(%arg29 : memref<!tpu.dma_semaphore, #tpu.memory_space<semaphore_mem>>) src(%dma_wait3A_114 : memref<10000x256xf32, #tpu.memory_space<hbm>>) dst(%arg19 : memref<40x256xf32, #tpu.memory_space<vmem>>)
      %dma_start3A_115 = arith.constant 0 : i32
      %dma_start3A_116 = arith.constant 0 : i32
      %dma_start3A_117 = tpu.memref_slice %arg8[%dma_start3A_115, %dma_start3A_116] : memref<10000x256xf32, #tpu.memory_space<hbm>> -> memref<10000x256xf32, #tpu.memory_space<hbm>>
      tpu.enqueue_indirect_dma source(%dma_start3A_117 : memref<10000x256xf32, #tpu.memory_space<hbm>>) target(%arg19 : memref<40x256xf32, #tpu.memory_space<vmem>>) offsets(%arg14 : memref<40xi32, #tpu.memory_space<vmem>>) semaphore(%arg29 : memref<!tpu.dma_semaphore, #tpu.memory_space<semaphore_mem>>)
      %dma_wait3A_118 = arith.constant 0 : i32
      %dma_wait3A_119 = arith.constant 0 : i32
      %dma_wait3A_120 = tpu.memref_slice %arg7[%dma_wait3A_118, %dma_wait3A_119] : memref<10000x256xf32, #tpu.memory_space<hbm>> -> memref<10000x256xf32, #tpu.memory_space<hbm>>
      tpu.wait_indirect_dma semaphore(%arg30 : memref<!tpu.dma_semaphore, #tpu.memory_space<semaphore_mem>>) src(%dma_wait3A_120 : memref<10000x256xf32, #tpu.memory_space<hbm>>) dst(%arg20 : memref<40x256xf32, #tpu.memory_space<vmem>>)
      %dma_start3A_121 = arith.constant 0 : i32
      %dma_start3A_122 = arith.constant 0 : i32
      %dma_start3A_123 = tpu.memref_slice %arg9[%dma_start3A_121, %dma_start3A_122] : memref<10000x256xf32, #tpu.memory_space<hbm>> -> memref<10000x256xf32, #tpu.memory_space<hbm>>
      tpu.enqueue_indirect_dma source(%dma_start3A_123 : memref<10000x256xf32, #tpu.memory_space<hbm>>) target(%arg20 : memref<40x256xf32, #tpu.memory_space<vmem>>) offsets(%arg14 : memref<40xi32, #tpu.memory_space<vmem>>) semaphore(%arg30 : memref<!tpu.dma_semaphore, #tpu.memory_space<semaphore_mem>>)
      %dma_wait3A_124 = arith.constant 0 : i32
      %dma_wait3A_125 = arith.constant 0 : i32
      %dma_wait3A_126 = tpu.memref_slice %arg8[%dma_wait3A_124, %dma_wait3A_125] : memref<10000x256xf32, #tpu.memory_space<hbm>> -> memref<10000x256xf32, #tpu.memory_space<hbm>>
      tpu.wait_indirect_dma semaphore(%arg29 : memref<!tpu.dma_semaphore, #tpu.memory_space<semaphore_mem>>) src(%dma_wait3A_126 : memref<10000x256xf32, #tpu.memory_space<hbm>>) dst(%arg19 : memref<40x256xf32, #tpu.memory_space<vmem>>)
      %dma_wait3A_127 = arith.constant 0 : i32
      %dma_wait3A_128 = arith.constant 0 : i32
      %dma_wait3A_129 = tpu.memref_slice %arg9[%dma_wait3A_127, %dma_wait3A_128] : memref<10000x256xf32, #tpu.memory_space<hbm>> -> memref<10000x256xf32, #tpu.memory_space<hbm>>
      tpu.wait_indirect_dma semaphore(%arg30 : memref<!tpu.dma_semaphore, #tpu.memory_space<semaphore_mem>>) src(%dma_wait3A_129 : memref<10000x256xf32, #tpu.memory_space<hbm>>) dst(%arg20 : memref<40x256xf32, #tpu.memory_space<vmem>>)
      "tpu.region"() ({
        %run_scoped3A = tpu.sem_alloc : memref<!tpu.dma_semaphore, #tpu.memory_space<semaphore_mem>>
        %dma_start3A_130 = arith.constant 0 : i32
        %dma_start3A_131 = arith.constant 0 : i32
        %dma_start3A_132 = tpu.memref_slice %arg22[%dma_start3A_130, %dma_start3A_131] : memref<10240x128xf32, #tpu.memory_space<vmem_shared>> -> memref<10240x128xf32, #tpu.memory_space<vmem_shared>>
        tpu.enqueue_indirect_dma source(%arg21 : memref<40x128xf32, #tpu.memory_space<vmem>>) target(%dma_start3A_132 : memref<10240x128xf32, #tpu.memory_space<vmem_shared>>) offsets(%arg15 : memref<40xi32, #tpu.memory_space<vmem>>) semaphore(%run_scoped3A : memref<!tpu.dma_semaphore, #tpu.memory_space<semaphore_mem>>) {add = true}
        %dma_wait3A_133 = arith.constant 0 : i32
        %dma_wait3A_134 = arith.constant 0 : i32
        %dma_wait3A_135 = tpu.memref_slice %arg22[%dma_wait3A_133, %dma_wait3A_134] : memref<10240x128xf32, #tpu.memory_space<vmem_shared>> -> memref<10240x128xf32, #tpu.memory_space<vmem_shared>>
        tpu.wait_indirect_dma semaphore(%run_scoped3A : memref<!tpu.dma_semaphore, #tpu.memory_space<semaphore_mem>>) src(%arg21 : memref<40x128xf32, #tpu.memory_space<vmem>>) dst(%dma_wait3A_135 : memref<10240x128xf32, #tpu.memory_space<vmem_shared>>)
        tpu.yield
      }) : () -> ()
    }
    %scan3A_11 = arith.constant 125 : i32
    %barrier3A_12 = arith.constant 0 : index
    tpu.barrier barrier_id(%barrier3A_12)
    %mul3A_13 = arith.constant 640 : i32
    %mul3A_14 = arith.muli %arg1, %mul3A_13 : i32
    %mul3A_15 = arith.constant 10240 : i32
    %mul3A_16 = arith.muli %arg0, %mul3A_15 : i32
    %mul3A_17 = arith.constant 640 : i32
    %mul3A_18 = arith.muli %arg1, %mul3A_17 : i32
    %add3A_19 = arith.addi %mul3A_16, %mul3A_18 : i32
    "tpu.region"() ({
      %run_scoped3A = tpu.sem_alloc : memref<!tpu.dma_semaphore, #tpu.memory_space<semaphore_mem>>
      %dma_start3A = arith.constant 0 : i32
      %dma_start3A_20 = tpu.memref_slice %arg11[%add3A_19, %dma_start3A] : memref<20480x128xf32, #tpu.memory_space<hbm>> -> memref<640x128xf32, #tpu.memory_space<hbm>>
      %dma_start3A_21 = arith.constant 0 : i32
      %dma_start3A_22 = tpu.memref_slice %arg22[%mul3A_14, %dma_start3A_21] : memref<10240x128xf32, #tpu.memory_space<vmem_shared>> -> memref<640x128xf32, #tpu.memory_space<vmem_shared>>
      tpu.enqueue_dma source(%dma_start3A_22 : memref<640x128xf32, #tpu.memory_space<vmem_shared>>) target(%dma_start3A_20 : memref<640x128xf32, #tpu.memory_space<hbm>>) target_semaphore(%run_scoped3A : memref<!tpu.dma_semaphore, #tpu.memory_space<semaphore_mem>>)
      %dma_wait3A = arith.constant 0 : i32
      %dma_wait3A_23 = tpu.memref_slice %arg11[%add3A_19, %dma_wait3A] : memref<20480x128xf32, #tpu.memory_space<hbm>> -> memref<640x128xf32, #tpu.memory_space<hbm>>
      %dma_wait3A_24 = arith.constant 0 : i32
      %dma_wait3A_25 = tpu.memref_slice %arg22[%mul3A_14, %dma_wait3A_24] : memref<10240x128xf32, #tpu.memory_space<vmem_shared>> -> memref<640x128xf32, #tpu.memory_space<vmem_shared>>
      tpu.wait_dma2 semaphore(%run_scoped3A : memref<!tpu.dma_semaphore, #tpu.memory_space<semaphore_mem>>) src(%dma_wait3A_25 : memref<640x128xf32, #tpu.memory_space<vmem_shared>>) dst(%dma_wait3A_23 : memref<640x128xf32, #tpu.memory_space<hbm>>)
      tpu.yield
    }) : () -> ()
    return
  }
}

module attributes {stable_mosaic.version = 14 : i64} {
  func.func @_tc_layer1_body(%arg0: i32, %arg1: memref<1000x128xf32, #tpu.memory_space<vmem>>, %arg2: memref<128x1024xf32, #tpu.memory_space<vmem>>, %arg3: memref<8x128xf32, #tpu.memory_space<vmem>>, %arg4: memref<8x128xf32, #tpu.memory_space<vmem>>, %arg5: memref<1000x256xf32, #tpu.memory_space<vmem>>, %arg6: memref<1000x256xf32, #tpu.memory_space<vmem>>, %arg7: memref<1000x256xf32, #tpu.memory_space<vmem>>, %arg8: memref<1000x256xf32, #tpu.memory_space<vmem>>, %arg9: memref<1000x128xf32, #tpu.memory_space<vmem>>) attributes {dimension_semantics = [#tpu.dimension_semantics<arbitrary>], iteration_bounds = array<i64: 10>, scalar_prefetch = 0 : i64, scratch_operands = 0 : i64, tpu.core_type = #tpu.core_type<tc>, window_params = [{transform_indices = @transform_0, window_bounds = array<i64: 1000, 128>}, {pipeline_mode = #tpu.pipeline_mode<synchronous>, transform_indices = @transform_1, window_bounds = array<i64: 128, 1024>}, {pipeline_mode = #tpu.pipeline_mode<synchronous>, transform_indices = @transform_2, window_bounds = array<i64: 8, 128>}, {pipeline_mode = #tpu.pipeline_mode<synchronous>, transform_indices = @transform_3, window_bounds = array<i64: 8, 128>}, {transform_indices = @transform_4, window_bounds = array<i64: 1000, 256>}, {transform_indices = @transform_5, window_bounds = array<i64: 1000, 256>}, {transform_indices = @transform_6, window_bounds = array<i64: 1000, 256>}, {transform_indices = @transform_7, window_bounds = array<i64: 1000, 256>}, {transform_indices = @transform_8, window_bounds = array<i64: 1000, 128>}]} {
    %get3A = arith.constant 0 : index
    %get3A_0 = arith.constant 0 : index
    %get3A_1 = vector.load %arg1[%get3A, %get3A_0] : memref<1000x128xf32, #tpu.memory_space<vmem>>, vector<1000x128xf32>
    %get3A_2 = arith.constant 0 : index
    %get3A_3 = arith.constant 0 : index
    %get3A_4 = vector.load %arg2[%get3A_2, %get3A_3] : memref<128x1024xf32, #tpu.memory_space<vmem>>, vector<128x1024xf32>
    %dot_general3A = arith.constant dense<0.000000e+00> : vector<1000x1024xf32>
    %dot_general3A_5 = tpu.matmul %get3A_1, %get3A_4, %dot_general3A {dimension_numbers = #tpu.dot_dimension_numbers<[1], [0], [0], [1], [0, 0, 1, 1], [], []>, transpose_lhs_hint = false} : vector<1000x128xf32>, vector<128x1024xf32>, vector<1000x1024xf32> -> vector<1000x1024xf32>
    %slice3A = vector.extract_strided_slice %dot_general3A_5 {offsets = [0, 0], sizes = [1000, 256], strides = [1, 1]} : vector<1000x1024xf32> to vector<1000x256xf32>
    %swap3A = arith.constant 0 : index
    %swap3A_6 = arith.constant 0 : index
    %swap3A_7 = vector.load %arg5[%swap3A, %swap3A_6] : memref<1000x256xf32, #tpu.memory_space<vmem>>, vector<1000x256xf32>
    tpu.vector_store %arg5[%swap3A, %swap3A_6], %slice3A {strides = array<i32>} : memref<1000x256xf32, #tpu.memory_space<vmem>>, vector<1000x256xf32>,
    %slice3A_8 = vector.extract_strided_slice %dot_general3A_5 {offsets = [0, 256], sizes = [1000, 256], strides = [1, 1]} : vector<1000x1024xf32> to vector<1000x256xf32>
    %swap3A_9 = arith.constant 0 : index
    %swap3A_10 = arith.constant 0 : index
    %swap3A_11 = vector.load %arg6[%swap3A_9, %swap3A_10] : memref<1000x256xf32, #tpu.memory_space<vmem>>, vector<1000x256xf32>
    tpu.vector_store %arg6[%swap3A_9, %swap3A_10], %slice3A_8 {strides = array<i32>} : memref<1000x256xf32, #tpu.memory_space<vmem>>, vector<1000x256xf32>,
    %slice3A_12 = vector.extract_strided_slice %dot_general3A_5 {offsets = [0, 512], sizes = [1000, 256], strides = [1, 1]} : vector<1000x1024xf32> to vector<1000x256xf32>
    %swap3A_13 = arith.constant 0 : index
    %swap3A_14 = arith.constant 0 : index
    %swap3A_15 = vector.load %arg7[%swap3A_13, %swap3A_14] : memref<1000x256xf32, #tpu.memory_space<vmem>>, vector<1000x256xf32>
    tpu.vector_store %arg7[%swap3A_13, %swap3A_14], %slice3A_12 {strides = array<i32>} : memref<1000x256xf32, #tpu.memory_space<vmem>>, vector<1000x256xf32>,
    %slice3A_16 = vector.extract_strided_slice %dot_general3A_5 {offsets = [0, 768], sizes = [1000, 256], strides = [1, 1]} : vector<1000x1024xf32> to vector<1000x256xf32>
    %swap3A_17 = arith.constant 0 : index
    %swap3A_18 = arith.constant 0 : index
    %swap3A_19 = vector.load %arg8[%swap3A_17, %swap3A_18] : memref<1000x256xf32, #tpu.memory_space<vmem>>, vector<1000x256xf32>
    tpu.vector_store %arg8[%swap3A_17, %swap3A_18], %slice3A_16 {strides = array<i32>} : memref<1000x256xf32, #tpu.memory_space<vmem>>, vector<1000x256xf32>,
    %get3A_20 = arith.constant 0 : index
    %get3A_21 = arith.constant 0 : index
    %get3A_22 = vector.load %arg3[%get3A_20, %get3A_21] : memref<8x128xf32, #tpu.memory_space<vmem>>, vector<8x128xf32>
    %get3A_23 = arith.constant 0 : index
    %get3A_24 = arith.constant 0 : index
    %get3A_25 = vector.load %arg4[%get3A_23, %get3A_24] : memref<8x128xf32, #tpu.memory_space<vmem>>, vector<8x128xf32>
    %slice3A_26 = vector.extract_strided_slice %get3A_4 {offsets = [0, 0], sizes = [128, 128], strides = [1, 1]} : vector<128x1024xf32> to vector<128x128xf32>
    %slice3A_27 = vector.extract_strided_slice %get3A_22 {offsets = [0, 0], sizes = [1, 128], strides = [1, 1]} : vector<8x128xf32> to vector<1x128xf32>
    %mul3A = vector.broadcast %slice3A_27 : vector<1x128xf32> to vector<128x128xf32>
    %mul3A_28 = arith.mulf %slice3A_26, %mul3A : vector<128x128xf32>
    %reduce_sum3A = arith.constant dense<0.000000e+00> : vector<128xf32>
    %reduce_sum3A_29 = vector.multi_reduction <add>, %mul3A_28, %reduce_sum3A [1] : vector<128x128xf32> to vector<128xf32>
    %broadcast_in_dim3A = vector.shape_cast %reduce_sum3A_29 : vector<128xf32> to vector<128x1xf32>
    %slice3A_30 = vector.extract_strided_slice %get3A_25 {offsets = [0, 0], sizes = [1, 128], strides = [1, 1]} : vector<8x128xf32> to vector<1x128xf32>
    %mul3A_31 = vector.broadcast %slice3A_30 : vector<1x128xf32> to vector<128x128xf32>
    %mul3A_32 = arith.mulf %slice3A_26, %mul3A_31 : vector<128x128xf32>
    %reduce_sum3A_33 = arith.constant dense<0.000000e+00> : vector<128xf32>
    %reduce_sum3A_34 = vector.multi_reduction <add>, %mul3A_32, %reduce_sum3A_33 [1] : vector<128x128xf32> to vector<128xf32>
    %broadcast_in_dim3A_35 = vector.shape_cast %reduce_sum3A_34 : vector<128xf32> to vector<128x1xf32>
    %slice3A_36 = vector.extract_strided_slice %get3A_4 {offsets = [0, 128], sizes = [128, 128], strides = [1, 1]} : vector<128x1024xf32> to vector<128x128xf32>
    %slice3A_37 = vector.extract_strided_slice %get3A_22 {offsets = [1, 0], sizes = [1, 128], strides = [1, 1]} : vector<8x128xf32> to vector<1x128xf32>
    %mul3A_38 = vector.broadcast %slice3A_37 : vector<1x128xf32> to vector<128x128xf32>
    %mul3A_39 = arith.mulf %slice3A_36, %mul3A_38 : vector<128x128xf32>
    %reduce_sum3A_40 = arith.constant dense<0.000000e+00> : vector<128xf32>
    %reduce_sum3A_41 = vector.multi_reduction <add>, %mul3A_39, %reduce_sum3A_40 [1] : vector<128x128xf32> to vector<128xf32>
    %broadcast_in_dim3A_42 = vector.shape_cast %reduce_sum3A_41 : vector<128xf32> to vector<128x1xf32>
    %slice3A_43 = vector.extract_strided_slice %get3A_25 {offsets = [1, 0], sizes = [1, 128], strides = [1, 1]} : vector<8x128xf32> to vector<1x128xf32>
    %mul3A_44 = vector.broadcast %slice3A_43 : vector<1x128xf32> to vector<128x128xf32>
    %mul3A_45 = arith.mulf %slice3A_36, %mul3A_44 : vector<128x128xf32>
    %reduce_sum3A_46 = arith.constant dense<0.000000e+00> : vector<128xf32>
    %reduce_sum3A_47 = vector.multi_reduction <add>, %mul3A_45, %reduce_sum3A_46 [1] : vector<128x128xf32> to vector<128xf32>
    %broadcast_in_dim3A_48 = vector.shape_cast %reduce_sum3A_47 : vector<128xf32> to vector<128x1xf32>
    %slice3A_49 = vector.extract_strided_slice %get3A_4 {offsets = [0, 256], sizes = [128, 128], strides = [1, 1]} : vector<128x1024xf32> to vector<128x128xf32>
    %slice3A_50 = vector.extract_strided_slice %get3A_22 {offsets = [2, 0], sizes = [1, 128], strides = [1, 1]} : vector<8x128xf32> to vector<1x128xf32>
    %mul3A_51 = vector.broadcast %slice3A_50 : vector<1x128xf32> to vector<128x128xf32>
    %mul3A_52 = arith.mulf %slice3A_49, %mul3A_51 : vector<128x128xf32>
    %reduce_sum3A_53 = arith.constant dense<0.000000e+00> : vector<128xf32>
    %reduce_sum3A_54 = vector.multi_reduction <add>, %mul3A_52, %reduce_sum3A_53 [1] : vector<128x128xf32> to vector<128xf32>
    %broadcast_in_dim3A_55 = vector.shape_cast %reduce_sum3A_54 : vector<128xf32> to vector<128x1xf32>
    %slice3A_56 = vector.extract_strided_slice %get3A_25 {offsets = [2, 0], sizes = [1, 128], strides = [1, 1]} : vector<8x128xf32> to vector<1x128xf32>
    %mul3A_57 = vector.broadcast %slice3A_56 : vector<1x128xf32> to vector<128x128xf32>
    %mul3A_58 = arith.mulf %slice3A_49, %mul3A_57 : vector<128x128xf32>
    %reduce_sum3A_59 = arith.constant dense<0.000000e+00> : vector<128xf32>
    %reduce_sum3A_60 = vector.multi_reduction <add>, %mul3A_58, %reduce_sum3A_59 [1] : vector<128x128xf32> to vector<128xf32>
    %broadcast_in_dim3A_61 = vector.shape_cast %reduce_sum3A_60 : vector<128xf32> to vector<128x1xf32>
    %slice3A_62 = vector.extract_strided_slice %get3A_4 {offsets = [0, 384], sizes = [128, 128], strides = [1, 1]} : vector<128x1024xf32> to vector<128x128xf32>
    %slice3A_63 = vector.extract_strided_slice %get3A_22 {offsets = [3, 0], sizes = [1, 128], strides = [1, 1]} : vector<8x128xf32> to vector<1x128xf32>
    %mul3A_64 = vector.broadcast %slice3A_63 : vector<1x128xf32> to vector<128x128xf32>
    %mul3A_65 = arith.mulf %slice3A_62, %mul3A_64 : vector<128x128xf32>
    %reduce_sum3A_66 = arith.constant dense<0.000000e+00> : vector<128xf32>
    %reduce_sum3A_67 = vector.multi_reduction <add>, %mul3A_65, %reduce_sum3A_66 [1] : vector<128x128xf32> to vector<128xf32>
    %broadcast_in_dim3A_68 = vector.shape_cast %reduce_sum3A_67 : vector<128xf32> to vector<128x1xf32>
    %slice3A_69 = vector.extract_strided_slice %get3A_25 {offsets = [3, 0], sizes = [1, 128], strides = [1, 1]} : vector<8x128xf32> to vector<1x128xf32>
    %mul3A_70 = vector.broadcast %slice3A_69 : vector<1x128xf32> to vector<128x128xf32>
    %mul3A_71 = arith.mulf %slice3A_62, %mul3A_70 : vector<128x128xf32>
    %reduce_sum3A_72 = arith.constant dense<0.000000e+00> : vector<128xf32>
    %reduce_sum3A_73 = vector.multi_reduction <add>, %mul3A_71, %reduce_sum3A_72 [1] : vector<128x128xf32> to vector<128xf32>
    %broadcast_in_dim3A_74 = vector.shape_cast %reduce_sum3A_73 : vector<128xf32> to vector<128x1xf32>
    %slice3A_75 = vector.extract_strided_slice %get3A_4 {offsets = [0, 512], sizes = [128, 128], strides = [1, 1]} : vector<128x1024xf32> to vector<128x128xf32>
    %slice3A_76 = vector.extract_strided_slice %get3A_22 {offsets = [4, 0], sizes = [1, 128], strides = [1, 1]} : vector<8x128xf32> to vector<1x128xf32>
    %mul3A_77 = vector.broadcast %slice3A_76 : vector<1x128xf32> to vector<128x128xf32>
    %mul3A_78 = arith.mulf %slice3A_75, %mul3A_77 : vector<128x128xf32>
    %reduce_sum3A_79 = arith.constant dense<0.000000e+00> : vector<128xf32>
    %reduce_sum3A_80 = vector.multi_reduction <add>, %mul3A_78, %reduce_sum3A_79 [1] : vector<128x128xf32> to vector<128xf32>
    %broadcast_in_dim3A_81 = vector.shape_cast %reduce_sum3A_80 : vector<128xf32> to vector<128x1xf32>
    %slice3A_82 = vector.extract_strided_slice %get3A_25 {offsets = [4, 0], sizes = [1, 128], strides = [1, 1]} : vector<8x128xf32> to vector<1x128xf32>
    %mul3A_83 = vector.broadcast %slice3A_82 : vector<1x128xf32> to vector<128x128xf32>
    %mul3A_84 = arith.mulf %slice3A_75, %mul3A_83 : vector<128x128xf32>
    %reduce_sum3A_85 = arith.constant dense<0.000000e+00> : vector<128xf32>
    %reduce_sum3A_86 = vector.multi_reduction <add>, %mul3A_84, %reduce_sum3A_85 [1] : vector<128x128xf32> to vector<128xf32>
    %broadcast_in_dim3A_87 = vector.shape_cast %reduce_sum3A_86 : vector<128xf32> to vector<128x1xf32>
    %slice3A_88 = vector.extract_strided_slice %get3A_4 {offsets = [0, 640], sizes = [128, 128], strides = [1, 1]} : vector<128x1024xf32> to vector<128x128xf32>
    %slice3A_89 = vector.extract_strided_slice %get3A_22 {offsets = [5, 0], sizes = [1, 128], strides = [1, 1]} : vector<8x128xf32> to vector<1x128xf32>
    %mul3A_90 = vector.broadcast %slice3A_89 : vector<1x128xf32> to vector<128x128xf32>
    %mul3A_91 = arith.mulf %slice3A_88, %mul3A_90 : vector<128x128xf32>
    %reduce_sum3A_92 = arith.constant dense<0.000000e+00> : vector<128xf32>
    %reduce_sum3A_93 = vector.multi_reduction <add>, %mul3A_91, %reduce_sum3A_92 [1] : vector<128x128xf32> to vector<128xf32>
    %broadcast_in_dim3A_94 = vector.shape_cast %reduce_sum3A_93 : vector<128xf32> to vector<128x1xf32>
    %slice3A_95 = vector.extract_strided_slice %get3A_25 {offsets = [5, 0], sizes = [1, 128], strides = [1, 1]} : vector<8x128xf32> to vector<1x128xf32>
    %mul3A_96 = vector.broadcast %slice3A_95 : vector<1x128xf32> to vector<128x128xf32>
    %mul3A_97 = arith.mulf %slice3A_88, %mul3A_96 : vector<128x128xf32>
    %reduce_sum3A_98 = arith.constant dense<0.000000e+00> : vector<128xf32>
    %reduce_sum3A_99 = vector.multi_reduction <add>, %mul3A_97, %reduce_sum3A_98 [1] : vector<128x128xf32> to vector<128xf32>
    %broadcast_in_dim3A_100 = vector.shape_cast %reduce_sum3A_99 : vector<128xf32> to vector<128x1xf32>
    %slice3A_101 = vector.extract_strided_slice %get3A_4 {offsets = [0, 768], sizes = [128, 128], strides = [1, 1]} : vector<128x1024xf32> to vector<128x128xf32>
    %slice3A_102 = vector.extract_strided_slice %get3A_22 {offsets = [6, 0], sizes = [1, 128], strides = [1, 1]} : vector<8x128xf32> to vector<1x128xf32>
    %mul3A_103 = vector.broadcast %slice3A_102 : vector<1x128xf32> to vector<128x128xf32>
    %mul3A_104 = arith.mulf %slice3A_101, %mul3A_103 : vector<128x128xf32>
    %reduce_sum3A_105 = arith.constant dense<0.000000e+00> : vector<128xf32>
    %reduce_sum3A_106 = vector.multi_reduction <add>, %mul3A_104, %reduce_sum3A_105 [1] : vector<128x128xf32> to vector<128xf32>
    %broadcast_in_dim3A_107 = vector.shape_cast %reduce_sum3A_106 : vector<128xf32> to vector<128x1xf32>
    %slice3A_108 = vector.extract_strided_slice %get3A_25 {offsets = [6, 0], sizes = [1, 128], strides = [1, 1]} : vector<8x128xf32> to vector<1x128xf32>
    %mul3A_109 = vector.broadcast %slice3A_108 : vector<1x128xf32> to vector<128x128xf32>
    %mul3A_110 = arith.mulf %slice3A_101, %mul3A_109 : vector<128x128xf32>
    %reduce_sum3A_111 = arith.constant dense<0.000000e+00> : vector<128xf32>
    %reduce_sum3A_112 = vector.multi_reduction <add>, %mul3A_110, %reduce_sum3A_111 [1] : vector<128x128xf32> to vector<128xf32>
    %broadcast_in_dim3A_113 = vector.shape_cast %reduce_sum3A_112 : vector<128xf32> to vector<128x1xf32>
    %slice3A_114 = vector.extract_strided_slice %get3A_4 {offsets = [0, 896], sizes = [128, 128], strides = [1, 1]} : vector<128x1024xf32> to vector<128x128xf32>
    %slice3A_115 = vector.extract_strided_slice %get3A_22 {offsets = [7, 0], sizes = [1, 128], strides = [1, 1]} : vector<8x128xf32> to vector<1x128xf32>
    %mul3A_116 = vector.broadcast %slice3A_115 : vector<1x128xf32> to vector<128x128xf32>
    %mul3A_117 = arith.mulf %slice3A_114, %mul3A_116 : vector<128x128xf32>
    %reduce_sum3A_118 = arith.constant dense<0.000000e+00> : vector<128xf32>
    %reduce_sum3A_119 = vector.multi_reduction <add>, %mul3A_117, %reduce_sum3A_118 [1] : vector<128x128xf32> to vector<128xf32>
    %broadcast_in_dim3A_120 = vector.shape_cast %reduce_sum3A_119 : vector<128xf32> to vector<128x1xf32>
    %slice3A_121 = vector.extract_strided_slice %get3A_25 {offsets = [7, 0], sizes = [1, 128], strides = [1, 1]} : vector<8x128xf32> to vector<1x128xf32>
    %mul3A_122 = vector.broadcast %slice3A_121 : vector<1x128xf32> to vector<128x128xf32>
    %mul3A_123 = arith.mulf %slice3A_114, %mul3A_122 : vector<128x128xf32>
    %reduce_sum3A_124 = arith.constant dense<0.000000e+00> : vector<128xf32>
    %reduce_sum3A_125 = vector.multi_reduction <add>, %mul3A_123, %reduce_sum3A_124 [1] : vector<128x128xf32> to vector<128xf32>
    %broadcast_in_dim3A_126 = vector.shape_cast %reduce_sum3A_125 : vector<128xf32> to vector<128x1xf32>
    %broadcast_in_dim3A_127 = arith.constant 0.000000e+00 : f32
    %broadcast_in_dim3A_128 = vector.broadcast %broadcast_in_dim3A_127 : f32 to vector<128x96xf32>
    %concatenate3A = tpu.concatenate %broadcast_in_dim3A, %broadcast_in_dim3A_42, %broadcast_in_dim3A_55, %broadcast_in_dim3A_68, %broadcast_in_dim3A_81, %broadcast_in_dim3A_94, %broadcast_in_dim3A_107, %broadcast_in_dim3A_120, %broadcast_in_dim3A, %broadcast_in_dim3A_42, %broadcast_in_dim3A_55, %broadcast_in_dim3A_68, %broadcast_in_dim3A_81, %broadcast_in_dim3A_94, %broadcast_in_dim3A_107, %broadcast_in_dim3A_120, %broadcast_in_dim3A_35, %broadcast_in_dim3A_48, %broadcast_in_dim3A_61, %broadcast_in_dim3A_74, %broadcast_in_dim3A_87, %broadcast_in_dim3A_100, %broadcast_in_dim3A_113, %broadcast_in_dim3A_126, %broadcast_in_dim3A_35, %broadcast_in_dim3A_48, %broadcast_in_dim3A_61, %broadcast_in_dim3A_74, %broadcast_in_dim3A_87, %broadcast_in_dim3A_100, %broadcast_in_dim3A_113, %broadcast_in_dim3A_126, %broadcast_in_dim3A_128 in 1 : vector<128x1xf32>, vector<128x1xf32>, vector<128x1xf32>, vector<128x1xf32>, vector<128x1xf32>, vector<128x1xf32>, vector<128x1xf32>, vector<128x1xf32>, vector<128x1xf32>, vector<128x1xf32>, vector<128x1xf32>, vector<128x1xf32>, vector<128x1xf32>, vector<128x1xf32>, vector<128x1xf32>, vector<128x1xf32>, vector<128x1xf32>, vector<128x1xf32>, vector<128x1xf32>, vector<128x1xf32>, vector<128x1xf32>, vector<128x1xf32>, vector<128x1xf32>, vector<128x1xf32>, vector<128x1xf32>, vector<128x1xf32>, vector<128x1xf32>, vector<128x1xf32>, vector<128x1xf32>, vector<128x1xf32>, vector<128x1xf32>, vector<128x1xf32>, vector<128x96xf32> -> vector<128x128xf32>
    %dot_general3A_129 = arith.constant dense<0.000000e+00> : vector<1000x128xf32>
    %dot_general3A_130 = tpu.matmul %get3A_1, %concatenate3A, %dot_general3A_129 {dimension_numbers = #tpu.dot_dimension_numbers<[1], [0], [0], [1], [0, 0, 1, 1], [], []>, transpose_lhs_hint = false} : vector<1000x128xf32>, vector<128x128xf32>, vector<1000x128xf32> -> vector<1000x128xf32>
    %swap3A_131 = arith.constant 0 : index
    %swap3A_132 = arith.constant 0 : index
    %swap3A_133 = vector.load %arg9[%swap3A_131, %swap3A_132] : memref<1000x128xf32, #tpu.memory_space<vmem>>, vector<1000x128xf32>
    tpu.vector_store %arg9[%swap3A_131, %swap3A_132], %dot_general3A_130 {strides = array<i32>} : memref<1000x128xf32, #tpu.memory_space<vmem>>, vector<1000x128xf32>,
    return
  }
  func.func @transform_0(%arg0: i32) -> (i32, i32) {
    %c0_i32 = arith.constant 0 : i32
    %c0_i32_0 = arith.constant 0 : i32
    return %arg0, %c0_i32 : i32, i32
  }
  func.func @transform_1(%arg0: i32) -> (i32, i32) {
    %c0_i32 = arith.constant 0 : i32
    %c0_i32_0 = arith.constant 0 : i32
    %c0_i32_1 = arith.constant 0 : i32
    return %c0_i32, %c0_i32_0 : i32, i32
  }
  func.func @transform_2(%arg0: i32) -> (i32, i32) {
    %c0_i32 = arith.constant 0 : i32
    %c0_i32_0 = arith.constant 0 : i32
    %c0_i32_1 = arith.constant 0 : i32
    return %c0_i32, %c0_i32_0 : i32, i32
  }
  func.func @transform_3(%arg0: i32) -> (i32, i32) {
    %c0_i32 = arith.constant 0 : i32
    %c0_i32_0 = arith.constant 0 : i32
    %c0_i32_1 = arith.constant 0 : i32
    return %c0_i32, %c0_i32_0 : i32, i32
  }
  func.func @transform_4(%arg0: i32) -> (i32, i32) {
    %c0_i32 = arith.constant 0 : i32
    %c0_i32_0 = arith.constant 0 : i32
    return %arg0, %c0_i32 : i32, i32
  }
  func.func @transform_5(%arg0: i32) -> (i32, i32) {
    %c0_i32 = arith.constant 0 : i32
    %c0_i32_0 = arith.constant 0 : i32
    return %arg0, %c0_i32 : i32, i32
  }
  func.func @transform_6(%arg0: i32) -> (i32, i32) {
    %c0_i32 = arith.constant 0 : i32
    %c0_i32_0 = arith.constant 0 : i32
    return %arg0, %c0_i32 : i32, i32
  }
  func.func @transform_7(%arg0: i32) -> (i32, i32) {
    %c0_i32 = arith.constant 0 : i32
    %c0_i32_0 = arith.constant 0 : i32
    return %arg0, %c0_i32 : i32, i32
  }
  func.func @transform_8(%arg0: i32) -> (i32, i32) {
    %c0_i32 = arith.constant 0 : i32
    %c0_i32_0 = arith.constant 0 : i32
    return %arg0, %c0_i32 : i32, i32
  }
}

module attributes {stable_mosaic.version = 14 : i64} {
  func.func @_tc_recip_body(%arg0: i32, %arg1: memref<1024x128xf32, #tpu.memory_space<vmem>>, %arg2: memref<1024x128xf32, #tpu.memory_space<vmem>>, %arg3: memref<1024x128xf32, #tpu.memory_space<vmem>>) attributes {dimension_semantics = [#tpu.dimension_semantics<arbitrary>], iteration_bounds = array<i64: 10>, scalar_prefetch = 0 : i64, scratch_operands = 0 : i64, tpu.core_type = #tpu.core_type<tc>, window_params = [{transform_indices = @transform_0, window_bounds = array<i64: 1024, 128>}, {transform_indices = @transform_1, window_bounds = array<i64: 1024, 128>}, {transform_indices = @transform_2, window_bounds = array<i64: 1024, 128>}]} {
    %get3A = arith.constant 0 : index
    %get3A_0 = arith.constant 0 : index
    %get3A_1 = vector.load %arg1[%get3A, %get3A_0] : memref<1024x128xf32, #tpu.memory_space<vmem>>, vector<1024x16xf32>
    %get3A_2 = arith.constant 0 : index
    %get3A_3 = arith.constant 0 : index
    %get3A_4 = vector.load %arg2[%get3A_2, %get3A_3] : memref<1024x128xf32, #tpu.memory_space<vmem>>, vector<1024x16xf32>
    %add3A = arith.addf %get3A_1, %get3A_4 : vector<1024x16xf32>
    %add3A_5 = arith.constant 1.000000e-16 : f32
    %add3A_6 = vector.broadcast %add3A_5 : f32 to vector<1024x16xf32>
    %add3A_7 = arith.addf %add3A, %add3A_6 : vector<1024x16xf32>
    %div3A = arith.constant 1.000000e+00 : f32
    %div3A_8 = vector.broadcast %div3A : f32 to vector<1024x16xf32>
    %div3A_9 = arith.divf %div3A_8, %add3A_7 : vector<1024x16xf32>
    %broadcast_in_dim3A = arith.constant 0.000000e+00 : f32
    %broadcast_in_dim3A_10 = vector.broadcast %broadcast_in_dim3A : f32 to vector<1024x112xf32>
    %concatenate3A = tpu.concatenate %div3A_9, %broadcast_in_dim3A_10 in 1 : vector<1024x16xf32>, vector<1024x112xf32> -> vector<1024x128xf32>
    %swap3A = arith.constant 0 : index
    %swap3A_11 = arith.constant 0 : index
    %swap3A_12 = vector.load %arg3[%swap3A, %swap3A_11] : memref<1024x128xf32, #tpu.memory_space<vmem>>, vector<1024x128xf32>
    tpu.vector_store %arg3[%swap3A, %swap3A_11], %concatenate3A {strides = array<i32>} : memref<1024x128xf32, #tpu.memory_space<vmem>>, vector<1024x128xf32>,
    return
  }
  func.func @transform_0(%arg0: i32) -> (i32, i32) {
    %c0_i32 = arith.constant 0 : i32
    %c0_i32_0 = arith.constant 0 : i32
    return %arg0, %c0_i32 : i32, i32
  }
  func.func @transform_1(%arg0: i32) -> (i32, i32) {
    %c0_i32 = arith.constant 0 : i32
    %c0_i32_0 = arith.constant 0 : i32
    return %arg0, %c0_i32 : i32, i32
  }
  func.func @transform_2(%arg0: i32) -> (i32, i32) {
    %c0_i32 = arith.constant 0 : i32
    %c0_i32_0 = arith.constant 0 : i32
    return %arg0, %c0_i32 : i32, i32
  }
}

module attributes {stable_mosaic.version = 14 : i64} {
  func.func @_tc_layer2_body(%arg0: i32, %arg1: memref<1000x128xf32, #tpu.memory_space<vmem>>, %arg2: memref<1000x128xf32, #tpu.memory_space<vmem>>, %arg3: memref<1000x128xf32, #tpu.memory_space<vmem>>, %arg4: memref<128x1024xf32, #tpu.memory_space<vmem>>, %arg5: memref<8x128xf32, #tpu.memory_space<vmem>>, %arg6: memref<8x128xf32, #tpu.memory_space<vmem>>, %arg7: memref<1000x128xf32, #tpu.memory_space<vmem>>, %arg8: memref<1000x256xf32, #tpu.memory_space<vmem>>, %arg9: memref<1000x256xf32, #tpu.memory_space<vmem>>, %arg10: memref<1000x256xf32, #tpu.memory_space<vmem>>, %arg11: memref<1000x256xf32, #tpu.memory_space<vmem>>, %arg12: memref<1000x128xf32, #tpu.memory_space<vmem>>) attributes {dimension_semantics = [#tpu.dimension_semantics<arbitrary>], iteration_bounds = array<i64: 10>, scalar_prefetch = 0 : i64, scratch_operands = 0 : i64, tpu.core_type = #tpu.core_type<tc>, window_params = [{transform_indices = @transform_0, window_bounds = array<i64: 1000, 128>}, {transform_indices = @transform_1, window_bounds = array<i64: 1000, 128>}, {transform_indices = @transform_2, window_bounds = array<i64: 1000, 128>}, {pipeline_mode = #tpu.pipeline_mode<synchronous>, transform_indices = @transform_3, window_bounds = array<i64: 128, 1024>}, {pipeline_mode = #tpu.pipeline_mode<synchronous>, transform_indices = @transform_4, window_bounds = array<i64: 8, 128>}, {pipeline_mode = #tpu.pipeline_mode<synchronous>, transform_indices = @transform_5, window_bounds = array<i64: 8, 128>}, {transform_indices = @transform_6, window_bounds = array<i64: 1000, 128>}, {transform_indices = @transform_7, window_bounds = array<i64: 1000, 256>}, {transform_indices = @transform_8, window_bounds = array<i64: 1000, 256>}, {transform_indices = @transform_9, window_bounds = array<i64: 1000, 256>}, {transform_indices = @transform_10, window_bounds = array<i64: 1000, 256>}, {transform_indices = @transform_11, window_bounds = array<i64: 1000, 128>}]} {
    %get3A = arith.constant 0 : index
    %get3A_0 = arith.constant 0 : index
    %get3A_1 = vector.load %arg1[%get3A, %get3A_0] : memref<1000x128xf32, #tpu.memory_space<vmem>>, vector<1000x128xf32>
    %get3A_2 = arith.constant 0 : index
    %get3A_3 = arith.constant 0 : index
    %get3A_4 = vector.load %arg2[%get3A_2, %get3A_3] : memref<1000x128xf32, #tpu.memory_space<vmem>>, vector<1000x128xf32>
    %add3A = arith.addf %get3A_1, %get3A_4 : vector<1000x128xf32>
    %mul3A = arith.constant 1.250000e-01 : f32
    %mul3A_5 = vector.broadcast %mul3A : f32 to vector<1000x128xf32>
    %mul3A_6 = arith.mulf %add3A, %mul3A_5 : vector<1000x128xf32>
    %get3A_7 = arith.constant 0 : index
    %get3A_8 = arith.constant 0 : index
    %get3A_9 = vector.load %arg3[%get3A_7, %get3A_8] : memref<1000x128xf32, #tpu.memory_space<vmem>>, vector<1000x128xf32>
    %add3A_10 = arith.addf %mul3A_6, %get3A_9 : vector<1000x128xf32>
    %gt3A = arith.constant 0.000000e+00 : f32
    %gt3A_11 = vector.broadcast %gt3A : f32 to vector<1000x128xf32>
    %gt3A_12 = arith.cmpf ogt, %add3A_10, %gt3A_11 : vector<1000x128xf32>
    %min3A = arith.constant 0.000000e+00 : f32
    %min3A_13 = vector.broadcast %min3A : f32 to vector<1000x128xf32>
    %min3A_14 = arith.minimumf %add3A_10, %min3A_13 : vector<1000x128xf32>
    %exp3A = math.exp %min3A_14 : vector<1000x128xf32>
    %sub3A = arith.constant 1.000000e+00 : f32
    %sub3A_15 = vector.broadcast %sub3A : f32 to vector<1000x128xf32>
    %sub3A_16 = arith.subf %exp3A, %sub3A_15 : vector<1000x128xf32>
    %select_n3A = arith.select %gt3A_12, %add3A_10, %sub3A_16 : vector<1000x128xi1>, vector<1000x128xf32>
    %swap3A = arith.constant 0 : index
    %swap3A_17 = arith.constant 0 : index
    %swap3A_18 = vector.load %arg7[%swap3A, %swap3A_17] : memref<1000x128xf32, #tpu.memory_space<vmem>>, vector<1000x128xf32>
    tpu.vector_store %arg7[%swap3A, %swap3A_17], %select_n3A {strides = array<i32>} : memref<1000x128xf32, #tpu.memory_space<vmem>>, vector<1000x128xf32>,
    %get3A_19 = arith.constant 0 : index
    %get3A_20 = arith.constant 0 : index
    %get3A_21 = vector.load %arg4[%get3A_19, %get3A_20] : memref<128x1024xf32, #tpu.memory_space<vmem>>, vector<128x1024xf32>
    %dot_general3A = arith.constant dense<0.000000e+00> : vector<1000x1024xf32>
    %dot_general3A_22 = tpu.matmul %select_n3A, %get3A_21, %dot_general3A {dimension_numbers = #tpu.dot_dimension_numbers<[1], [0], [0], [1], [0, 0, 1, 1], [], []>, transpose_lhs_hint = false} : vector<1000x128xf32>, vector<128x1024xf32>, vector<1000x1024xf32> -> vector<1000x1024xf32>
    %slice3A = vector.extract_strided_slice %dot_general3A_22 {offsets = [0, 0], sizes = [1000, 256], strides = [1, 1]} : vector<1000x1024xf32> to vector<1000x256xf32>
    %swap3A_23 = arith.constant 0 : index
    %swap3A_24 = arith.constant 0 : index
    %swap3A_25 = vector.load %arg8[%swap3A_23, %swap3A_24] : memref<1000x256xf32, #tpu.memory_space<vmem>>, vector<1000x256xf32>
    tpu.vector_store %arg8[%swap3A_23, %swap3A_24], %slice3A {strides = array<i32>} : memref<1000x256xf32, #tpu.memory_space<vmem>>, vector<1000x256xf32>,
    %slice3A_26 = vector.extract_strided_slice %dot_general3A_22 {offsets = [0, 256], sizes = [1000, 256], strides = [1, 1]} : vector<1000x1024xf32> to vector<1000x256xf32>
    %swap3A_27 = arith.constant 0 : index
    %swap3A_28 = arith.constant 0 : index
    %swap3A_29 = vector.load %arg9[%swap3A_27, %swap3A_28] : memref<1000x256xf32, #tpu.memory_space<vmem>>, vector<1000x256xf32>
    tpu.vector_store %arg9[%swap3A_27, %swap3A_28], %slice3A_26 {strides = array<i32>} : memref<1000x256xf32, #tpu.memory_space<vmem>>, vector<1000x256xf32>,
    %slice3A_30 = vector.extract_strided_slice %dot_general3A_22 {offsets = [0, 512], sizes = [1000, 256], strides = [1, 1]} : vector<1000x1024xf32> to vector<1000x256xf32>
    %swap3A_31 = arith.constant 0 : index
    %swap3A_32 = arith.constant 0 : index
    %swap3A_33 = vector.load %arg10[%swap3A_31, %swap3A_32] : memref<1000x256xf32, #tpu.memory_space<vmem>>, vector<1000x256xf32>
    tpu.vector_store %arg10[%swap3A_31, %swap3A_32], %slice3A_30 {strides = array<i32>} : memref<1000x256xf32, #tpu.memory_space<vmem>>, vector<1000x256xf32>,
    %slice3A_34 = vector.extract_strided_slice %dot_general3A_22 {offsets = [0, 768], sizes = [1000, 256], strides = [1, 1]} : vector<1000x1024xf32> to vector<1000x256xf32>
    %swap3A_35 = arith.constant 0 : index
    %swap3A_36 = arith.constant 0 : index
    %swap3A_37 = vector.load %arg11[%swap3A_35, %swap3A_36] : memref<1000x256xf32, #tpu.memory_space<vmem>>, vector<1000x256xf32>
    tpu.vector_store %arg11[%swap3A_35, %swap3A_36], %slice3A_34 {strides = array<i32>} : memref<1000x256xf32, #tpu.memory_space<vmem>>, vector<1000x256xf32>,
    %get3A_38 = arith.constant 0 : index
    %get3A_39 = arith.constant 0 : index
    %get3A_40 = vector.load %arg5[%get3A_38, %get3A_39] : memref<8x128xf32, #tpu.memory_space<vmem>>, vector<8x128xf32>
    %get3A_41 = arith.constant 0 : index
    %get3A_42 = arith.constant 0 : index
    %get3A_43 = vector.load %arg6[%get3A_41, %get3A_42] : memref<8x128xf32, #tpu.memory_space<vmem>>, vector<8x128xf32>
    %slice3A_44 = vector.extract_strided_slice %get3A_21 {offsets = [0, 0], sizes = [128, 128], strides = [1, 1]} : vector<128x1024xf32> to vector<128x128xf32>
    %slice3A_45 = vector.extract_strided_slice %get3A_40 {offsets = [0, 0], sizes = [1, 128], strides = [1, 1]} : vector<8x128xf32> to vector<1x128xf32>
    %mul3A_46 = vector.broadcast %slice3A_45 : vector<1x128xf32> to vector<128x128xf32>
    %mul3A_47 = arith.mulf %slice3A_44, %mul3A_46 : vector<128x128xf32>
    %reduce_sum3A = arith.constant dense<0.000000e+00> : vector<128xf32>
    %reduce_sum3A_48 = vector.multi_reduction <add>, %mul3A_47, %reduce_sum3A [1] : vector<128x128xf32> to vector<128xf32>
    %broadcast_in_dim3A = vector.shape_cast %reduce_sum3A_48 : vector<128xf32> to vector<128x1xf32>
    %slice3A_49 = vector.extract_strided_slice %get3A_43 {offsets = [0, 0], sizes = [1, 128], strides = [1, 1]} : vector<8x128xf32> to vector<1x128xf32>
    %mul3A_50 = vector.broadcast %slice3A_49 : vector<1x128xf32> to vector<128x128xf32>
    %mul3A_51 = arith.mulf %slice3A_44, %mul3A_50 : vector<128x128xf32>
    %reduce_sum3A_52 = arith.constant dense<0.000000e+00> : vector<128xf32>
    %reduce_sum3A_53 = vector.multi_reduction <add>, %mul3A_51, %reduce_sum3A_52 [1] : vector<128x128xf32> to vector<128xf32>
    %broadcast_in_dim3A_54 = vector.shape_cast %reduce_sum3A_53 : vector<128xf32> to vector<128x1xf32>
    %slice3A_55 = vector.extract_strided_slice %get3A_21 {offsets = [0, 128], sizes = [128, 128], strides = [1, 1]} : vector<128x1024xf32> to vector<128x128xf32>
    %slice3A_56 = vector.extract_strided_slice %get3A_40 {offsets = [1, 0], sizes = [1, 128], strides = [1, 1]} : vector<8x128xf32> to vector<1x128xf32>
    %mul3A_57 = vector.broadcast %slice3A_56 : vector<1x128xf32> to vector<128x128xf32>
    %mul3A_58 = arith.mulf %slice3A_55, %mul3A_57 : vector<128x128xf32>
    %reduce_sum3A_59 = arith.constant dense<0.000000e+00> : vector<128xf32>
    %reduce_sum3A_60 = vector.multi_reduction <add>, %mul3A_58, %reduce_sum3A_59 [1] : vector<128x128xf32> to vector<128xf32>
    %broadcast_in_dim3A_61 = vector.shape_cast %reduce_sum3A_60 : vector<128xf32> to vector<128x1xf32>
    %slice3A_62 = vector.extract_strided_slice %get3A_43 {offsets = [1, 0], sizes = [1, 128], strides = [1, 1]} : vector<8x128xf32> to vector<1x128xf32>
    %mul3A_63 = vector.broadcast %slice3A_62 : vector<1x128xf32> to vector<128x128xf32>
    %mul3A_64 = arith.mulf %slice3A_55, %mul3A_63 : vector<128x128xf32>
    %reduce_sum3A_65 = arith.constant dense<0.000000e+00> : vector<128xf32>
    %reduce_sum3A_66 = vector.multi_reduction <add>, %mul3A_64, %reduce_sum3A_65 [1] : vector<128x128xf32> to vector<128xf32>
    %broadcast_in_dim3A_67 = vector.shape_cast %reduce_sum3A_66 : vector<128xf32> to vector<128x1xf32>
    %slice3A_68 = vector.extract_strided_slice %get3A_21 {offsets = [0, 256], sizes = [128, 128], strides = [1, 1]} : vector<128x1024xf32> to vector<128x128xf32>
    %slice3A_69 = vector.extract_strided_slice %get3A_40 {offsets = [2, 0], sizes = [1, 128], strides = [1, 1]} : vector<8x128xf32> to vector<1x128xf32>
    %mul3A_70 = vector.broadcast %slice3A_69 : vector<1x128xf32> to vector<128x128xf32>
    %mul3A_71 = arith.mulf %slice3A_68, %mul3A_70 : vector<128x128xf32>
    %reduce_sum3A_72 = arith.constant dense<0.000000e+00> : vector<128xf32>
    %reduce_sum3A_73 = vector.multi_reduction <add>, %mul3A_71, %reduce_sum3A_72 [1] : vector<128x128xf32> to vector<128xf32>
    %broadcast_in_dim3A_74 = vector.shape_cast %reduce_sum3A_73 : vector<128xf32> to vector<128x1xf32>
    %slice3A_75 = vector.extract_strided_slice %get3A_43 {offsets = [2, 0], sizes = [1, 128], strides = [1, 1]} : vector<8x128xf32> to vector<1x128xf32>
    %mul3A_76 = vector.broadcast %slice3A_75 : vector<1x128xf32> to vector<128x128xf32>
    %mul3A_77 = arith.mulf %slice3A_68, %mul3A_76 : vector<128x128xf32>
    %reduce_sum3A_78 = arith.constant dense<0.000000e+00> : vector<128xf32>
    %reduce_sum3A_79 = vector.multi_reduction <add>, %mul3A_77, %reduce_sum3A_78 [1] : vector<128x128xf32> to vector<128xf32>
    %broadcast_in_dim3A_80 = vector.shape_cast %reduce_sum3A_79 : vector<128xf32> to vector<128x1xf32>
    %slice3A_81 = vector.extract_strided_slice %get3A_21 {offsets = [0, 384], sizes = [128, 128], strides = [1, 1]} : vector<128x1024xf32> to vector<128x128xf32>
    %slice3A_82 = vector.extract_strided_slice %get3A_40 {offsets = [3, 0], sizes = [1, 128], strides = [1, 1]} : vector<8x128xf32> to vector<1x128xf32>
    %mul3A_83 = vector.broadcast %slice3A_82 : vector<1x128xf32> to vector<128x128xf32>
    %mul3A_84 = arith.mulf %slice3A_81, %mul3A_83 : vector<128x128xf32>
    %reduce_sum3A_85 = arith.constant dense<0.000000e+00> : vector<128xf32>
    %reduce_sum3A_86 = vector.multi_reduction <add>, %mul3A_84, %reduce_sum3A_85 [1] : vector<128x128xf32> to vector<128xf32>
    %broadcast_in_dim3A_87 = vector.shape_cast %reduce_sum3A_86 : vector<128xf32> to vector<128x1xf32>
    %slice3A_88 = vector.extract_strided_slice %get3A_43 {offsets = [3, 0], sizes = [1, 128], strides = [1, 1]} : vector<8x128xf32> to vector<1x128xf32>
    %mul3A_89 = vector.broadcast %slice3A_88 : vector<1x128xf32> to vector<128x128xf32>
    %mul3A_90 = arith.mulf %slice3A_81, %mul3A_89 : vector<128x128xf32>
    %reduce_sum3A_91 = arith.constant dense<0.000000e+00> : vector<128xf32>
    %reduce_sum3A_92 = vector.multi_reduction <add>, %mul3A_90, %reduce_sum3A_91 [1] : vector<128x128xf32> to vector<128xf32>
    %broadcast_in_dim3A_93 = vector.shape_cast %reduce_sum3A_92 : vector<128xf32> to vector<128x1xf32>
    %slice3A_94 = vector.extract_strided_slice %get3A_21 {offsets = [0, 512], sizes = [128, 128], strides = [1, 1]} : vector<128x1024xf32> to vector<128x128xf32>
    %slice3A_95 = vector.extract_strided_slice %get3A_40 {offsets = [4, 0], sizes = [1, 128], strides = [1, 1]} : vector<8x128xf32> to vector<1x128xf32>
    %mul3A_96 = vector.broadcast %slice3A_95 : vector<1x128xf32> to vector<128x128xf32>
    %mul3A_97 = arith.mulf %slice3A_94, %mul3A_96 : vector<128x128xf32>
    %reduce_sum3A_98 = arith.constant dense<0.000000e+00> : vector<128xf32>
    %reduce_sum3A_99 = vector.multi_reduction <add>, %mul3A_97, %reduce_sum3A_98 [1] : vector<128x128xf32> to vector<128xf32>
    %broadcast_in_dim3A_100 = vector.shape_cast %reduce_sum3A_99 : vector<128xf32> to vector<128x1xf32>
    %slice3A_101 = vector.extract_strided_slice %get3A_43 {offsets = [4, 0], sizes = [1, 128], strides = [1, 1]} : vector<8x128xf32> to vector<1x128xf32>
    %mul3A_102 = vector.broadcast %slice3A_101 : vector<1x128xf32> to vector<128x128xf32>
    %mul3A_103 = arith.mulf %slice3A_94, %mul3A_102 : vector<128x128xf32>
    %reduce_sum3A_104 = arith.constant dense<0.000000e+00> : vector<128xf32>
    %reduce_sum3A_105 = vector.multi_reduction <add>, %mul3A_103, %reduce_sum3A_104 [1] : vector<128x128xf32> to vector<128xf32>
    %broadcast_in_dim3A_106 = vector.shape_cast %reduce_sum3A_105 : vector<128xf32> to vector<128x1xf32>
    %slice3A_107 = vector.extract_strided_slice %get3A_21 {offsets = [0, 640], sizes = [128, 128], strides = [1, 1]} : vector<128x1024xf32> to vector<128x128xf32>
    %slice3A_108 = vector.extract_strided_slice %get3A_40 {offsets = [5, 0], sizes = [1, 128], strides = [1, 1]} : vector<8x128xf32> to vector<1x128xf32>
    %mul3A_109 = vector.broadcast %slice3A_108 : vector<1x128xf32> to vector<128x128xf32>
    %mul3A_110 = arith.mulf %slice3A_107, %mul3A_109 : vector<128x128xf32>
    %reduce_sum3A_111 = arith.constant dense<0.000000e+00> : vector<128xf32>
    %reduce_sum3A_112 = vector.multi_reduction <add>, %mul3A_110, %reduce_sum3A_111 [1] : vector<128x128xf32> to vector<128xf32>
    %broadcast_in_dim3A_113 = vector.shape_cast %reduce_sum3A_112 : vector<128xf32> to vector<128x1xf32>
    %slice3A_114 = vector.extract_strided_slice %get3A_43 {offsets = [5, 0], sizes = [1, 128], strides = [1, 1]} : vector<8x128xf32> to vector<1x128xf32>
    %mul3A_115 = vector.broadcast %slice3A_114 : vector<1x128xf32> to vector<128x128xf32>
    %mul3A_116 = arith.mulf %slice3A_107, %mul3A_115 : vector<128x128xf32>
    %reduce_sum3A_117 = arith.constant dense<0.000000e+00> : vector<128xf32>
    %reduce_sum3A_118 = vector.multi_reduction <add>, %mul3A_116, %reduce_sum3A_117 [1] : vector<128x128xf32> to vector<128xf32>
    %broadcast_in_dim3A_119 = vector.shape_cast %reduce_sum3A_118 : vector<128xf32> to vector<128x1xf32>
    %slice3A_120 = vector.extract_strided_slice %get3A_21 {offsets = [0, 768], sizes = [128, 128], strides = [1, 1]} : vector<128x1024xf32> to vector<128x128xf32>
    %slice3A_121 = vector.extract_strided_slice %get3A_40 {offsets = [6, 0], sizes = [1, 128], strides = [1, 1]} : vector<8x128xf32> to vector<1x128xf32>
    %mul3A_122 = vector.broadcast %slice3A_121 : vector<1x128xf32> to vector<128x128xf32>
    %mul3A_123 = arith.mulf %slice3A_120, %mul3A_122 : vector<128x128xf32>
    %reduce_sum3A_124 = arith.constant dense<0.000000e+00> : vector<128xf32>
    %reduce_sum3A_125 = vector.multi_reduction <add>, %mul3A_123, %reduce_sum3A_124 [1] : vector<128x128xf32> to vector<128xf32>
    %broadcast_in_dim3A_126 = vector.shape_cast %reduce_sum3A_125 : vector<128xf32> to vector<128x1xf32>
    %slice3A_127 = vector.extract_strided_slice %get3A_43 {offsets = [6, 0], sizes = [1, 128], strides = [1, 1]} : vector<8x128xf32> to vector<1x128xf32>
    %mul3A_128 = vector.broadcast %slice3A_127 : vector<1x128xf32> to vector<128x128xf32>
    %mul3A_129 = arith.mulf %slice3A_120, %mul3A_128 : vector<128x128xf32>
    %reduce_sum3A_130 = arith.constant dense<0.000000e+00> : vector<128xf32>
    %reduce_sum3A_131 = vector.multi_reduction <add>, %mul3A_129, %reduce_sum3A_130 [1] : vector<128x128xf32> to vector<128xf32>
    %broadcast_in_dim3A_132 = vector.shape_cast %reduce_sum3A_131 : vector<128xf32> to vector<128x1xf32>
    %slice3A_133 = vector.extract_strided_slice %get3A_21 {offsets = [0, 896], sizes = [128, 128], strides = [1, 1]} : vector<128x1024xf32> to vector<128x128xf32>
    %slice3A_134 = vector.extract_strided_slice %get3A_40 {offsets = [7, 0], sizes = [1, 128], strides = [1, 1]} : vector<8x128xf32> to vector<1x128xf32>
    %mul3A_135 = vector.broadcast %slice3A_134 : vector<1x128xf32> to vector<128x128xf32>
    %mul3A_136 = arith.mulf %slice3A_133, %mul3A_135 : vector<128x128xf32>
    %reduce_sum3A_137 = arith.constant dense<0.000000e+00> : vector<128xf32>
    %reduce_sum3A_138 = vector.multi_reduction <add>, %mul3A_136, %reduce_sum3A_137 [1] : vector<128x128xf32> to vector<128xf32>
    %broadcast_in_dim3A_139 = vector.shape_cast %reduce_sum3A_138 : vector<128xf32> to vector<128x1xf32>
    %slice3A_140 = vector.extract_strided_slice %get3A_43 {offsets = [7, 0], sizes = [1, 128], strides = [1, 1]} : vector<8x128xf32> to vector<1x128xf32>
    %mul3A_141 = vector.broadcast %slice3A_140 : vector<1x128xf32> to vector<128x128xf32>
    %mul3A_142 = arith.mulf %slice3A_133, %mul3A_141 : vector<128x128xf32>
    %reduce_sum3A_143 = arith.constant dense<0.000000e+00> : vector<128xf32>
    %reduce_sum3A_144 = vector.multi_reduction <add>, %mul3A_142, %reduce_sum3A_143 [1] : vector<128x128xf32> to vector<128xf32>
    %broadcast_in_dim3A_145 = vector.shape_cast %reduce_sum3A_144 : vector<128xf32> to vector<128x1xf32>
    %broadcast_in_dim3A_146 = arith.constant 0.000000e+00 : f32
    %broadcast_in_dim3A_147 = vector.broadcast %broadcast_in_dim3A_146 : f32 to vector<128x96xf32>
    %concatenate3A = tpu.concatenate %broadcast_in_dim3A, %broadcast_in_dim3A_61, %broadcast_in_dim3A_74, %broadcast_in_dim3A_87, %broadcast_in_dim3A_100, %broadcast_in_dim3A_113, %broadcast_in_dim3A_126, %broadcast_in_dim3A_139, %broadcast_in_dim3A, %broadcast_in_dim3A_61, %broadcast_in_dim3A_74, %broadcast_in_dim3A_87, %broadcast_in_dim3A_100, %broadcast_in_dim3A_113, %broadcast_in_dim3A_126, %broadcast_in_dim3A_139, %broadcast_in_dim3A_54, %broadcast_in_dim3A_67, %broadcast_in_dim3A_80, %broadcast_in_dim3A_93, %broadcast_in_dim3A_106, %broadcast_in_dim3A_119, %broadcast_in_dim3A_132, %broadcast_in_dim3A_145, %broadcast_in_dim3A_54, %broadcast_in_dim3A_67, %broadcast_in_dim3A_80, %broadcast_in_dim3A_93, %broadcast_in_dim3A_106, %broadcast_in_dim3A_119, %broadcast_in_dim3A_132, %broadcast_in_dim3A_145, %broadcast_in_dim3A_147 in 1 : vector<128x1xf32>, vector<128x1xf32>, vector<128x1xf32>, vector<128x1xf32>, vector<128x1xf32>, vector<128x1xf32>, vector<128x1xf32>, vector<128x1xf32>, vector<128x1xf32>, vector<128x1xf32>, vector<128x1xf32>, vector<128x1xf32>, vector<128x1xf32>, vector<128x1xf32>, vector<128x1xf32>, vector<128x1xf32>, vector<128x1xf32>, vector<128x1xf32>, vector<128x1xf32>, vector<128x1xf32>, vector<128x1xf32>, vector<128x1xf32>, vector<128x1xf32>, vector<128x1xf32>, vector<128x1xf32>, vector<128x1xf32>, vector<128x1xf32>, vector<128x1xf32>, vector<128x1xf32>, vector<128x1xf32>, vector<128x1xf32>, vector<128x1xf32>, vector<128x96xf32> -> vector<128x128xf32>
    %dot_general3A_148 = arith.constant dense<0.000000e+00> : vector<1000x128xf32>
    %dot_general3A_149 = tpu.matmul %select_n3A, %concatenate3A, %dot_general3A_148 {dimension_numbers = #tpu.dot_dimension_numbers<[1], [0], [0], [1], [0, 0, 1, 1], [], []>, transpose_lhs_hint = false} : vector<1000x128xf32>, vector<128x128xf32>, vector<1000x128xf32> -> vector<1000x128xf32>
    %swap3A_150 = arith.constant 0 : index
    %swap3A_151 = arith.constant 0 : index
    %swap3A_152 = vector.load %arg12[%swap3A_150, %swap3A_151] : memref<1000x128xf32, #tpu.memory_space<vmem>>, vector<1000x128xf32>
    tpu.vector_store %arg12[%swap3A_150, %swap3A_151], %dot_general3A_149 {strides = array<i32>} : memref<1000x128xf32, #tpu.memory_space<vmem>>, vector<1000x128xf32>,
    return
  }
  func.func @transform_0(%arg0: i32) -> (i32, i32) {
    %c0_i32 = arith.constant 0 : i32
    %c0_i32_0 = arith.constant 0 : i32
    return %arg0, %c0_i32 : i32, i32
  }
  func.func @transform_1(%arg0: i32) -> (i32, i32) {
    %c0_i32 = arith.constant 0 : i32
    %c0_i32_0 = arith.constant 0 : i32
    return %arg0, %c0_i32 : i32, i32
  }
  func.func @transform_2(%arg0: i32) -> (i32, i32) {
    %c0_i32 = arith.constant 0 : i32
    %c0_i32_0 = arith.constant 0 : i32
    return %arg0, %c0_i32 : i32, i32
  }
  func.func @transform_3(%arg0: i32) -> (i32, i32) {
    %c0_i32 = arith.constant 0 : i32
    %c0_i32_0 = arith.constant 0 : i32
    %c0_i32_1 = arith.constant 0 : i32
    return %c0_i32, %c0_i32_0 : i32, i32
  }
  func.func @transform_4(%arg0: i32) -> (i32, i32) {
    %c0_i32 = arith.constant 0 : i32
    %c0_i32_0 = arith.constant 0 : i32
    %c0_i32_1 = arith.constant 0 : i32
    return %c0_i32, %c0_i32_0 : i32, i32
  }
  func.func @transform_5(%arg0: i32) -> (i32, i32) {
    %c0_i32 = arith.constant 0 : i32
    %c0_i32_0 = arith.constant 0 : i32
    %c0_i32_1 = arith.constant 0 : i32
    return %c0_i32, %c0_i32_0 : i32, i32
  }
  func.func @transform_6(%arg0: i32) -> (i32, i32) {
    %c0_i32 = arith.constant 0 : i32
    %c0_i32_0 = arith.constant 0 : i32
    return %arg0, %c0_i32 : i32, i32
  }
  func.func @transform_7(%arg0: i32) -> (i32, i32) {
    %c0_i32 = arith.constant 0 : i32
    %c0_i32_0 = arith.constant 0 : i32
    return %arg0, %c0_i32 : i32, i32
  }
  func.func @transform_8(%arg0: i32) -> (i32, i32) {
    %c0_i32 = arith.constant 0 : i32
    %c0_i32_0 = arith.constant 0 : i32
    return %arg0, %c0_i32 : i32, i32
  }
  func.func @transform_9(%arg0: i32) -> (i32, i32) {
    %c0_i32 = arith.constant 0 : i32
    %c0_i32_0 = arith.constant 0 : i32
    return %arg0, %c0_i32 : i32, i32
  }
  func.func @transform_10(%arg0: i32) -> (i32, i32) {
    %c0_i32 = arith.constant 0 : i32
    %c0_i32_0 = arith.constant 0 : i32
    return %arg0, %c0_i32 : i32, i32
  }
  func.func @transform_11(%arg0: i32) -> (i32, i32) {
    %c0_i32 = arith.constant 0 : i32
    %c0_i32_0 = arith.constant 0 : i32
    return %arg0, %c0_i32 : i32, i32
  }
}

module attributes {stable_mosaic.version = 14 : i64} {
  func.func @_tc_final_body(%arg0: i32, %arg1: memref<1000x128xf32, #tpu.memory_space<vmem>>, %arg2: memref<1000x128xf32, #tpu.memory_space<vmem>>, %arg3: memref<1000x128xf32, #tpu.memory_space<vmem>>, %arg4: memref<128x128xf32, #tpu.memory_space<vmem>>, %arg5: memref<1x128xf32, #tpu.memory_space<vmem>>, %arg6: memref<128x128xf32, #tpu.memory_space<vmem>>, %arg7: memref<1x128xf32, #tpu.memory_space<vmem>>, %arg8: memref<7x128x128xf32, #tpu.memory_space<vmem>>, %arg9: memref<7x1x128xf32, #tpu.memory_space<vmem>>, %arg10: memref<128x128xf32, #tpu.memory_space<vmem>>, %arg11: memref<1x128xf32, #tpu.memory_space<vmem>>, %arg12: memref<1x128xf32, #tpu.memory_space<vmem>>, %arg13: memref<1x128xf32, #tpu.memory_space<vmem>>, %arg14: memref<1x128xf32, #tpu.memory_space<vmem>>) attributes {dimension_semantics = [#tpu.dimension_semantics<arbitrary>], iteration_bounds = array<i64: 10>, scalar_prefetch = 0 : i64, scratch_operands = 2 : i64, tpu.core_type = #tpu.core_type<tc>, window_params = [{transform_indices = @transform_0, window_bounds = array<i64: 1000, 128>}, {transform_indices = @transform_1, window_bounds = array<i64: 1000, 128>}, {transform_indices = @transform_2, window_bounds = array<i64: 1000, 128>}, {pipeline_mode = #tpu.pipeline_mode<synchronous>, transform_indices = @transform_3, window_bounds = array<i64: 128, 128>}, {pipeline_mode = #tpu.pipeline_mode<synchronous>, transform_indices = @transform_4, window_bounds = array<i64: 1, 128>}, {pipeline_mode = #tpu.pipeline_mode<synchronous>, transform_indices = @transform_5, window_bounds = array<i64: 128, 128>}, {pipeline_mode = #tpu.pipeline_mode<synchronous>, transform_indices = @transform_6, window_bounds = array<i64: 1, 128>}, {pipeline_mode = #tpu.pipeline_mode<synchronous>, transform_indices = @transform_7, window_bounds = array<i64: 7, 128, 128>}, {pipeline_mode = #tpu.pipeline_mode<synchronous>, transform_indices = @transform_8, window_bounds = array<i64: 7, 1, 128>}, {pipeline_mode = #tpu.pipeline_mode<synchronous>, transform_indices = @transform_9, window_bounds = array<i64: 128, 128>}, {pipeline_mode = #tpu.pipeline_mode<synchronous>, transform_indices = @transform_10, window_bounds = array<i64: 1, 128>}, {pipeline_mode = #tpu.pipeline_mode<synchronous>, transform_indices = @transform_11, window_bounds = array<i64: 1, 128>}]} {
    %get3A = arith.constant 0 : index
    %get3A_0 = arith.constant 0 : index
    %get3A_1 = vector.load %arg1[%get3A, %get3A_0] : memref<1000x128xf32, #tpu.memory_space<vmem>>, vector<1000x128xf32>
    %get3A_2 = arith.constant 0 : index
    %get3A_3 = arith.constant 0 : index
    %get3A_4 = vector.load %arg2[%get3A_2, %get3A_3] : memref<1000x128xf32, #tpu.memory_space<vmem>>, vector<1000x128xf32>
    %add3A = arith.addf %get3A_1, %get3A_4 : vector<1000x128xf32>
    %mul3A = arith.constant 1.250000e-01 : f32
    %mul3A_5 = vector.broadcast %mul3A : f32 to vector<1000x128xf32>
    %mul3A_6 = arith.mulf %add3A, %mul3A_5 : vector<1000x128xf32>
    %get3A_7 = arith.constant 0 : index
    %get3A_8 = arith.constant 0 : index
    %get3A_9 = vector.load %arg3[%get3A_7, %get3A_8] : memref<1000x128xf32, #tpu.memory_space<vmem>>, vector<1000x128xf32>
    %add3A_10 = arith.addf %mul3A_6, %get3A_9 : vector<1000x128xf32>
    %get3A_11 = arith.constant 0 : index
    %get3A_12 = arith.constant 0 : index
    %get3A_13 = vector.load %arg4[%get3A_11, %get3A_12] : memref<128x128xf32, #tpu.memory_space<vmem>>, vector<128x128xf32>
    %dot_general3A = arith.constant dense<0.000000e+00> : vector<1000x128xf32>
    %dot_general3A_14 = tpu.matmul %add3A_10, %get3A_13, %dot_general3A {dimension_numbers = #tpu.dot_dimension_numbers<[1], [0], [0], [1], [0, 0, 1, 1], [], []>, transpose_lhs_hint = false} : vector<1000x128xf32>, vector<128x128xf32>, vector<1000x128xf32> -> vector<1000x128xf32>
    %get3A_15 = arith.constant 0 : index
    %get3A_16 = arith.constant 0 : index
    %get3A_17 = vector.load %arg5[%get3A_15, %get3A_16] : memref<1x128xf32, #tpu.memory_space<vmem>>, vector<1x128xf32>
    %add3A_18 = vector.broadcast %get3A_17 : vector<1x128xf32> to vector<1000x128xf32>
    %add3A_19 = arith.addf %dot_general3A_14, %add3A_18 : vector<1000x128xf32>
    %logistic3A = arith.negf %add3A_19 : vector<1000x128xf32>
    %logistic3A_20 = math.exp %logistic3A : vector<1000x128xf32>
    %logistic3A_21 = arith.constant 1.000000e+00 : f32
    %logistic3A_22 = vector.broadcast %logistic3A_21 : f32 to vector<1000x128xf32>
    %logistic3A_23 = arith.addf %logistic3A_22, %logistic3A_20 : vector<1000x128xf32>
    %logistic3A_24 = arith.divf %logistic3A_22, %logistic3A_23 : vector<1000x128xf32>
    %exp3A = math.exp %logistic3A_24 : vector<1000x128xf32>
    %eq3A = arith.constant 0 : i32
    %eq3A_25 = arith.cmpi eq, %arg0, %eq3A : i32
    %convert_element_type3A = arith.extui %eq3A_25 : i1 to i32
    %cond3A = arith.constant 0 : i32
    %cond3A_26 = arith.cmpi ne, %convert_element_type3A, %cond3A : i32
    scf.if %cond3A_26 {
      %broadcast_in_dim3A_50 = arith.constant 0.000000e+00 : f32
      %broadcast_in_dim3A_51 = vector.broadcast %broadcast_in_dim3A_50 : f32 to vector<1x128xf32>
      %swap3A_52 = arith.constant 0 : index
      %swap3A_53 = arith.constant 0 : index
      %swap3A_54 = vector.load %arg13[%swap3A_52, %swap3A_53] : memref<1x128xf32, #tpu.memory_space<vmem>>, vector<1x128xf32>
      tpu.vector_store %arg13[%swap3A_52, %swap3A_53], %broadcast_in_dim3A_51 {strides = array<i32>} : memref<1x128xf32, #tpu.memory_space<vmem>>, vector<1x128xf32>,
      %broadcast_in_dim3A_55 = arith.constant 0.000000e+00 : f32
      %broadcast_in_dim3A_56 = vector.broadcast %broadcast_in_dim3A_55 : f32 to vector<1x128xf32>
      %swap3A_57 = arith.constant 0 : index
      %swap3A_58 = arith.constant 0 : index
      %swap3A_59 = vector.load %arg14[%swap3A_57, %swap3A_58] : memref<1x128xf32, #tpu.memory_space<vmem>>, vector<1x128xf32>
      tpu.vector_store %arg14[%swap3A_57, %swap3A_58], %broadcast_in_dim3A_56 {strides = array<i32>} : memref<1x128xf32, #tpu.memory_space<vmem>>, vector<1x128xf32>,
    } else {
    }
    %get3A_27 = arith.constant 0 : index
    %get3A_28 = arith.constant 0 : index
    %get3A_29 = vector.load %arg13[%get3A_27, %get3A_28] : memref<1x128xf32, #tpu.memory_space<vmem>>, vector<1x128xf32>
    %reduce_sum3A = arith.constant dense<0.000000e+00> : vector<128xf32>
    %reduce_sum3A_30 = vector.multi_reduction <add>, %exp3A, %reduce_sum3A [0] : vector<1000x128xf32> to vector<128xf32>
    %broadcast_in_dim3A = vector.shape_cast %reduce_sum3A_30 : vector<128xf32> to vector<1x128xf32>
    %add3A_31 = arith.addf %get3A_29, %broadcast_in_dim3A : vector<1x128xf32>
    %swap3A = arith.constant 0 : index
    %swap3A_32 = arith.constant 0 : index
    %swap3A_33 = vector.load %arg13[%swap3A, %swap3A_32] : memref<1x128xf32, #tpu.memory_space<vmem>>, vector<1x128xf32>
    tpu.vector_store %arg13[%swap3A, %swap3A_32], %add3A_31 {strides = array<i32>} : memref<1x128xf32, #tpu.memory_space<vmem>>, vector<1x128xf32>,
    %get3A_34 = arith.constant 0 : index
    %get3A_35 = arith.constant 0 : index
    %get3A_36 = vector.load %arg14[%get3A_34, %get3A_35] : memref<1x128xf32, #tpu.memory_space<vmem>>, vector<1x128xf32>
    %mul3A_37 = arith.mulf %exp3A, %add3A_10 : vector<1000x128xf32>
    %reduce_sum3A_38 = arith.constant dense<0.000000e+00> : vector<128xf32>
    %reduce_sum3A_39 = vector.multi_reduction <add>, %mul3A_37, %reduce_sum3A_38 [0] : vector<1000x128xf32> to vector<128xf32>
    %broadcast_in_dim3A_40 = vector.shape_cast %reduce_sum3A_39 : vector<128xf32> to vector<1x128xf32>
    %add3A_41 = arith.addf %get3A_36, %broadcast_in_dim3A_40 : vector<1x128xf32>
    %swap3A_42 = arith.constant 0 : index
    %swap3A_43 = arith.constant 0 : index
    %swap3A_44 = vector.load %arg14[%swap3A_42, %swap3A_43] : memref<1x128xf32, #tpu.memory_space<vmem>>, vector<1x128xf32>
    tpu.vector_store %arg14[%swap3A_42, %swap3A_43], %add3A_41 {strides = array<i32>} : memref<1x128xf32, #tpu.memory_space<vmem>>, vector<1x128xf32>,
    %eq3A_45 = arith.constant 9 : i32
    %eq3A_46 = arith.cmpi eq, %arg0, %eq3A_45 : i32
    %convert_element_type3A_47 = arith.extui %eq3A_46 : i1 to i32
    %cond3A_48 = arith.constant 0 : i32
    %cond3A_49 = arith.cmpi ne, %convert_element_type3A_47, %cond3A_48 : i32
    scf.if %cond3A_49 {
      %get3A_50 = arith.constant 0 : index
      %get3A_51 = arith.constant 0 : index
      %get3A_52 = vector.load %arg14[%get3A_50, %get3A_51] : memref<1x128xf32, #tpu.memory_space<vmem>>, vector<1x128xf32>
      %get3A_53 = arith.constant 0 : index
      %get3A_54 = arith.constant 0 : index
      %get3A_55 = vector.load %arg13[%get3A_53, %get3A_54] : memref<1x128xf32, #tpu.memory_space<vmem>>, vector<1x128xf32>
      %div3A = arith.divf %get3A_52, %get3A_55 : vector<1x128xf32>
      %get3A_56 = arith.constant 0 : index
      %get3A_57 = arith.constant 0 : index
      %get3A_58 = vector.load %arg6[%get3A_56, %get3A_57] : memref<128x128xf32, #tpu.memory_space<vmem>>, vector<128x128xf32>
      %dot_general3A_59 = arith.constant dense<0.000000e+00> : vector<1x128xf32>
      %dot_general3A_60 = tpu.matmul %div3A, %get3A_58, %dot_general3A_59 {dimension_numbers = #tpu.dot_dimension_numbers<[1], [0], [0], [1], [0, 0, 1, 1], [], []>, transpose_lhs_hint = false} : vector<1x128xf32>, vector<128x128xf32>, vector<1x128xf32> -> vector<1x128xf32>
      %get3A_61 = arith.constant 0 : index
      %get3A_62 = arith.constant 0 : index
      %get3A_63 = vector.load %arg7[%get3A_61, %get3A_62] : memref<1x128xf32, #tpu.memory_space<vmem>>, vector<1x128xf32>
      %add3A_64 = arith.addf %dot_general3A_60, %get3A_63 : vector<1x128xf32>
      %get3A_65 = arith.constant 0 : index
      %get3A_66 = arith.constant 0 : index
      %get3A_67 = arith.constant 0 : index
      %get3A_68 = vector.load %arg8[%get3A_65, %get3A_66, %get3A_67] : memref<7x128x128xf32, #tpu.memory_space<vmem>>, vector<1x128x128xf32>
      %get3A_69 = vector.shape_cast %get3A_68 : vector<1x128x128xf32> to vector<128x128xf32>
      %dot_general3A_70 = arith.constant dense<0.000000e+00> : vector<1x128xf32>
      %dot_general3A_71 = tpu.matmul %add3A_64, %get3A_69, %dot_general3A_70 {dimension_numbers = #tpu.dot_dimension_numbers<[1], [0], [0], [1], [0, 0, 1, 1], [], []>, transpose_lhs_hint = false} : vector<1x128xf32>, vector<128x128xf32>, vector<1x128xf32> -> vector<1x128xf32>
      %get3A_72 = arith.constant 0 : index
      %get3A_73 = arith.constant 0 : index
      %get3A_74 = arith.constant 0 : index
      %get3A_75 = vector.load %arg9[%get3A_72, %get3A_73, %get3A_74] : memref<7x1x128xf32, #tpu.memory_space<vmem>>, vector<1x1x128xf32>
      %get3A_76 = vector.shape_cast %get3A_75 : vector<1x1x128xf32> to vector<1x128xf32>
      %add3A_77 = arith.addf %dot_general3A_71, %get3A_76 : vector<1x128xf32>
      %max3A = arith.constant 0.000000e+00 : f32
      %max3A_78 = vector.broadcast %max3A : f32 to vector<1x128xf32>
      %max3A_79 = arith.maximumf %add3A_77, %max3A_78 : vector<1x128xf32>
      %get3A_80 = arith.constant 1 : index
      %get3A_81 = arith.constant 0 : index
      %get3A_82 = arith.constant 0 : index
      %get3A_83 = vector.load %arg8[%get3A_80, %get3A_81, %get3A_82] : memref<7x128x128xf32, #tpu.memory_space<vmem>>, vector<1x128x128xf32>
      %get3A_84 = vector.shape_cast %get3A_83 : vector<1x128x128xf32> to vector<128x128xf32>
      %dot_general3A_85 = arith.constant dense<0.000000e+00> : vector<1x128xf32>
      %dot_general3A_86 = tpu.matmul %max3A_79, %get3A_84, %dot_general3A_85 {dimension_numbers = #tpu.dot_dimension_numbers<[1], [0], [0], [1], [0, 0, 1, 1], [], []>, transpose_lhs_hint = false} : vector<1x128xf32>, vector<128x128xf32>, vector<1x128xf32> -> vector<1x128xf32>
      %get3A_87 = arith.constant 1 : index
      %get3A_88 = arith.constant 0 : index
      %get3A_89 = arith.constant 0 : index
      %get3A_90 = vector.load %arg9[%get3A_87, %get3A_88, %get3A_89] : memref<7x1x128xf32, #tpu.memory_space<vmem>>, vector<1x1x128xf32>
      %get3A_91 = vector.shape_cast %get3A_90 : vector<1x1x128xf32> to vector<1x128xf32>
      %add3A_92 = arith.addf %dot_general3A_86, %get3A_91 : vector<1x128xf32>
      %max3A_93 = arith.constant 0.000000e+00 : f32
      %max3A_94 = vector.broadcast %max3A_93 : f32 to vector<1x128xf32>
      %max3A_95 = arith.maximumf %add3A_92, %max3A_94 : vector<1x128xf32>
      %get3A_96 = arith.constant 2 : index
      %get3A_97 = arith.constant 0 : index
      %get3A_98 = arith.constant 0 : index
      %get3A_99 = vector.load %arg8[%get3A_96, %get3A_97, %get3A_98] : memref<7x128x128xf32, #tpu.memory_space<vmem>>, vector<1x128x128xf32>
      %get3A_100 = vector.shape_cast %get3A_99 : vector<1x128x128xf32> to vector<128x128xf32>
      %dot_general3A_101 = arith.constant dense<0.000000e+00> : vector<1x128xf32>
      %dot_general3A_102 = tpu.matmul %max3A_95, %get3A_100, %dot_general3A_101 {dimension_numbers = #tpu.dot_dimension_numbers<[1], [0], [0], [1], [0, 0, 1, 1], [], []>, transpose_lhs_hint = false} : vector<1x128xf32>, vector<128x128xf32>, vector<1x128xf32> -> vector<1x128xf32>
      %get3A_103 = arith.constant 2 : index
      %get3A_104 = arith.constant 0 : index
      %get3A_105 = arith.constant 0 : index
      %get3A_106 = vector.load %arg9[%get3A_103, %get3A_104, %get3A_105] : memref<7x1x128xf32, #tpu.memory_space<vmem>>, vector<1x1x128xf32>
      %get3A_107 = vector.shape_cast %get3A_106 : vector<1x1x128xf32> to vector<1x128xf32>
      %add3A_108 = arith.addf %dot_general3A_102, %get3A_107 : vector<1x128xf32>
      %max3A_109 = arith.constant 0.000000e+00 : f32
      %max3A_110 = vector.broadcast %max3A_109 : f32 to vector<1x128xf32>
      %max3A_111 = arith.maximumf %add3A_108, %max3A_110 : vector<1x128xf32>
      %get3A_112 = arith.constant 3 : index
      %get3A_113 = arith.constant 0 : index
      %get3A_114 = arith.constant 0 : index
      %get3A_115 = vector.load %arg8[%get3A_112, %get3A_113, %get3A_114] : memref<7x128x128xf32, #tpu.memory_space<vmem>>, vector<1x128x128xf32>
      %get3A_116 = vector.shape_cast %get3A_115 : vector<1x128x128xf32> to vector<128x128xf32>
      %dot_general3A_117 = arith.constant dense<0.000000e+00> : vector<1x128xf32>
      %dot_general3A_118 = tpu.matmul %max3A_111, %get3A_116, %dot_general3A_117 {dimension_numbers = #tpu.dot_dimension_numbers<[1], [0], [0], [1], [0, 0, 1, 1], [], []>, transpose_lhs_hint = false} : vector<1x128xf32>, vector<128x128xf32>, vector<1x128xf32> -> vector<1x128xf32>
      %get3A_119 = arith.constant 3 : index
      %get3A_120 = arith.constant 0 : index
      %get3A_121 = arith.constant 0 : index
      %get3A_122 = vector.load %arg9[%get3A_119, %get3A_120, %get3A_121] : memref<7x1x128xf32, #tpu.memory_space<vmem>>, vector<1x1x128xf32>
      %get3A_123 = vector.shape_cast %get3A_122 : vector<1x1x128xf32> to vector<1x128xf32>
      %add3A_124 = arith.addf %dot_general3A_118, %get3A_123 : vector<1x128xf32>
      %max3A_125 = arith.constant 0.000000e+00 : f32
      %max3A_126 = vector.broadcast %max3A_125 : f32 to vector<1x128xf32>
      %max3A_127 = arith.maximumf %add3A_124, %max3A_126 : vector<1x128xf32>
      %get3A_128 = arith.constant 4 : index
      %get3A_129 = arith.constant 0 : index
      %get3A_130 = arith.constant 0 : index
      %get3A_131 = vector.load %arg8[%get3A_128, %get3A_129, %get3A_130] : memref<7x128x128xf32, #tpu.memory_space<vmem>>, vector<1x128x128xf32>
      %get3A_132 = vector.shape_cast %get3A_131 : vector<1x128x128xf32> to vector<128x128xf32>
      %dot_general3A_133 = arith.constant dense<0.000000e+00> : vector<1x128xf32>
      %dot_general3A_134 = tpu.matmul %max3A_127, %get3A_132, %dot_general3A_133 {dimension_numbers = #tpu.dot_dimension_numbers<[1], [0], [0], [1], [0, 0, 1, 1], [], []>, transpose_lhs_hint = false} : vector<1x128xf32>, vector<128x128xf32>, vector<1x128xf32> -> vector<1x128xf32>
      %get3A_135 = arith.constant 4 : index
      %get3A_136 = arith.constant 0 : index
      %get3A_137 = arith.constant 0 : index
      %get3A_138 = vector.load %arg9[%get3A_135, %get3A_136, %get3A_137] : memref<7x1x128xf32, #tpu.memory_space<vmem>>, vector<1x1x128xf32>
      %get3A_139 = vector.shape_cast %get3A_138 : vector<1x1x128xf32> to vector<1x128xf32>
      %add3A_140 = arith.addf %dot_general3A_134, %get3A_139 : vector<1x128xf32>
      %max3A_141 = arith.constant 0.000000e+00 : f32
      %max3A_142 = vector.broadcast %max3A_141 : f32 to vector<1x128xf32>
      %max3A_143 = arith.maximumf %add3A_140, %max3A_142 : vector<1x128xf32>
      %get3A_144 = arith.constant 5 : index
      %get3A_145 = arith.constant 0 : index
      %get3A_146 = arith.constant 0 : index
      %get3A_147 = vector.load %arg8[%get3A_144, %get3A_145, %get3A_146] : memref<7x128x128xf32, #tpu.memory_space<vmem>>, vector<1x128x128xf32>
      %get3A_148 = vector.shape_cast %get3A_147 : vector<1x128x128xf32> to vector<128x128xf32>
      %dot_general3A_149 = arith.constant dense<0.000000e+00> : vector<1x128xf32>
      %dot_general3A_150 = tpu.matmul %max3A_143, %get3A_148, %dot_general3A_149 {dimension_numbers = #tpu.dot_dimension_numbers<[1], [0], [0], [1], [0, 0, 1, 1], [], []>, transpose_lhs_hint = false} : vector<1x128xf32>, vector<128x128xf32>, vector<1x128xf32> -> vector<1x128xf32>
      %get3A_151 = arith.constant 5 : index
      %get3A_152 = arith.constant 0 : index
      %get3A_153 = arith.constant 0 : index
      %get3A_154 = vector.load %arg9[%get3A_151, %get3A_152, %get3A_153] : memref<7x1x128xf32, #tpu.memory_space<vmem>>, vector<1x1x128xf32>
      %get3A_155 = vector.shape_cast %get3A_154 : vector<1x1x128xf32> to vector<1x128xf32>
      %add3A_156 = arith.addf %dot_general3A_150, %get3A_155 : vector<1x128xf32>
      %max3A_157 = arith.constant 0.000000e+00 : f32
      %max3A_158 = vector.broadcast %max3A_157 : f32 to vector<1x128xf32>
      %max3A_159 = arith.maximumf %add3A_156, %max3A_158 : vector<1x128xf32>
      %get3A_160 = arith.constant 6 : index
      %get3A_161 = arith.constant 0 : index
      %get3A_162 = arith.constant 0 : index
      %get3A_163 = vector.load %arg8[%get3A_160, %get3A_161, %get3A_162] : memref<7x128x128xf32, #tpu.memory_space<vmem>>, vector<1x128x128xf32>
      %get3A_164 = vector.shape_cast %get3A_163 : vector<1x128x128xf32> to vector<128x128xf32>
      %dot_general3A_165 = arith.constant dense<0.000000e+00> : vector<1x128xf32>
      %dot_general3A_166 = tpu.matmul %max3A_159, %get3A_164, %dot_general3A_165 {dimension_numbers = #tpu.dot_dimension_numbers<[1], [0], [0], [1], [0, 0, 1, 1], [], []>, transpose_lhs_hint = false} : vector<1x128xf32>, vector<128x128xf32>, vector<1x128xf32> -> vector<1x128xf32>
      %get3A_167 = arith.constant 6 : index
      %get3A_168 = arith.constant 0 : index
      %get3A_169 = arith.constant 0 : index
      %get3A_170 = vector.load %arg9[%get3A_167, %get3A_168, %get3A_169] : memref<7x1x128xf32, #tpu.memory_space<vmem>>, vector<1x1x128xf32>
      %get3A_171 = vector.shape_cast %get3A_170 : vector<1x1x128xf32> to vector<1x128xf32>
      %add3A_172 = arith.addf %dot_general3A_166, %get3A_171 : vector<1x128xf32>
      %max3A_173 = arith.constant 0.000000e+00 : f32
      %max3A_174 = vector.broadcast %max3A_173 : f32 to vector<1x128xf32>
      %max3A_175 = arith.maximumf %add3A_172, %max3A_174 : vector<1x128xf32>
      %get3A_176 = arith.constant 0 : index
      %get3A_177 = arith.constant 0 : index
      %get3A_178 = vector.load %arg10[%get3A_176, %get3A_177] : memref<128x128xf32, #tpu.memory_space<vmem>>, vector<128x128xf32>
      %dot_general3A_179 = arith.constant dense<0.000000e+00> : vector<1x128xf32>
      %dot_general3A_180 = tpu.matmul %max3A_175, %get3A_178, %dot_general3A_179 {dimension_numbers = #tpu.dot_dimension_numbers<[1], [0], [0], [1], [0, 0, 1, 1], [], []>, transpose_lhs_hint = false} : vector<1x128xf32>, vector<128x128xf32>, vector<1x128xf32> -> vector<1x128xf32>
      %get3A_181 = arith.constant 0 : index
      %get3A_182 = arith.constant 0 : index
      %get3A_183 = vector.load %arg11[%get3A_181, %get3A_182] : memref<1x128xf32, #tpu.memory_space<vmem>>, vector<1x128xf32>
      %add3A_184 = arith.addf %dot_general3A_180, %get3A_183 : vector<1x128xf32>
      %logistic3A_185 = arith.negf %add3A_184 : vector<1x128xf32>
      %logistic3A_186 = math.exp %logistic3A_185 : vector<1x128xf32>
      %logistic3A_187 = arith.constant 1.000000e+00 : f32
      %logistic3A_188 = vector.broadcast %logistic3A_187 : f32 to vector<1x128xf32>
      %logistic3A_189 = arith.addf %logistic3A_188, %logistic3A_186 : vector<1x128xf32>
      %logistic3A_190 = arith.divf %logistic3A_188, %logistic3A_189 : vector<1x128xf32>
      %swap3A_191 = arith.constant 0 : index
      %swap3A_192 = arith.constant 0 : index
      %swap3A_193 = vector.load %arg12[%swap3A_191, %swap3A_192] : memref<1x128xf32, #tpu.memory_space<vmem>>, vector<1x128xf32>
      tpu.vector_store %arg12[%swap3A_191, %swap3A_192], %logistic3A_190 {strides = array<i32>} : memref<1x128xf32, #tpu.memory_space<vmem>>, vector<1x128xf32>,
    } else {
    }
    return
  }
  func.func @transform_0(%arg0: i32) -> (i32, i32) {
    %c0_i32 = arith.constant 0 : i32
    %c0_i32_0 = arith.constant 0 : i32
    return %arg0, %c0_i32 : i32, i32
  }
  func.func @transform_1(%arg0: i32) -> (i32, i32) {
    %c0_i32 = arith.constant 0 : i32
    %c0_i32_0 = arith.constant 0 : i32
    return %arg0, %c0_i32 : i32, i32
  }
  func.func @transform_2(%arg0: i32) -> (i32, i32) {
    %c0_i32 = arith.constant 0 : i32
    %c0_i32_0 = arith.constant 0 : i32
    return %arg0, %c0_i32 : i32, i32
  }
  func.func @transform_3(%arg0: i32) -> (i32, i32) {
    %c0_i32 = arith.constant 0 : i32
    %c0_i32_0 = arith.constant 0 : i32
    %c0_i32_1 = arith.constant 0 : i32
    return %c0_i32, %c0_i32_0 : i32, i32
  }
  func.func @transform_4(%arg0: i32) -> (i32, i32) {
    %c0_i32 = arith.constant 0 : i32
    %c0_i32_0 = arith.constant 0 : i32
    %c0_i32_1 = arith.constant 0 : i32
    return %c0_i32, %c0_i32_0 : i32, i32
  }
  func.func @transform_5(%arg0: i32) -> (i32, i32) {
    %c0_i32 = arith.constant 0 : i32
    %c0_i32_0 = arith.constant 0 : i32
    %c0_i32_1 = arith.constant 0 : i32
    return %c0_i32, %c0_i32_0 : i32, i32
  }
  func.func @transform_6(%arg0: i32) -> (i32, i32) {
    %c0_i32 = arith.constant 0 : i32
    %c0_i32_0 = arith.constant 0 : i32
    %c0_i32_1 = arith.constant 0 : i32
    return %c0_i32, %c0_i32_0 : i32, i32
  }
  func.func @transform_7(%arg0: i32) -> (i32, i32, i32) {
    %c0_i32 = arith.constant 0 : i32
    %c0_i32_0 = arith.constant 0 : i32
    %c0_i32_1 = arith.constant 0 : i32
    %c0_i32_2 = arith.constant 0 : i32
    return %c0_i32, %c0_i32_0, %c0_i32_1 : i32, i32, i32
  }
  func.func @transform_8(%arg0: i32) -> (i32, i32, i32) {
    %c0_i32 = arith.constant 0 : i32
    %c0_i32_0 = arith.constant 0 : i32
    %c0_i32_1 = arith.constant 0 : i32
    %c0_i32_2 = arith.constant 0 : i32
    return %c0_i32, %c0_i32_0, %c0_i32_1 : i32, i32, i32
  }
  func.func @transform_9(%arg0: i32) -> (i32, i32) {
    %c0_i32 = arith.constant 0 : i32
    %c0_i32_0 = arith.constant 0 : i32
    %c0_i32_1 = arith.constant 0 : i32
    return %c0_i32, %c0_i32_0 : i32, i32
  }
  func.func @transform_10(%arg0: i32) -> (i32, i32) {
    %c0_i32 = arith.constant 0 : i32
    %c0_i32_0 = arith.constant 0 : i32
    %c0_i32_1 = arith.constant 0 : i32
    return %c0_i32, %c0_i32_0 : i32, i32
  }
  func.func @transform_11(%arg0: i32) -> (i32, i32) {
    %c0_i32 = arith.constant 0 : i32
    %c0_i32_0 = arith.constant 0 : i32
    %c0_i32_1 = arith.constant 0 : i32
    return %c0_i32, %c0_i32_0 : i32, i32
  }
}

</mosaic_0001>

<sc_bundles>
// kernel: kernel.11.cloned.1.call-start
scs
__scs_entry_jumppad:
0x0: {  	(pc) =	sbr.rel $0x88, $3  }
0x1: {  	(tag) =	ssettag $0x0;
	lr =	simm.s32 $0x1  }
0x2: {  	[smem:$0x3F91] =	sst lr;
	_ =	strace $0xD0000000  }
0x3: {  	_ = 	snop  }
0x4: {  	_ = 	snop  }
0x5: {  	_ = 	snop  }
0x6: {  	_ = 	snop  }
0x7: {  	_ = 	snop  }
__scs_overlays_trampoline_lowered:
0x8: {  	[smem:$0x3FA0] =	sst s0  }
0x9: {  	[smem:$0x3FA1] =	sst s1  }
0xa: {  	[smem:$0x3FA2] =	sst s2  }
0xb: {  	[smem:$0x3FA3] =	sst s3  }
0xc: {  	[smem:$0x3FA4] =	sst s4  }
0xd: {  	[smem:$0x3FA5] =	sst s5  }
0xe: {  	[smem:$0x3FA6] =	sst s6  }
0xf: {  	[smem:$0x3FA7] =	sst s7  }
0x10: {  	[smem:$0x3FA8] =	sst s8  }
0x11: {  	[smem:$0x3FA9] =	sst s9;
	s0 =	simm.s32 @!p0 $0x0  }
0x12: {  	s1 =	sld [smem:$0x3F8F];
	s0 =	simm.s32 @p0 $0x1  }
0x13: {  	[smem:$0x3FAA] =	sst s0;
	s0 =	simm.s32 @!p1 $0x0  }
0x14: {  	s2 =	sld [smem:$0x3F8E];
	s0 =	simm.s32 @p1 $0x1  }
0x15: {  	[smem:$0x3FAB] =	sst s0;
	s0 =	simm.s32 @!p2 $0x0  }
0x16: {  	s3 =	sld [smem:$0x3FDB];
	s0 =	simm.s32 @p2 $0x1  }
0x17: {  	s4 =	simm.s32 $0x1BF5;
	[smem:$0x3FAD] =	sst s0  }
0x18: {  	s0 =	sld [smem:$0x3F90];
	_ =	swait.ge [sflag:s4], $0x0  }
0x19: {  	s7 =	sld [smem:$0x3F91]  }
0x1a: {  	s8 =	sadd.s32 $0xFFFFE003, lr  }
0x1b: {  	s9 =	sadd.s32 $0xFFFFFEF7, lr;
	s5 =	simm.s32 $0xFFFFFFFF;
	p2 =	slt.u32 s8, $0xFFFFF086  }
0x1c: {  	p1 =	slt.u32 s9, $0xF7A;
	s5 =	simm.s32 @!p2 $0x0  }
0x1d: {  	s5 =	simm.s32 @p1 $0x1;
	p0 =	seq.s32 s7, s2  }
0x1e: {  	s7 =	smul.u32 @!p0 $0xF7A, s2;
	p2 =	seq.s32 @!p0 s5, $0x0  }
0x1f: {  	s9 =	smul.u32 $0xF7A, s1;
	s8 =	simm.s32 @!p0 $0x1BF5;
	p2 =	por !p2, p0  }
0x20: {  	[sflag:s8] =	ssyncset.s32 @!p0 $0xFFFFF086;
	s6 =	sadd.s32 @!p0 s3, s7;
	s7 =	simm.s32 @!p0 $0x108  }
0x21: {  	s3 =	sadd.s32 s3, s9;
	s6 =	sadd.s32 @!p0 $0x88, s6;
	s7 =	simm.s32 @p2 $0x1082  }
0x22: {  	[simem:s7], [sflag:s8] =	dma.local @!p0 [hbm:s6], $0xF7A  }
0x23: {  	s9 =	sor.u32 $0xD0000000, s2;
	s6 =	simm.s32 $0x108;
	_ =	swait.ge @!p0 [sflag:s8], $0x0  }
0x24: {  	s3 =	sadd.s32 $0x88, s3;
	s6 =	simm.s32 @!p1 $0x1082;
	[sflag:s4] =	ssyncset.s32 $0xFFFFF086  }
0x25: {  	[simem:s6], [sflag:s4] =	dma.local [hbm:s3], $0xF7A  }
0x26: {  	[smem:$0x3F91] =	sst s1;
	(tag) =	ssettag s2;
	_ =	strace s9  }
0x27: {  	s1 =	sld [smem:$0x3FA1]  }
0x28: {  	s2 =	sld [smem:$0x3FA2]  }
0x29: {  	s4 =	sld [smem:$0x3FA4]  }
0x2a: {  	p0 =	seq.s32 s5, $0x0;
	s5 =	sld [smem:$0x3FA5]  }
0x2b: {  	s6 =	sld [smem:$0x3FA6]  }
0x2c: {  	s7 =	sld [smem:$0x3FA7]  }
0x2d: {  	s3 =	simm.s32 $0x108;
	s8 =	sld [smem:$0x3FA8]  }
0x2e: {  	s3 =	simm.s32 @!p0 $0x1082;
	s9 =	sld [smem:$0x3FA9]  }
0x2f: {  	lr =	sadd.s32 s0, s3;
	s0 =	sld [smem:$0x3FA0]  }
0x30: {  	s3 =	sld [smem:$0x3FA3]  }
0x31: {  	[smem:$0x3FAC] =	sst s10  }
0x32: {  	s10 =	sld [smem:$0x3FAA];
	_ =	sdelay $0x3  }
0x33: {  	p0 =	seq.s32 s10, $0x1;
	s10 =	sld [smem:$0x3FAC];
	_ =	sdelay $0x3  }
0x34: {  	[smem:$0x3FAC] =	sst s10  }
0x35: {  	s10 =	sld [smem:$0x3FAB];
	_ =	sdelay $0x3  }
0x36: {  	p1 =	seq.s32 s10, $0x1;
	s10 =	sld [smem:$0x3FAC];
	_ =	sdelay $0x3  }
0x37: {  	[smem:$0x3FAC] =	sst s10  }
0x38: {  	s10 =	sld [smem:$0x3FAD]  }
0x39: {  	_ = 	snop;
	(pc) =	sbr.ind lr, $3  }
0x3a: {  	_ = 	snop  }
0x3b: {  	_ = 	snop  }
0x3c: {  	p2 =	seq.s32 s10, $0x1;
	s10 =	sld [smem:$0x3FAC]  }
0x3d: {  	_ =	shalt  }
0x3e: {  	_ =	shalt  }
0x3f: {  	_ =	shalt  }
0x40: {  	_ =	shalt  }
0x41: {  	_ =	shalt  }
0x42: {  	_ =	shalt  }
0x43: {  	_ =	shalt  }
0x44: {  	_ =	shalt  }
0x45: {  	_ =	shalt  }
0x46: {  	_ =	shalt  }
0x47: {  	_ =	shalt  }
0x48: {  	_ =	shalt  }
0x49: {  	_ =	shalt  }
0x4a: {  	_ =	shalt  }
0x4b: {  	_ =	shalt  }
0x4c: {  	_ =	shalt  }
0x4d: {  	_ =	shalt  }
0x4e: {  	_ =	shalt  }
0x4f: {  	_ =	shalt  }
0x50: {  	_ =	shalt  }
0x51: {  	_ =	shalt  }
0x52: {  	_ =	shalt  }
0x53: {  	_ =	shalt  }
0x54: {  	_ =	shalt  }
0x55: {  	_ =	shalt  }
0x56: {  	_ =	shalt  }
0x57: {  	_ =	shalt  }
0x58: {  	_ =	shalt  }
0x59: {  	_ =	shalt  }
0x5a: {  	_ =	shalt  }
0x5b: {  	_ =	shalt  }
0x5c: {  	_ =	shalt  }
0x5d: {  	_ =	shalt  }
0x5e: {  	_ =	shalt  }
0x5f: {  	_ =	shalt  }
0x60: {  	_ =	shalt  }
0x61: {  	_ =	shalt  }
0x62: {  	_ =	shalt  }
0x63: {  	_ =	shalt  }
0x64: {  	_ =	shalt  }
0x65: {  	_ =	shalt  }
0x66: {  	_ =	shalt  }
0x67: {  	_ =	shalt  }
0x68: {  	_ =	shalt  }
0x69: {  	_ =	shalt  }
0x6a: {  	_ =	shalt  }
0x6b: {  	_ =	shalt  }
0x6c: {  	_ =	shalt  }
0x6d: {  	_ =	shalt  }
0x6e: {  	_ =	shalt  }
0x6f: {  	_ =	shalt  }
0x70: {  	_ =	shalt  }
0x71: {  	_ =	shalt  }
0x72: {  	_ =	shalt  }
0x73: {  	_ =	shalt  }
0x74: {  	_ =	shalt  }
0x75: {  	_ =	shalt  }
0x76: {  	_ =	shalt  }
0x77: {  	_ =	shalt  }
0x78: {  	_ =	shalt  }
0x79: {  	_ =	shalt  }
0x7a: {  	_ =	shalt  }
0x7b: {  	_ =	shalt  }
0x7c: {  	_ =	shalt  }
0x7d: {  	_ =	shalt  }
0x7e: {  	_ =	shalt  }
0x7f: {  	_ =	shalt  }
0x80: {  	_ =	shalt  }
0x81: {  	_ =	shalt  }
0x82: {  	_ =	shalt  }
0x83: {  	_ =	shalt  }
0x84: {  	_ =	shalt  }
0x85: {  	_ =	shalt  }
0x86: {  	_ =	shalt  }
0x87: {  	_ =	shalt  }
.Lfunc_end0:
.L_simem_size_0:
called_computation_lowered:
.L_overlay_start_0:
0x88: {  	s2 =	sld [smem:$0x3FD9]  }
0x89: {  	s3 =	sld [smem:$0x3FFE];
	_ =	sdelay $0x1  }
0x8a: {  	s1 =	srdreg.scid  }
0x8b: {  	s0 =	sand.u32 $0x1, s1  }
0x8c: {  	s16 =	sshll.u32 s0, $0xA;
	s2 =	sadd.s32 s3, s2  }
0x8d: {  	s2 =	sadd.s32 s2, s16  }
0x8e: {  	[smem:$0x3FB8] =	sst s2  }
0x8f: {  	_ = 	snop  }
0x90: {  	(tm) =	ssettm $0x1  }
0x91: {  	s17 =	sld [smem:$0x3FFB];
	_ =	sdelay $0x3  }
0x92: {  	_ =	strace s17  }
0x93: {  	s2 =	sld [smem:$0x3FFC];
	_ =	sdelay $0x3  }
0x94: {  	_ =	strace s2  }
0x95: {  	s2 =	sld [smem:$0x3FFD];
	_ =	sdelay $0x3  }
0x96: {  	_ =	strace s2  }
0x97: {  	_ =	strace $0x8FFFFFFF  }
0x98: {  	s18 =	sld [smem:$0x3FDB];
	_ =	sdelay $0x1  }
0x99: {  	s19 =	simm.s32 $_scs_section_size  }
0x9a: {  	s4 =	simm.s32 $_size__tile_overlayer_lowered;
	s5 =	simm.s32 $_tile_overlayer_lowered  }
0x9b: {  	s22 =	simm.s32 $0x1BFF;
	s21 =	sshll.u32 s5, $0x1;
	s2 =	sadd.s32 s19, s18  }
0x9c: {  	s6 =	simm.s32 $0x0;
	s20 =	sshll.u32 s4, $0x1;
	s4 =	sadd.s32 s21, s2  }
0x9d: {  	[timem:s6], [sflag:s22] =	dma.local [hbm:s4], s20  }
0x9e: {  	_ =	swait.ge [sflag:s22], s20  }
0x9f: {  	s3 =	ssub.s32 $0x0, s20;
	[sflag:s22] =	ssyncset.done $0x0  }
0xa0: {  	[sflag:s22] =	ssyncadd.s32 s3;
	_ =	sdelay $0x1  }
0xa1: {  	s23 =	simm.s32 $0x1B8B  }
0xa2: {  	_ =	swait.ge [sflag:s23], $0x1  }
0xa3: {  	[sflag:s23] =	ssyncset.done $0x0  }
0xa4: {  	s25 =	simm.s32 $0x1B8E;
	s24 =	sld [smem:$0x3FFE];
	[sflag:s23] =	ssyncadd.s32 $0xFFFFFFFF  }
0xa5: {  	s26 =	simm.s32 $execute0_lowered;
	[smem:$0x3FD2] =	sst s25  }
0xa6: {  	s4 =	sshll.u32 s26, $0x1;
	_ =	strace $0x80000046;
	[dreg:$0x1] =	wrdreg $0xFFFFFFFF  }
0xa7: {  	s28 =	simm.s32 $_size_execute0_lowered;
	s2 =	sadd.s32 s2, s4;
	[dreg:$0x0] =	wrdreg $0x0  }
0xa8: {  	s4 =	sshll.u32 s28, $0x1;
	[dreg:$0x2] =	wrdreg s2  }
0xa9: {  	[dreg:$0x3] =	wrdreg s4  }
0xaa: {  	[dreg:$0x4] =	wrdreg $0xC0  }
0xab: {  	_ =	task [dreg:s6], $0x5FFFF  }
0xac: {  	[dreg:$0x1] =	wrdreg $0xFFFFFFFF  }
0xad: {  	[dreg:$0x0] =	wrdreg $0x60  }
0xae: {  	[dreg:$0x2] =	wrdreg s24  }
0xaf: {  	[dreg:$0x3] =	wrdreg $0x7A000  }
0xb0: {  	[dreg:$0x4] =	wrdreg $0x9  }
0xb1: {  	_ =	task.clear_ibuf [dreg:s6], $0x5FFFF;
	_ =	strace $0x90000046  }
0xb2: {  	s29 =	simm.s32 $0x9;
	_ =	strace $0x80000048  }
0xb3: {  	_ =	swait.ge [sflag:s29], $0x1  }
0xb4: {  	[sflag:s29] =	ssyncadd.s32 $0xFFFFFFFF  }
0xb5: {  	_ =	strace $0x90000048  }
0xb6: {  	_ =	sfence  }
0xb7: {  	s30 =	sld [smem:$0x0];
	_ =	sdelay $0x2  }
0xb8: {  	s31 =	sshll.u32 s1, $0xD;
	s1 =	sshrl.u32 s1, $0x2  }
0xb9: {  	s3 =	sand.u32 $0x4000, s31;
	s1 =	sadd.s32 s1, s30  }
0xba: {  	s0 =	sor.u32 s3, s0;
	s1 =	sshll.u32 s1, $0x11  }
0xbb: {  	s0 =	sor.u32 s1, s0  }
0xbc: {  	s0 =	sadd.s32 $0x8F2B, s0  }
0xbd: {  	[sflag:s0] =	ssyncadd.remote.s32 $0x1  }
0xbe: {  	_ =	sfence.sel $0xFFFF  }
0xbf: {  	[dreg:$0x0] =	wrdreg $0xFFFFFFFF;
	(pc) =	sbr.abs _section_cstart, $3  }
0xc0: {  	[dreg:$0x1] =	wrdreg $0xFFFFFFFF  }
0xc1: {  	_ =	task.clear_ibuf [dreg:s6], $0x2FFFF;
	_ =	strace $0x9FFFFFFF  }
0xc2: {  	(tm) =	ssettm $0x7FFFFFFF  }
0xc3: {  	_ =	shalt  }
tec
execute0_lowered:
.L_overlay_start_1:
0x0: {  	(tag) =	ssettag $0x1  }
0x1: {  	s0 =	rddreg [dreg:$0x0]  }
0x2: {  	s29 =	rddreg [dreg:$0x1];
	s3 =	simm.s32 $0x0;
	s1 =	srdreg.scid  }
0x3: {  	s12 =	stileid.u32;
	s15 =	simm.s32 $0x9;
	s16 =	simm.s32 $0x5200  }
0x4: {  	s17 =	simm.s32 $0x80;
	s18 =	simm.s32 $0x100;
	s19 =	simm.s32 $0x180  }
0x5: {  	s20 =	simm.s32 $0x5;
	s21 =	simm.s32 $0x6;
	s22 =	simm.s32 $0x28  }
0x6: {  	s30 =	simm.s32 $0x1;
	s31 =	simm.s32 $0x2;
	[smem:$0x7FF] =	sst s3  }
0x7: {  	s1 =	sand.u32 $0x1, s1;
	s2 =	smul.u32 $0x2800, s12;
	s6 =	sadd.s32 $0x102A00, s0  }
0x8: {  	s4 =	sadd.s32 $0xE600, s0;
	s13 =	sadd.s32 $0x177E00, s0;
	s11 =	smul.u32 $0x50000, s12  }
0x9: {  	s5 =	sadd.s32 $0x4800, s0;
	s8 =	sadd.s32 $0x1EFE00, s0;
	s26 =	smul.u32 $0x2710, s12  }
0xa: {  	s25 =	sshll.u32 s12, $0x6;
	_ =	strace $0x80000047;
	s7 =	smul.u32 $0x28000, s1  }
0xb: {  	s9 =	ssub.s32 $0x2, s1;
	s1 =	smul.u32 $0x27100, s1;
	[dreg:$0x3] =	wrdreg s13  }
0xc: {  	s10 =	sshrl.u32 s9, $0x1;
	s24 =	sshrl.u32 s11, $0x2;
	s11 =	simm.s32 $0x0  }
0xd: {  	s7 =	sadd.s32 s2, s7;
	s23 =	ssub.s32 s9, s10;
	s2 =	sadd.s32 s13, s2  }
0xe: {  	s9 =	sadd.s32 s24, s29;
	s1 =	sadd.s32 s26, s1;
	[dreg:$0x4] =	wrdreg s2  }
0xf: {  	s10 =	sor.u32 $0x1C09, s25;
	s25 =	simm.s32 $0x7;
	[dreg:$0x6] =	wrdreg s1  }
0x10: {  	s7 =	sadd.s32 s7, s0;
	s0 =	smax.u32 s23, $0x1;
	[dreg:$0x5] =	wrdreg s10  }
0x11: {  	s26 =	simm.s32 $0x8;
	s28 =	sadd.s32 $0x19FE00, s7;
	[dreg:$0x8] =	wrdreg s0  }
0x12: {  	s1 =	simm.s32 $0x3;
	s7 =	sshrl.u32 s9, $0x3;
	[dreg:$0x7] =	wrdreg s28  }
0x13: {  	s0 =	simm.s32 $0x6600;
	s9 =	simm.s32 $0x4;
	[dreg:$0x9] =	wrdreg s7  }
.LBB2_1:
0x14: {  	[dreg:$0xa] =	wrdreg s11  }
0x15: {  	s2 =	rddreg [dreg:$0x4]  }
0x16: {  	[spmem:s7], [sflag:s10] =	dma.local [hbm:s2], $0x2800  }
0x17: {  	_ =	swait.ge [sflag:s15], $0x2800  }
0x18: {  	[sflag:s15] =	ssyncset.done $0x0  }
0x19: {  	s28 =	rddreg [dreg:$0x3];
	[sflag:s15] =	ssyncadd.s32 $0xFFFFD800  }
0x1a: {  	[tilespmem:s16], [sflag:$0x9] =	stream.linear.gather [hbm4b:s28+s3], $0x1400, $0x38;
	[tilespmem:$0x1BA00] =	vst v63  }
0x1b: {  	_ =	swait.ge [sflag:s15], $0x1400  }
0x1c: {  	[sflag:s15] =	ssyncset.done $0x0  }
0x1d: {  	[sflag:s15] =	ssyncadd.s32 $0xFFFFEC00  }
0x1e: {  	s7 =	simm.s32 $0x0;
	[bflag:$0x0] =	sbarrier.arrive $0xFFFF  }
.LBB2_2:
0x1f: {  	s2 =	smul.u32 $0x50, s7  }
0x20: {  	s10 =	rddreg [dreg:$0x6]  }
0x21: {  	s10 =	sadd.s32 s2, s10  }
0x22: {  	s2 =	sshrl.u32 s10, $0x3  }
0x23: {  	s13 =	sadd.s32 $0x28, s10;
	s12 =	sadd.s32 s4, s2  }
0x24: {  	[tilespmem:s3], [sflag:$0x5] =	stream.linear.gather [hbm4b:s12+s3], $0x28, $0x38;
	[tilespmem:$0x1BA00] =	vst v63  }
0x25: {  	s2 =	sadd.s32 s5, s2;
	s14 =	sshrl.u32 s13, $0x3  }
0x26: {  	[tilespmem:s17], [sflag:$0x6] =	stream.linear.gather [hbm4b:s2+s3], $0x28, $0x38;
	[tilespmem:$0x1BA00] =	vst v63  }
0x27: {  	s23 =	sadd.s32 s4, s14  }
0x28: {  	[tilespmem:s18], [sflag:$0x7] =	stream.linear.gather [hbm4b:s23+s3], $0x28, $0x38;
	[tilespmem:$0x1BA00] =	vst v63  }
0x29: {  	s2 =	sadd.s32 s5, s14  }
0x2a: {  	[tilespmem:s19], [sflag:$0x8] =	stream.linear.gather [hbm4b:s2+s3], $0x28, $0x38;
	[tilespmem:$0x1BA00] =	vst v63  }
0x2b: {  	_ =	swait.ge [sflag:s20], $0x28  }
0x2c: {  	[sflag:s20] =	ssyncset.done $0x0  }
0x2d: {  	[sflag:s20] =	ssyncadd.s32 $0xFFFFFFD8  }
0x2e: {  	_ =	swait.ge [sflag:s21], $0x28  }
0x2f: {  	[sflag:s21] =	ssyncset.done $0x0  }
0x30: {  	s24 =	simm.s32 $0x200;
	[sflag:s21] =	ssyncadd.s32 $0xFFFFFFD8  }
0x31: {  	[tilespmem:s24], [sflag:$0x1] =	stream.indirect.gather [hbm4b:s6+s22], $0x80, s3, s22, $0xb8;
	[tilespmem:$0x1BA00] =	vst v63  }
0x32: {  	s12 =	simm.s32 $0x1600  }
0x33: {  	[tilespmem:s12], [sflag:$0x2] =	stream.indirect.gather [hbm4b:s6+s22], $0x80, s17, s22, $0xb8;
	[tilespmem:$0x1BA00] =	vst v63  }
0x34: {  	_ =	swait.ge [sflag:s25], $0x28  }
0x35: {  	[sflag:s25] =	ssyncset.done $0x0  }
0x36: {  	[sflag:s25] =	ssyncadd.s32 $0xFFFFFFD8  }
0x37: {  	_ =	swait.ge [sflag:s26], $0x28  }
0x38: {  	[sflag:s26] =	ssyncset.done $0x0  }
0x39: {  	s14 =	simm.s32 $0x2A00;
	[sflag:s26] =	ssyncadd.s32 $0xFFFFFFD8  }
0x3a: {  	[tilespmem:s14], [sflag:$0x3] =	stream.indirect.gather [hbm4b:s6+s22], $0x80, s18, s22, $0xb8;
	[tilespmem:$0x1BA00] =	vst v63  }
0x3b: {  	s23 =	simm.s32 $0x3E00  }
0x3c: {  	[tilespmem:s23], [sflag:$0x4] =	stream.indirect.gather [hbm4b:s6+s22], $0x80, s19, s22, $0xb8;
	[tilespmem:$0x1BA00] =	vst v63  }
0x3d: {  	_ =	swait.ge [sflag:s30], $0x1400  }
0x3e: {  	[sflag:s30] =	ssyncset.done $0x0  }
0x3f: {  	[sflag:s30] =	ssyncadd.s32 $0xFFFFEC00  }
0x40: {  	_ =	swait.ge [sflag:s31], $0x1400  }
0x41: {  	[sflag:s31] =	ssyncset.done $0x0  }
0x42: {  	s24 =	simm.s32 $0x300;
	[sflag:s31] =	ssyncadd.s32 $0xFFFFEC00  }
0x43: {  	s14 =	simm.s32 $0x1710;
	v0 =	vld [tilespmem:s24+$0xFFFFFF00]  }
0x44: {  	v1 =	vld [tilespmem:s14+$0xFFFFFF00];
	_ =	sdelay $0x4  }
0x45: {  	v0 =	vadd.f32 v1, v0;
	_ =	sdelay $0x1  }
0x46: {  	v1 =	vmul.f32 $2.000000030e-01, v0  }
0x47: {  	vm0 =	vgt.f32 v0, $0.0e+00  }
0x48: {  	v0 =	vsel vm0, v0, v1  }
0x49: {  	v0 =	vmul.f32 $1.442695020e+00, v0;
	_ =	sdelay $0x1  }
0x4a: {  	(erf) = vpow2.f32 v0;
	_ =	sdelay $0x8  }
0x4b: {  	s23 =	simm.s32 $0x5300;
	v0 =	vpop (erf)  }
0x4c: {  	s12 =	simm.s32 $0x6700;
	[tilespmem:s23+$0xFFFFFF00] =	vst v0  }
0x4d: {  	[tilespmem:s12+$0xFFFFFF00] =	vst v0  }
0x4e: {  	v0 =	vld [tilespmem:s14+$0xFFFFFF80]  }
0x4f: {  	v61 =	vld [tilespmem:s24+$0xFFFFFF80];
	_ =	sdelay $0x4  }
0x50: {  	v0 =	vadd.f32 v0, v61;
	_ =	sdelay $0x1  }
0x51: {  	v1 =	vmul.f32 $2.000000030e-01, v0  }
0x52: {  	vm13 =	vgt.f32 v0, $0.0e+00  }
0x53: {  	v0 =	vsel vm13, v0, v1  }
0x54: {  	v0 =	vmul.f32 $1.442695020e+00, v0;
	_ =	sdelay $0x1  }
0x55: {  	(erf) = vpow2.f32 v0;
	_ =	sdelay $0x8  }
0x56: {  	v0 =	vpop (erf)  }
0x57: {  	[tilespmem:s23+$0xFFFFFF80] =	vst v0  }
0x58: {  	[tilespmem:s12+$0xFFFFFF80] =	vst v0  }
0x59: {  	v0 =	vld [tilespmem:s24+$0x0]  }
0x5a: {  	v62 =	vld [tilespmem:s14+$0x0];
	_ =	sdelay $0x4  }
0x5b: {  	v0 =	vadd.f32 v62, v0;
	_ =	sdelay $0x1  }
0x5c: {  	v1 =	vmul.f32 $2.000000030e-01, v0  }
0x5d: {  	vm14 =	vgt.f32 v0, $0.0e+00  }
0x5e: {  	v0 =	vsel vm14, v0, v1  }
0x5f: {  	v0 =	vmul.f32 $1.442695020e+00, v0;
	_ =	sdelay $0x1  }
0x60: {  	(erf) = vpow2.f32 v0;
	_ =	sdelay $0x8  }
0x61: {  	v0 =	vpop (erf)  }
0x62: {  	[tilespmem:s23+$0x0] =	vst v0  }
0x63: {  	[tilespmem:s12+$0x0] =	vst v0  }
0x64: {  	v0 =	vld [tilespmem:s24+$0x80]  }
0x65: {  	v63 =	vld [tilespmem:s14+$0x80];
	_ =	sdelay $0x4  }
0x66: {  	v0 =	vadd.f32 v63, v0;
	_ =	sdelay $0x1  }
0x67: {  	v1 =	vmul.f32 $2.000000030e-01, v0  }
0x68: {  	vm15 =	vgt.f32 v0, $0.0e+00  }
0x69: {  	v0 =	vsel vm15, v0, v1  }
0x6a: {  	v0 =	vmul.f32 $1.442695020e+00, v0;
	_ =	sdelay $0x1  }
0x6b: {  	(erf) = vpow2.f32 v0;
	_ =	sdelay $0x5  }
0x6c: {  	s11 =	smov.u32 s29;
	s28 =	simm.s32 $0x500  }
0x6d: {  	s29 =	simm.s32 $0x5300;
	s2 =	simm.s32 $0x6900;
	s24 =	simm.s32 $0x0  }
.LBB2_3:
0x6e: {  	s24 =	sadd.s32 $0x4, s24;
	s14 =	sadd.s32 $0x200, s14;
	s23 =	sadd.s32 $0x200, s23  }
0x6f: {  	p0 =	slt.u32 s24, $0x24;
	v0 =	vpop (erf)  }
0x70: {  	[tilespmem:s29+$0x80] =	vst v0;
	s29 =	smov.u32 s23  }
0x71: {  	[tilespmem:s12+$0x80] =	vst v0;
	s12 =	smov.u32 s2  }
0x72: {  	v0 =	vld [tilespmem:s28+$0xFFFFFF00]  }
0x73: {  	v1 =	vld [tilespmem:s14+$0xFFFFFF00];
	_ =	sdelay $0x4  }
0x74: {  	v0 =	vadd.f32 v1, v0;
	_ =	sdelay $0x1  }
0x75: {  	v1 =	vmul.f32 $2.000000030e-01, v0  }
0x76: {  	vm0 =	vgt.f32 v0, $0.0e+00  }
0x77: {  	v0 =	vsel vm0, v0, v1  }
0x78: {  	v0 =	vmul.f32 $1.442695020e+00, v0;
	_ =	sdelay $0x1  }
0x79: {  	(erf) = vpow2.f32 v0;
	_ =	sdelay $0x8  }
0x7a: {  	v0 =	vpop (erf)  }
0x7b: {  	[tilespmem:s23+$0xFFFFFF00] =	vst v0  }
0x7c: {  	[tilespmem:s2+$0xFFFFFF00] =	vst v0  }
0x7d: {  	v0 =	vld [tilespmem:s14+$0xFFFFFF80]  }
0x7e: {  	v1 =	vld [tilespmem:s28+$0xFFFFFF80];
	_ =	sdelay $0x4  }
0x7f: {  	v0 =	vadd.f32 v0, v1;
	_ =	sdelay $0x1  }
0x80: {  	vm0 =	vgt.f32 v0, $0.0e+00;
	v1 =	vmul.f32 $2.000000030e-01, v0;
	_ =	sdelay $0x1  }
0x81: {  	v0 =	vsel vm0, v0, v1  }
0x82: {  	v0 =	vmul.f32 $1.442695020e+00, v0;
	_ =	sdelay $0x1  }
0x83: {  	(erf) = vpow2.f32 v0;
	_ =	sdelay $0x8  }
0x84: {  	v0 =	vpop (erf)  }
0x85: {  	[tilespmem:s23+$0xFFFFFF80] =	vst v0  }
0x86: {  	[tilespmem:s2+$0xFFFFFF80] =	vst v0  }
0x87: {  	v0 =	vld [tilespmem:s28+$0x0]  }
0x88: {  	v1 =	vld [tilespmem:s14+$0x0];
	_ =	sdelay $0x4  }
0x89: {  	v0 =	vadd.f32 v1, v0;
	_ =	sdelay $0x1  }
0x8a: {  	vm0 =	vgt.f32 v0, $0.0e+00;
	v1 =	vmul.f32 $2.000000030e-01, v0;
	_ =	sdelay $0x1  }
0x8b: {  	v0 =	vsel vm0, v0, v1  }
0x8c: {  	v0 =	vmul.f32 $1.442695020e+00, v0;
	_ =	sdelay $0x1  }
0x8d: {  	(erf) = vpow2.f32 v0;
	_ =	sdelay $0x8  }
0x8e: {  	v0 =	vpop (erf)  }
0x8f: {  	[tilespmem:s23+$0x0] =	vst v0  }
0x90: {  	[tilespmem:s2+$0x0] =	vst v0  }
0x91: {  	v0 =	vld [tilespmem:s28+$0x80]  }
0x92: {  	v1 =	vld [tilespmem:s14+$0x80];
	_ =	sdelay $0x4  }
0x93: {  	v0 =	vadd.f32 v1, v0;
	_ =	sdelay $0x1  }
0x94: {  	vm0 =	vgt.f32 v0, $0.0e+00;
	v1 =	vmul.f32 $2.000000030e-01, v0;
	_ =	sdelay $0x1  }
0x95: {  	v0 =	vsel vm0, v0, v1  }
0x96: {  	v0 =	vmul.f32 $1.442695020e+00, v0;
	_ =	sdelay $0x1  }
0x97: {  	(erf) = vpow2.f32 v0;
	_ =	sdelay $0x2  }
.Ltmp0:
0x98: {  	(pc) =	sbr.rel @p0 .LBB2_3-.Ltmp0, $2  }
0x99: {  	_ =	sdelay $0x2  }
0x9a: {  	s2 =	sadd.s32 $0x200, s2;
	s28 =	sadd.s32 $0x200, s28  }
0x9b: {  	_ = 	snop  }
0x9c: {  	v0 =	vpop (erf)  }
0x9d: {  	s2 =	sshll.u32 s10, $0x4;
	[tilespmem:s29+$0x80] =	vst v0  }
0x9e: {  	s2 =	sadd.s32 s8, s2;
	[tilespmem:s12+$0x80] =	vst v0  }
0x9f: {  	[hbm4b:s2+s3] =	stream.linear.scatter [tilespmem:s0], [sflag:$0x9], $0x1400, $0x38;
	[tilespmem:$0x1BA00] =	vst v63  }
0xa0: {  	_ =	swait.ge [sflag:s15], $0x1400  }
0xa1: {  	[sflag:s15] =	ssyncset.done $0x0  }
0xa2: {  	[sflag:s15] =	ssyncadd.s32 $0xFFFFEC00  }
0xa3: {  	[spmem:s11] =	stream.indirect.scatter.add.f32 [tilespmem:s16], [sflag:$0x9], $0x80, s17, s22, $0xb8;
	[tilespmem:$0x1BA00] =	vst v63  }
0xa4: {  	_ =	swait.ge [sflag:s15], $0x1400  }
0xa5: {  	[sflag:s15] =	ssyncset.done $0x0  }
0xa6: {  	[sflag:s15] =	ssyncadd.s32 $0xFFFFEC00  }
0xa7: {  	_ =	swait.ge [sflag:s1], $0x1400  }
0xa8: {  	[sflag:s1] =	ssyncset.done $0x0  }
0xa9: {  	[sflag:s1] =	ssyncadd.s32 $0xFFFFEC00  }
0xaa: {  	_ =	swait.ge [sflag:s9], $0x1400  }
0xab: {  	[sflag:s9] =	ssyncset.done $0x0  }
0xac: {  	s24 =	simm.s32 $0x2B00;
	[sflag:s9] =	ssyncadd.s32 $0xFFFFEC00  }
0xad: {  	s10 =	simm.s32 $0x3F10;
	v60 =	vld [tilespmem:s24+$0xFFFFFF00]  }
0xae: {  	v1 =	vld [tilespmem:s10+$0xFFFFFF00];
	_ =	sdelay $0x4  }
0xaf: {  	v0 =	vadd.f32 v1, v60;
	_ =	sdelay $0x1  }
0xb0: {  	v1 =	vmul.f32 $2.000000030e-01, v0  }
0xb1: {  	vm0 =	vgt.f32 v0, $0.0e+00  }
0xb2: {  	v0 =	vsel vm0, v0, v1  }
0xb3: {  	v0 =	vmul.f32 $1.442695020e+00, v0;
	_ =	sdelay $0x1  }
0xb4: {  	(erf) = vpow2.f32 v0;
	_ =	sdelay $0x8  }
0xb5: {  	s14 =	simm.s32 $0x5300;
	v0 =	vpop (erf)  }
0xb6: {  	s12 =	simm.s32 $0x6700;
	[tilespmem:s14+$0xFFFFFF00] =	vst v0  }
0xb7: {  	[tilespmem:s12+$0xFFFFFF00] =	vst v0  }
0xb8: {  	v0 =	vld [tilespmem:s10+$0xFFFFFF80]  }
0xb9: {  	v61 =	vld [tilespmem:s24+$0xFFFFFF80];
	_ =	sdelay $0x4  }
0xba: {  	v0 =	vadd.f32 v0, v61;
	_ =	sdelay $0x1  }
0xbb: {  	v1 =	vmul.f32 $2.000000030e-01, v0  }
0xbc: {  	vm13 =	vgt.f32 v0, $0.0e+00  }
0xbd: {  	v0 =	vsel vm13, v0, v1  }
0xbe: {  	v0 =	vmul.f32 $1.442695020e+00, v0;
	_ =	sdelay $0x1  }
0xbf: {  	(erf) = vpow2.f32 v0;
	_ =	sdelay $0x8  }
0xc0: {  	v0 =	vpop (erf)  }
0xc1: {  	[tilespmem:s14+$0xFFFFFF80] =	vst v0  }
0xc2: {  	[tilespmem:s12+$0xFFFFFF80] =	vst v0  }
0xc3: {  	v0 =	vld [tilespmem:s24+$0x0]  }
0xc4: {  	v62 =	vld [tilespmem:s10+$0x0];
	_ =	sdelay $0x4  }
0xc5: {  	v0 =	vadd.f32 v62, v0;
	_ =	sdelay $0x1  }
0xc6: {  	v1 =	vmul.f32 $2.000000030e-01, v0  }
0xc7: {  	vm14 =	vgt.f32 v0, $0.0e+00  }
0xc8: {  	v0 =	vsel vm14, v0, v1  }
0xc9: {  	v0 =	vmul.f32 $1.442695020e+00, v0;
	_ =	sdelay $0x1  }
0xca: {  	(erf) = vpow2.f32 v0;
	_ =	sdelay $0x8  }
0xcb: {  	v0 =	vpop (erf)  }
0xcc: {  	[tilespmem:s14+$0x0] =	vst v0  }
0xcd: {  	[tilespmem:s12+$0x0] =	vst v0  }
0xce: {  	v0 =	vld [tilespmem:s24+$0x80]  }
0xcf: {  	v63 =	vld [tilespmem:s10+$0x80];
	_ =	sdelay $0x4  }
0xd0: {  	v0 =	vadd.f32 v63, v0;
	_ =	sdelay $0x1  }
0xd1: {  	v1 =	vmul.f32 $2.000000030e-01, v0  }
0xd2: {  	vm15 =	vgt.f32 v0, $0.0e+00  }
0xd3: {  	v0 =	vsel vm15, v0, v1  }
0xd4: {  	v0 =	vmul.f32 $1.442695020e+00, v0;
	_ =	sdelay $0x1  }
0xd5: {  	(erf) = vpow2.f32 v0;
	_ =	sdelay $0x5  }
0xd6: {  	s23 =	simm.s32 $0x0;
	s28 =	simm.s32 $0x5300  }
0xd7: {  	s29 =	smov.u32 s11;
	s2 =	simm.s32 $0x6900;
	s24 =	simm.s32 $0x2D00  }
.LBB2_5:
0xd8: {  	s23 =	sadd.s32 $0x4, s23;
	s10 =	sadd.s32 $0x200, s10;
	s14 =	sadd.s32 $0x200, s14  }
0xd9: {  	p0 =	slt.u32 s23, $0x24;
	v0 =	vpop (erf)  }
0xda: {  	[tilespmem:s28+$0x80] =	vst v0;
	s28 =	smov.u32 s14  }
0xdb: {  	[tilespmem:s12+$0x80] =	vst v0;
	s12 =	smov.u32 s2  }
0xdc: {  	v0 =	vld [tilespmem:s24+$0xFFFFFF00]  }
0xdd: {  	v1 =	vld [tilespmem:s10+$0xFFFFFF00];
	_ =	sdelay $0x4  }
0xde: {  	v0 =	vadd.f32 v1, v0;
	_ =	sdelay $0x1  }
0xdf: {  	v1 =	vmul.f32 $2.000000030e-01, v0  }
0xe0: {  	vm0 =	vgt.f32 v0, $0.0e+00  }
0xe1: {  	v0 =	vsel vm0, v0, v1  }
0xe2: {  	v0 =	vmul.f32 $1.442695020e+00, v0;
	_ =	sdelay $0x1  }
0xe3: {  	(erf) = vpow2.f32 v0;
	_ =	sdelay $0x8  }
0xe4: {  	v0 =	vpop (erf)  }
0xe5: {  	[tilespmem:s14+$0xFFFFFF00] =	vst v0  }
0xe6: {  	[tilespmem:s2+$0xFFFFFF00] =	vst v0  }
0xe7: {  	v0 =	vld [tilespmem:s10+$0xFFFFFF80]  }
0xe8: {  	v1 =	vld [tilespmem:s24+$0xFFFFFF80];
	_ =	sdelay $0x4  }
0xe9: {  	v0 =	vadd.f32 v0, v1;
	_ =	sdelay $0x1  }
0xea: {  	vm0 =	vgt.f32 v0, $0.0e+00;
	v1 =	vmul.f32 $2.000000030e-01, v0;
	_ =	sdelay $0x1  }
0xeb: {  	v0 =	vsel vm0, v0, v1  }
0xec: {  	v0 =	vmul.f32 $1.442695020e+00, v0;
	_ =	sdelay $0x1  }
0xed: {  	(erf) = vpow2.f32 v0;
	_ =	sdelay $0x8  }
0xee: {  	v0 =	vpop (erf)  }
0xef: {  	[tilespmem:s14+$0xFFFFFF80] =	vst v0  }
0xf0: {  	[tilespmem:s2+$0xFFFFFF80] =	vst v0  }
0xf1: {  	v0 =	vld [tilespmem:s24+$0x0]  }
0xf2: {  	v1 =	vld [tilespmem:s10+$0x0];
	_ =	sdelay $0x4  }
0xf3: {  	v0 =	vadd.f32 v1, v0;
	_ =	sdelay $0x1  }
0xf4: {  	vm0 =	vgt.f32 v0, $0.0e+00;
	v1 =	vmul.f32 $2.000000030e-01, v0;
	_ =	sdelay $0x1  }
0xf5: {  	v0 =	vsel vm0, v0, v1  }
0xf6: {  	v0 =	vmul.f32 $1.442695020e+00, v0;
	_ =	sdelay $0x1  }
0xf7: {  	(erf) = vpow2.f32 v0;
	_ =	sdelay $0x8  }
0xf8: {  	v0 =	vpop (erf)  }
0xf9: {  	[tilespmem:s14+$0x0] =	vst v0  }
0xfa: {  	[tilespmem:s2+$0x0] =	vst v0  }
0xfb: {  	v0 =	vld [tilespmem:s24+$0x80]  }
0xfc: {  	v1 =	vld [tilespmem:s10+$0x80];
	_ =	sdelay $0x4  }
0xfd: {  	v0 =	vadd.f32 v1, v0;
	_ =	sdelay $0x1  }
0xfe: {  	vm0 =	vgt.f32 v0, $0.0e+00;
	v1 =	vmul.f32 $2.000000030e-01, v0;
	_ =	sdelay $0x1  }
0xff: {  	v0 =	vsel vm0, v0, v1  }
0x100: {  	v0 =	vmul.f32 $1.442695020e+00, v0;
	_ =	sdelay $0x1  }
0x101: {  	(erf) = vpow2.f32 v0;
	_ =	sdelay $0x2  }
.Ltmp1:
0x102: {  	(pc) =	sbr.rel @p0 .LBB2_5-.Ltmp1, $2  }
0x103: {  	_ =	sdelay $0x2  }
0x104: {  	s2 =	sadd.s32 $0x200, s2;
	s24 =	sadd.s32 $0x200, s24  }
0x105: {  	_ = 	snop  }
0x106: {  	v0 =	vpop (erf)  }
0x107: {  	s2 =	sshll.u32 s13, $0x4;
	[tilespmem:s28+$0x80] =	vst v0  }
0x108: {  	s2 =	sadd.s32 s8, s2;
	[tilespmem:s12+$0x80] =	vst v0  }
0x109: {  	[hbm4b:s2+s3] =	stream.linear.scatter [tilespmem:s0], [sflag:$0x9], $0x1400, $0x38;
	[tilespmem:$0x1BA00] =	vst v63  }
0x10a: {  	s7 =	sadd.s32 $0x1, s7;
	_ =	swait.ge [sflag:s15], $0x1400  }
0x10b: {  	p0 =	sne.s32 s7, $0x7D;
	[sflag:s15] =	ssyncset.done $0x0  }
.Ltmp2:
0x10c: {  	[sflag:s15] =	ssyncadd.s32 $0xFFFFEC00;
	(pc) =	sbr.rel @p0 .LBB2_2-.Ltmp2, $4  }
0x10d: {  	[spmem:s29] =	stream.indirect.scatter.add.f32 [tilespmem:s16], [sflag:$0x9], $0x80, s19, s22, $0xb8;
	[tilespmem:$0x1BA00] =	vst v63  }
0x10e: {  	_ =	swait.ge [sflag:s15], $0x1400  }
0x10f: {  	[sflag:s15] =	ssyncset.done $0x0  }
0x110: {  	[sflag:s15] =	ssyncadd.s32 $0xFFFFEC00  }
0x111: {  	[bflag:$0x0] =	sbarrier.arrive $0xFFFF  }
0x112: {  	s10 =	rddreg [dreg:$0x5]  }
0x113: {  	s2 =	rddreg [dreg:$0x7]  }
0x114: {  	s7 =	rddreg [dreg:$0x9]  }
0x115: {  	[hbm:s2], [sflag:s10] =	dma.local [spmem:s7], $0x2800  }
0x116: {  	_ =	swait.ge [sflag:s15], $0x2800  }
0x117: {  	s11 =	rddreg [dreg:$0xa]  }
0x118: {  	s28 =	rddreg [dreg:$0x8];
	s11 =	sadd.s32 $0x1, s11  }
0x119: {  	p0 =	sne.s32 s11, s28  }
.Ltmp3:
0x11a: {  	_ = 	snop;
	(pc) =	sbr.rel @p0 .LBB2_1-.Ltmp3, $3  }
0x11b: {  	_ =	sdelay $0x1  }
0x11c: {  	[sflag:s15] =	ssyncset.done $0x0  }
0x11d: {  	[sflag:s15] =	ssyncadd.s32 $0xFFFFD800  }
0x11e: {  	_ =	sfence.sel $0x180000  }
0x11f: {  	[bflag:$0x0] =	sbarrier.arrive $0xFFFF  }
0x120: {  	_ =	strace $0x90000047  }
0x121: {  	s0 =	stileid.u32;
	[bflag:$0x2] =	sbarrier.arrive $0xFFFF  }
0x122: {  	p0 =	sne.s32 s0, $0x0;
	s0 =	rddreg [dreg:$0x2]  }
0x123: {  	s0 =	sadd.s32 @!p0 $0x100000, s0  }
0x124: {  	[sflag:s0] =	ssyncadd.tile.s32 @!p0 $0x1;
	_ =	shalt  }
.Lfunc_end2:
_tile_overlayer_lowered:
.L_overlay_start_2:
0x125: {  	(tag) =	ssettag $0x2  }
0x126: {  	s0 =	rddreg [dreg:$0x0];
	s2 =	stileid.u32  }
0x127: {  	s1 =	rddreg [dreg:$0x1];
	p0 =	sne.s32 s2, $0x0  }
0x128: {  	s3 =	rddreg [dreg:$0x2];
	[bflag:$0x3] =	sbarrier.arrive $0xFFFF;
	s2 =	simm.s32 @!p0 $0x1C09  }
0x129: {  	[timem:s3], [sflag:s2] =	dma.local @!p0 [hbm:s0], s1  }
0x12a: {  	s0 =	simm.s32 @!p0 $0x9  }
0x12b: {  	_ =	swait.ge @!p0 [sflag:s0], s1  }
0x12c: {  	s1 =	ssub.s32 @!p0 $0x0, s1;
	[sflag:s0] =	ssyncset.done @!p0 $0x0  }
0x12d: {  	[sflag:s0] =	ssyncadd.s32 @!p0 s1  }
0x12e: {  	[bflag:$0x3] =	sbarrier.arrive $0xFFFF  }
0x12f: {  	_ =	shalt  }

// kernel: kernel.14.cloned.1.call-start
scs
__scs_entry_jumppad:
0x0: {  	(pc) =	sbr.rel $0x88, $3  }
0x1: {  	(tag) =	ssettag $0x0;
	lr =	simm.s32 $0x1  }
0x2: {  	[smem:$0x3F91] =	sst lr;
	_ =	strace $0xD0000000  }
0x3: {  	_ = 	snop  }
0x4: {  	_ = 	snop  }
0x5: {  	_ = 	snop  }
0x6: {  	_ = 	snop  }
0x7: {  	_ = 	snop  }
__scs_overlays_trampoline_lowered:
0x8: {  	[smem:$0x3FA0] =	sst s0  }
0x9: {  	[smem:$0x3FA1] =	sst s1  }
0xa: {  	[smem:$0x3FA2] =	sst s2  }
0xb: {  	[smem:$0x3FA3] =	sst s3  }
0xc: {  	[smem:$0x3FA4] =	sst s4  }
0xd: {  	[smem:$0x3FA5] =	sst s5  }
0xe: {  	[smem:$0x3FA6] =	sst s6  }
0xf: {  	[smem:$0x3FA7] =	sst s7  }
0x10: {  	[smem:$0x3FA8] =	sst s8  }
0x11: {  	[smem:$0x3FA9] =	sst s9;
	s0 =	simm.s32 @!p0 $0x0  }
0x12: {  	s1 =	sld [smem:$0x3F8F];
	s0 =	simm.s32 @p0 $0x1  }
0x13: {  	[smem:$0x3FAA] =	sst s0;
	s0 =	simm.s32 @!p1 $0x0  }
0x14: {  	s2 =	sld [smem:$0x3F8E];
	s0 =	simm.s32 @p1 $0x1  }
0x15: {  	[smem:$0x3FAB] =	sst s0;
	s0 =	simm.s32 @!p2 $0x0  }
0x16: {  	s3 =	sld [smem:$0x3FDB];
	s0 =	simm.s32 @p2 $0x1  }
0x17: {  	s4 =	simm.s32 $0x1BF5;
	[smem:$0x3FAD] =	sst s0  }
0x18: {  	s0 =	sld [smem:$0x3F90];
	_ =	swait.ge [sflag:s4], $0x0  }
0x19: {  	s7 =	sld [smem:$0x3F91]  }
0x1a: {  	s8 =	sadd.s32 $0xFFFFE003, lr  }
0x1b: {  	s9 =	sadd.s32 $0xFFFFFEF7, lr;
	s5 =	simm.s32 $0xFFFFFFFF;
	p2 =	slt.u32 s8, $0xFFFFF086  }
0x1c: {  	p1 =	slt.u32 s9, $0xF7A;
	s5 =	simm.s32 @!p2 $0x0  }
0x1d: {  	s5 =	simm.s32 @p1 $0x1;
	p0 =	seq.s32 s7, s2  }
0x1e: {  	s7 =	smul.u32 @!p0 $0xF7A, s2;
	p2 =	seq.s32 @!p0 s5, $0x0  }
0x1f: {  	s9 =	smul.u32 $0xF7A, s1;
	s8 =	simm.s32 @!p0 $0x1BF5;
	p2 =	por !p2, p0  }
0x20: {  	[sflag:s8] =	ssyncset.s32 @!p0 $0xFFFFF086;
	s6 =	sadd.s32 @!p0 s3, s7;
	s7 =	simm.s32 @!p0 $0x108  }
0x21: {  	s3 =	sadd.s32 s3, s9;
	s6 =	sadd.s32 @!p0 $0x88, s6;
	s7 =	simm.s32 @p2 $0x1082  }
0x22: {  	[simem:s7], [sflag:s8] =	dma.local @!p0 [hbm:s6], $0xF7A  }
0x23: {  	s9 =	sor.u32 $0xD0000000, s2;
	s6 =	simm.s32 $0x108;
	_ =	swait.ge @!p0 [sflag:s8], $0x0  }
0x24: {  	s3 =	sadd.s32 $0x88, s3;
	s6 =	simm.s32 @!p1 $0x1082;
	[sflag:s4] =	ssyncset.s32 $0xFFFFF086  }
0x25: {  	[simem:s6], [sflag:s4] =	dma.local [hbm:s3], $0xF7A  }
0x26: {  	[smem:$0x3F91] =	sst s1;
	(tag) =	ssettag s2;
	_ =	strace s9  }
0x27: {  	s1 =	sld [smem:$0x3FA1]  }
0x28: {  	s2 =	sld [smem:$0x3FA2]  }
0x29: {  	s4 =	sld [smem:$0x3FA4]  }
0x2a: {  	p0 =	seq.s32 s5, $0x0;
	s5 =	sld [smem:$0x3FA5]  }
0x2b: {  	s6 =	sld [smem:$0x3FA6]  }
0x2c: {  	s7 =	sld [smem:$0x3FA7]  }
0x2d: {  	s3 =	simm.s32 $0x108;
	s8 =	sld [smem:$0x3FA8]  }
0x2e: {  	s3 =	simm.s32 @!p0 $0x1082;
	s9 =	sld [smem:$0x3FA9]  }
0x2f: {  	lr =	sadd.s32 s0, s3;
	s0 =	sld [smem:$0x3FA0]  }
0x30: {  	s3 =	sld [smem:$0x3FA3]  }
0x31: {  	[smem:$0x3FAC] =	sst s10  }
0x32: {  	s10 =	sld [smem:$0x3FAA];
	_ =	sdelay $0x3  }
0x33: {  	p0 =	seq.s32 s10, $0x1;
	s10 =	sld [smem:$0x3FAC];
	_ =	sdelay $0x3  }
0x34: {  	[smem:$0x3FAC] =	sst s10  }
0x35: {  	s10 =	sld [smem:$0x3FAB];
	_ =	sdelay $0x3  }
0x36: {  	p1 =	seq.s32 s10, $0x1;
	s10 =	sld [smem:$0x3FAC];
	_ =	sdelay $0x3  }
0x37: {  	[smem:$0x3FAC] =	sst s10  }
0x38: {  	s10 =	sld [smem:$0x3FAD]  }
0x39: {  	_ = 	snop;
	(pc) =	sbr.ind lr, $3  }
0x3a: {  	_ = 	snop  }
0x3b: {  	_ = 	snop  }
0x3c: {  	p2 =	seq.s32 s10, $0x1;
	s10 =	sld [smem:$0x3FAC]  }
0x3d: {  	_ =	shalt  }
0x3e: {  	_ =	shalt  }
0x3f: {  	_ =	shalt  }
0x40: {  	_ =	shalt  }
0x41: {  	_ =	shalt  }
0x42: {  	_ =	shalt  }
0x43: {  	_ =	shalt  }
0x44: {  	_ =	shalt  }
0x45: {  	_ =	shalt  }
0x46: {  	_ =	shalt  }
0x47: {  	_ =	shalt  }
0x48: {  	_ =	shalt  }
0x49: {  	_ =	shalt  }
0x4a: {  	_ =	shalt  }
0x4b: {  	_ =	shalt  }
0x4c: {  	_ =	shalt  }
0x4d: {  	_ =	shalt  }
0x4e: {  	_ =	shalt  }
0x4f: {  	_ =	shalt  }
0x50: {  	_ =	shalt  }
0x51: {  	_ =	shalt  }
0x52: {  	_ =	shalt  }
0x53: {  	_ =	shalt  }
0x54: {  	_ =	shalt  }
0x55: {  	_ =	shalt  }
0x56: {  	_ =	shalt  }
0x57: {  	_ =	shalt  }
0x58: {  	_ =	shalt  }
0x59: {  	_ =	shalt  }
0x5a: {  	_ =	shalt  }
0x5b: {  	_ =	shalt  }
0x5c: {  	_ =	shalt  }
0x5d: {  	_ =	shalt  }
0x5e: {  	_ =	shalt  }
0x5f: {  	_ =	shalt  }
0x60: {  	_ =	shalt  }
0x61: {  	_ =	shalt  }
0x62: {  	_ =	shalt  }
0x63: {  	_ =	shalt  }
0x64: {  	_ =	shalt  }
0x65: {  	_ =	shalt  }
0x66: {  	_ =	shalt  }
0x67: {  	_ =	shalt  }
0x68: {  	_ =	shalt  }
0x69: {  	_ =	shalt  }
0x6a: {  	_ =	shalt  }
0x6b: {  	_ =	shalt  }
0x6c: {  	_ =	shalt  }
0x6d: {  	_ =	shalt  }
0x6e: {  	_ =	shalt  }
0x6f: {  	_ =	shalt  }
0x70: {  	_ =	shalt  }
0x71: {  	_ =	shalt  }
0x72: {  	_ =	shalt  }
0x73: {  	_ =	shalt  }
0x74: {  	_ =	shalt  }
0x75: {  	_ =	shalt  }
0x76: {  	_ =	shalt  }
0x77: {  	_ =	shalt  }
0x78: {  	_ =	shalt  }
0x79: {  	_ =	shalt  }
0x7a: {  	_ =	shalt  }
0x7b: {  	_ =	shalt  }
0x7c: {  	_ =	shalt  }
0x7d: {  	_ =	shalt  }
0x7e: {  	_ =	shalt  }
0x7f: {  	_ =	shalt  }
0x80: {  	_ =	shalt  }
0x81: {  	_ =	shalt  }
0x82: {  	_ =	shalt  }
0x83: {  	_ =	shalt  }
0x84: {  	_ =	shalt  }
0x85: {  	_ =	shalt  }
0x86: {  	_ =	shalt  }
0x87: {  	_ =	shalt  }
.Lfunc_end0:
.L_simem_size_0:
called_computation.1_lowered:
.L_overlay_start_0:
0x88: {  	s2 =	sld [smem:$0x3FD9]  }
0x89: {  	s3 =	sld [smem:$0x3FFE];
	_ =	sdelay $0x1  }
0x8a: {  	s1 =	srdreg.scid  }
0x8b: {  	s0 =	sand.u32 $0x1, s1  }
0x8c: {  	s16 =	sshll.u32 s0, $0xA;
	s2 =	sadd.s32 s3, s2  }
0x8d: {  	s2 =	sadd.s32 s2, s16  }
0x8e: {  	[smem:$0x3FB8] =	sst s2  }
0x8f: {  	_ = 	snop  }
0x90: {  	(tm) =	ssettm $0x1  }
0x91: {  	s17 =	sld [smem:$0x3FFB];
	_ =	sdelay $0x3  }
0x92: {  	_ =	strace s17  }
0x93: {  	s2 =	sld [smem:$0x3FFC];
	_ =	sdelay $0x3  }
0x94: {  	_ =	strace s2  }
0x95: {  	s2 =	sld [smem:$0x3FFD];
	_ =	sdelay $0x3  }
0x96: {  	_ =	strace s2  }
0x97: {  	_ =	strace $0x8FFFFFFF  }
0x98: {  	s18 =	sld [smem:$0x3FDB];
	_ =	sdelay $0x1  }
0x99: {  	s19 =	simm.s32 $_scs_section_size  }
0x9a: {  	s4 =	simm.s32 $_size__tile_overlayer_lowered;
	s5 =	simm.s32 $_tile_overlayer_lowered  }
0x9b: {  	s22 =	simm.s32 $0x1BFF;
	s21 =	sshll.u32 s5, $0x1;
	s2 =	sadd.s32 s19, s18  }
0x9c: {  	s6 =	simm.s32 $0x0;
	s20 =	sshll.u32 s4, $0x1;
	s4 =	sadd.s32 s21, s2  }
0x9d: {  	[timem:s6], [sflag:s22] =	dma.local [hbm:s4], s20  }
0x9e: {  	_ =	swait.ge [sflag:s22], s20  }
0x9f: {  	s3 =	ssub.s32 $0x0, s20;
	[sflag:s22] =	ssyncset.done $0x0  }
0xa0: {  	[sflag:s22] =	ssyncadd.s32 s3;
	_ =	sdelay $0x1  }
0xa1: {  	s23 =	simm.s32 $0x1B8B  }
0xa2: {  	_ =	swait.ge [sflag:s23], $0x1  }
0xa3: {  	[sflag:s23] =	ssyncset.done $0x0  }
0xa4: {  	s25 =	simm.s32 $0x1B8E;
	s24 =	sld [smem:$0x3FFE];
	[sflag:s23] =	ssyncadd.s32 $0xFFFFFFFF  }
0xa5: {  	s26 =	simm.s32 $execute0_lowered;
	[smem:$0x3FD2] =	sst s25  }
0xa6: {  	s4 =	sshll.u32 s26, $0x1;
	_ =	strace $0x80000049;
	[dreg:$0x1] =	wrdreg $0xFFFFFFFF  }
0xa7: {  	s28 =	simm.s32 $_size_execute0_lowered;
	s2 =	sadd.s32 s2, s4;
	[dreg:$0x0] =	wrdreg $0x0  }
0xa8: {  	s4 =	sshll.u32 s28, $0x1;
	[dreg:$0x2] =	wrdreg s2  }
0xa9: {  	[dreg:$0x3] =	wrdreg s4  }
0xaa: {  	[dreg:$0x4] =	wrdreg $0xC0  }
0xab: {  	_ =	task [dreg:s6], $0x5FFFF  }
0xac: {  	[dreg:$0x1] =	wrdreg $0xFFFFFFFF  }
0xad: {  	[dreg:$0x0] =	wrdreg $0x60  }
0xae: {  	[dreg:$0x2] =	wrdreg s24  }
0xaf: {  	[dreg:$0x3] =	wrdreg $0xA2000  }
0xb0: {  	[dreg:$0x4] =	wrdreg $0x9  }
0xb1: {  	_ =	task.clear_ibuf [dreg:s6], $0x5FFFF;
	_ =	strace $0x90000049  }
0xb2: {  	s29 =	simm.s32 $0x9;
	_ =	strace $0x8000004B  }
0xb3: {  	_ =	swait.ge [sflag:s29], $0x1  }
0xb4: {  	[sflag:s29] =	ssyncadd.s32 $0xFFFFFFFF  }
0xb5: {  	_ =	strace $0x9000004B  }
0xb6: {  	_ =	sfence  }
0xb7: {  	s30 =	sld [smem:$0x0];
	_ =	sdelay $0x2  }
0xb8: {  	s31 =	sshll.u32 s1, $0xD;
	s1 =	sshrl.u32 s1, $0x2  }
0xb9: {  	s3 =	sand.u32 $0x4000, s31;
	s1 =	sadd.s32 s1, s30  }
0xba: {  	s0 =	sor.u32 s3, s0;
	s1 =	sshll.u32 s1, $0x11  }
0xbb: {  	s0 =	sor.u32 s1, s0  }
0xbc: {  	s0 =	sadd.s32 $0x8F2B, s0  }
0xbd: {  	[sflag:s0] =	ssyncadd.remote.s32 $0x1  }
0xbe: {  	_ =	sfence.sel $0xFFFF  }
0xbf: {  	[dreg:$0x0] =	wrdreg $0xFFFFFFFF;
	(pc) =	sbr.abs _section_cstart, $3  }
0xc0: {  	[dreg:$0x1] =	wrdreg $0xFFFFFFFF  }
0xc1: {  	_ =	task.clear_ibuf [dreg:s6], $0x2FFFF;
	_ =	strace $0x9FFFFFFF  }
0xc2: {  	(tm) =	ssettm $0x7FFFFFFF  }
0xc3: {  	_ =	shalt  }
tec
execute0_lowered:
.L_overlay_start_1:
0x0: {  	(tag) =	ssettag $0x1  }
0x1: {  	s0 =	rddreg [dreg:$0x0]  }
0x2: {  	s16 =	rddreg [dreg:$0x1];
	s2 =	simm.s32 $0x0  }
0x3: {  	s1 =	srdreg.scid;
	s17 =	stileid.u32;
	s28 =	simm.s32 $0x5E00  }
0x4: {  	s29 =	simm.s32 $0x6600;
	s30 =	simm.s32 $0x6E00;
	s10 =	smul.u32 $0x2800, s17  }
0x5: {  	s31 =	simm.s32 $0x7600;
	[smem:$0x7FF] =	sst s2;
	s25 =	smul.u32 $0x50000, s17  }
0x6: {  	s1 =	sand.u32 $0x1, s1;
	s3 =	sadd.s32 $0xE600, s0;
	s15 =	smul.u32 $0x2710, s17  }
0x7: {  	s9 =	sadd.s32 $0x4800, s0;
	s4 =	sadd.s32 $0x19FE00, s0;
	s21 =	smul.u32 $0x27100, s17  }
0x8: {  	s6 =	sadd.s32 $0x18400, s0;
	s7 =	sadd.s32 $0x66600, s0;
	s5 =	smul.u32 $0x271000, s1  }
0x9: {  	s8 =	sadd.s32 $0xB4800, s0;
	s18 =	sshll.u32 s17, $0x6;
	s12 =	smul.u32 $0x28000, s1  }
0xa: {  	_ =	strace $0x8000004A;
	s26 =	ssub.s32 $0x2, s1;
	s1 =	smul.u32 $0x27100, s1  }
0xb: {  	s18 =	sor.u32 $0x1C09, s18;
	s13 =	sadd.s32 s10, s0;
	s14 =	sshrl.u32 s26, $0x1  }
0xc: {  	[dreg:$0x9] =	wrdreg s18;
	s11 =	sadd.s32 s5, s0;
	s5 =	sadd.s32 $0x129C00, s0  }
0xd: {  	s10 =	sadd.s32 s10, s12;
	s12 =	sshrl.u32 s25, $0x2;
	s13 =	sadd.s32 $0x177E00, s13  }
0xe: {  	s1 =	sadd.s32 s15, s1;
	s15 =	simm.s32 $0x9;
	s0 =	sadd.s32 s10, s0  }
0xf: {  	s10 =	ssub.s32 s26, s14;
	s12 =	sadd.s32 s12, s16;
	[dreg:$0x8] =	wrdreg s13  }
0x10: {  	s20 =	sshrl.u32 s1, $0x3;
	s1 =	sadd.s32 $0x28, s1;
	s26 =	simm.s32 $0x100  }
0x11: {  	s13 =	simm.s32 $0x8;
	s14 =	simm.s32 $0x200;
	s0 =	sadd.s32 $0x6D1E00, s0  }
0x12: {  	s19 =	smax.u32 s10, $0x1;
	s22 =	sadd.s32 s20, s9;
	[dreg:$0x7] =	wrdreg s26  }
0x13: {  	s1 =	sshrl.u32 s1, $0x3;
	s10 =	sadd.s32 s21, s11;
	[dreg:$0xa] =	wrdreg s0  }
0x14: {  	s17 =	sshrl.u32 s12, $0x3;
	s21 =	simm.s32 $0x28;
	[dreg:$0xb] =	wrdreg s19  }
0x15: {  	s26 =	simm.s32 $0x5600;
	s11 =	simm.s32 $0x6;
	[dreg:$0x3] =	wrdreg s22  }
0x16: {  	s12 =	simm.s32 $0x7;
	s0 =	sadd.s32 s20, s3;
	[dreg:$0xd] =	wrdreg s17  }
0x17: {  	s23 =	sadd.s32 s1, s9;
	s24 =	sadd.s32 $0x1EFE00, s10;
	[dreg:$0x4] =	wrdreg s0  }
0x18: {  	s25 =	sadd.s32 s1, s3;
	s3 =	simm.s32 $0x8600;
	[dreg:$0xc] =	wrdreg s24  }
0x19: {  	v2 =	vlaneseq.u32;
	s9 =	simm.s32 $0x5;
	s10 =	simm.s32 $0x0;
	[dreg:$0x5] =	wrdreg s23  }
0x1a: {  	vm0 =	vmmov $0xffff;
	v1 =	vshrl.u32 v2, $0x3;
	s19 =	simm.s32 $0x1600;
	[dreg:$0x6] =	wrdreg s25;
	s23 =	simm.s32 $0x3E00  }
0x1b: {  	v0 =	vand.u32 $0x7, v2;
	v2 =	vor.u32 $0x8, v2;
	v1 =	vmul.u32 $0x8, v1;
	s24 =	simm.s32 $0x4600;
	s25 =	simm.s32 $0x4E00;
	s0 =	simm.s32 $0x7E00  }
.LBB2_1:
0x1c: {  	[dreg:$0xe] =	wrdreg s10  }
0x1d: {  	s1 =	rddreg [dreg:$0x8]  }
0x1e: {  	[spmem:s17], [sflag:s18] =	dma.local [hbm:s1], $0x2800  }
0x1f: {  	_ =	swait.ge [sflag:s15], $0x2800  }
0x20: {  	[sflag:s15] =	ssyncset.done $0x0  }
0x21: {  	[sflag:s15] =	ssyncadd.s32 $0xFFFFD800  }
0x22: {  	s22 =	simm.s32 $0x0;
	[bflag:$0x0] =	sbarrier.arrive $0xFFFF  }
0x23: {  	s10 =	simm.s32 $0x4;
	s17 =	simm.s32 $0x80;
	s20 =	rddreg [dreg:$0xc]  }
.LBB2_2:
0x24: {  	s1 =	rddreg [dreg:$0x4]  }
0x25: {  	s18 =	smov.u32 s16;
	s16 =	rddreg [dreg:$0x3];
	s1 =	sadd.s32 s22, s1  }
0x26: {  	[tilespmem:s2], [sflag:$0x1] =	stream.linear.gather [hbm4b:s1+s2], $0x28, $0x38;
	[tilespmem:$0x1E200] =	vst v63  }
0x27: {  	s16 =	sadd.s32 s22, s16;
	s1 =	rddreg [dreg:$0x6]  }
0x28: {  	[tilespmem:s17], [sflag:$0x2] =	stream.linear.gather [hbm4b:s16+s2], $0x28, $0x38;
	[tilespmem:$0x1E200] =	vst v63  }
0x29: {  	s16 =	rddreg [dreg:$0x7]  }
0x2a: {  	s1 =	sadd.s32 s22, s1;
	s17 =	rddreg [dreg:$0x5]  }
0x2b: {  	[tilespmem:s16], [sflag:$0x3] =	stream.linear.gather [hbm4b:s1+s2], $0x28, $0x38;
	[tilespmem:$0x1E200] =	vst v63  }
0x2c: {  	s16 =	smov.u32 s18;
	s1 =	sadd.s32 s22, s17;
	s18 =	simm.s32 $0x180  }
0x2d: {  	[tilespmem:s18], [sflag:$0x4] =	stream.linear.gather [hbm4b:s1+s2], $0x28, $0x38;
	[tilespmem:$0x1E200] =	vst v63  }
0x2e: {  	s1 =	simm.s32 $0x1  }
0x2f: {  	_ =	swait.ge [sflag:s1], $0x28  }
0x30: {  	[sflag:s1] =	ssyncset.done $0x0  }
0x31: {  	[sflag:s1] =	ssyncadd.s32 $0xFFFFFFD8;
	s1 =	simm.s32 $0x2  }
0x32: {  	_ =	swait.ge [sflag:s1], $0x28  }
0x33: {  	[sflag:s1] =	ssyncset.done $0x0  }
0x34: {  	[sflag:s1] =	ssyncadd.s32 $0xFFFFFFD8  }
0x35: {  	[tilespmem:s14], [sflag:$0x5] =	stream.linear.gather [hbm4b:s20+s2], $0x1400, $0x38;
	[tilespmem:$0x1E200] =	vst v63  }
0x36: {  	s17 =	simm.s32 $0x80  }
0x37: {  	[tilespmem:s19], [sflag:$0x6] =	stream.indirect.gather [hbm4b:s4+s21], $0x80, s17, s21, $0xb8;
	[tilespmem:$0x1E200] =	vst v63  }
0x38: {  	v3 =	vld [tilespmem:$0x0];
	_ =	sdelay $0x4  }
0x39: {  	v4 =	vshll.u32 v3, $0x1  }
0x3a: {  	v3 =	vand.u32 $0x7, v3;
	v4 =	vand.u32 $0xFFFFFFF0, v4  }
0x3b: {  	v3 =	vor.u32 v3, v4  }
0x3c: {  	v4 =	vperm.xlane v3, v0;
	_ =	sdelay $0x1  }
0x3d: {  	v3 =	vperm.xlane v3, v2;
	v4 =	vadd.s32 v1, v4;
	_ =	sdelay $0x1  }
0x3e: {  	v3 =	vadd.s32 v1, v3;
	_ =	sdelay $0x2  }
0x3f: {  	[tilespmem:s23], [sflag:$0x7] =	stream.indirect_vreg.gather [hbm4b:s5+s2], $0x80, v4, vm0, $0xb8;
	[tilespmem:$0x1E200] =	vst v63  }
0x40: {  	_ = 	snop  }
0x41: {  	[tilespmem:s24], [sflag:$0x7] =	stream.indirect_vreg.gather [hbm4b:s5+s2], $0x80, v3, vm0, $0xb8;
	[tilespmem:$0x1E200] =	vst v63  }
0x42: {  	v3 =	vld [tilespmem:$0x10];
	_ =	sdelay $0x4  }
0x43: {  	v57 =	vshll.u32 v3, $0x1  }
0x44: {  	v3 =	vand.u32 $0x7, v3;
	v4 =	vand.u32 $0xFFFFFFF0, v57  }
0x45: {  	v3 =	vor.u32 v3, v4  }
0x46: {  	v4 =	vperm.xlane v3, v0;
	_ =	sdelay $0x1  }
0x47: {  	v3 =	vperm.xlane v3, v2;
	v4 =	vadd.s32 v1, v4;
	_ =	sdelay $0x1  }
0x48: {  	v3 =	vadd.s32 v1, v3;
	_ =	sdelay $0x2  }
0x49: {  	[tilespmem:s25], [sflag:$0x7] =	stream.indirect_vreg.gather [hbm4b:s5+s2], $0x80, v4, vm0, $0xb8;
	[tilespmem:$0x1E200] =	vst v63  }
0x4a: {  	_ = 	snop  }
0x4b: {  	[tilespmem:s26], [sflag:$0x7] =	stream.indirect_vreg.gather [hbm4b:s5+s2], $0x80, v3, vm0, $0xb8;
	[tilespmem:$0x1E200] =	vst v63  }
0x4c: {  	v3 =	vld.msk [tilespmem:$0x20], $0xff;
	_ =	sdelay $0x4  }
0x4d: {  	v58 =	vshll.u32 v3, $0x1  }
0x4e: {  	v3 =	vand.u32 $0x7, v3;
	v4 =	vand.u32 $0xFFFFFFF0, v58  }
0x4f: {  	v3 =	vor.u32 v3, v4  }
0x50: {  	v3 =	vperm.xlane v3, v0;
	_ =	sdelay $0x1  }
0x51: {  	v3 =	vadd.s32 v1, v3;
	_ =	sdelay $0x4  }
0x52: {  	[tilespmem:s28], [sflag:$0x7] =	stream.indirect_vreg.gather [hbm4b:s5+s2], $0x80, v3, vm0, $0xb8;
	[tilespmem:$0x1E200] =	vst v63  }
0x53: {  	v3 =	vld [tilespmem:$0x0];
	_ =	sdelay $0x4  }
0x54: {  	v59 =	vshll.u32 v3, $0x1  }
0x55: {  	v3 =	vand.u32 $0x7, v3;
	v4 =	vand.u32 $0xFFFFFFF0, v59  }
0x56: {  	v3 =	vor.u32 v3, v4  }
0x57: {  	v4 =	vperm.xlane v3, v0;
	_ =	sdelay $0x1  }
0x58: {  	v3 =	vperm.xlane v3, v2;
	v4 =	vadd.s32 v1, v4;
	_ =	sdelay $0x1  }
0x59: {  	v3 =	vadd.s32 v1, v3;
	_ =	sdelay $0x2  }
0x5a: {  	[tilespmem:s29], [sflag:$0x8] =	stream.indirect_vreg.gather [hbm4b:s6+s2], $0x80, v4, vm0, $0xb8;
	[tilespmem:$0x1E200] =	vst v63  }
0x5b: {  	_ = 	snop  }
0x5c: {  	[tilespmem:s30], [sflag:$0x8] =	stream.indirect_vreg.gather [hbm4b:s6+s2], $0x80, v3, vm0, $0xb8;
	[tilespmem:$0x1E200] =	vst v63  }
0x5d: {  	v3 =	vld [tilespmem:$0x10];
	_ =	sdelay $0x4  }
0x5e: {  	v60 =	vshll.u32 v3, $0x1  }
0x5f: {  	v3 =	vand.u32 $0x7, v3;
	v4 =	vand.u32 $0xFFFFFFF0, v60  }
0x60: {  	v3 =	vor.u32 v3, v4  }
0x61: {  	v4 =	vperm.xlane v3, v0;
	_ =	sdelay $0x1  }
0x62: {  	v3 =	vperm.xlane v3, v2;
	v4 =	vadd.s32 v1, v4;
	_ =	sdelay $0x1  }
0x63: {  	v3 =	vadd.s32 v1, v3;
	_ =	sdelay $0x2  }
0x64: {  	[tilespmem:s31], [sflag:$0x8] =	stream.indirect_vreg.gather [hbm4b:s6+s2], $0x80, v4, vm0, $0xb8;
	[tilespmem:$0x1E200] =	vst v63  }
0x65: {  	_ = 	snop  }
0x66: {  	[tilespmem:s0], [sflag:$0x8] =	stream.indirect_vreg.gather [hbm4b:s6+s2], $0x80, v3, vm0, $0xb8;
	[tilespmem:$0x1E200] =	vst v63  }
0x67: {  	v3 =	vld.msk [tilespmem:$0x20], $0xff;
	_ =	sdelay $0x4  }
0x68: {  	v61 =	vshll.u32 v3, $0x1  }
0x69: {  	v3 =	vand.u32 $0x7, v3;
	v4 =	vand.u32 $0xFFFFFFF0, v61  }
0x6a: {  	v3 =	vor.u32 v3, v4  }
0x6b: {  	v3 =	vperm.xlane v3, v0;
	_ =	sdelay $0x1  }
0x6c: {  	v3 =	vadd.s32 v1, v3;
	_ =	sdelay $0x4  }
0x6d: {  	[tilespmem:s3], [sflag:$0x8] =	stream.indirect_vreg.gather [hbm4b:s6+s2], $0x80, v3, vm0, $0xb8;
	[tilespmem:$0x1E200] =	vst v63  }
0x6e: {  	_ =	swait.ge [sflag:s9], $0x1400  }
0x6f: {  	[sflag:s9] =	ssyncset.done $0x0  }
0x70: {  	[sflag:s9] =	ssyncadd.s32 $0xFFFFEC00  }
0x71: {  	_ =	swait.ge [sflag:s11], $0x1400  }
0x72: {  	[sflag:s11] =	ssyncset.done $0x0  }
0x73: {  	[sflag:s11] =	ssyncadd.s32 $0xFFFFEC00  }
0x74: {  	v3 =	vld [tilespmem:$0x200]  }
0x75: {  	v62 =	vld [tilespmem:$0x1600]  }
0x76: {  	v5 =	vld [tilespmem:$0x280]  }
0x77: {  	v6 =	vld [tilespmem:$0x1680]  }
0x78: {  	v7 =	vld [tilespmem:$0x300]  }
0x79: {  	v8 =	vld [tilespmem:$0x1700]  }
0x7a: {  	v9 =	vld [tilespmem:$0x380]  }
0x7b: {  	v10 =	vld [tilespmem:$0x1780]  }
0x7c: {  	v11 =	vld [tilespmem:$0x400]  }
0x7d: {  	v12 =	vld [tilespmem:$0x1800]  }
0x7e: {  	v13 =	vld [tilespmem:$0x480]  }
0x7f: {  	v14 =	vld [tilespmem:$0x1880]  }
0x80: {  	v15 =	vld [tilespmem:$0x500]  }
0x81: {  	v16 =	vld [tilespmem:$0x1900]  }
0x82: {  	v17 =	vld [tilespmem:$0x580]  }
0x83: {  	v18 =	vld [tilespmem:$0x1980]  }
0x84: {  	v19 =	vld [tilespmem:$0x600]  }
0x85: {  	v20 =	vld [tilespmem:$0x1A00]  }
0x86: {  	v21 =	vld [tilespmem:$0x680]  }
0x87: {  	v22 =	vld [tilespmem:$0x1A80]  }
0x88: {  	v23 =	vld [tilespmem:$0x700]  }
0x89: {  	v24 =	vld [tilespmem:$0x1B00]  }
0x8a: {  	v25 =	vld [tilespmem:$0x780]  }
0x8b: {  	v26 =	vld [tilespmem:$0x1B80]  }
0x8c: {  	v27 =	vld [tilespmem:$0x800]  }
0x8d: {  	v28 =	vld [tilespmem:$0x1C00]  }
0x8e: {  	v29 =	vld [tilespmem:$0x880]  }
0x8f: {  	v30 =	vld [tilespmem:$0x1C80]  }
0x90: {  	v31 =	vld [tilespmem:$0x900]  }
0x91: {  	v32 =	vld [tilespmem:$0x1D00]  }
0x92: {  	v33 =	vld [tilespmem:$0x980]  }
0x93: {  	v34 =	vld [tilespmem:$0x1D80]  }
0x94: {  	v35 =	vld [tilespmem:$0xA00]  }
0x95: {  	v36 =	vld [tilespmem:$0x1E00]  }
0x96: {  	v37 =	vld [tilespmem:$0xA80]  }
0x97: {  	v38 =	vld [tilespmem:$0x1E80]  }
0x98: {  	v39 =	vld [tilespmem:$0xB00]  }
0x99: {  	v40 =	vld [tilespmem:$0x1F00]  }
0x9a: {  	v41 =	vld [tilespmem:$0xB80]  }
0x9b: {  	v42 =	vld [tilespmem:$0x1F80]  }
0x9c: {  	v43 =	vld [tilespmem:$0xC00]  }
0x9d: {  	v44 =	vld [tilespmem:$0x2000]  }
0x9e: {  	v45 =	vld [tilespmem:$0xC80]  }
0x9f: {  	v46 =	vld [tilespmem:$0x2080]  }
0xa0: {  	v47 =	vld [tilespmem:$0xD00]  }
0xa1: {  	v4 =	vld [tilespmem:$0x2100];
	v3 =	vmul.f32 v62, v3  }
0xa2: {  	v48 =	vld [tilespmem:$0x2380];
	v5 =	vmul.f32 v6, v5  }
0xa3: {  	v50 =	vld [tilespmem:$0x1000];
	v63 =	vmul.f32 v10, v9;
	[tilespmem:$0x2A00] =	vst v3  }
0xa4: {  	v51 =	vld [tilespmem:$0x2400];
	v3 =	vmul.f32 v8, v7;
	[tilespmem:$0x2A80] =	vst v5  }
0xa5: {  	v53 =	vld [tilespmem:$0x1080];
	v14 =	vmul.f32 v14, v13;
	[tilespmem:$0x2B80] =	vst v63  }
0xa6: {  	v54 =	vld [tilespmem:$0x2480];
	[tilespmem:$0x2B00] =	vst v3;
	v3 =	vmul.f32 v12, v11  }
0xa7: {  	v56 =	vld [tilespmem:$0x1100];
	v18 =	vmul.f32 v18, v17;
	[tilespmem:$0x2C80] =	vst v14  }
0xa8: {  	v57 =	vld [tilespmem:$0x2500];
	[tilespmem:$0x2C00] =	vst v3;
	v3 =	vmul.f32 v16, v15  }
0xa9: {  	v59 =	vld [tilespmem:$0x1180];
	v22 =	vmul.f32 v22, v21;
	[tilespmem:$0x2D80] =	vst v18  }
0xaa: {  	v60 =	vld [tilespmem:$0x2580];
	[tilespmem:$0x2D00] =	vst v3;
	v3 =	vmul.f32 v20, v19  }
0xab: {  	v6 =	vld [tilespmem:$0xD80];
	v49 =	vmul.f32 v26, v25;
	[tilespmem:$0x2E80] =	vst v22  }
0xac: {  	v9 =	vld [tilespmem:$0x2200];
	[tilespmem:$0x2E00] =	vst v3;
	v3 =	vmul.f32 v24, v23  }
0xad: {  	v10 =	vld [tilespmem:$0xE80];
	v52 =	vmul.f32 v30, v29;
	[tilespmem:$0x2F80] =	vst v49  }
0xae: {  	v13 =	vld [tilespmem:$0x2300];
	[tilespmem:$0x2F00] =	vst v3;
	v3 =	vmul.f32 v28, v27  }
0xaf: {  	v55 =	vmul.f32 v34, v33;
	v61 =	vmul.f32 v42, v41;
	v41 =	vld [tilespmem:$0x1480];
	[tilespmem:$0x3080] =	vst v52  }
0xb0: {  	v42 =	vld [tilespmem:$0x2880];
	[tilespmem:$0x3000] =	vst v3;
	v3 =	vmul.f32 v32, v31  }
0xb1: {  	v58 =	vmul.f32 v38, v37;
	v62 =	vld [tilespmem:$0x1200];
	[tilespmem:$0x3180] =	vst v55  }
0xb2: {  	v14 =	vld [tilespmem:$0xF80];
	[tilespmem:$0x3100] =	vst v3;
	v3 =	vmul.f32 v36, v35  }
0xb3: {  	v29 =	vld [tilespmem:$0x1280];
	[tilespmem:$0x3280] =	vst v58  }
0xb4: {  	v11 =	vld [tilespmem:$0x2280];
	[tilespmem:$0x3200] =	vst v3;
	v3 =	vmul.f32 v40, v39  }
0xb5: {  	v8 =	vld [tilespmem:$0xE00];
	[tilespmem:$0x3380] =	vst v61;
	v49 =	vmul.f32 v42, v41  }
0xb6: {  	v30 =	vld [tilespmem:$0x2680];
	[tilespmem:$0x3300] =	vst v3;
	v3 =	vmul.f32 v44, v43  }
0xb7: {  	v12 =	vld [tilespmem:$0xF00];
	v37 =	vmul.f32 v48, v14;
	[tilespmem:$0x3C80] =	vst v49  }
0xb8: {  	v7 =	vld [tilespmem:$0x2180];
	[tilespmem:$0x3400] =	vst v3;
	v3 =	vmul.f32 v4, v47  }
0xb9: {  	v33 =	vld [tilespmem:$0x2700];
	v34 =	vmul.f32 v11, v10;
	[tilespmem:$0x3780] =	vst v37  }
0xba: {  	v38 =	vld [tilespmem:$0x1400];
	[tilespmem:$0x3500] =	vst v3;
	v3 =	vmul.f32 v9, v8  }
0xbb: {  	v63 =	vld [tilespmem:$0x2600];
	[tilespmem:$0x3680] =	vst v34;
	v28 =	vmul.f32 v46, v45  }
0xbc: {  	v45 =	vld [tilespmem:$0x2900];
	[tilespmem:$0x3600] =	vst v3;
	v3 =	vmul.f32 v13, v12  }
0xbd: {  	[tilespmem:$0x3480] =	vst v28;
	v31 =	vmul.f32 v7, v6;
	v35 =	vld [tilespmem:$0x1380]  }
0xbe: {  	v36 =	vld [tilespmem:$0x2780];
	[tilespmem:$0x3700] =	vst v3;
	v3 =	vmul.f32 v51, v50  }
0xbf: {  	v32 =	vld [tilespmem:$0x1300];
	[tilespmem:$0x3580] =	vst v31;
	v40 =	vmul.f32 v54, v53  }
0xc0: {  	v46 =	vld [tilespmem:$0x1580];
	[tilespmem:$0x3800] =	vst v3;
	v3 =	vmul.f32 v57, v56  }
0xc1: {  	v39 =	vld [tilespmem:$0x2800];
	[tilespmem:$0x3880] =	vst v40;
	v43 =	vmul.f32 v60, v59  }
0xc2: {  	v47 =	vld [tilespmem:$0x2980];
	[tilespmem:$0x3900] =	vst v3;
	v3 =	vmul.f32 v63, v62  }
0xc3: {  	v44 =	vld [tilespmem:$0x1500];
	v48 =	vmul.f32 v36, v35;
	[tilespmem:$0x3980] =	vst v43  }
0xc4: {  	[tilespmem:$0x3A00] =	vst v3;
	v3 =	vmul.f32 v33, v32  }
0xc5: {  	v4 =	vmul.f32 v30, v29;
	[tilespmem:$0x3B80] =	vst v48  }
0xc6: {  	[tilespmem:$0x3B00] =	vst v3;
	v3 =	vmul.f32 v39, v38  }
0xc7: {  	[tilespmem:$0x3A80] =	vst v4;
	v50 =	vmul.f32 v47, v46  }
0xc8: {  	[tilespmem:$0x3C00] =	vst v3;
	v3 =	vmul.f32 v45, v44  }
0xc9: {  	[tilespmem:$0x3D80] =	vst v50  }
0xca: {  	[tilespmem:$0x3D00] =	vst v3  }
0xcb: {  	_ =	swait.ge [sflag:s12], $0x2800  }
0xcc: {  	[sflag:s12] =	ssyncset.done $0x0  }
0xcd: {  	[sflag:s12] =	ssyncadd.s32 $0xFFFFD800  }
0xce: {  	v3 =	vld [tilespmem:$0x0];
	_ =	sdelay $0x4  }
0xcf: {  	v51 =	vshll.u32 v3, $0x1  }
0xd0: {  	v3 =	vand.u32 $0x7, v3;
	v4 =	vand.u32 $0xFFFFFFF0, v51  }
0xd1: {  	v3 =	vor.u32 v3, v4  }
0xd2: {  	v4 =	vperm.xlane v3, v0;
	_ =	sdelay $0x1  }
0xd3: {  	v3 =	vperm.xlane v3, v2;
	v4 =	vadd.s32 v1, v4;
	_ =	sdelay $0x1  }
0xd4: {  	v3 =	vadd.s32 v1, v3;
	_ =	sdelay $0x2  }
0xd5: {  	[tilespmem:s23], [sflag:$0x7] =	stream.indirect_vreg.gather [hbm4b:s7+s2], $0x80, v4, vm0, $0xb8;
	[tilespmem:$0x1E200] =	vst v63  }
0xd6: {  	_ = 	snop  }
0xd7: {  	[tilespmem:s24], [sflag:$0x7] =	stream.indirect_vreg.gather [hbm4b:s7+s2], $0x80, v3, vm0, $0xb8;
	[tilespmem:$0x1E200] =	vst v63  }
0xd8: {  	v3 =	vld [tilespmem:$0x10];
	_ =	sdelay $0x4  }
0xd9: {  	v52 =	vshll.u32 v3, $0x1  }
0xda: {  	v3 =	vand.u32 $0x7, v3;
	v4 =	vand.u32 $0xFFFFFFF0, v52  }
0xdb: {  	v3 =	vor.u32 v3, v4  }
0xdc: {  	v4 =	vperm.xlane v3, v0;
	_ =	sdelay $0x1  }
0xdd: {  	v3 =	vperm.xlane v3, v2;
	v4 =	vadd.s32 v1, v4;
	_ =	sdelay $0x1  }
0xde: {  	v3 =	vadd.s32 v1, v3;
	_ =	sdelay $0x2  }
0xdf: {  	[tilespmem:s25], [sflag:$0x7] =	stream.indirect_vreg.gather [hbm4b:s7+s2], $0x80, v4, vm0, $0xb8;
	[tilespmem:$0x1E200] =	vst v63  }
0xe0: {  	_ = 	snop  }
0xe1: {  	[tilespmem:s26], [sflag:$0x7] =	stream.indirect_vreg.gather [hbm4b:s7+s2], $0x80, v3, vm0, $0xb8;
	[tilespmem:$0x1E200] =	vst v63  }
0xe2: {  	v3 =	vld.msk [tilespmem:$0x20], $0xff;
	_ =	sdelay $0x4  }
0xe3: {  	v53 =	vshll.u32 v3, $0x1  }
0xe4: {  	v3 =	vand.u32 $0x7, v3;
	v4 =	vand.u32 $0xFFFFFFF0, v53  }
0xe5: {  	v3 =	vor.u32 v3, v4  }
0xe6: {  	v3 =	vperm.xlane v3, v0;
	_ =	sdelay $0x1  }
0xe7: {  	v3 =	vadd.s32 v1, v3;
	_ =	sdelay $0x4  }
0xe8: {  	[tilespmem:s28], [sflag:$0x7] =	stream.indirect_vreg.gather [hbm4b:s7+s2], $0x80, v3, vm0, $0xb8;
	[tilespmem:$0x1E200] =	vst v63  }
0xe9: {  	_ =	swait.ge [sflag:s13], $0x2800  }
0xea: {  	[sflag:s13] =	ssyncset.done $0x0  }
0xeb: {  	[sflag:s13] =	ssyncadd.s32 $0xFFFFD800  }
0xec: {  	v3 =	vld [tilespmem:$0x0];
	_ =	sdelay $0x4  }
0xed: {  	v54 =	vshll.u32 v3, $0x1  }
0xee: {  	v3 =	vand.u32 $0x7, v3;
	v4 =	vand.u32 $0xFFFFFFF0, v54  }
0xef: {  	v3 =	vor.u32 v3, v4  }
0xf0: {  	v4 =	vperm.xlane v3, v0;
	_ =	sdelay $0x1  }
0xf1: {  	v3 =	vperm.xlane v3, v2;
	v4 =	vadd.s32 v1, v4;
	_ =	sdelay $0x1  }
0xf2: {  	v3 =	vadd.s32 v1, v3;
	_ =	sdelay $0x2  }
0xf3: {  	[tilespmem:s29], [sflag:$0x8] =	stream.indirect_vreg.gather [hbm4b:s8+s2], $0x80, v4, vm0, $0xb8;
	[tilespmem:$0x1E200] =	vst v63  }
0xf4: {  	_ = 	snop  }
0xf5: {  	[tilespmem:s30], [sflag:$0x8] =	stream.indirect_vreg.gather [hbm4b:s8+s2], $0x80, v3, vm0, $0xb8;
	[tilespmem:$0x1E200] =	vst v63  }
0xf6: {  	v3 =	vld [tilespmem:$0x10];
	_ =	sdelay $0x4  }
0xf7: {  	v55 =	vshll.u32 v3, $0x1  }
0xf8: {  	v3 =	vand.u32 $0x7, v3;
	v4 =	vand.u32 $0xFFFFFFF0, v55  }
0xf9: {  	v3 =	vor.u32 v3, v4  }
0xfa: {  	v4 =	vperm.xlane v3, v0;
	_ =	sdelay $0x1  }
0xfb: {  	v3 =	vperm.xlane v3, v2;
	v4 =	vadd.s32 v1, v4;
	_ =	sdelay $0x1  }
0xfc: {  	v3 =	vadd.s32 v1, v3;
	_ =	sdelay $0x2  }
0xfd: {  	[tilespmem:s31], [sflag:$0x8] =	stream.indirect_vreg.gather [hbm4b:s8+s2], $0x80, v4, vm0, $0xb8;
	[tilespmem:$0x1E200] =	vst v63  }
0xfe: {  	_ = 	snop  }
0xff: {  	[tilespmem:s0], [sflag:$0x8] =	stream.indirect_vreg.gather [hbm4b:s8+s2], $0x80, v3, vm0, $0xb8;
	[tilespmem:$0x1E200] =	vst v63  }
0x100: {  	v3 =	vld.msk [tilespmem:$0x20], $0xff;
	_ =	sdelay $0x4  }
0x101: {  	v56 =	vshll.u32 v3, $0x1  }
0x102: {  	v3 =	vand.u32 $0x7, v3;
	v4 =	vand.u32 $0xFFFFFFF0, v56  }
0x103: {  	v3 =	vor.u32 v3, v4  }
0x104: {  	v3 =	vperm.xlane v3, v0;
	_ =	sdelay $0x1  }
0x105: {  	v3 =	vadd.s32 v1, v3;
	_ =	sdelay $0x3  }
0x106: {  	s1 =	simm.s32 $0x3  }
0x107: {  	[tilespmem:s3], [sflag:$0x8] =	stream.indirect_vreg.gather [hbm4b:s8+s2], $0x80, v3, vm0, $0xb8;
	[tilespmem:$0x1E200] =	vst v63  }
0x108: {  	_ =	swait.ge [sflag:s1], $0x28  }
0x109: {  	[sflag:s1] =	ssyncset.done $0x0  }
0x10a: {  	[sflag:s1] =	ssyncadd.s32 $0xFFFFFFD8  }
0x10b: {  	_ =	swait.ge [sflag:s10], $0x28  }
0x10c: {  	[sflag:s10] =	ssyncset.done $0x0  }
0x10d: {  	[sflag:s10] =	ssyncadd.s32 $0xFFFFFFD8  }
0x10e: {  	_ =	swait.ge [sflag:s12], $0x2800  }
0x10f: {  	[sflag:s12] =	ssyncset.done $0x0  }
0x110: {  	s1 =	sadd.s32 $0x280, s20;
	[sflag:s12] =	ssyncadd.s32 $0xFFFFD800  }
0x111: {  	[tilespmem:s14], [sflag:$0x5] =	stream.linear.gather [hbm4b:s1+s2], $0x1400, $0x38;
	[tilespmem:$0x1E200] =	vst v63  }
0x112: {  	_ = 	snop  }
0x113: {  	[tilespmem:s19], [sflag:$0x6] =	stream.indirect.gather [hbm4b:s4+s21], $0x80, s18, s21, $0xb8;
	[tilespmem:$0x1E200] =	vst v63  }
0x114: {  	_ =	swait.ge [sflag:s13], $0x2800  }
0x115: {  	[sflag:s13] =	ssyncset.done $0x0  }
0x116: {  	[sflag:s13] =	ssyncadd.s32 $0xFFFFD800  }
0x117: {  	v3 =	vld [tilespmem:$0x100];
	_ =	sdelay $0x4  }
0x118: {  	v57 =	vshll.u32 v3, $0x1  }
0x119: {  	v3 =	vand.u32 $0x7, v3;
	v4 =	vand.u32 $0xFFFFFFF0, v57  }
0x11a: {  	v3 =	vor.u32 v3, v4  }
0x11b: {  	v4 =	vperm.xlane v3, v0;
	_ =	sdelay $0x1  }
0x11c: {  	v3 =	vperm.xlane v3, v2;
	v4 =	vadd.s32 v1, v4;
	_ =	sdelay $0x1  }
0x11d: {  	v3 =	vadd.s32 v1, v3;
	_ =	sdelay $0x2  }
0x11e: {  	[tilespmem:s23], [sflag:$0x7] =	stream.indirect_vreg.gather [hbm4b:s5+s2], $0x80, v4, vm0, $0xb8;
	[tilespmem:$0x1E200] =	vst v63  }
0x11f: {  	_ = 	snop  }
0x120: {  	[tilespmem:s24], [sflag:$0x7] =	stream.indirect_vreg.gather [hbm4b:s5+s2], $0x80, v3, vm0, $0xb8;
	[tilespmem:$0x1E200] =	vst v63  }
0x121: {  	v3 =	vld [tilespmem:$0x110];
	_ =	sdelay $0x4  }
0x122: {  	v58 =	vshll.u32 v3, $0x1  }
0x123: {  	v3 =	vand.u32 $0x7, v3;
	v4 =	vand.u32 $0xFFFFFFF0, v58  }
0x124: {  	v3 =	vor.u32 v3, v4  }
0x125: {  	v4 =	vperm.xlane v3, v0;
	_ =	sdelay $0x1  }
0x126: {  	v3 =	vperm.xlane v3, v2;
	v4 =	vadd.s32 v1, v4;
	_ =	sdelay $0x1  }
0x127: {  	v3 =	vadd.s32 v1, v3;
	_ =	sdelay $0x2  }
0x128: {  	[tilespmem:s25], [sflag:$0x7] =	stream.indirect_vreg.gather [hbm4b:s5+s2], $0x80, v4, vm0, $0xb8;
	[tilespmem:$0x1E200] =	vst v63  }
0x129: {  	_ = 	snop  }
0x12a: {  	[tilespmem:s26], [sflag:$0x7] =	stream.indirect_vreg.gather [hbm4b:s5+s2], $0x80, v3, vm0, $0xb8;
	[tilespmem:$0x1E200] =	vst v63  }
0x12b: {  	v3 =	vld.msk [tilespmem:$0x120], $0xff;
	_ =	sdelay $0x4  }
0x12c: {  	v59 =	vshll.u32 v3, $0x1  }
0x12d: {  	v3 =	vand.u32 $0x7, v3;
	v4 =	vand.u32 $0xFFFFFFF0, v59  }
0x12e: {  	v3 =	vor.u32 v3, v4  }
0x12f: {  	v3 =	vperm.xlane v3, v0;
	_ =	sdelay $0x1  }
0x130: {  	v3 =	vadd.s32 v1, v3;
	_ =	sdelay $0x4  }
0x131: {  	[tilespmem:s28], [sflag:$0x7] =	stream.indirect_vreg.gather [hbm4b:s5+s2], $0x80, v3, vm0, $0xb8;
	[tilespmem:$0x1E200] =	vst v63  }
0x132: {  	s1 =	simm.s32 $0x8E00  }
0x133: {  	[spmem:s16] =	stream.indirect.scatter.add.f32 [tilespmem:s1], [sflag:$0x9], $0x80, s17, s21, $0xb8;
	[tilespmem:$0x1E200] =	vst v63  }
0x134: {  	_ =	swait.ge [sflag:s15], $0x1400  }
0x135: {  	[sflag:s15] =	ssyncset.done $0x0  }
0x136: {  	[sflag:s15] =	ssyncadd.s32 $0xFFFFEC00  }
0x137: {  	v3 =	vld [tilespmem:$0x100];
	_ =	sdelay $0x4  }
0x138: {  	v60 =	vshll.u32 v3, $0x1  }
0x139: {  	v3 =	vand.u32 $0x7, v3;
	v4 =	vand.u32 $0xFFFFFFF0, v60  }
0x13a: {  	v3 =	vor.u32 v3, v4  }
0x13b: {  	v4 =	vperm.xlane v3, v0;
	_ =	sdelay $0x1  }
0x13c: {  	v3 =	vperm.xlane v3, v2;
	v4 =	vadd.s32 v1, v4;
	_ =	sdelay $0x1  }
0x13d: {  	v3 =	vadd.s32 v1, v3;
	_ =	sdelay $0x2  }
0x13e: {  	[tilespmem:s29], [sflag:$0x8] =	stream.indirect_vreg.gather [hbm4b:s6+s2], $0x80, v4, vm0, $0xb8;
	[tilespmem:$0x1E200] =	vst v63  }
0x13f: {  	_ = 	snop  }
0x140: {  	[tilespmem:s30], [sflag:$0x8] =	stream.indirect_vreg.gather [hbm4b:s6+s2], $0x80, v3, vm0, $0xb8;
	[tilespmem:$0x1E200] =	vst v63  }
0x141: {  	v3 =	vld [tilespmem:$0x110];
	_ =	sdelay $0x4  }
0x142: {  	v61 =	vshll.u32 v3, $0x1  }
0x143: {  	v3 =	vand.u32 $0x7, v3;
	v4 =	vand.u32 $0xFFFFFFF0, v61  }
0x144: {  	v3 =	vor.u32 v3, v4  }
0x145: {  	v4 =	vperm.xlane v3, v0;
	_ =	sdelay $0x1  }
0x146: {  	v3 =	vperm.xlane v3, v2;
	v4 =	vadd.s32 v1, v4;
	_ =	sdelay $0x1  }
0x147: {  	v3 =	vadd.s32 v1, v3;
	_ =	sdelay $0x2  }
0x148: {  	[tilespmem:s31], [sflag:$0x8] =	stream.indirect_vreg.gather [hbm4b:s6+s2], $0x80, v4, vm0, $0xb8;
	[tilespmem:$0x1E200] =	vst v63  }
0x149: {  	_ = 	snop  }
0x14a: {  	[tilespmem:s0], [sflag:$0x8] =	stream.indirect_vreg.gather [hbm4b:s6+s2], $0x80, v3, vm0, $0xb8;
	[tilespmem:$0x1E200] =	vst v63  }
0x14b: {  	v3 =	vld.msk [tilespmem:$0x120], $0xff;
	_ =	sdelay $0x4  }
0x14c: {  	v62 =	vshll.u32 v3, $0x1  }
0x14d: {  	v3 =	vand.u32 $0x7, v3;
	v4 =	vand.u32 $0xFFFFFFF0, v62  }
0x14e: {  	v3 =	vor.u32 v3, v4  }
0x14f: {  	v3 =	vperm.xlane v3, v0;
	_ =	sdelay $0x1  }
0x150: {  	v3 =	vadd.s32 v1, v3;
	_ =	sdelay $0x4  }
0x151: {  	[tilespmem:s3], [sflag:$0x8] =	stream.indirect_vreg.gather [hbm4b:s6+s2], $0x80, v3, vm0, $0xb8;
	[tilespmem:$0x1E200] =	vst v63  }
0x152: {  	_ =	swait.ge [sflag:s9], $0x1400  }
0x153: {  	[sflag:s9] =	ssyncset.done $0x0  }
0x154: {  	[sflag:s9] =	ssyncadd.s32 $0xFFFFEC00  }
0x155: {  	_ =	swait.ge [sflag:s11], $0x1400  }
0x156: {  	[sflag:s11] =	ssyncset.done $0x0  }
0x157: {  	[sflag:s11] =	ssyncadd.s32 $0xFFFFEC00  }
0x158: {  	v3 =	vld [tilespmem:$0x200]  }
0x159: {  	v4 =	vld [tilespmem:$0x1600]  }
0x15a: {  	v5 =	vld [tilespmem:$0x280]  }
0x15b: {  	v6 =	vld [tilespmem:$0x1680]  }
0x15c: {  	v7 =	vld [tilespmem:$0x300]  }
0x15d: {  	v8 =	vld [tilespmem:$0x1700]  }
0x15e: {  	v9 =	vld [tilespmem:$0x380]  }
0x15f: {  	v63 =	vld [tilespmem:$0x1780]  }
0x160: {  	v11 =	vld [tilespmem:$0x400]  }
0x161: {  	v12 =	vld [tilespmem:$0x1800]  }
0x162: {  	v13 =	vld [tilespmem:$0x480]  }
0x163: {  	v48 =	vld [tilespmem:$0x1880]  }
0x164: {  	v15 =	vld [tilespmem:$0x500]  }
0x165: {  	v49 =	vld [tilespmem:$0x1900]  }
0x166: {  	v50 =	vld [tilespmem:$0x580]  }
0x167: {  	v51 =	vld [tilespmem:$0x1980]  }
0x168: {  	v19 =	vld [tilespmem:$0x600]  }
0x169: {  	v52 =	vld [tilespmem:$0x1A00]  }
0x16a: {  	v53 =	vld [tilespmem:$0x680]  }
0x16b: {  	v54 =	vld [tilespmem:$0x1A80]  }
0x16c: {  	v23 =	vld [tilespmem:$0x700]  }
0x16d: {  	v55 =	vld [tilespmem:$0x1B00]  }
0x16e: {  	v56 =	vld [tilespmem:$0x780]  }
0x16f: {  	v57 =	vld [tilespmem:$0x1B80]  }
0x170: {  	v27 =	vld [tilespmem:$0x800]  }
0x171: {  	v58 =	vld [tilespmem:$0x1C00]  }
0x172: {  	v59 =	vld [tilespmem:$0x880]  }
0x173: {  	v60 =	vld [tilespmem:$0x1C80]  }
0x174: {  	v31 =	vld [tilespmem:$0x900]  }
0x175: {  	v61 =	vld [tilespmem:$0x1D00]  }
0x176: {  	v33 =	vld [tilespmem:$0x980]  }
0x177: {  	v62 =	vld [tilespmem:$0x1D80]  }
0x178: {  	v35 =	vld [tilespmem:$0xA00]  }
0x179: {  	v36 =	vld [tilespmem:$0x1E00]  }
0x17a: {  	v37 =	vld [tilespmem:$0xA80]  }
0x17b: {  	v38 =	vld [tilespmem:$0x1E80]  }
0x17c: {  	v39 =	vld [tilespmem:$0xB00]  }
0x17d: {  	v40 =	vld [tilespmem:$0x1F00]  }
0x17e: {  	v41 =	vld [tilespmem:$0xB80]  }
0x17f: {  	v42 =	vld [tilespmem:$0x1F80]  }
0x180: {  	v43 =	vld [tilespmem:$0xC00]  }
0x181: {  	v44 =	vld [tilespmem:$0x2000]  }
0x182: {  	v45 =	vld [tilespmem:$0xC80]  }
0x183: {  	v46 =	vld [tilespmem:$0x2080]  }
0x184: {  	v47 =	vld [tilespmem:$0xD00]  }
0x185: {  	v28 =	vld [tilespmem:$0x2500];
	v3 =	vmul.f32 v4, v3  }
0x186: {  	v30 =	vld [tilespmem:$0x1180];
	v5 =	vmul.f32 v6, v5  }
0x187: {  	v34 =	vld [tilespmem:$0x2600];
	v63 =	vmul.f32 v63, v9;
	[tilespmem:$0x2A00] =	vst v3  }
0x188: {  	v4 =	vld [tilespmem:$0x2100];
	v3 =	vmul.f32 v8, v7;
	[tilespmem:$0x2A80] =	vst v5  }
0x189: {  	v6 =	vld [tilespmem:$0xD80];
	v14 =	vmul.f32 v48, v13;
	[tilespmem:$0x2B80] =	vst v63  }
0x18a: {  	v9 =	vld [tilespmem:$0x2200];
	[tilespmem:$0x2B00] =	vst v3;
	v3 =	vmul.f32 v12, v11  }
0x18b: {  	v48 =	vld [tilespmem:$0xE80];
	v50 =	vmul.f32 v51, v50;
	[tilespmem:$0x2C80] =	vst v14  }
0x18c: {  	v51 =	vld [tilespmem:$0xF00];
	[tilespmem:$0x2C00] =	vst v3;
	v3 =	vmul.f32 v49, v15  }
0x18d: {  	v53 =	vmul.f32 v54, v53;
	v54 =	vld [tilespmem:$0xF80];
	[tilespmem:$0x2D80] =	vst v50  }
0x18e: {  	v56 =	vmul.f32 v57, v56;
	v57 =	vld [tilespmem:$0x1000];
	[tilespmem:$0x2D00] =	vst v3;
	v3 =	vmul.f32 v52, v19  }
0x18f: {  	v59 =	vmul.f32 v60, v59;
	v60 =	vld [tilespmem:$0x1080];
	[tilespmem:$0x2E80] =	vst v53  }
0x190: {  	v62 =	vmul.f32 v62, v33;
	v33 =	vld [tilespmem:$0x1200];
	[tilespmem:$0x2E00] =	vst v3;
	v3 =	vmul.f32 v55, v23  }
0x191: {  	v29 =	vmul.f32 v38, v37;
	v37 =	vld [tilespmem:$0x2680];
	[tilespmem:$0x2F80] =	vst v56  }
0x192: {  	v32 =	vmul.f32 v42, v41;
	v42 =	vld [tilespmem:$0x1380];
	[tilespmem:$0x2F00] =	vst v3;
	v3 =	vmul.f32 v58, v27  }
0x193: {  	v7 =	vld [tilespmem:$0x2180];
	[tilespmem:$0x3080] =	vst v59  }
0x194: {  	v49 =	vld [tilespmem:$0x2280];
	[tilespmem:$0x3000] =	vst v3;
	v3 =	vmul.f32 v61, v31  }
0x195: {  	v8 =	vld [tilespmem:$0xE00];
	[tilespmem:$0x3180] =	vst v62  }
0x196: {  	v63 =	vld [tilespmem:$0x1100];
	[tilespmem:$0x3100] =	vst v3;
	v3 =	vmul.f32 v36, v35  }
0x197: {  	[tilespmem:$0x3280] =	vst v29;
	v53 =	vld [tilespmem:$0x1580]  }
0x198: {  	v52 =	vld [tilespmem:$0x2300];
	[tilespmem:$0x3200] =	vst v3;
	v3 =	vmul.f32 v40, v39  }
0x199: {  	[tilespmem:$0x3380] =	vst v32;
	v38 =	vmul.f32 v7, v6;
	v41 =	vmul.f32 v49, v48;
	v48 =	vld [tilespmem:$0x1480]  }
0x19a: {  	v49 =	vld [tilespmem:$0x2880];
	[tilespmem:$0x3300] =	vst v3;
	v3 =	vmul.f32 v44, v43  }
0x19b: {  	[tilespmem:$0x3580] =	vst v38;
	v55 =	vld [tilespmem:$0x2380]  }
0x19c: {  	v31 =	vld [tilespmem:$0x2580];
	[tilespmem:$0x3400] =	vst v3;
	v3 =	vmul.f32 v4, v47  }
0x19d: {  	v58 =	vld [tilespmem:$0x2400];
	[tilespmem:$0x3680] =	vst v41;
	v35 =	vmul.f32 v46, v45  }
0x19e: {  	v61 =	vld [tilespmem:$0x2480];
	[tilespmem:$0x3500] =	vst v3;
	v3 =	vmul.f32 v9, v8  }
0x19f: {  	v36 =	vld [tilespmem:$0x1280];
	v56 =	vmul.f32 v49, v48;
	[tilespmem:$0x3480] =	vst v35  }
0x1a0: {  	v45 =	vld [tilespmem:$0x1400];
	[tilespmem:$0x3600] =	vst v3;
	v3 =	vmul.f32 v52, v51  }
0x1a1: {  	v46 =	vld [tilespmem:$0x2800];
	[tilespmem:$0x3C80] =	vst v56;
	v50 =	vmul.f32 v31, v30  }
0x1a2: {  	v39 =	vld [tilespmem:$0x1300];
	[tilespmem:$0x3700] =	vst v3;
	v3 =	vmul.f32 v58, v57  }
0x1a3: {  	v40 =	vld [tilespmem:$0x2700];
	v44 =	vmul.f32 v55, v54;
	[tilespmem:$0x3980] =	vst v50  }
0x1a4: {  	v43 =	vld [tilespmem:$0x2780];
	[tilespmem:$0x3800] =	vst v3;
	v3 =	vmul.f32 v28, v63  }
0x1a5: {  	v54 =	vld [tilespmem:$0x2980];
	[tilespmem:$0x3780] =	vst v44;
	v47 =	vmul.f32 v61, v60  }
0x1a6: {  	v51 =	vld [tilespmem:$0x1500];
	[tilespmem:$0x3900] =	vst v3;
	v3 =	vmul.f32 v34, v33  }
0x1a7: {  	v4 =	vmul.f32 v37, v36;
	[tilespmem:$0x3880] =	vst v47;
	v52 =	vld [tilespmem:$0x2900]  }
0x1a8: {  	[tilespmem:$0x3A00] =	vst v3;
	v3 =	vmul.f32 v40, v39  }
0x1a9: {  	[tilespmem:$0x3A80] =	vst v4;
	v55 =	vmul.f32 v43, v42  }
0x1aa: {  	[tilespmem:$0x3B00] =	vst v3;
	v3 =	vmul.f32 v46, v45  }
0x1ab: {  	[tilespmem:$0x3B80] =	vst v55;
	v57 =	vmul.f32 v54, v53  }
0x1ac: {  	[tilespmem:$0x3C00] =	vst v3;
	v3 =	vmul.f32 v52, v51  }
0x1ad: {  	[tilespmem:$0x3D80] =	vst v57  }
0x1ae: {  	[tilespmem:$0x3D00] =	vst v3  }
0x1af: {  	_ =	swait.ge [sflag:s12], $0x2800  }
0x1b0: {  	[sflag:s12] =	ssyncset.done $0x0  }
0x1b1: {  	[sflag:s12] =	ssyncadd.s32 $0xFFFFD800  }
0x1b2: {  	v3 =	vld [tilespmem:$0x100];
	_ =	sdelay $0x4  }
0x1b3: {  	v58 =	vshll.u32 v3, $0x1  }
0x1b4: {  	v3 =	vand.u32 $0x7, v3;
	v4 =	vand.u32 $0xFFFFFFF0, v58  }
0x1b5: {  	v3 =	vor.u32 v3, v4  }
0x1b6: {  	v4 =	vperm.xlane v3, v0;
	_ =	sdelay $0x1  }
0x1b7: {  	v3 =	vperm.xlane v3, v2;
	v4 =	vadd.s32 v1, v4;
	_ =	sdelay $0x1  }
0x1b8: {  	v3 =	vadd.s32 v1, v3;
	_ =	sdelay $0x2  }
0x1b9: {  	[tilespmem:s23], [sflag:$0x7] =	stream.indirect_vreg.gather [hbm4b:s7+s2], $0x80, v4, vm0, $0xb8;
	[tilespmem:$0x1E200] =	vst v63  }
0x1ba: {  	_ = 	snop  }
0x1bb: {  	[tilespmem:s24], [sflag:$0x7] =	stream.indirect_vreg.gather [hbm4b:s7+s2], $0x80, v3, vm0, $0xb8;
	[tilespmem:$0x1E200] =	vst v63  }
0x1bc: {  	v3 =	vld [tilespmem:$0x110];
	_ =	sdelay $0x4  }
0x1bd: {  	v59 =	vshll.u32 v3, $0x1  }
0x1be: {  	v3 =	vand.u32 $0x7, v3;
	v4 =	vand.u32 $0xFFFFFFF0, v59  }
0x1bf: {  	v3 =	vor.u32 v3, v4  }
0x1c0: {  	v4 =	vperm.xlane v3, v0;
	_ =	sdelay $0x1  }
0x1c1: {  	v3 =	vperm.xlane v3, v2;
	v4 =	vadd.s32 v1, v4;
	_ =	sdelay $0x1  }
0x1c2: {  	v3 =	vadd.s32 v1, v3;
	_ =	sdelay $0x2  }
0x1c3: {  	[tilespmem:s25], [sflag:$0x7] =	stream.indirect_vreg.gather [hbm4b:s7+s2], $0x80, v4, vm0, $0xb8;
	[tilespmem:$0x1E200] =	vst v63  }
0x1c4: {  	_ = 	snop  }
0x1c5: {  	[tilespmem:s26], [sflag:$0x7] =	stream.indirect_vreg.gather [hbm4b:s7+s2], $0x80, v3, vm0, $0xb8;
	[tilespmem:$0x1E200] =	vst v63  }
0x1c6: {  	v3 =	vld.msk [tilespmem:$0x120], $0xff;
	_ =	sdelay $0x4  }
0x1c7: {  	v60 =	vshll.u32 v3, $0x1  }
0x1c8: {  	v3 =	vand.u32 $0x7, v3;
	v4 =	vand.u32 $0xFFFFFFF0, v60  }
0x1c9: {  	v3 =	vor.u32 v3, v4  }
0x1ca: {  	v3 =	vperm.xlane v3, v0;
	_ =	sdelay $0x1  }
0x1cb: {  	v3 =	vadd.s32 v1, v3;
	_ =	sdelay $0x4  }
0x1cc: {  	[tilespmem:s28], [sflag:$0x7] =	stream.indirect_vreg.gather [hbm4b:s7+s2], $0x80, v3, vm0, $0xb8;
	[tilespmem:$0x1E200] =	vst v63  }
0x1cd: {  	_ =	swait.ge [sflag:s13], $0x2800  }
0x1ce: {  	[sflag:s13] =	ssyncset.done $0x0  }
0x1cf: {  	[sflag:s13] =	ssyncadd.s32 $0xFFFFD800  }
0x1d0: {  	v3 =	vld [tilespmem:$0x100];
	_ =	sdelay $0x4  }
0x1d1: {  	v61 =	vshll.u32 v3, $0x1  }
0x1d2: {  	v3 =	vand.u32 $0x7, v3;
	v4 =	vand.u32 $0xFFFFFFF0, v61  }
0x1d3: {  	v3 =	vor.u32 v3, v4  }
0x1d4: {  	v4 =	vperm.xlane v3, v0;
	_ =	sdelay $0x1  }
0x1d5: {  	v3 =	vperm.xlane v3, v2;
	v4 =	vadd.s32 v1, v4;
	_ =	sdelay $0x1  }
0x1d6: {  	v3 =	vadd.s32 v1, v3;
	_ =	sdelay $0x2  }
0x1d7: {  	[tilespmem:s29], [sflag:$0x8] =	stream.indirect_vreg.gather [hbm4b:s8+s2], $0x80, v4, vm0, $0xb8;
	[tilespmem:$0x1E200] =	vst v63  }
0x1d8: {  	_ = 	snop  }
0x1d9: {  	[tilespmem:s30], [sflag:$0x8] =	stream.indirect_vreg.gather [hbm4b:s8+s2], $0x80, v3, vm0, $0xb8;
	[tilespmem:$0x1E200] =	vst v63  }
0x1da: {  	v3 =	vld [tilespmem:$0x110];
	_ =	sdelay $0x4  }
0x1db: {  	v62 =	vshll.u32 v3, $0x1  }
0x1dc: {  	v3 =	vand.u32 $0x7, v3;
	v4 =	vand.u32 $0xFFFFFFF0, v62  }
0x1dd: {  	v3 =	vor.u32 v3, v4  }
0x1de: {  	v4 =	vperm.xlane v3, v0;
	_ =	sdelay $0x1  }
0x1df: {  	v3 =	vperm.xlane v3, v2;
	v4 =	vadd.s32 v1, v4;
	_ =	sdelay $0x1  }
0x1e0: {  	v3 =	vadd.s32 v1, v3;
	_ =	sdelay $0x2  }
0x1e1: {  	[tilespmem:s31], [sflag:$0x8] =	stream.indirect_vreg.gather [hbm4b:s8+s2], $0x80, v4, vm0, $0xb8;
	[tilespmem:$0x1E200] =	vst v63  }
0x1e2: {  	_ = 	snop  }
0x1e3: {  	[tilespmem:s0], [sflag:$0x8] =	stream.indirect_vreg.gather [hbm4b:s8+s2], $0x80, v3, vm0, $0xb8;
	[tilespmem:$0x1E200] =	vst v63  }
0x1e4: {  	v3 =	vld.msk [tilespmem:$0x120], $0xff;
	_ =	sdelay $0x4  }
0x1e5: {  	v63 =	vshll.u32 v3, $0x1  }
0x1e6: {  	v3 =	vand.u32 $0x7, v3;
	v4 =	vand.u32 $0xFFFFFFF0, v63  }
0x1e7: {  	v3 =	vor.u32 v3, v4  }
0x1e8: {  	v3 =	vperm.xlane v3, v0;
	_ =	sdelay $0x1  }
0x1e9: {  	v3 =	vadd.s32 v1, v3;
	_ =	sdelay $0x4  }
0x1ea: {  	[tilespmem:s3], [sflag:$0x8] =	stream.indirect_vreg.gather [hbm4b:s8+s2], $0x80, v3, vm0, $0xb8;
	[tilespmem:$0x1E200] =	vst v63  }
0x1eb: {  	_ =	swait.ge [sflag:s12], $0x2800  }
0x1ec: {  	[sflag:s12] =	ssyncset.done $0x0  }
0x1ed: {  	[sflag:s12] =	ssyncadd.s32 $0xFFFFD800  }
0x1ee: {  	_ =	swait.ge [sflag:s13], $0x2800  }
0x1ef: {  	p0 =	sne.s32 s22, $0x4D8;
	[sflag:s13] =	ssyncset.done $0x0  }
.Ltmp0:
0x1f0: {  	[sflag:s13] =	ssyncadd.s32 $0xFFFFD800;
	(pc) =	sbr.rel @p0 .LBB2_2-.Ltmp0, $4  }
0x1f1: {  	[spmem:s16] =	stream.indirect.scatter.add.f32 [tilespmem:s1], [sflag:$0x9], $0x80, s18, s21, $0xb8;
	[tilespmem:$0x1E200] =	vst v63  }
0x1f2: {  	_ =	swait.ge [sflag:s15], $0x1400  }
0x1f3: {  	[sflag:s15] =	ssyncset.done $0x0  }
0x1f4: {  	s22 =	sadd.s32 $0xA, s22;
	s20 =	sadd.s32 $0x500, s20;
	[sflag:s15] =	ssyncadd.s32 $0xFFFFEC00  }
0x1f5: {  	[bflag:$0x0] =	sbarrier.arrive $0xFFFF  }
0x1f6: {  	s18 =	rddreg [dreg:$0x9]  }
0x1f7: {  	s1 =	rddreg [dreg:$0xa]  }
0x1f8: {  	s17 =	rddreg [dreg:$0xd]  }
0x1f9: {  	[hbm:s1], [sflag:s18] =	dma.local [spmem:s17], $0x2800  }
0x1fa: {  	_ =	swait.ge [sflag:s15], $0x2800  }
0x1fb: {  	s10 =	rddreg [dreg:$0xe]  }
0x1fc: {  	s22 =	rddreg [dreg:$0xb];
	s10 =	sadd.s32 $0x1, s10  }
0x1fd: {  	p0 =	sne.s32 s10, s22  }
.Ltmp1:
0x1fe: {  	_ = 	snop;
	(pc) =	sbr.rel @p0 .LBB2_1-.Ltmp1, $3  }
0x1ff: {  	_ =	sdelay $0x1  }
0x200: {  	[sflag:s15] =	ssyncset.done $0x0  }
0x201: {  	[sflag:s15] =	ssyncadd.s32 $0xFFFFD800  }
0x202: {  	_ =	sfence.sel $0x180000  }
0x203: {  	[bflag:$0x0] =	sbarrier.arrive $0xFFFF  }
0x204: {  	_ =	strace $0x9000004A  }
0x205: {  	s0 =	stileid.u32;
	[bflag:$0x2] =	sbarrier.arrive $0xFFFF  }
0x206: {  	p0 =	sne.s32 s0, $0x0;
	s0 =	rddreg [dreg:$0x2]  }
0x207: {  	s0 =	sadd.s32 @!p0 $0x100000, s0  }
0x208: {  	[sflag:s0] =	ssyncadd.tile.s32 @!p0 $0x1;
	_ =	shalt  }
.Lfunc_end2:
_tile_overlayer_lowered:
.L_overlay_start_2:
0x209: {  	(tag) =	ssettag $0x2  }
0x20a: {  	s0 =	rddreg [dreg:$0x0];
	s2 =	stileid.u32  }
0x20b: {  	s1 =	rddreg [dreg:$0x1];
	p0 =	sne.s32 s2, $0x0  }
0x20c: {  	s3 =	rddreg [dreg:$0x2];
	[bflag:$0x3] =	sbarrier.arrive $0xFFFF;
	s2 =	simm.s32 @!p0 $0x1C09  }
0x20d: {  	[timem:s3], [sflag:s2] =	dma.local @!p0 [hbm:s0], s1  }
0x20e: {  	s0 =	simm.s32 @!p0 $0x9  }
0x20f: {  	_ =	swait.ge @!p0 [sflag:s0], s1  }
0x210: {  	s1 =	ssub.s32 @!p0 $0x0, s1;
	[sflag:s0] =	ssyncset.done @!p0 $0x0  }
0x211: {  	[sflag:s0] =	ssyncadd.s32 @!p0 s1  }
0x212: {  	[bflag:$0x3] =	sbarrier.arrive $0xFFFF  }
0x213: {  	_ =	shalt  }

// kernel: kernel.17.cloned.1.call-start
scs
__scs_entry_jumppad:
0x0: {  	(pc) =	sbr.rel $0x88, $3  }
0x1: {  	(tag) =	ssettag $0x0;
	lr =	simm.s32 $0x1  }
0x2: {  	[smem:$0x3F91] =	sst lr;
	_ =	strace $0xD0000000  }
0x3: {  	_ = 	snop  }
0x4: {  	_ = 	snop  }
0x5: {  	_ = 	snop  }
0x6: {  	_ = 	snop  }
0x7: {  	_ = 	snop  }
__scs_overlays_trampoline_lowered:
0x8: {  	[smem:$0x3FA0] =	sst s0  }
0x9: {  	[smem:$0x3FA1] =	sst s1  }
0xa: {  	[smem:$0x3FA2] =	sst s2  }
0xb: {  	[smem:$0x3FA3] =	sst s3  }
0xc: {  	[smem:$0x3FA4] =	sst s4  }
0xd: {  	[smem:$0x3FA5] =	sst s5  }
0xe: {  	[smem:$0x3FA6] =	sst s6  }
0xf: {  	[smem:$0x3FA7] =	sst s7  }
0x10: {  	[smem:$0x3FA8] =	sst s8  }
0x11: {  	[smem:$0x3FA9] =	sst s9;
	s0 =	simm.s32 @!p0 $0x0  }
0x12: {  	s1 =	sld [smem:$0x3F8F];
	s0 =	simm.s32 @p0 $0x1  }
0x13: {  	[smem:$0x3FAA] =	sst s0;
	s0 =	simm.s32 @!p1 $0x0  }
0x14: {  	s2 =	sld [smem:$0x3F8E];
	s0 =	simm.s32 @p1 $0x1  }
0x15: {  	[smem:$0x3FAB] =	sst s0;
	s0 =	simm.s32 @!p2 $0x0  }
0x16: {  	s3 =	sld [smem:$0x3FDB];
	s0 =	simm.s32 @p2 $0x1  }
0x17: {  	s4 =	simm.s32 $0x1BF5;
	[smem:$0x3FAD] =	sst s0  }
0x18: {  	s0 =	sld [smem:$0x3F90];
	_ =	swait.ge [sflag:s4], $0x0  }
0x19: {  	s7 =	sld [smem:$0x3F91]  }
0x1a: {  	s8 =	sadd.s32 $0xFFFFE003, lr  }
0x1b: {  	s9 =	sadd.s32 $0xFFFFFEF7, lr;
	s5 =	simm.s32 $0xFFFFFFFF;
	p2 =	slt.u32 s8, $0xFFFFF086  }
0x1c: {  	p1 =	slt.u32 s9, $0xF7A;
	s5 =	simm.s32 @!p2 $0x0  }
0x1d: {  	s5 =	simm.s32 @p1 $0x1;
	p0 =	seq.s32 s7, s2  }
0x1e: {  	s7 =	smul.u32 @!p0 $0xF7A, s2;
	p2 =	seq.s32 @!p0 s5, $0x0  }
0x1f: {  	s9 =	smul.u32 $0xF7A, s1;
	s8 =	simm.s32 @!p0 $0x1BF5;
	p2 =	por !p2, p0  }
0x20: {  	[sflag:s8] =	ssyncset.s32 @!p0 $0xFFFFF086;
	s6 =	sadd.s32 @!p0 s3, s7;
	s7 =	simm.s32 @!p0 $0x108  }
0x21: {  	s3 =	sadd.s32 s3, s9;
	s6 =	sadd.s32 @!p0 $0x88, s6;
	s7 =	simm.s32 @p2 $0x1082  }
0x22: {  	[simem:s7], [sflag:s8] =	dma.local @!p0 [hbm:s6], $0xF7A  }
0x23: {  	s9 =	sor.u32 $0xD0000000, s2;
	s6 =	simm.s32 $0x108;
	_ =	swait.ge @!p0 [sflag:s8], $0x0  }
0x24: {  	s3 =	sadd.s32 $0x88, s3;
	s6 =	simm.s32 @!p1 $0x1082;
	[sflag:s4] =	ssyncset.s32 $0xFFFFF086  }
0x25: {  	[simem:s6], [sflag:s4] =	dma.local [hbm:s3], $0xF7A  }
0x26: {  	[smem:$0x3F91] =	sst s1;
	(tag) =	ssettag s2;
	_ =	strace s9  }
0x27: {  	s1 =	sld [smem:$0x3FA1]  }
0x28: {  	s2 =	sld [smem:$0x3FA2]  }
0x29: {  	s4 =	sld [smem:$0x3FA4]  }
0x2a: {  	p0 =	seq.s32 s5, $0x0;
	s5 =	sld [smem:$0x3FA5]  }
0x2b: {  	s6 =	sld [smem:$0x3FA6]  }
0x2c: {  	s7 =	sld [smem:$0x3FA7]  }
0x2d: {  	s3 =	simm.s32 $0x108;
	s8 =	sld [smem:$0x3FA8]  }
0x2e: {  	s3 =	simm.s32 @!p0 $0x1082;
	s9 =	sld [smem:$0x3FA9]  }
0x2f: {  	lr =	sadd.s32 s0, s3;
	s0 =	sld [smem:$0x3FA0]  }
0x30: {  	s3 =	sld [smem:$0x3FA3]  }
0x31: {  	[smem:$0x3FAC] =	sst s10  }
0x32: {  	s10 =	sld [smem:$0x3FAA];
	_ =	sdelay $0x3  }
0x33: {  	p0 =	seq.s32 s10, $0x1;
	s10 =	sld [smem:$0x3FAC];
	_ =	sdelay $0x3  }
0x34: {  	[smem:$0x3FAC] =	sst s10  }
0x35: {  	s10 =	sld [smem:$0x3FAB];
	_ =	sdelay $0x3  }
0x36: {  	p1 =	seq.s32 s10, $0x1;
	s10 =	sld [smem:$0x3FAC];
	_ =	sdelay $0x3  }
0x37: {  	[smem:$0x3FAC] =	sst s10  }
0x38: {  	s10 =	sld [smem:$0x3FAD]  }
0x39: {  	_ = 	snop;
	(pc) =	sbr.ind lr, $3  }
0x3a: {  	_ = 	snop  }
0x3b: {  	_ = 	snop  }
0x3c: {  	p2 =	seq.s32 s10, $0x1;
	s10 =	sld [smem:$0x3FAC]  }
0x3d: {  	_ =	shalt  }
0x3e: {  	_ =	shalt  }
0x3f: {  	_ =	shalt  }
0x40: {  	_ =	shalt  }
0x41: {  	_ =	shalt  }
0x42: {  	_ =	shalt  }
0x43: {  	_ =	shalt  }
0x44: {  	_ =	shalt  }
0x45: {  	_ =	shalt  }
0x46: {  	_ =	shalt  }
0x47: {  	_ =	shalt  }
0x48: {  	_ =	shalt  }
0x49: {  	_ =	shalt  }
0x4a: {  	_ =	shalt  }
0x4b: {  	_ =	shalt  }
0x4c: {  	_ =	shalt  }
0x4d: {  	_ =	shalt  }
0x4e: {  	_ =	shalt  }
0x4f: {  	_ =	shalt  }
0x50: {  	_ =	shalt  }
0x51: {  	_ =	shalt  }
0x52: {  	_ =	shalt  }
0x53: {  	_ =	shalt  }
0x54: {  	_ =	shalt  }
0x55: {  	_ =	shalt  }
0x56: {  	_ =	shalt  }
0x57: {  	_ =	shalt  }
0x58: {  	_ =	shalt  }
0x59: {  	_ =	shalt  }
0x5a: {  	_ =	shalt  }
0x5b: {  	_ =	shalt  }
0x5c: {  	_ =	shalt  }
0x5d: {  	_ =	shalt  }
0x5e: {  	_ =	shalt  }
0x5f: {  	_ =	shalt  }
0x60: {  	_ =	shalt  }
0x61: {  	_ =	shalt  }
0x62: {  	_ =	shalt  }
0x63: {  	_ =	shalt  }
0x64: {  	_ =	shalt  }
0x65: {  	_ =	shalt  }
0x66: {  	_ =	shalt  }
0x67: {  	_ =	shalt  }
0x68: {  	_ =	shalt  }
0x69: {  	_ =	shalt  }
0x6a: {  	_ =	shalt  }
0x6b: {  	_ =	shalt  }
0x6c: {  	_ =	shalt  }
0x6d: {  	_ =	shalt  }
0x6e: {  	_ =	shalt  }
0x6f: {  	_ =	shalt  }
0x70: {  	_ =	shalt  }
0x71: {  	_ =	shalt  }
0x72: {  	_ =	shalt  }
0x73: {  	_ =	shalt  }
0x74: {  	_ =	shalt  }
0x75: {  	_ =	shalt  }
0x76: {  	_ =	shalt  }
0x77: {  	_ =	shalt  }
0x78: {  	_ =	shalt  }
0x79: {  	_ =	shalt  }
0x7a: {  	_ =	shalt  }
0x7b: {  	_ =	shalt  }
0x7c: {  	_ =	shalt  }
0x7d: {  	_ =	shalt  }
0x7e: {  	_ =	shalt  }
0x7f: {  	_ =	shalt  }
0x80: {  	_ =	shalt  }
0x81: {  	_ =	shalt  }
0x82: {  	_ =	shalt  }
0x83: {  	_ =	shalt  }
0x84: {  	_ =	shalt  }
0x85: {  	_ =	shalt  }
0x86: {  	_ =	shalt  }
0x87: {  	_ =	shalt  }
.Lfunc_end0:
.L_simem_size_0:
called_computation.2_lowered:
.L_overlay_start_0:
0x88: {  	s2 =	sld [smem:$0x3FD9]  }
0x89: {  	s3 =	sld [smem:$0x3FFE];
	_ =	sdelay $0x1  }
0x8a: {  	s1 =	srdreg.scid  }
0x8b: {  	s0 =	sand.u32 $0x1, s1  }
0x8c: {  	s16 =	sshll.u32 s0, $0xA;
	s2 =	sadd.s32 s3, s2  }
0x8d: {  	s2 =	sadd.s32 s2, s16  }
0x8e: {  	[smem:$0x3FB8] =	sst s2  }
0x8f: {  	_ = 	snop  }
0x90: {  	(tm) =	ssettm $0x1  }
0x91: {  	s17 =	sld [smem:$0x3FFB];
	_ =	sdelay $0x3  }
0x92: {  	_ =	strace s17  }
0x93: {  	s2 =	sld [smem:$0x3FFC];
	_ =	sdelay $0x3  }
0x94: {  	_ =	strace s2  }
0x95: {  	s2 =	sld [smem:$0x3FFD];
	_ =	sdelay $0x3  }
0x96: {  	_ =	strace s2  }
0x97: {  	_ =	strace $0x8FFFFFFF  }
0x98: {  	s18 =	sld [smem:$0x3FDB];
	_ =	sdelay $0x1  }
0x99: {  	s19 =	simm.s32 $_scs_section_size  }
0x9a: {  	s4 =	simm.s32 $_size__tile_overlayer_lowered;
	s5 =	simm.s32 $_tile_overlayer_lowered  }
0x9b: {  	s22 =	simm.s32 $0x1BFF;
	s21 =	sshll.u32 s5, $0x1;
	s2 =	sadd.s32 s19, s18  }
0x9c: {  	s6 =	simm.s32 $0x0;
	s20 =	sshll.u32 s4, $0x1;
	s4 =	sadd.s32 s21, s2  }
0x9d: {  	[timem:s6], [sflag:s22] =	dma.local [hbm:s4], s20  }
0x9e: {  	_ =	swait.ge [sflag:s22], s20  }
0x9f: {  	s3 =	ssub.s32 $0x0, s20;
	[sflag:s22] =	ssyncset.done $0x0  }
0xa0: {  	[sflag:s22] =	ssyncadd.s32 s3;
	_ =	sdelay $0x1  }
0xa1: {  	s23 =	simm.s32 $0x1B8B  }
0xa2: {  	_ =	swait.ge [sflag:s23], $0x1  }
0xa3: {  	[sflag:s23] =	ssyncset.done $0x0  }
0xa4: {  	s25 =	simm.s32 $0x1B8E;
	s24 =	sld [smem:$0x3FFE];
	[sflag:s23] =	ssyncadd.s32 $0xFFFFFFFF  }
0xa5: {  	s26 =	simm.s32 $execute0_lowered;
	[smem:$0x3FD2] =	sst s25  }
0xa6: {  	s4 =	sshll.u32 s26, $0x1;
	_ =	strace $0x8000004C;
	[dreg:$0x1] =	wrdreg $0xFFFFFFFF  }
0xa7: {  	s28 =	simm.s32 $_size_execute0_lowered;
	s2 =	sadd.s32 s2, s4;
	[dreg:$0x0] =	wrdreg $0x0  }
0xa8: {  	s4 =	sshll.u32 s28, $0x1;
	[dreg:$0x2] =	wrdreg s2  }
0xa9: {  	[dreg:$0x3] =	wrdreg s4  }
0xaa: {  	[dreg:$0x4] =	wrdreg $0xC0  }
0xab: {  	_ =	task [dreg:s6], $0x5FFFF  }
0xac: {  	[dreg:$0x1] =	wrdreg $0xFFFFFFFF  }
0xad: {  	[dreg:$0x0] =	wrdreg $0x60  }
0xae: {  	[dreg:$0x2] =	wrdreg s24  }
0xaf: {  	[dreg:$0x3] =	wrdreg $0x7A000  }
0xb0: {  	[dreg:$0x4] =	wrdreg $0x9  }
0xb1: {  	_ =	task.clear_ibuf [dreg:s6], $0x5FFFF;
	_ =	strace $0x9000004C  }
0xb2: {  	s29 =	simm.s32 $0x9;
	_ =	strace $0x8000004E  }
0xb3: {  	_ =	swait.ge [sflag:s29], $0x1  }
0xb4: {  	[sflag:s29] =	ssyncadd.s32 $0xFFFFFFFF  }
0xb5: {  	_ =	strace $0x9000004E  }
0xb6: {  	_ =	sfence  }
0xb7: {  	s30 =	sld [smem:$0x0];
	_ =	sdelay $0x2  }
0xb8: {  	s31 =	sshll.u32 s1, $0xD;
	s1 =	sshrl.u32 s1, $0x2  }
0xb9: {  	s3 =	sand.u32 $0x4000, s31;
	s1 =	sadd.s32 s1, s30  }
0xba: {  	s0 =	sor.u32 s3, s0;
	s1 =	sshll.u32 s1, $0x11  }
0xbb: {  	s0 =	sor.u32 s1, s0  }
0xbc: {  	s0 =	sadd.s32 $0x8F2B, s0  }
0xbd: {  	[sflag:s0] =	ssyncadd.remote.s32 $0x1  }
0xbe: {  	_ =	sfence.sel $0xFFFF  }
0xbf: {  	[dreg:$0x0] =	wrdreg $0xFFFFFFFF;
	(pc) =	sbr.abs _section_cstart, $3  }
0xc0: {  	[dreg:$0x1] =	wrdreg $0xFFFFFFFF  }
0xc1: {  	_ =	task.clear_ibuf [dreg:s6], $0x2FFFF;
	_ =	strace $0x9FFFFFFF  }
0xc2: {  	(tm) =	ssettm $0x7FFFFFFF  }
0xc3: {  	_ =	shalt  }
tec
execute0_lowered:
.L_overlay_start_1:
0x0: {  	(tag) =	ssettag $0x1  }
0x1: {  	s0 =	rddreg [dreg:$0x0]  }
0x2: {  	s29 =	rddreg [dreg:$0x1];
	s3 =	simm.s32 $0x0;
	s1 =	srdreg.scid  }
0x3: {  	s12 =	stileid.u32;
	s15 =	simm.s32 $0x9;
	s16 =	simm.s32 $0x5200  }
0x4: {  	s17 =	simm.s32 $0x80;
	s18 =	simm.s32 $0x100;
	s19 =	simm.s32 $0x180  }
0x5: {  	s20 =	simm.s32 $0x5;
	s21 =	simm.s32 $0x6;
	s22 =	simm.s32 $0x28  }
0x6: {  	s30 =	simm.s32 $0x1;
	s31 =	simm.s32 $0x2;
	[smem:$0x7FF] =	sst s3  }
0x7: {  	s1 =	sand.u32 $0x1, s1;
	s2 =	smul.u32 $0x2800, s12;
	s4 =	sadd.s32 $0xE600, s0  }
0x8: {  	s5 =	sadd.s32 $0x4800, s0;
	s6 =	sadd.s32 $0x150C00, s0;
	s11 =	smul.u32 $0x50000, s12  }
0x9: {  	s13 =	sadd.s32 $0x177E00, s0;
	s8 =	sadd.s32 $0x217000, s0;
	s26 =	smul.u32 $0x2710, s12  }
0xa: {  	s25 =	sshll.u32 s12, $0x6;
	_ =	strace $0x8000004D;
	s7 =	smul.u32 $0x28000, s1  }
0xb: {  	s9 =	ssub.s32 $0x2, s1;
	s1 =	smul.u32 $0x27100, s1;
	[dreg:$0x3] =	wrdreg s13  }
0xc: {  	s10 =	sshrl.u32 s9, $0x1;
	s24 =	sshrl.u32 s11, $0x2;
	s11 =	simm.s32 $0x0  }
0xd: {  	s7 =	sadd.s32 s2, s7;
	s23 =	ssub.s32 s9, s10;
	s2 =	sadd.s32 s13, s2  }
0xe: {  	s9 =	sadd.s32 s24, s29;
	s1 =	sadd.s32 s26, s1;
	[dreg:$0x4] =	wrdreg s2  }
0xf: {  	s10 =	sor.u32 $0x1C09, s25;
	s25 =	simm.s32 $0x7;
	[dreg:$0x6] =	wrdreg s1  }
0x10: {  	s7 =	sadd.s32 s7, s0;
	s0 =	smax.u32 s23, $0x1;
	[dreg:$0x5] =	wrdreg s10  }
0x11: {  	s26 =	simm.s32 $0x8;
	s28 =	sadd.s32 $0x1C7000, s7;
	[dreg:$0x8] =	wrdreg s0  }
0x12: {  	s1 =	simm.s32 $0x3;
	s7 =	sshrl.u32 s9, $0x3;
	[dreg:$0x7] =	wrdreg s28  }
0x13: {  	s0 =	simm.s32 $0x6600;
	s9 =	simm.s32 $0x4;
	[dreg:$0x9] =	wrdreg s7  }
.LBB2_1:
0x14: {  	[dreg:$0xa] =	wrdreg s11  }
0x15: {  	s2 =	rddreg [dreg:$0x4]  }
0x16: {  	[spmem:s7], [sflag:s10] =	dma.local [hbm:s2], $0x2800  }
0x17: {  	_ =	swait.ge [sflag:s15], $0x2800  }
0x18: {  	[sflag:s15] =	ssyncset.done $0x0  }
0x19: {  	s28 =	rddreg [dreg:$0x3];
	[sflag:s15] =	ssyncadd.s32 $0xFFFFD800  }
0x1a: {  	[tilespmem:s16], [sflag:$0x9] =	stream.linear.gather [hbm4b:s28+s3], $0x1400, $0x38;
	[tilespmem:$0x1BA00] =	vst v63  }
0x1b: {  	_ =	swait.ge [sflag:s15], $0x1400  }
0x1c: {  	[sflag:s15] =	ssyncset.done $0x0  }
0x1d: {  	[sflag:s15] =	ssyncadd.s32 $0xFFFFEC00  }
0x1e: {  	s7 =	simm.s32 $0x0;
	[bflag:$0x0] =	sbarrier.arrive $0xFFFF  }
.LBB2_2:
0x1f: {  	s2 =	smul.u32 $0x50, s7  }
0x20: {  	s10 =	rddreg [dreg:$0x6]  }
0x21: {  	s10 =	sadd.s32 s2, s10  }
0x22: {  	s2 =	sshrl.u32 s10, $0x3  }
0x23: {  	s13 =	sadd.s32 $0x28, s10;
	s12 =	sadd.s32 s4, s2  }
0x24: {  	[tilespmem:s3], [sflag:$0x5] =	stream.linear.gather [hbm4b:s12+s3], $0x28, $0x38;
	[tilespmem:$0x1BA00] =	vst v63  }
0x25: {  	s2 =	sadd.s32 s5, s2;
	s14 =	sshrl.u32 s13, $0x3  }
0x26: {  	[tilespmem:s17], [sflag:$0x6] =	stream.linear.gather [hbm4b:s2+s3], $0x28, $0x38;
	[tilespmem:$0x1BA00] =	vst v63  }
0x27: {  	s23 =	sadd.s32 s4, s14  }
0x28: {  	[tilespmem:s18], [sflag:$0x7] =	stream.linear.gather [hbm4b:s23+s3], $0x28, $0x38;
	[tilespmem:$0x1BA00] =	vst v63  }
0x29: {  	s2 =	sadd.s32 s5, s14  }
0x2a: {  	[tilespmem:s19], [sflag:$0x8] =	stream.linear.gather [hbm4b:s2+s3], $0x28, $0x38;
	[tilespmem:$0x1BA00] =	vst v63  }
0x2b: {  	_ =	swait.ge [sflag:s20], $0x28  }
0x2c: {  	[sflag:s20] =	ssyncset.done $0x0  }
0x2d: {  	[sflag:s20] =	ssyncadd.s32 $0xFFFFFFD8  }
0x2e: {  	_ =	swait.ge [sflag:s21], $0x28  }
0x2f: {  	[sflag:s21] =	ssyncset.done $0x0  }
0x30: {  	s24 =	simm.s32 $0x200;
	[sflag:s21] =	ssyncadd.s32 $0xFFFFFFD8  }
0x31: {  	[tilespmem:s24], [sflag:$0x1] =	stream.indirect.gather [hbm4b:s6+s22], $0x80, s3, s22, $0xb8;
	[tilespmem:$0x1BA00] =	vst v63  }
0x32: {  	s12 =	simm.s32 $0x1600  }
0x33: {  	[tilespmem:s12], [sflag:$0x2] =	stream.indirect.gather [hbm4b:s6+s22], $0x80, s17, s22, $0xb8;
	[tilespmem:$0x1BA00] =	vst v63  }
0x34: {  	_ =	swait.ge [sflag:s25], $0x28  }
0x35: {  	[sflag:s25] =	ssyncset.done $0x0  }
0x36: {  	[sflag:s25] =	ssyncadd.s32 $0xFFFFFFD8  }
0x37: {  	_ =	swait.ge [sflag:s26], $0x28  }
0x38: {  	[sflag:s26] =	ssyncset.done $0x0  }
0x39: {  	s14 =	simm.s32 $0x2A00;
	[sflag:s26] =	ssyncadd.s32 $0xFFFFFFD8  }
0x3a: {  	[tilespmem:s14], [sflag:$0x3] =	stream.indirect.gather [hbm4b:s6+s22], $0x80, s18, s22, $0xb8;
	[tilespmem:$0x1BA00] =	vst v63  }
0x3b: {  	s23 =	simm.s32 $0x3E00  }
0x3c: {  	[tilespmem:s23], [sflag:$0x4] =	stream.indirect.gather [hbm4b:s6+s22], $0x80, s19, s22, $0xb8;
	[tilespmem:$0x1BA00] =	vst v63  }
0x3d: {  	_ =	swait.ge [sflag:s30], $0x1400  }
0x3e: {  	[sflag:s30] =	ssyncset.done $0x0  }
0x3f: {  	[sflag:s30] =	ssyncadd.s32 $0xFFFFEC00  }
0x40: {  	_ =	swait.ge [sflag:s31], $0x1400  }
0x41: {  	[sflag:s31] =	ssyncset.done $0x0  }
0x42: {  	s24 =	simm.s32 $0x300;
	[sflag:s31] =	ssyncadd.s32 $0xFFFFEC00  }
0x43: {  	s14 =	simm.s32 $0x1710;
	v0 =	vld [tilespmem:s24+$0xFFFFFF00]  }
0x44: {  	v1 =	vld [tilespmem:s14+$0xFFFFFF00];
	_ =	sdelay $0x4  }
0x45: {  	v0 =	vadd.f32 v1, v0;
	_ =	sdelay $0x1  }
0x46: {  	v1 =	vmul.f32 $2.000000030e-01, v0  }
0x47: {  	vm0 =	vgt.f32 v0, $0.0e+00  }
0x48: {  	v0 =	vsel vm0, v0, v1  }
0x49: {  	v0 =	vmul.f32 $1.442695020e+00, v0;
	_ =	sdelay $0x1  }
0x4a: {  	(erf) = vpow2.f32 v0;
	_ =	sdelay $0x8  }
0x4b: {  	s23 =	simm.s32 $0x5300;
	v0 =	vpop (erf)  }
0x4c: {  	s12 =	simm.s32 $0x6700;
	[tilespmem:s23+$0xFFFFFF00] =	vst v0  }
0x4d: {  	[tilespmem:s12+$0xFFFFFF00] =	vst v0  }
0x4e: {  	v0 =	vld [tilespmem:s14+$0xFFFFFF80]  }
0x4f: {  	v61 =	vld [tilespmem:s24+$0xFFFFFF80];
	_ =	sdelay $0x4  }
0x50: {  	v0 =	vadd.f32 v0, v61;
	_ =	sdelay $0x1  }
0x51: {  	v1 =	vmul.f32 $2.000000030e-01, v0  }
0x52: {  	vm13 =	vgt.f32 v0, $0.0e+00  }
0x53: {  	v0 =	vsel vm13, v0, v1  }
0x54: {  	v0 =	vmul.f32 $1.442695020e+00, v0;
	_ =	sdelay $0x1  }
0x55: {  	(erf) = vpow2.f32 v0;
	_ =	sdelay $0x8  }
0x56: {  	v0 =	vpop (erf)  }
0x57: {  	[tilespmem:s23+$0xFFFFFF80] =	vst v0  }
0x58: {  	[tilespmem:s12+$0xFFFFFF80] =	vst v0  }
0x59: {  	v0 =	vld [tilespmem:s24+$0x0]  }
0x5a: {  	v62 =	vld [tilespmem:s14+$0x0];
	_ =	sdelay $0x4  }
0x5b: {  	v0 =	vadd.f32 v62, v0;
	_ =	sdelay $0x1  }
0x5c: {  	v1 =	vmul.f32 $2.000000030e-01, v0  }
0x5d: {  	vm14 =	vgt.f32 v0, $0.0e+00  }
0x5e: {  	v0 =	vsel vm14, v0, v1  }
0x5f: {  	v0 =	vmul.f32 $1.442695020e+00, v0;
	_ =	sdelay $0x1  }
0x60: {  	(erf) = vpow2.f32 v0;
	_ =	sdelay $0x8  }
0x61: {  	v0 =	vpop (erf)  }
0x62: {  	[tilespmem:s23+$0x0] =	vst v0  }
0x63: {  	[tilespmem:s12+$0x0] =	vst v0  }
0x64: {  	v0 =	vld [tilespmem:s24+$0x80]  }
0x65: {  	v63 =	vld [tilespmem:s14+$0x80];
	_ =	sdelay $0x4  }
0x66: {  	v0 =	vadd.f32 v63, v0;
	_ =	sdelay $0x1  }
0x67: {  	v1 =	vmul.f32 $2.000000030e-01, v0  }
0x68: {  	vm15 =	vgt.f32 v0, $0.0e+00  }
0x69: {  	v0 =	vsel vm15, v0, v1  }
0x6a: {  	v0 =	vmul.f32 $1.442695020e+00, v0;
	_ =	sdelay $0x1  }
0x6b: {  	(erf) = vpow2.f32 v0;
	_ =	sdelay $0x5  }
0x6c: {  	s11 =	smov.u32 s29;
	s28 =	simm.s32 $0x500  }
0x6d: {  	s29 =	simm.s32 $0x5300;
	s2 =	simm.s32 $0x6900;
	s24 =	simm.s32 $0x0  }
.LBB2_3:
0x6e: {  	s24 =	sadd.s32 $0x4, s24;
	s14 =	sadd.s32 $0x200, s14;
	s23 =	sadd.s32 $0x200, s23  }
0x6f: {  	p0 =	slt.u32 s24, $0x24;
	v0 =	vpop (erf)  }
0x70: {  	[tilespmem:s29+$0x80] =	vst v0;
	s29 =	smov.u32 s23  }
0x71: {  	[tilespmem:s12+$0x80] =	vst v0;
	s12 =	smov.u32 s2  }
0x72: {  	v0 =	vld [tilespmem:s28+$0xFFFFFF00]  }
0x73: {  	v1 =	vld [tilespmem:s14+$0xFFFFFF00];
	_ =	sdelay $0x4  }
0x74: {  	v0 =	vadd.f32 v1, v0;
	_ =	sdelay $0x1  }
0x75: {  	v1 =	vmul.f32 $2.000000030e-01, v0  }
0x76: {  	vm0 =	vgt.f32 v0, $0.0e+00  }
0x77: {  	v0 =	vsel vm0, v0, v1  }
0x78: {  	v0 =	vmul.f32 $1.442695020e+00, v0;
	_ =	sdelay $0x1  }
0x79: {  	(erf) = vpow2.f32 v0;
	_ =	sdelay $0x8  }
0x7a: {  	v0 =	vpop (erf)  }
0x7b: {  	[tilespmem:s23+$0xFFFFFF00] =	vst v0  }
0x7c: {  	[tilespmem:s2+$0xFFFFFF00] =	vst v0  }
0x7d: {  	v0 =	vld [tilespmem:s14+$0xFFFFFF80]  }
0x7e: {  	v1 =	vld [tilespmem:s28+$0xFFFFFF80];
	_ =	sdelay $0x4  }
0x7f: {  	v0 =	vadd.f32 v0, v1;
	_ =	sdelay $0x1  }
0x80: {  	vm0 =	vgt.f32 v0, $0.0e+00;
	v1 =	vmul.f32 $2.000000030e-01, v0;
	_ =	sdelay $0x1  }
0x81: {  	v0 =	vsel vm0, v0, v1  }
0x82: {  	v0 =	vmul.f32 $1.442695020e+00, v0;
	_ =	sdelay $0x1  }
0x83: {  	(erf) = vpow2.f32 v0;
	_ =	sdelay $0x8  }
0x84: {  	v0 =	vpop (erf)  }
0x85: {  	[tilespmem:s23+$0xFFFFFF80] =	vst v0  }
0x86: {  	[tilespmem:s2+$0xFFFFFF80] =	vst v0  }
0x87: {  	v0 =	vld [tilespmem:s28+$0x0]  }
0x88: {  	v1 =	vld [tilespmem:s14+$0x0];
	_ =	sdelay $0x4  }
0x89: {  	v0 =	vadd.f32 v1, v0;
	_ =	sdelay $0x1  }
0x8a: {  	vm0 =	vgt.f32 v0, $0.0e+00;
	v1 =	vmul.f32 $2.000000030e-01, v0;
	_ =	sdelay $0x1  }
0x8b: {  	v0 =	vsel vm0, v0, v1  }
0x8c: {  	v0 =	vmul.f32 $1.442695020e+00, v0;
	_ =	sdelay $0x1  }
0x8d: {  	(erf) = vpow2.f32 v0;
	_ =	sdelay $0x8  }
0x8e: {  	v0 =	vpop (erf)  }
0x8f: {  	[tilespmem:s23+$0x0] =	vst v0  }
0x90: {  	[tilespmem:s2+$0x0] =	vst v0  }
0x91: {  	v0 =	vld [tilespmem:s28+$0x80]  }
0x92: {  	v1 =	vld [tilespmem:s14+$0x80];
	_ =	sdelay $0x4  }
0x93: {  	v0 =	vadd.f32 v1, v0;
	_ =	sdelay $0x1  }
0x94: {  	vm0 =	vgt.f32 v0, $0.0e+00;
	v1 =	vmul.f32 $2.000000030e-01, v0;
	_ =	sdelay $0x1  }
0x95: {  	v0 =	vsel vm0, v0, v1  }
0x96: {  	v0 =	vmul.f32 $1.442695020e+00, v0;
	_ =	sdelay $0x1  }
0x97: {  	(erf) = vpow2.f32 v0;
	_ =	sdelay $0x2  }
.Ltmp0:
0x98: {  	(pc) =	sbr.rel @p0 .LBB2_3-.Ltmp0, $2  }
0x99: {  	_ =	sdelay $0x2  }
0x9a: {  	s2 =	sadd.s32 $0x200, s2;
	s28 =	sadd.s32 $0x200, s28  }
0x9b: {  	_ = 	snop  }
0x9c: {  	v0 =	vpop (erf)  }
0x9d: {  	s2 =	sshll.u32 s10, $0x4;
	[tilespmem:s29+$0x80] =	vst v0  }
0x9e: {  	s2 =	sadd.s32 s8, s2;
	[tilespmem:s12+$0x80] =	vst v0  }
0x9f: {  	[hbm4b:s2+s3] =	stream.linear.scatter [tilespmem:s0], [sflag:$0x9], $0x1400, $0x38;
	[tilespmem:$0x1BA00] =	vst v63  }
0xa0: {  	_ =	swait.ge [sflag:s15], $0x1400  }
0xa1: {  	[sflag:s15] =	ssyncset.done $0x0  }
0xa2: {  	[sflag:s15] =	ssyncadd.s32 $0xFFFFEC00  }
0xa3: {  	[spmem:s11] =	stream.indirect.scatter.add.f32 [tilespmem:s16], [sflag:$0x9], $0x80, s17, s22, $0xb8;
	[tilespmem:$0x1BA00] =	vst v63  }
0xa4: {  	_ =	swait.ge [sflag:s15], $0x1400  }
0xa5: {  	[sflag:s15] =	ssyncset.done $0x0  }
0xa6: {  	[sflag:s15] =	ssyncadd.s32 $0xFFFFEC00  }
0xa7: {  	_ =	swait.ge [sflag:s1], $0x1400  }
0xa8: {  	[sflag:s1] =	ssyncset.done $0x0  }
0xa9: {  	[sflag:s1] =	ssyncadd.s32 $0xFFFFEC00  }
0xaa: {  	_ =	swait.ge [sflag:s9], $0x1400  }
0xab: {  	[sflag:s9] =	ssyncset.done $0x0  }
0xac: {  	s24 =	simm.s32 $0x2B00;
	[sflag:s9] =	ssyncadd.s32 $0xFFFFEC00  }
0xad: {  	s10 =	simm.s32 $0x3F10;
	v60 =	vld [tilespmem:s24+$0xFFFFFF00]  }
0xae: {  	v1 =	vld [tilespmem:s10+$0xFFFFFF00];
	_ =	sdelay $0x4  }
0xaf: {  	v0 =	vadd.f32 v1, v60;
	_ =	sdelay $0x1  }
0xb0: {  	v1 =	vmul.f32 $2.000000030e-01, v0  }
0xb1: {  	vm0 =	vgt.f32 v0, $0.0e+00  }
0xb2: {  	v0 =	vsel vm0, v0, v1  }
0xb3: {  	v0 =	vmul.f32 $1.442695020e+00, v0;
	_ =	sdelay $0x1  }
0xb4: {  	(erf) = vpow2.f32 v0;
	_ =	sdelay $0x8  }
0xb5: {  	s14 =	simm.s32 $0x5300;
	v0 =	vpop (erf)  }
0xb6: {  	s12 =	simm.s32 $0x6700;
	[tilespmem:s14+$0xFFFFFF00] =	vst v0  }
0xb7: {  	[tilespmem:s12+$0xFFFFFF00] =	vst v0  }
0xb8: {  	v0 =	vld [tilespmem:s10+$0xFFFFFF80]  }
0xb9: {  	v61 =	vld [tilespmem:s24+$0xFFFFFF80];
	_ =	sdelay $0x4  }
0xba: {  	v0 =	vadd.f32 v0, v61;
	_ =	sdelay $0x1  }
0xbb: {  	v1 =	vmul.f32 $2.000000030e-01, v0  }
0xbc: {  	vm13 =	vgt.f32 v0, $0.0e+00  }
0xbd: {  	v0 =	vsel vm13, v0, v1  }
0xbe: {  	v0 =	vmul.f32 $1.442695020e+00, v0;
	_ =	sdelay $0x1  }
0xbf: {  	(erf) = vpow2.f32 v0;
	_ =	sdelay $0x8  }
0xc0: {  	v0 =	vpop (erf)  }
0xc1: {  	[tilespmem:s14+$0xFFFFFF80] =	vst v0  }
0xc2: {  	[tilespmem:s12+$0xFFFFFF80] =	vst v0  }
0xc3: {  	v0 =	vld [tilespmem:s24+$0x0]  }
0xc4: {  	v62 =	vld [tilespmem:s10+$0x0];
	_ =	sdelay $0x4  }
0xc5: {  	v0 =	vadd.f32 v62, v0;
	_ =	sdelay $0x1  }
0xc6: {  	v1 =	vmul.f32 $2.000000030e-01, v0  }
0xc7: {  	vm14 =	vgt.f32 v0, $0.0e+00  }
0xc8: {  	v0 =	vsel vm14, v0, v1  }
0xc9: {  	v0 =	vmul.f32 $1.442695020e+00, v0;
	_ =	sdelay $0x1  }
0xca: {  	(erf) = vpow2.f32 v0;
	_ =	sdelay $0x8  }
0xcb: {  	v0 =	vpop (erf)  }
0xcc: {  	[tilespmem:s14+$0x0] =	vst v0  }
0xcd: {  	[tilespmem:s12+$0x0] =	vst v0  }
0xce: {  	v0 =	vld [tilespmem:s24+$0x80]  }
0xcf: {  	v63 =	vld [tilespmem:s10+$0x80];
	_ =	sdelay $0x4  }
0xd0: {  	v0 =	vadd.f32 v63, v0;
	_ =	sdelay $0x1  }
0xd1: {  	v1 =	vmul.f32 $2.000000030e-01, v0  }
0xd2: {  	vm15 =	vgt.f32 v0, $0.0e+00  }
0xd3: {  	v0 =	vsel vm15, v0, v1  }
0xd4: {  	v0 =	vmul.f32 $1.442695020e+00, v0;
	_ =	sdelay $0x1  }
0xd5: {  	(erf) = vpow2.f32 v0;
	_ =	sdelay $0x5  }
0xd6: {  	s23 =	simm.s32 $0x0;
	s28 =	simm.s32 $0x5300  }
0xd7: {  	s29 =	smov.u32 s11;
	s2 =	simm.s32 $0x6900;
	s24 =	simm.s32 $0x2D00  }
.LBB2_5:
0xd8: {  	s23 =	sadd.s32 $0x4, s23;
	s10 =	sadd.s32 $0x200, s10;
	s14 =	sadd.s32 $0x200, s14  }
0xd9: {  	p0 =	slt.u32 s23, $0x24;
	v0 =	vpop (erf)  }
0xda: {  	[tilespmem:s28+$0x80] =	vst v0;
	s28 =	smov.u32 s14  }
0xdb: {  	[tilespmem:s12+$0x80] =	vst v0;
	s12 =	smov.u32 s2  }
0xdc: {  	v0 =	vld [tilespmem:s24+$0xFFFFFF00]  }
0xdd: {  	v1 =	vld [tilespmem:s10+$0xFFFFFF00];
	_ =	sdelay $0x4  }
0xde: {  	v0 =	vadd.f32 v1, v0;
	_ =	sdelay $0x1  }
0xdf: {  	v1 =	vmul.f32 $2.000000030e-01, v0  }
0xe0: {  	vm0 =	vgt.f32 v0, $0.0e+00  }
0xe1: {  	v0 =	vsel vm0, v0, v1  }
0xe2: {  	v0 =	vmul.f32 $1.442695020e+00, v0;
	_ =	sdelay $0x1  }
0xe3: {  	(erf) = vpow2.f32 v0;
	_ =	sdelay $0x8  }
0xe4: {  	v0 =	vpop (erf)  }
0xe5: {  	[tilespmem:s14+$0xFFFFFF00] =	vst v0  }
0xe6: {  	[tilespmem:s2+$0xFFFFFF00] =	vst v0  }
0xe7: {  	v0 =	vld [tilespmem:s10+$0xFFFFFF80]  }
0xe8: {  	v1 =	vld [tilespmem:s24+$0xFFFFFF80];
	_ =	sdelay $0x4  }
0xe9: {  	v0 =	vadd.f32 v0, v1;
	_ =	sdelay $0x1  }
0xea: {  	vm0 =	vgt.f32 v0, $0.0e+00;
	v1 =	vmul.f32 $2.000000030e-01, v0;
	_ =	sdelay $0x1  }
0xeb: {  	v0 =	vsel vm0, v0, v1  }
0xec: {  	v0 =	vmul.f32 $1.442695020e+00, v0;
	_ =	sdelay $0x1  }
0xed: {  	(erf) = vpow2.f32 v0;
	_ =	sdelay $0x8  }
0xee: {  	v0 =	vpop (erf)  }
0xef: {  	[tilespmem:s14+$0xFFFFFF80] =	vst v0  }
0xf0: {  	[tilespmem:s2+$0xFFFFFF80] =	vst v0  }
0xf1: {  	v0 =	vld [tilespmem:s24+$0x0]  }
0xf2: {  	v1 =	vld [tilespmem:s10+$0x0];
	_ =	sdelay $0x4  }
0xf3: {  	v0 =	vadd.f32 v1, v0;
	_ =	sdelay $0x1  }
0xf4: {  	vm0 =	vgt.f32 v0, $0.0e+00;
	v1 =	vmul.f32 $2.000000030e-01, v0;
	_ =	sdelay $0x1  }
0xf5: {  	v0 =	vsel vm0, v0, v1  }
0xf6: {  	v0 =	vmul.f32 $1.442695020e+00, v0;
	_ =	sdelay $0x1  }
0xf7: {  	(erf) = vpow2.f32 v0;
	_ =	sdelay $0x8  }
0xf8: {  	v0 =	vpop (erf)  }
0xf9: {  	[tilespmem:s14+$0x0] =	vst v0  }
0xfa: {  	[tilespmem:s2+$0x0] =	vst v0  }
0xfb: {  	v0 =	vld [tilespmem:s24+$0x80]  }
0xfc: {  	v1 =	vld [tilespmem:s10+$0x80];
	_ =	sdelay $0x4  }
0xfd: {  	v0 =	vadd.f32 v1, v0;
	_ =	sdelay $0x1  }
0xfe: {  	vm0 =	vgt.f32 v0, $0.0e+00;
	v1 =	vmul.f32 $2.000000030e-01, v0;
	_ =	sdelay $0x1  }
0xff: {  	v0 =	vsel vm0, v0, v1  }
0x100: {  	v0 =	vmul.f32 $1.442695020e+00, v0;
	_ =	sdelay $0x1  }
0x101: {  	(erf) = vpow2.f32 v0;
	_ =	sdelay $0x2  }
.Ltmp1:
0x102: {  	(pc) =	sbr.rel @p0 .LBB2_5-.Ltmp1, $2  }
0x103: {  	_ =	sdelay $0x2  }
0x104: {  	s2 =	sadd.s32 $0x200, s2;
	s24 =	sadd.s32 $0x200, s24  }
0x105: {  	_ = 	snop  }
0x106: {  	v0 =	vpop (erf)  }
0x107: {  	s2 =	sshll.u32 s13, $0x4;
	[tilespmem:s28+$0x80] =	vst v0  }
0x108: {  	s2 =	sadd.s32 s8, s2;
	[tilespmem:s12+$0x80] =	vst v0  }
0x109: {  	[hbm4b:s2+s3] =	stream.linear.scatter [tilespmem:s0], [sflag:$0x9], $0x1400, $0x38;
	[tilespmem:$0x1BA00] =	vst v63  }
0x10a: {  	s7 =	sadd.s32 $0x1, s7;
	_ =	swait.ge [sflag:s15], $0x1400  }
0x10b: {  	p0 =	sne.s32 s7, $0x7D;
	[sflag:s15] =	ssyncset.done $0x0  }
.Ltmp2:
0x10c: {  	[sflag:s15] =	ssyncadd.s32 $0xFFFFEC00;
	(pc) =	sbr.rel @p0 .LBB2_2-.Ltmp2, $4  }
0x10d: {  	[spmem:s29] =	stream.indirect.scatter.add.f32 [tilespmem:s16], [sflag:$0x9], $0x80, s19, s22, $0xb8;
	[tilespmem:$0x1BA00] =	vst v63  }
0x10e: {  	_ =	swait.ge [sflag:s15], $0x1400  }
0x10f: {  	[sflag:s15] =	ssyncset.done $0x0  }
0x110: {  	[sflag:s15] =	ssyncadd.s32 $0xFFFFEC00  }
0x111: {  	[bflag:$0x0] =	sbarrier.arrive $0xFFFF  }
0x112: {  	s10 =	rddreg [dreg:$0x5]  }
0x113: {  	s2 =	rddreg [dreg:$0x7]  }
0x114: {  	s7 =	rddreg [dreg:$0x9]  }
0x115: {  	[hbm:s2], [sflag:s10] =	dma.local [spmem:s7], $0x2800  }
0x116: {  	_ =	swait.ge [sflag:s15], $0x2800  }
0x117: {  	s11 =	rddreg [dreg:$0xa]  }
0x118: {  	s28 =	rddreg [dreg:$0x8];
	s11 =	sadd.s32 $0x1, s11  }
0x119: {  	p0 =	sne.s32 s11, s28  }
.Ltmp3:
0x11a: {  	_ = 	snop;
	(pc) =	sbr.rel @p0 .LBB2_1-.Ltmp3, $3  }
0x11b: {  	_ =	sdelay $0x1  }
0x11c: {  	[sflag:s15] =	ssyncset.done $0x0  }
0x11d: {  	[sflag:s15] =	ssyncadd.s32 $0xFFFFD800  }
0x11e: {  	_ =	sfence.sel $0x180000  }
0x11f: {  	[bflag:$0x0] =	sbarrier.arrive $0xFFFF  }
0x120: {  	_ =	strace $0x9000004D  }
0x121: {  	s0 =	stileid.u32;
	[bflag:$0x2] =	sbarrier.arrive $0xFFFF  }
0x122: {  	p0 =	sne.s32 s0, $0x0;
	s0 =	rddreg [dreg:$0x2]  }
0x123: {  	s0 =	sadd.s32 @!p0 $0x100000, s0  }
0x124: {  	[sflag:s0] =	ssyncadd.tile.s32 @!p0 $0x1;
	_ =	shalt  }
.Lfunc_end2:
_tile_overlayer_lowered:
.L_overlay_start_2:
0x125: {  	(tag) =	ssettag $0x2  }
0x126: {  	s0 =	rddreg [dreg:$0x0];
	s2 =	stileid.u32  }
0x127: {  	s1 =	rddreg [dreg:$0x1];
	p0 =	sne.s32 s2, $0x0  }
0x128: {  	s3 =	rddreg [dreg:$0x2];
	[bflag:$0x3] =	sbarrier.arrive $0xFFFF;
	s2 =	simm.s32 @!p0 $0x1C09  }
0x129: {  	[timem:s3], [sflag:s2] =	dma.local @!p0 [hbm:s0], s1  }
0x12a: {  	s0 =	simm.s32 @!p0 $0x9  }
0x12b: {  	_ =	swait.ge @!p0 [sflag:s0], s1  }
0x12c: {  	s1 =	ssub.s32 @!p0 $0x0, s1;
	[sflag:s0] =	ssyncset.done @!p0 $0x0  }
0x12d: {  	[sflag:s0] =	ssyncadd.s32 @!p0 s1  }
0x12e: {  	[bflag:$0x3] =	sbarrier.arrive $0xFFFF  }
0x12f: {  	_ =	shalt  }

// kernel: kernel.20.cloned.1.call-start
scs
__scs_entry_jumppad:
0x0: {  	(pc) =	sbr.rel $0x88, $3  }
0x1: {  	(tag) =	ssettag $0x0;
	lr =	simm.s32 $0x1  }
0x2: {  	[smem:$0x3F91] =	sst lr;
	_ =	strace $0xD0000000  }
0x3: {  	_ = 	snop  }
0x4: {  	_ = 	snop  }
0x5: {  	_ = 	snop  }
0x6: {  	_ = 	snop  }
0x7: {  	_ = 	snop  }
__scs_overlays_trampoline_lowered:
0x8: {  	[smem:$0x3FA0] =	sst s0  }
0x9: {  	[smem:$0x3FA1] =	sst s1  }
0xa: {  	[smem:$0x3FA2] =	sst s2  }
0xb: {  	[smem:$0x3FA3] =	sst s3  }
0xc: {  	[smem:$0x3FA4] =	sst s4  }
0xd: {  	[smem:$0x3FA5] =	sst s5  }
0xe: {  	[smem:$0x3FA6] =	sst s6  }
0xf: {  	[smem:$0x3FA7] =	sst s7  }
0x10: {  	[smem:$0x3FA8] =	sst s8  }
0x11: {  	[smem:$0x3FA9] =	sst s9;
	s0 =	simm.s32 @!p0 $0x0  }
0x12: {  	s1 =	sld [smem:$0x3F8F];
	s0 =	simm.s32 @p0 $0x1  }
0x13: {  	[smem:$0x3FAA] =	sst s0;
	s0 =	simm.s32 @!p1 $0x0  }
0x14: {  	s2 =	sld [smem:$0x3F8E];
	s0 =	simm.s32 @p1 $0x1  }
0x15: {  	[smem:$0x3FAB] =	sst s0;
	s0 =	simm.s32 @!p2 $0x0  }
0x16: {  	s3 =	sld [smem:$0x3FDB];
	s0 =	simm.s32 @p2 $0x1  }
0x17: {  	s4 =	simm.s32 $0x1BF5;
	[smem:$0x3FAD] =	sst s0  }
0x18: {  	s0 =	sld [smem:$0x3F90];
	_ =	swait.ge [sflag:s4], $0x0  }
0x19: {  	s7 =	sld [smem:$0x3F91]  }
0x1a: {  	s8 =	sadd.s32 $0xFFFFE003, lr  }
0x1b: {  	s9 =	sadd.s32 $0xFFFFFEF7, lr;
	s5 =	simm.s32 $0xFFFFFFFF;
	p2 =	slt.u32 s8, $0xFFFFF086  }
0x1c: {  	p1 =	slt.u32 s9, $0xF7A;
	s5 =	simm.s32 @!p2 $0x0  }
0x1d: {  	s5 =	simm.s32 @p1 $0x1;
	p0 =	seq.s32 s7, s2  }
0x1e: {  	s7 =	smul.u32 @!p0 $0xF7A, s2;
	p2 =	seq.s32 @!p0 s5, $0x0  }
0x1f: {  	s9 =	smul.u32 $0xF7A, s1;
	s8 =	simm.s32 @!p0 $0x1BF5;
	p2 =	por !p2, p0  }
0x20: {  	[sflag:s8] =	ssyncset.s32 @!p0 $0xFFFFF086;
	s6 =	sadd.s32 @!p0 s3, s7;
	s7 =	simm.s32 @!p0 $0x108  }
0x21: {  	s3 =	sadd.s32 s3, s9;
	s6 =	sadd.s32 @!p0 $0x88, s6;
	s7 =	simm.s32 @p2 $0x1082  }
0x22: {  	[simem:s7], [sflag:s8] =	dma.local @!p0 [hbm:s6], $0xF7A  }
0x23: {  	s9 =	sor.u32 $0xD0000000, s2;
	s6 =	simm.s32 $0x108;
	_ =	swait.ge @!p0 [sflag:s8], $0x0  }
0x24: {  	s3 =	sadd.s32 $0x88, s3;
	s6 =	simm.s32 @!p1 $0x1082;
	[sflag:s4] =	ssyncset.s32 $0xFFFFF086  }
0x25: {  	[simem:s6], [sflag:s4] =	dma.local [hbm:s3], $0xF7A  }
0x26: {  	[smem:$0x3F91] =	sst s1;
	(tag) =	ssettag s2;
	_ =	strace s9  }
0x27: {  	s1 =	sld [smem:$0x3FA1]  }
0x28: {  	s2 =	sld [smem:$0x3FA2]  }
0x29: {  	s4 =	sld [smem:$0x3FA4]  }
0x2a: {  	p0 =	seq.s32 s5, $0x0;
	s5 =	sld [smem:$0x3FA5]  }
0x2b: {  	s6 =	sld [smem:$0x3FA6]  }
0x2c: {  	s7 =	sld [smem:$0x3FA7]  }
0x2d: {  	s3 =	simm.s32 $0x108;
	s8 =	sld [smem:$0x3FA8]  }
0x2e: {  	s3 =	simm.s32 @!p0 $0x1082;
	s9 =	sld [smem:$0x3FA9]  }
0x2f: {  	lr =	sadd.s32 s0, s3;
	s0 =	sld [smem:$0x3FA0]  }
0x30: {  	s3 =	sld [smem:$0x3FA3]  }
0x31: {  	[smem:$0x3FAC] =	sst s10  }
0x32: {  	s10 =	sld [smem:$0x3FAA];
	_ =	sdelay $0x3  }
0x33: {  	p0 =	seq.s32 s10, $0x1;
	s10 =	sld [smem:$0x3FAC];
	_ =	sdelay $0x3  }
0x34: {  	[smem:$0x3FAC] =	sst s10  }
0x35: {  	s10 =	sld [smem:$0x3FAB];
	_ =	sdelay $0x3  }
0x36: {  	p1 =	seq.s32 s10, $0x1;
	s10 =	sld [smem:$0x3FAC];
	_ =	sdelay $0x3  }
0x37: {  	[smem:$0x3FAC] =	sst s10  }
0x38: {  	s10 =	sld [smem:$0x3FAD]  }
0x39: {  	_ = 	snop;
	(pc) =	sbr.ind lr, $3  }
0x3a: {  	_ = 	snop  }
0x3b: {  	_ = 	snop  }
0x3c: {  	p2 =	seq.s32 s10, $0x1;
	s10 =	sld [smem:$0x3FAC]  }
0x3d: {  	_ =	shalt  }
0x3e: {  	_ =	shalt  }
0x3f: {  	_ =	shalt  }
0x40: {  	_ =	shalt  }
0x41: {  	_ =	shalt  }
0x42: {  	_ =	shalt  }
0x43: {  	_ =	shalt  }
0x44: {  	_ =	shalt  }
0x45: {  	_ =	shalt  }
0x46: {  	_ =	shalt  }
0x47: {  	_ =	shalt  }
0x48: {  	_ =	shalt  }
0x49: {  	_ =	shalt  }
0x4a: {  	_ =	shalt  }
0x4b: {  	_ =	shalt  }
0x4c: {  	_ =	shalt  }
0x4d: {  	_ =	shalt  }
0x4e: {  	_ =	shalt  }
0x4f: {  	_ =	shalt  }
0x50: {  	_ =	shalt  }
0x51: {  	_ =	shalt  }
0x52: {  	_ =	shalt  }
0x53: {  	_ =	shalt  }
0x54: {  	_ =	shalt  }
0x55: {  	_ =	shalt  }
0x56: {  	_ =	shalt  }
0x57: {  	_ =	shalt  }
0x58: {  	_ =	shalt  }
0x59: {  	_ =	shalt  }
0x5a: {  	_ =	shalt  }
0x5b: {  	_ =	shalt  }
0x5c: {  	_ =	shalt  }
0x5d: {  	_ =	shalt  }
0x5e: {  	_ =	shalt  }
0x5f: {  	_ =	shalt  }
0x60: {  	_ =	shalt  }
0x61: {  	_ =	shalt  }
0x62: {  	_ =	shalt  }
0x63: {  	_ =	shalt  }
0x64: {  	_ =	shalt  }
0x65: {  	_ =	shalt  }
0x66: {  	_ =	shalt  }
0x67: {  	_ =	shalt  }
0x68: {  	_ =	shalt  }
0x69: {  	_ =	shalt  }
0x6a: {  	_ =	shalt  }
0x6b: {  	_ =	shalt  }
0x6c: {  	_ =	shalt  }
0x6d: {  	_ =	shalt  }
0x6e: {  	_ =	shalt  }
0x6f: {  	_ =	shalt  }
0x70: {  	_ =	shalt  }
0x71: {  	_ =	shalt  }
0x72: {  	_ =	shalt  }
0x73: {  	_ =	shalt  }
0x74: {  	_ =	shalt  }
0x75: {  	_ =	shalt  }
0x76: {  	_ =	shalt  }
0x77: {  	_ =	shalt  }
0x78: {  	_ =	shalt  }
0x79: {  	_ =	shalt  }
0x7a: {  	_ =	shalt  }
0x7b: {  	_ =	shalt  }
0x7c: {  	_ =	shalt  }
0x7d: {  	_ =	shalt  }
0x7e: {  	_ =	shalt  }
0x7f: {  	_ =	shalt  }
0x80: {  	_ =	shalt  }
0x81: {  	_ =	shalt  }
0x82: {  	_ =	shalt  }
0x83: {  	_ =	shalt  }
0x84: {  	_ =	shalt  }
0x85: {  	_ =	shalt  }
0x86: {  	_ =	shalt  }
0x87: {  	_ =	shalt  }
.Lfunc_end0:
.L_simem_size_0:
called_computation.3_lowered:
.L_overlay_start_0:
0x88: {  	s2 =	sld [smem:$0x3FD9]  }
0x89: {  	s3 =	sld [smem:$0x3FFE];
	_ =	sdelay $0x1  }
0x8a: {  	s1 =	srdreg.scid  }
0x8b: {  	s0 =	sand.u32 $0x1, s1  }
0x8c: {  	s16 =	sshll.u32 s0, $0xA;
	s2 =	sadd.s32 s3, s2  }
0x8d: {  	s2 =	sadd.s32 s2, s16  }
0x8e: {  	[smem:$0x3FB8] =	sst s2  }
0x8f: {  	_ = 	snop  }
0x90: {  	(tm) =	ssettm $0x1  }
0x91: {  	s17 =	sld [smem:$0x3FFB];
	_ =	sdelay $0x3  }
0x92: {  	_ =	strace s17  }
0x93: {  	s2 =	sld [smem:$0x3FFC];
	_ =	sdelay $0x3  }
0x94: {  	_ =	strace s2  }
0x95: {  	s2 =	sld [smem:$0x3FFD];
	_ =	sdelay $0x3  }
0x96: {  	_ =	strace s2  }
0x97: {  	_ =	strace $0x8FFFFFFF  }
0x98: {  	s18 =	sld [smem:$0x3FDB];
	_ =	sdelay $0x1  }
0x99: {  	s19 =	simm.s32 $_scs_section_size  }
0x9a: {  	s4 =	simm.s32 $_size__tile_overlayer_lowered;
	s5 =	simm.s32 $_tile_overlayer_lowered  }
0x9b: {  	s22 =	simm.s32 $0x1BFF;
	s21 =	sshll.u32 s5, $0x1;
	s2 =	sadd.s32 s19, s18  }
0x9c: {  	s6 =	simm.s32 $0x0;
	s20 =	sshll.u32 s4, $0x1;
	s4 =	sadd.s32 s21, s2  }
0x9d: {  	[timem:s6], [sflag:s22] =	dma.local [hbm:s4], s20  }
0x9e: {  	_ =	swait.ge [sflag:s22], s20  }
0x9f: {  	s3 =	ssub.s32 $0x0, s20;
	[sflag:s22] =	ssyncset.done $0x0  }
0xa0: {  	[sflag:s22] =	ssyncadd.s32 s3;
	_ =	sdelay $0x1  }
0xa1: {  	s23 =	simm.s32 $0x1B8B  }
0xa2: {  	_ =	swait.ge [sflag:s23], $0x1  }
0xa3: {  	[sflag:s23] =	ssyncset.done $0x0  }
0xa4: {  	s25 =	simm.s32 $0x1B8E;
	s24 =	sld [smem:$0x3FFE];
	[sflag:s23] =	ssyncadd.s32 $0xFFFFFFFF  }
0xa5: {  	s26 =	simm.s32 $execute0_lowered;
	[smem:$0x3FD2] =	sst s25  }
0xa6: {  	s4 =	sshll.u32 s26, $0x1;
	_ =	strace $0x8000004F;
	[dreg:$0x1] =	wrdreg $0xFFFFFFFF  }
0xa7: {  	s28 =	simm.s32 $_size_execute0_lowered;
	s2 =	sadd.s32 s2, s4;
	[dreg:$0x0] =	wrdreg $0x0  }
0xa8: {  	s4 =	sshll.u32 s28, $0x1;
	[dreg:$0x2] =	wrdreg s2  }
0xa9: {  	[dreg:$0x3] =	wrdreg s4  }
0xaa: {  	[dreg:$0x4] =	wrdreg $0xC0  }
0xab: {  	_ =	task [dreg:s6], $0x5FFFF  }
0xac: {  	[dreg:$0x1] =	wrdreg $0xFFFFFFFF  }
0xad: {  	[dreg:$0x0] =	wrdreg $0x60  }
0xae: {  	[dreg:$0x2] =	wrdreg s24  }
0xaf: {  	[dreg:$0x3] =	wrdreg $0xA2000  }
0xb0: {  	[dreg:$0x4] =	wrdreg $0x9  }
0xb1: {  	_ =	task.clear_ibuf [dreg:s6], $0x5FFFF;
	_ =	strace $0x9000004F  }
0xb2: {  	s29 =	simm.s32 $0x9;
	_ =	strace $0x80000051  }
0xb3: {  	_ =	swait.ge [sflag:s29], $0x1  }
0xb4: {  	[sflag:s29] =	ssyncadd.s32 $0xFFFFFFFF  }
0xb5: {  	_ =	strace $0x90000051  }
0xb6: {  	_ =	sfence  }
0xb7: {  	s30 =	sld [smem:$0x0];
	_ =	sdelay $0x2  }
0xb8: {  	s31 =	sshll.u32 s1, $0xD;
	s1 =	sshrl.u32 s1, $0x2  }
0xb9: {  	s3 =	sand.u32 $0x4000, s31;
	s1 =	sadd.s32 s1, s30  }
0xba: {  	s0 =	sor.u32 s3, s0;
	s1 =	sshll.u32 s1, $0x11  }
0xbb: {  	s0 =	sor.u32 s1, s0  }
0xbc: {  	s0 =	sadd.s32 $0x8F2B, s0  }
0xbd: {  	[sflag:s0] =	ssyncadd.remote.s32 $0x1  }
0xbe: {  	_ =	sfence.sel $0xFFFF  }
0xbf: {  	[dreg:$0x0] =	wrdreg $0xFFFFFFFF;
	(pc) =	sbr.abs _section_cstart, $3  }
0xc0: {  	[dreg:$0x1] =	wrdreg $0xFFFFFFFF  }
0xc1: {  	_ =	task.clear_ibuf [dreg:s6], $0x2FFFF;
	_ =	strace $0x9FFFFFFF  }
0xc2: {  	(tm) =	ssettm $0x7FFFFFFF  }
0xc3: {  	_ =	shalt  }
tec
execute0_lowered:
.L_overlay_start_1:
0x0: {  	(tag) =	ssettag $0x1  }
0x1: {  	s0 =	rddreg [dreg:$0x0]  }
0x2: {  	s16 =	rddreg [dreg:$0x1];
	s1 =	srdreg.scid  }
0x3: {  	s2 =	simm.s32 $0x0;
	s17 =	stileid.u32;
	s26 =	simm.s32 $0x100  }
0x4: {  	s28 =	simm.s32 $0x5E00;
	s29 =	simm.s32 $0x6600;
	s30 =	simm.s32 $0x6E00  }
0x5: {  	s31 =	simm.s32 $0x7600;
	s1 =	sand.u32 $0x1, s1;
	[smem:$0x7FF] =	sst s2  }
0x6: {  	s9 =	sadd.s32 $0xE600, s0;
	s10 =	sadd.s32 $0x4800, s0;
	s11 =	smul.u32 $0x2800, s17  }
0x7: {  	s4 =	sadd.s32 $0x1C7000, s0;
	s5 =	sadd.s32 $0x18400, s0;
	s15 =	smul.u32 $0x50000, s17  }
0x8: {  	s6 =	sadd.s32 $0x66600, s0;
	s7 =	sadd.s32 $0xB4800, s0;
	s22 =	smul.u32 $0x27100, s17  }
0x9: {  	s8 =	sadd.s32 $0x102A00, s0;
	s19 =	sshll.u32 s17, $0x6;
	s3 =	smul.u32 $0x271000, s1  }
0xa: {  	_ =	strace $0x80000050;
	s12 =	smul.u32 $0x28000, s1;
	s18 =	ssub.s32 $0x2, s1  }
0xb: {  	s1 =	smul.u32 $0x27100, s1;
	[dreg:$0x7] =	wrdreg s26;
	s26 =	simm.s32 $0x5600  }
0xc: {  	s13 =	sadd.s32 s11, s0;
	s14 =	sshrl.u32 s18, $0x1;
	s3 =	sadd.s32 s3, s0  }
0xd: {  	s11 =	sadd.s32 s11, s12;
	s12 =	sshrl.u32 s15, $0x2;
	s15 =	smul.u32 $0x2710, s17  }
0xe: {  	s13 =	sadd.s32 $0x177E00, s13;
	s0 =	sadd.s32 s11, s0;
	s11 =	ssub.s32 s18, s14  }
0xf: {  	s12 =	sadd.s32 s12, s16;
	[dreg:$0x8] =	wrdreg s13;
	s18 =	sor.u32 $0x1C09, s19  }
0x10: {  	s3 =	sadd.s32 s22, s3;
	s13 =	simm.s32 $0x8;
	s14 =	simm.s32 $0x200  }
0x11: {  	s19 =	simm.s32 $0x1600;
	s1 =	sadd.s32 s15, s1;
	s0 =	sadd.s32 $0x6F9000, s0  }
0x12: {  	s20 =	smax.u32 s11, $0x1;
	s3 =	sadd.s32 $0x217000, s3;
	[dreg:$0x9] =	wrdreg s18  }
0x13: {  	s17 =	sshrl.u32 s12, $0x3;
	s15 =	simm.s32 $0x9;
	[dreg:$0xa] =	wrdreg s0  }
0x14: {  	s11 =	simm.s32 $0x6;
	s12 =	simm.s32 $0x7;
	[dreg:$0xb] =	wrdreg s20  }
0x15: {  	s21 =	sshrl.u32 s1, $0x3;
	s1 =	sadd.s32 $0x28, s1;
	[dreg:$0xc] =	wrdreg s3  }
0x16: {  	s3 =	simm.s32 $0x8600;
	[dreg:$0xd] =	wrdreg s17;
	s23 =	sadd.s32 s21, s10  }
0x17: {  	s0 =	sadd.s32 s21, s9;
	s1 =	sshrl.u32 s1, $0x3;
	[dreg:$0x3] =	wrdreg s23  }
0x18: {  	s21 =	simm.s32 $0x28;
	[dreg:$0x4] =	wrdreg s0;
	s24 =	sadd.s32 s1, s10  }
0x19: {  	v2 =	vlaneseq.u32;
	s25 =	sadd.s32 s1, s9;
	s23 =	simm.s32 $0x3E00;
	s0 =	simm.s32 $0x7E00  }
0x1a: {  	vm0 =	vmmov $0xffff;
	v1 =	vshrl.u32 v2, $0x3;
	s9 =	simm.s32 $0x5;
	s10 =	simm.s32 $0x0;
	[dreg:$0x5] =	wrdreg s24  }
0x1b: {  	v0 =	vand.u32 $0x7, v2;
	v2 =	vor.u32 $0x8, v2;
	v1 =	vmul.u32 $0x8, v1;
	[dreg:$0x6] =	wrdreg s25;
	s24 =	simm.s32 $0x4600;
	s25 =	simm.s32 $0x4E00  }
.LBB2_1:
0x1c: {  	[dreg:$0xe] =	wrdreg s10  }
0x1d: {  	s1 =	rddreg [dreg:$0x8]  }
0x1e: {  	[spmem:s17], [sflag:s18] =	dma.local [hbm:s1], $0x2800  }
0x1f: {  	_ =	swait.ge [sflag:s15], $0x2800  }
0x20: {  	[sflag:s15] =	ssyncset.done $0x0  }
0x21: {  	[sflag:s15] =	ssyncadd.s32 $0xFFFFD800  }
0x22: {  	s22 =	simm.s32 $0x0;
	[bflag:$0x0] =	sbarrier.arrive $0xFFFF  }
0x23: {  	s10 =	simm.s32 $0x4;
	s17 =	simm.s32 $0x80;
	s20 =	rddreg [dreg:$0xc]  }
.LBB2_2:
0x24: {  	s1 =	rddreg [dreg:$0x4]  }
0x25: {  	s18 =	smov.u32 s16;
	s16 =	rddreg [dreg:$0x3];
	s1 =	sadd.s32 s22, s1  }
0x26: {  	[tilespmem:s2], [sflag:$0x1] =	stream.linear.gather [hbm4b:s1+s2], $0x28, $0x38;
	[tilespmem:$0x1E200] =	vst v63  }
0x27: {  	s16 =	sadd.s32 s22, s16;
	s1 =	rddreg [dreg:$0x6]  }
0x28: {  	[tilespmem:s17], [sflag:$0x2] =	stream.linear.gather [hbm4b:s16+s2], $0x28, $0x38;
	[tilespmem:$0x1E200] =	vst v63  }
0x29: {  	s16 =	rddreg [dreg:$0x7]  }
0x2a: {  	s1 =	sadd.s32 s22, s1;
	s17 =	rddreg [dreg:$0x5]  }
0x2b: {  	[tilespmem:s16], [sflag:$0x3] =	stream.linear.gather [hbm4b:s1+s2], $0x28, $0x38;
	[tilespmem:$0x1E200] =	vst v63  }
0x2c: {  	s16 =	smov.u32 s18;
	s1 =	sadd.s32 s22, s17;
	s18 =	simm.s32 $0x180  }
0x2d: {  	[tilespmem:s18], [sflag:$0x4] =	stream.linear.gather [hbm4b:s1+s2], $0x28, $0x38;
	[tilespmem:$0x1E200] =	vst v63  }
0x2e: {  	s1 =	simm.s32 $0x1  }
0x2f: {  	_ =	swait.ge [sflag:s1], $0x28  }
0x30: {  	[sflag:s1] =	ssyncset.done $0x0  }
0x31: {  	[sflag:s1] =	ssyncadd.s32 $0xFFFFFFD8;
	s1 =	simm.s32 $0x2  }
0x32: {  	_ =	swait.ge [sflag:s1], $0x28  }
0x33: {  	[sflag:s1] =	ssyncset.done $0x0  }
0x34: {  	[sflag:s1] =	ssyncadd.s32 $0xFFFFFFD8  }
0x35: {  	[tilespmem:s14], [sflag:$0x5] =	stream.linear.gather [hbm4b:s20+s2], $0x1400, $0x38;
	[tilespmem:$0x1E200] =	vst v63  }
0x36: {  	s17 =	simm.s32 $0x80  }
0x37: {  	[tilespmem:s19], [sflag:$0x6] =	stream.indirect.gather [hbm4b:s4+s21], $0x80, s17, s21, $0xb8;
	[tilespmem:$0x1E200] =	vst v63  }
0x38: {  	v3 =	vld [tilespmem:$0x0];
	_ =	sdelay $0x4  }
0x39: {  	v4 =	vshll.u32 v3, $0x1  }
0x3a: {  	v3 =	vand.u32 $0x7, v3;
	v4 =	vand.u32 $0xFFFFFFF0, v4  }
0x3b: {  	v3 =	vor.u32 v3, v4  }
0x3c: {  	v4 =	vperm.xlane v3, v0;
	_ =	sdelay $0x1  }
0x3d: {  	v3 =	vperm.xlane v3, v2;
	v4 =	vadd.s32 v1, v4;
	_ =	sdelay $0x1  }
0x3e: {  	v3 =	vadd.s32 v1, v3;
	_ =	sdelay $0x2  }
0x3f: {  	[tilespmem:s23], [sflag:$0x7] =	stream.indirect_vreg.gather [hbm4b:s5+s2], $0x80, v4, vm0, $0xb8;
	[tilespmem:$0x1E200] =	vst v63  }
0x40: {  	_ = 	snop  }
0x41: {  	[tilespmem:s24], [sflag:$0x7] =	stream.indirect_vreg.gather [hbm4b:s5+s2], $0x80, v3, vm0, $0xb8;
	[tilespmem:$0x1E200] =	vst v63  }
0x42: {  	v3 =	vld [tilespmem:$0x10];
	_ =	sdelay $0x4  }
0x43: {  	v57 =	vshll.u32 v3, $0x1  }
0x44: {  	v3 =	vand.u32 $0x7, v3;
	v4 =	vand.u32 $0xFFFFFFF0, v57  }
0x45: {  	v3 =	vor.u32 v3, v4  }
0x46: {  	v4 =	vperm.xlane v3, v0;
	_ =	sdelay $0x1  }
0x47: {  	v3 =	vperm.xlane v3, v2;
	v4 =	vadd.s32 v1, v4;
	_ =	sdelay $0x1  }
0x48: {  	v3 =	vadd.s32 v1, v3;
	_ =	sdelay $0x2  }
0x49: {  	[tilespmem:s25], [sflag:$0x7] =	stream.indirect_vreg.gather [hbm4b:s5+s2], $0x80, v4, vm0, $0xb8;
	[tilespmem:$0x1E200] =	vst v63  }
0x4a: {  	_ = 	snop  }
0x4b: {  	[tilespmem:s26], [sflag:$0x7] =	stream.indirect_vreg.gather [hbm4b:s5+s2], $0x80, v3, vm0, $0xb8;
	[tilespmem:$0x1E200] =	vst v63  }
0x4c: {  	v3 =	vld.msk [tilespmem:$0x20], $0xff;
	_ =	sdelay $0x4  }
0x4d: {  	v58 =	vshll.u32 v3, $0x1  }
0x4e: {  	v3 =	vand.u32 $0x7, v3;
	v4 =	vand.u32 $0xFFFFFFF0, v58  }
0x4f: {  	v3 =	vor.u32 v3, v4  }
0x50: {  	v3 =	vperm.xlane v3, v0;
	_ =	sdelay $0x1  }
0x51: {  	v3 =	vadd.s32 v1, v3;
	_ =	sdelay $0x4  }
0x52: {  	[tilespmem:s28], [sflag:$0x7] =	stream.indirect_vreg.gather [hbm4b:s5+s2], $0x80, v3, vm0, $0xb8;
	[tilespmem:$0x1E200] =	vst v63  }
0x53: {  	v3 =	vld [tilespmem:$0x0];
	_ =	sdelay $0x4  }
0x54: {  	v59 =	vshll.u32 v3, $0x1  }
0x55: {  	v3 =	vand.u32 $0x7, v3;
	v4 =	vand.u32 $0xFFFFFFF0, v59  }
0x56: {  	v3 =	vor.u32 v3, v4  }
0x57: {  	v4 =	vperm.xlane v3, v0;
	_ =	sdelay $0x1  }
0x58: {  	v3 =	vperm.xlane v3, v2;
	v4 =	vadd.s32 v1, v4;
	_ =	sdelay $0x1  }
0x59: {  	v3 =	vadd.s32 v1, v3;
	_ =	sdelay $0x2  }
0x5a: {  	[tilespmem:s29], [sflag:$0x8] =	stream.indirect_vreg.gather [hbm4b:s6+s2], $0x80, v4, vm0, $0xb8;
	[tilespmem:$0x1E200] =	vst v63  }
0x5b: {  	_ = 	snop  }
0x5c: {  	[tilespmem:s30], [sflag:$0x8] =	stream.indirect_vreg.gather [hbm4b:s6+s2], $0x80, v3, vm0, $0xb8;
	[tilespmem:$0x1E200] =	vst v63  }
0x5d: {  	v3 =	vld [tilespmem:$0x10];
	_ =	sdelay $0x4  }
0x5e: {  	v60 =	vshll.u32 v3, $0x1  }
0x5f: {  	v3 =	vand.u32 $0x7, v3;
	v4 =	vand.u32 $0xFFFFFFF0, v60  }
0x60: {  	v3 =	vor.u32 v3, v4  }
0x61: {  	v4 =	vperm.xlane v3, v0;
	_ =	sdelay $0x1  }
0x62: {  	v3 =	vperm.xlane v3, v2;
	v4 =	vadd.s32 v1, v4;
	_ =	sdelay $0x1  }
0x63: {  	v3 =	vadd.s32 v1, v3;
	_ =	sdelay $0x2  }
0x64: {  	[tilespmem:s31], [sflag:$0x8] =	stream.indirect_vreg.gather [hbm4b:s6+s2], $0x80, v4, vm0, $0xb8;
	[tilespmem:$0x1E200] =	vst v63  }
0x65: {  	_ = 	snop  }
0x66: {  	[tilespmem:s0], [sflag:$0x8] =	stream.indirect_vreg.gather [hbm4b:s6+s2], $0x80, v3, vm0, $0xb8;
	[tilespmem:$0x1E200] =	vst v63  }
0x67: {  	v3 =	vld.msk [tilespmem:$0x20], $0xff;
	_ =	sdelay $0x4  }
0x68: {  	v61 =	vshll.u32 v3, $0x1  }
0x69: {  	v3 =	vand.u32 $0x7, v3;
	v4 =	vand.u32 $0xFFFFFFF0, v61  }
0x6a: {  	v3 =	vor.u32 v3, v4  }
0x6b: {  	v3 =	vperm.xlane v3, v0;
	_ =	sdelay $0x1  }
0x6c: {  	v3 =	vadd.s32 v1, v3;
	_ =	sdelay $0x4  }
0x6d: {  	[tilespmem:s3], [sflag:$0x8] =	stream.indirect_vreg.gather [hbm4b:s6+s2], $0x80, v3, vm0, $0xb8;
	[tilespmem:$0x1E200] =	vst v63  }
0x6e: {  	_ =	swait.ge [sflag:s9], $0x1400  }
0x6f: {  	[sflag:s9] =	ssyncset.done $0x0  }
0x70: {  	[sflag:s9] =	ssyncadd.s32 $0xFFFFEC00  }
0x71: {  	_ =	swait.ge [sflag:s11], $0x1400  }
0x72: {  	[sflag:s11] =	ssyncset.done $0x0  }
0x73: {  	[sflag:s11] =	ssyncadd.s32 $0xFFFFEC00  }
0x74: {  	v3 =	vld [tilespmem:$0x200]  }
0x75: {  	v62 =	vld [tilespmem:$0x1600]  }
0x76: {  	v5 =	vld [tilespmem:$0x280]  }
0x77: {  	v6 =	vld [tilespmem:$0x1680]  }
0x78: {  	v7 =	vld [tilespmem:$0x300]  }
0x79: {  	v8 =	vld [tilespmem:$0x1700]  }
0x7a: {  	v9 =	vld [tilespmem:$0x380]  }
0x7b: {  	v10 =	vld [tilespmem:$0x1780]  }
0x7c: {  	v11 =	vld [tilespmem:$0x400]  }
0x7d: {  	v12 =	vld [tilespmem:$0x1800]  }
0x7e: {  	v13 =	vld [tilespmem:$0x480]  }
0x7f: {  	v14 =	vld [tilespmem:$0x1880]  }
0x80: {  	v15 =	vld [tilespmem:$0x500]  }
0x81: {  	v16 =	vld [tilespmem:$0x1900]  }
0x82: {  	v17 =	vld [tilespmem:$0x580]  }
0x83: {  	v18 =	vld [tilespmem:$0x1980]  }
0x84: {  	v19 =	vld [tilespmem:$0x600]  }
0x85: {  	v20 =	vld [tilespmem:$0x1A00]  }
0x86: {  	v21 =	vld [tilespmem:$0x680]  }
0x87: {  	v22 =	vld [tilespmem:$0x1A80]  }
0x88: {  	v23 =	vld [tilespmem:$0x700]  }
0x89: {  	v24 =	vld [tilespmem:$0x1B00]  }
0x8a: {  	v25 =	vld [tilespmem:$0x780]  }
0x8b: {  	v26 =	vld [tilespmem:$0x1B80]  }
0x8c: {  	v27 =	vld [tilespmem:$0x800]  }
0x8d: {  	v28 =	vld [tilespmem:$0x1C00]  }
0x8e: {  	v29 =	vld [tilespmem:$0x880]  }
0x8f: {  	v30 =	vld [tilespmem:$0x1C80]  }
0x90: {  	v31 =	vld [tilespmem:$0x900]  }
0x91: {  	v32 =	vld [tilespmem:$0x1D00]  }
0x92: {  	v33 =	vld [tilespmem:$0x980]  }
0x93: {  	v34 =	vld [tilespmem:$0x1D80]  }
0x94: {  	v35 =	vld [tilespmem:$0xA00]  }
0x95: {  	v36 =	vld [tilespmem:$0x1E00]  }
0x96: {  	v37 =	vld [tilespmem:$0xA80]  }
0x97: {  	v38 =	vld [tilespmem:$0x1E80]  }
0x98: {  	v39 =	vld [tilespmem:$0xB00]  }
0x99: {  	v40 =	vld [tilespmem:$0x1F00]  }
0x9a: {  	v41 =	vld [tilespmem:$0xB80]  }
0x9b: {  	v42 =	vld [tilespmem:$0x1F80]  }
0x9c: {  	v43 =	vld [tilespmem:$0xC00]  }
0x9d: {  	v44 =	vld [tilespmem:$0x2000]  }
0x9e: {  	v45 =	vld [tilespmem:$0xC80]  }
0x9f: {  	v46 =	vld [tilespmem:$0x2080]  }
0xa0: {  	v47 =	vld [tilespmem:$0xD00]  }
0xa1: {  	v4 =	vld [tilespmem:$0x2100];
	v3 =	vmul.f32 v62, v3  }
0xa2: {  	v48 =	vld [tilespmem:$0x2380];
	v5 =	vmul.f32 v6, v5  }
0xa3: {  	v50 =	vld [tilespmem:$0x1000];
	v63 =	vmul.f32 v10, v9;
	[tilespmem:$0x2A00] =	vst v3  }
0xa4: {  	v51 =	vld [tilespmem:$0x2400];
	v3 =	vmul.f32 v8, v7;
	[tilespmem:$0x2A80] =	vst v5  }
0xa5: {  	v53 =	vld [tilespmem:$0x1080];
	v14 =	vmul.f32 v14, v13;
	[tilespmem:$0x2B80] =	vst v63  }
0xa6: {  	v54 =	vld [tilespmem:$0x2480];
	[tilespmem:$0x2B00] =	vst v3;
	v3 =	vmul.f32 v12, v11  }
0xa7: {  	v56 =	vld [tilespmem:$0x1100];
	v18 =	vmul.f32 v18, v17;
	[tilespmem:$0x2C80] =	vst v14  }
0xa8: {  	v57 =	vld [tilespmem:$0x2500];
	[tilespmem:$0x2C00] =	vst v3;
	v3 =	vmul.f32 v16, v15  }
0xa9: {  	v59 =	vld [tilespmem:$0x1180];
	v22 =	vmul.f32 v22, v21;
	[tilespmem:$0x2D80] =	vst v18  }
0xaa: {  	v60 =	vld [tilespmem:$0x2580];
	[tilespmem:$0x2D00] =	vst v3;
	v3 =	vmul.f32 v20, v19  }
0xab: {  	v6 =	vld [tilespmem:$0xD80];
	v49 =	vmul.f32 v26, v25;
	[tilespmem:$0x2E80] =	vst v22  }
0xac: {  	v9 =	vld [tilespmem:$0x2200];
	[tilespmem:$0x2E00] =	vst v3;
	v3 =	vmul.f32 v24, v23  }
0xad: {  	v10 =	vld [tilespmem:$0xE80];
	v52 =	vmul.f32 v30, v29;
	[tilespmem:$0x2F80] =	vst v49  }
0xae: {  	v13 =	vld [tilespmem:$0x2300];
	[tilespmem:$0x2F00] =	vst v3;
	v3 =	vmul.f32 v28, v27  }
0xaf: {  	v55 =	vmul.f32 v34, v33;
	v61 =	vmul.f32 v42, v41;
	v41 =	vld [tilespmem:$0x1480];
	[tilespmem:$0x3080] =	vst v52  }
0xb0: {  	v42 =	vld [tilespmem:$0x2880];
	[tilespmem:$0x3000] =	vst v3;
	v3 =	vmul.f32 v32, v31  }
0xb1: {  	v58 =	vmul.f32 v38, v37;
	v62 =	vld [tilespmem:$0x1200];
	[tilespmem:$0x3180] =	vst v55  }
0xb2: {  	v14 =	vld [tilespmem:$0xF80];
	[tilespmem:$0x3100] =	vst v3;
	v3 =	vmul.f32 v36, v35  }
0xb3: {  	v29 =	vld [tilespmem:$0x1280];
	[tilespmem:$0x3280] =	vst v58  }
0xb4: {  	v11 =	vld [tilespmem:$0x2280];
	[tilespmem:$0x3200] =	vst v3;
	v3 =	vmul.f32 v40, v39  }
0xb5: {  	v8 =	vld [tilespmem:$0xE00];
	[tilespmem:$0x3380] =	vst v61;
	v49 =	vmul.f32 v42, v41  }
0xb6: {  	v30 =	vld [tilespmem:$0x2680];
	[tilespmem:$0x3300] =	vst v3;
	v3 =	vmul.f32 v44, v43  }
0xb7: {  	v12 =	vld [tilespmem:$0xF00];
	v37 =	vmul.f32 v48, v14;
	[tilespmem:$0x3C80] =	vst v49  }
0xb8: {  	v7 =	vld [tilespmem:$0x2180];
	[tilespmem:$0x3400] =	vst v3;
	v3 =	vmul.f32 v4, v47  }
0xb9: {  	v33 =	vld [tilespmem:$0x2700];
	v34 =	vmul.f32 v11, v10;
	[tilespmem:$0x3780] =	vst v37  }
0xba: {  	v38 =	vld [tilespmem:$0x1400];
	[tilespmem:$0x3500] =	vst v3;
	v3 =	vmul.f32 v9, v8  }
0xbb: {  	v63 =	vld [tilespmem:$0x2600];
	[tilespmem:$0x3680] =	vst v34;
	v28 =	vmul.f32 v46, v45  }
0xbc: {  	v45 =	vld [tilespmem:$0x2900];
	[tilespmem:$0x3600] =	vst v3;
	v3 =	vmul.f32 v13, v12  }
0xbd: {  	[tilespmem:$0x3480] =	vst v28;
	v31 =	vmul.f32 v7, v6;
	v35 =	vld [tilespmem:$0x1380]  }
0xbe: {  	v36 =	vld [tilespmem:$0x2780];
	[tilespmem:$0x3700] =	vst v3;
	v3 =	vmul.f32 v51, v50  }
0xbf: {  	v32 =	vld [tilespmem:$0x1300];
	[tilespmem:$0x3580] =	vst v31;
	v40 =	vmul.f32 v54, v53  }
0xc0: {  	v46 =	vld [tilespmem:$0x1580];
	[tilespmem:$0x3800] =	vst v3;
	v3 =	vmul.f32 v57, v56  }
0xc1: {  	v39 =	vld [tilespmem:$0x2800];
	[tilespmem:$0x3880] =	vst v40;
	v43 =	vmul.f32 v60, v59  }
0xc2: {  	v47 =	vld [tilespmem:$0x2980];
	[tilespmem:$0x3900] =	vst v3;
	v3 =	vmul.f32 v63, v62  }
0xc3: {  	v44 =	vld [tilespmem:$0x1500];
	v48 =	vmul.f32 v36, v35;
	[tilespmem:$0x3980] =	vst v43  }
0xc4: {  	[tilespmem:$0x3A00] =	vst v3;
	v3 =	vmul.f32 v33, v32  }
0xc5: {  	v4 =	vmul.f32 v30, v29;
	[tilespmem:$0x3B80] =	vst v48  }
0xc6: {  	[tilespmem:$0x3B00] =	vst v3;
	v3 =	vmul.f32 v39, v38  }
0xc7: {  	[tilespmem:$0x3A80] =	vst v4;
	v50 =	vmul.f32 v47, v46  }
0xc8: {  	[tilespmem:$0x3C00] =	vst v3;
	v3 =	vmul.f32 v45, v44  }
0xc9: {  	[tilespmem:$0x3D80] =	vst v50  }
0xca: {  	[tilespmem:$0x3D00] =	vst v3  }
0xcb: {  	_ =	swait.ge [sflag:s12], $0x2800  }
0xcc: {  	[sflag:s12] =	ssyncset.done $0x0  }
0xcd: {  	[sflag:s12] =	ssyncadd.s32 $0xFFFFD800  }
0xce: {  	v3 =	vld [tilespmem:$0x0];
	_ =	sdelay $0x4  }
0xcf: {  	v51 =	vshll.u32 v3, $0x1  }
0xd0: {  	v3 =	vand.u32 $0x7, v3;
	v4 =	vand.u32 $0xFFFFFFF0, v51  }
0xd1: {  	v3 =	vor.u32 v3, v4  }
0xd2: {  	v4 =	vperm.xlane v3, v0;
	_ =	sdelay $0x1  }
0xd3: {  	v3 =	vperm.xlane v3, v2;
	v4 =	vadd.s32 v1, v4;
	_ =	sdelay $0x1  }
0xd4: {  	v3 =	vadd.s32 v1, v3;
	_ =	sdelay $0x2  }
0xd5: {  	[tilespmem:s23], [sflag:$0x7] =	stream.indirect_vreg.gather [hbm4b:s7+s2], $0x80, v4, vm0, $0xb8;
	[tilespmem:$0x1E200] =	vst v63  }
0xd6: {  	_ = 	snop  }
0xd7: {  	[tilespmem:s24], [sflag:$0x7] =	stream.indirect_vreg.gather [hbm4b:s7+s2], $0x80, v3, vm0, $0xb8;
	[tilespmem:$0x1E200] =	vst v63  }
0xd8: {  	v3 =	vld [tilespmem:$0x10];
	_ =	sdelay $0x4  }
0xd9: {  	v52 =	vshll.u32 v3, $0x1  }
0xda: {  	v3 =	vand.u32 $0x7, v3;
	v4 =	vand.u32 $0xFFFFFFF0, v52  }
0xdb: {  	v3 =	vor.u32 v3, v4  }
0xdc: {  	v4 =	vperm.xlane v3, v0;
	_ =	sdelay $0x1  }
0xdd: {  	v3 =	vperm.xlane v3, v2;
	v4 =	vadd.s32 v1, v4;
	_ =	sdelay $0x1  }
0xde: {  	v3 =	vadd.s32 v1, v3;
	_ =	sdelay $0x2  }
0xdf: {  	[tilespmem:s25], [sflag:$0x7] =	stream.indirect_vreg.gather [hbm4b:s7+s2], $0x80, v4, vm0, $0xb8;
	[tilespmem:$0x1E200] =	vst v63  }
0xe0: {  	_ = 	snop  }
0xe1: {  	[tilespmem:s26], [sflag:$0x7] =	stream.indirect_vreg.gather [hbm4b:s7+s2], $0x80, v3, vm0, $0xb8;
	[tilespmem:$0x1E200] =	vst v63  }
0xe2: {  	v3 =	vld.msk [tilespmem:$0x20], $0xff;
	_ =	sdelay $0x4  }
0xe3: {  	v53 =	vshll.u32 v3, $0x1  }
0xe4: {  	v3 =	vand.u32 $0x7, v3;
	v4 =	vand.u32 $0xFFFFFFF0, v53  }
0xe5: {  	v3 =	vor.u32 v3, v4  }
0xe6: {  	v3 =	vperm.xlane v3, v0;
	_ =	sdelay $0x1  }
0xe7: {  	v3 =	vadd.s32 v1, v3;
	_ =	sdelay $0x4  }
0xe8: {  	[tilespmem:s28], [sflag:$0x7] =	stream.indirect_vreg.gather [hbm4b:s7+s2], $0x80, v3, vm0, $0xb8;
	[tilespmem:$0x1E200] =	vst v63  }
0xe9: {  	_ =	swait.ge [sflag:s13], $0x2800  }
0xea: {  	[sflag:s13] =	ssyncset.done $0x0  }
0xeb: {  	[sflag:s13] =	ssyncadd.s32 $0xFFFFD800  }
0xec: {  	v3 =	vld [tilespmem:$0x0];
	_ =	sdelay $0x4  }
0xed: {  	v54 =	vshll.u32 v3, $0x1  }
0xee: {  	v3 =	vand.u32 $0x7, v3;
	v4 =	vand.u32 $0xFFFFFFF0, v54  }
0xef: {  	v3 =	vor.u32 v3, v4  }
0xf0: {  	v4 =	vperm.xlane v3, v0;
	_ =	sdelay $0x1  }
0xf1: {  	v3 =	vperm.xlane v3, v2;
	v4 =	vadd.s32 v1, v4;
	_ =	sdelay $0x1  }
0xf2: {  	v3 =	vadd.s32 v1, v3;
	_ =	sdelay $0x2  }
0xf3: {  	[tilespmem:s29], [sflag:$0x8] =	stream.indirect_vreg.gather [hbm4b:s8+s2], $0x80, v4, vm0, $0xb8;
	[tilespmem:$0x1E200] =	vst v63  }
0xf4: {  	_ = 	snop  }
0xf5: {  	[tilespmem:s30], [sflag:$0x8] =	stream.indirect_vreg.gather [hbm4b:s8+s2], $0x80, v3, vm0, $0xb8;
	[tilespmem:$0x1E200] =	vst v63  }
0xf6: {  	v3 =	vld [tilespmem:$0x10];
	_ =	sdelay $0x4  }
0xf7: {  	v55 =	vshll.u32 v3, $0x1  }
0xf8: {  	v3 =	vand.u32 $0x7, v3;
	v4 =	vand.u32 $0xFFFFFFF0, v55  }
0xf9: {  	v3 =	vor.u32 v3, v4  }
0xfa: {  	v4 =	vperm.xlane v3, v0;
	_ =	sdelay $0x1  }
0xfb: {  	v3 =	vperm.xlane v3, v2;
	v4 =	vadd.s32 v1, v4;
	_ =	sdelay $0x1  }
0xfc: {  	v3 =	vadd.s32 v1, v3;
	_ =	sdelay $0x2  }
0xfd: {  	[tilespmem:s31], [sflag:$0x8] =	stream.indirect_vreg.gather [hbm4b:s8+s2], $0x80, v4, vm0, $0xb8;
	[tilespmem:$0x1E200] =	vst v63  }
0xfe: {  	_ = 	snop  }
0xff: {  	[tilespmem:s0], [sflag:$0x8] =	stream.indirect_vreg.gather [hbm4b:s8+s2], $0x80, v3, vm0, $0xb8;
	[tilespmem:$0x1E200] =	vst v63  }
0x100: {  	v3 =	vld.msk [tilespmem:$0x20], $0xff;
	_ =	sdelay $0x4  }
0x101: {  	v56 =	vshll.u32 v3, $0x1  }
0x102: {  	v3 =	vand.u32 $0x7, v3;
	v4 =	vand.u32 $0xFFFFFFF0, v56  }
0x103: {  	v3 =	vor.u32 v3, v4  }
0x104: {  	v3 =	vperm.xlane v3, v0;
	_ =	sdelay $0x1  }
0x105: {  	v3 =	vadd.s32 v1, v3;
	_ =	sdelay $0x3  }
0x106: {  	s1 =	simm.s32 $0x3  }
0x107: {  	[tilespmem:s3], [sflag:$0x8] =	stream.indirect_vreg.gather [hbm4b:s8+s2], $0x80, v3, vm0, $0xb8;
	[tilespmem:$0x1E200] =	vst v63  }
0x108: {  	_ =	swait.ge [sflag:s1], $0x28  }
0x109: {  	[sflag:s1] =	ssyncset.done $0x0  }
0x10a: {  	[sflag:s1] =	ssyncadd.s32 $0xFFFFFFD8  }
0x10b: {  	_ =	swait.ge [sflag:s10], $0x28  }
0x10c: {  	[sflag:s10] =	ssyncset.done $0x0  }
0x10d: {  	[sflag:s10] =	ssyncadd.s32 $0xFFFFFFD8  }
0x10e: {  	_ =	swait.ge [sflag:s12], $0x2800  }
0x10f: {  	[sflag:s12] =	ssyncset.done $0x0  }
0x110: {  	s1 =	sadd.s32 $0x280, s20;
	[sflag:s12] =	ssyncadd.s32 $0xFFFFD800  }
0x111: {  	[tilespmem:s14], [sflag:$0x5] =	stream.linear.gather [hbm4b:s1+s2], $0x1400, $0x38;
	[tilespmem:$0x1E200] =	vst v63  }
0x112: {  	_ = 	snop  }
0x113: {  	[tilespmem:s19], [sflag:$0x6] =	stream.indirect.gather [hbm4b:s4+s21], $0x80, s18, s21, $0xb8;
	[tilespmem:$0x1E200] =	vst v63  }
0x114: {  	_ =	swait.ge [sflag:s13], $0x2800  }
0x115: {  	[sflag:s13] =	ssyncset.done $0x0  }
0x116: {  	[sflag:s13] =	ssyncadd.s32 $0xFFFFD800  }
0x117: {  	v3 =	vld [tilespmem:$0x100];
	_ =	sdelay $0x4  }
0x118: {  	v57 =	vshll.u32 v3, $0x1  }
0x119: {  	v3 =	vand.u32 $0x7, v3;
	v4 =	vand.u32 $0xFFFFFFF0, v57  }
0x11a: {  	v3 =	vor.u32 v3, v4  }
0x11b: {  	v4 =	vperm.xlane v3, v0;
	_ =	sdelay $0x1  }
0x11c: {  	v3 =	vperm.xlane v3, v2;
	v4 =	vadd.s32 v1, v4;
	_ =	sdelay $0x1  }
0x11d: {  	v3 =	vadd.s32 v1, v3;
	_ =	sdelay $0x2  }
0x11e: {  	[tilespmem:s23], [sflag:$0x7] =	stream.indirect_vreg.gather [hbm4b:s5+s2], $0x80, v4, vm0, $0xb8;
	[tilespmem:$0x1E200] =	vst v63  }
0x11f: {  	_ = 	snop  }
0x120: {  	[tilespmem:s24], [sflag:$0x7] =	stream.indirect_vreg.gather [hbm4b:s5+s2], $0x80, v3, vm0, $0xb8;
	[tilespmem:$0x1E200] =	vst v63  }
0x121: {  	v3 =	vld [tilespmem:$0x110];
	_ =	sdelay $0x4  }
0x122: {  	v58 =	vshll.u32 v3, $0x1  }
0x123: {  	v3 =	vand.u32 $0x7, v3;
	v4 =	vand.u32 $0xFFFFFFF0, v58  }
0x124: {  	v3 =	vor.u32 v3, v4  }
0x125: {  	v4 =	vperm.xlane v3, v0;
	_ =	sdelay $0x1  }
0x126: {  	v3 =	vperm.xlane v3, v2;
	v4 =	vadd.s32 v1, v4;
	_ =	sdelay $0x1  }
0x127: {  	v3 =	vadd.s32 v1, v3;
	_ =	sdelay $0x2  }
0x128: {  	[tilespmem:s25], [sflag:$0x7] =	stream.indirect_vreg.gather [hbm4b:s5+s2], $0x80, v4, vm0, $0xb8;
	[tilespmem:$0x1E200] =	vst v63  }
0x129: {  	_ = 	snop  }
0x12a: {  	[tilespmem:s26], [sflag:$0x7] =	stream.indirect_vreg.gather [hbm4b:s5+s2], $0x80, v3, vm0, $0xb8;
	[tilespmem:$0x1E200] =	vst v63  }
0x12b: {  	v3 =	vld.msk [tilespmem:$0x120], $0xff;
	_ =	sdelay $0x4  }
0x12c: {  	v59 =	vshll.u32 v3, $0x1  }
0x12d: {  	v3 =	vand.u32 $0x7, v3;
	v4 =	vand.u32 $0xFFFFFFF0, v59  }
0x12e: {  	v3 =	vor.u32 v3, v4  }
0x12f: {  	v3 =	vperm.xlane v3, v0;
	_ =	sdelay $0x1  }
0x130: {  	v3 =	vadd.s32 v1, v3;
	_ =	sdelay $0x4  }
0x131: {  	[tilespmem:s28], [sflag:$0x7] =	stream.indirect_vreg.gather [hbm4b:s5+s2], $0x80, v3, vm0, $0xb8;
	[tilespmem:$0x1E200] =	vst v63  }
0x132: {  	s1 =	simm.s32 $0x8E00  }
0x133: {  	[spmem:s16] =	stream.indirect.scatter.add.f32 [tilespmem:s1], [sflag:$0x9], $0x80, s17, s21, $0xb8;
	[tilespmem:$0x1E200] =	vst v63  }
0x134: {  	_ =	swait.ge [sflag:s15], $0x1400  }
0x135: {  	[sflag:s15] =	ssyncset.done $0x0  }
0x136: {  	[sflag:s15] =	ssyncadd.s32 $0xFFFFEC00  }
0x137: {  	v3 =	vld [tilespmem:$0x100];
	_ =	sdelay $0x4  }
0x138: {  	v60 =	vshll.u32 v3, $0x1  }
0x139: {  	v3 =	vand.u32 $0x7, v3;
	v4 =	vand.u32 $0xFFFFFFF0, v60  }
0x13a: {  	v3 =	vor.u32 v3, v4  }
0x13b: {  	v4 =	vperm.xlane v3, v0;
	_ =	sdelay $0x1  }
0x13c: {  	v3 =	vperm.xlane v3, v2;
	v4 =	vadd.s32 v1, v4;
	_ =	sdelay $0x1  }
0x13d: {  	v3 =	vadd.s32 v1, v3;
	_ =	sdelay $0x2  }
0x13e: {  	[tilespmem:s29], [sflag:$0x8] =	stream.indirect_vreg.gather [hbm4b:s6+s2], $0x80, v4, vm0, $0xb8;
	[tilespmem:$0x1E200] =	vst v63  }
0x13f: {  	_ = 	snop  }
0x140: {  	[tilespmem:s30], [sflag:$0x8] =	stream.indirect_vreg.gather [hbm4b:s6+s2], $0x80, v3, vm0, $0xb8;
	[tilespmem:$0x1E200] =	vst v63  }
0x141: {  	v3 =	vld [tilespmem:$0x110];
	_ =	sdelay $0x4  }
0x142: {  	v61 =	vshll.u32 v3, $0x1  }
0x143: {  	v3 =	vand.u32 $0x7, v3;
	v4 =	vand.u32 $0xFFFFFFF0, v61  }
0x144: {  	v3 =	vor.u32 v3, v4  }
0x145: {  	v4 =	vperm.xlane v3, v0;
	_ =	sdelay $0x1  }
0x146: {  	v3 =	vperm.xlane v3, v2;
	v4 =	vadd.s32 v1, v4;
	_ =	sdelay $0x1  }
0x147: {  	v3 =	vadd.s32 v1, v3;
	_ =	sdelay $0x2  }
0x148: {  	[tilespmem:s31], [sflag:$0x8] =	stream.indirect_vreg.gather [hbm4b:s6+s2], $0x80, v4, vm0, $0xb8;
	[tilespmem:$0x1E200] =	vst v63  }
0x149: {  	_ = 	snop  }
0x14a: {  	[tilespmem:s0], [sflag:$0x8] =	stream.indirect_vreg.gather [hbm4b:s6+s2], $0x80, v3, vm0, $0xb8;
	[tilespmem:$0x1E200] =	vst v63  }
0x14b: {  	v3 =	vld.msk [tilespmem:$0x120], $0xff;
	_ =	sdelay $0x4  }
0x14c: {  	v62 =	vshll.u32 v3, $0x1  }
0x14d: {  	v3 =	vand.u32 $0x7, v3;
	v4 =	vand.u32 $0xFFFFFFF0, v62  }
0x14e: {  	v3 =	vor.u32 v3, v4  }
0x14f: {  	v3 =	vperm.xlane v3, v0;
	_ =	sdelay $0x1  }
0x150: {  	v3 =	vadd.s32 v1, v3;
	_ =	sdelay $0x4  }
0x151: {  	[tilespmem:s3], [sflag:$0x8] =	stream.indirect_vreg.gather [hbm4b:s6+s2], $0x80, v3, vm0, $0xb8;
	[tilespmem:$0x1E200] =	vst v63  }
0x152: {  	_ =	swait.ge [sflag:s9], $0x1400  }
0x153: {  	[sflag:s9] =	ssyncset.done $0x0  }
0x154: {  	[sflag:s9] =	ssyncadd.s32 $0xFFFFEC00  }
0x155: {  	_ =	swait.ge [sflag:s11], $0x1400  }
0x156: {  	[sflag:s11] =	ssyncset.done $0x0  }
0x157: {  	[sflag:s11] =	ssyncadd.s32 $0xFFFFEC00  }
0x158: {  	v3 =	vld [tilespmem:$0x200]  }
0x159: {  	v4 =	vld [tilespmem:$0x1600]  }
0x15a: {  	v5 =	vld [tilespmem:$0x280]  }
0x15b: {  	v6 =	vld [tilespmem:$0x1680]  }
0x15c: {  	v7 =	vld [tilespmem:$0x300]  }
0x15d: {  	v8 =	vld [tilespmem:$0x1700]  }
0x15e: {  	v9 =	vld [tilespmem:$0x380]  }
0x15f: {  	v63 =	vld [tilespmem:$0x1780]  }
0x160: {  	v11 =	vld [tilespmem:$0x400]  }
0x161: {  	v12 =	vld [tilespmem:$0x1800]  }
0x162: {  	v13 =	vld [tilespmem:$0x480]  }
0x163: {  	v48 =	vld [tilespmem:$0x1880]  }
0x164: {  	v15 =	vld [tilespmem:$0x500]  }
0x165: {  	v49 =	vld [tilespmem:$0x1900]  }
0x166: {  	v50 =	vld [tilespmem:$0x580]  }
0x167: {  	v51 =	vld [tilespmem:$0x1980]  }
0x168: {  	v19 =	vld [tilespmem:$0x600]  }
0x169: {  	v52 =	vld [tilespmem:$0x1A00]  }
0x16a: {  	v53 =	vld [tilespmem:$0x680]  }
0x16b: {  	v54 =	vld [tilespmem:$0x1A80]  }
0x16c: {  	v23 =	vld [tilespmem:$0x700]  }
0x16d: {  	v55 =	vld [tilespmem:$0x1B00]  }
0x16e: {  	v56 =	vld [tilespmem:$0x780]  }
0x16f: {  	v57 =	vld [tilespmem:$0x1B80]  }
0x170: {  	v27 =	vld [tilespmem:$0x800]  }
0x171: {  	v58 =	vld [tilespmem:$0x1C00]  }
0x172: {  	v59 =	vld [tilespmem:$0x880]  }
0x173: {  	v60 =	vld [tilespmem:$0x1C80]  }
0x174: {  	v31 =	vld [tilespmem:$0x900]  }
0x175: {  	v61 =	vld [tilespmem:$0x1D00]  }
0x176: {  	v33 =	vld [tilespmem:$0x980]  }
0x177: {  	v62 =	vld [tilespmem:$0x1D80]  }
0x178: {  	v35 =	vld [tilespmem:$0xA00]  }
0x179: {  	v36 =	vld [tilespmem:$0x1E00]  }
0x17a: {  	v37 =	vld [tilespmem:$0xA80]  }
0x17b: {  	v38 =	vld [tilespmem:$0x1E80]  }
0x17c: {  	v39 =	vld [tilespmem:$0xB00]  }
0x17d: {  	v40 =	vld [tilespmem:$0x1F00]  }
0x17e: {  	v41 =	vld [tilespmem:$0xB80]  }
0x17f: {  	v42 =	vld [tilespmem:$0x1F80]  }
0x180: {  	v43 =	vld [tilespmem:$0xC00]  }
0x181: {  	v44 =	vld [tilespmem:$0x2000]  }
0x182: {  	v45 =	vld [tilespmem:$0xC80]  }
0x183: {  	v46 =	vld [tilespmem:$0x2080]  }
0x184: {  	v47 =	vld [tilespmem:$0xD00]  }
0x185: {  	v28 =	vld [tilespmem:$0x2500];
	v3 =	vmul.f32 v4, v3  }
0x186: {  	v30 =	vld [tilespmem:$0x1180];
	v5 =	vmul.f32 v6, v5  }
0x187: {  	v34 =	vld [tilespmem:$0x2600];
	v63 =	vmul.f32 v63, v9;
	[tilespmem:$0x2A00] =	vst v3  }
0x188: {  	v4 =	vld [tilespmem:$0x2100];
	v3 =	vmul.f32 v8, v7;
	[tilespmem:$0x2A80] =	vst v5  }
0x189: {  	v6 =	vld [tilespmem:$0xD80];
	v14 =	vmul.f32 v48, v13;
	[tilespmem:$0x2B80] =	vst v63  }
0x18a: {  	v9 =	vld [tilespmem:$0x2200];
	[tilespmem:$0x2B00] =	vst v3;
	v3 =	vmul.f32 v12, v11  }
0x18b: {  	v48 =	vld [tilespmem:$0xE80];
	v50 =	vmul.f32 v51, v50;
	[tilespmem:$0x2C80] =	vst v14  }
0x18c: {  	v51 =	vld [tilespmem:$0xF00];
	[tilespmem:$0x2C00] =	vst v3;
	v3 =	vmul.f32 v49, v15  }
0x18d: {  	v53 =	vmul.f32 v54, v53;
	v54 =	vld [tilespmem:$0xF80];
	[tilespmem:$0x2D80] =	vst v50  }
0x18e: {  	v56 =	vmul.f32 v57, v56;
	v57 =	vld [tilespmem:$0x1000];
	[tilespmem:$0x2D00] =	vst v3;
	v3 =	vmul.f32 v52, v19  }
0x18f: {  	v59 =	vmul.f32 v60, v59;
	v60 =	vld [tilespmem:$0x1080];
	[tilespmem:$0x2E80] =	vst v53  }
0x190: {  	v62 =	vmul.f32 v62, v33;
	v33 =	vld [tilespmem:$0x1200];
	[tilespmem:$0x2E00] =	vst v3;
	v3 =	vmul.f32 v55, v23  }
0x191: {  	v29 =	vmul.f32 v38, v37;
	v37 =	vld [tilespmem:$0x2680];
	[tilespmem:$0x2F80] =	vst v56  }
0x192: {  	v32 =	vmul.f32 v42, v41;
	v42 =	vld [tilespmem:$0x1380];
	[tilespmem:$0x2F00] =	vst v3;
	v3 =	vmul.f32 v58, v27  }
0x193: {  	v7 =	vld [tilespmem:$0x2180];
	[tilespmem:$0x3080] =	vst v59  }
0x194: {  	v49 =	vld [tilespmem:$0x2280];
	[tilespmem:$0x3000] =	vst v3;
	v3 =	vmul.f32 v61, v31  }
0x195: {  	v8 =	vld [tilespmem:$0xE00];
	[tilespmem:$0x3180] =	vst v62  }
0x196: {  	v63 =	vld [tilespmem:$0x1100];
	[tilespmem:$0x3100] =	vst v3;
	v3 =	vmul.f32 v36, v35  }
0x197: {  	[tilespmem:$0x3280] =	vst v29;
	v53 =	vld [tilespmem:$0x1580]  }
0x198: {  	v52 =	vld [tilespmem:$0x2300];
	[tilespmem:$0x3200] =	vst v3;
	v3 =	vmul.f32 v40, v39  }
0x199: {  	[tilespmem:$0x3380] =	vst v32;
	v38 =	vmul.f32 v7, v6;
	v41 =	vmul.f32 v49, v48;
	v48 =	vld [tilespmem:$0x1480]  }
0x19a: {  	v49 =	vld [tilespmem:$0x2880];
	[tilespmem:$0x3300] =	vst v3;
	v3 =	vmul.f32 v44, v43  }
0x19b: {  	[tilespmem:$0x3580] =	vst v38;
	v55 =	vld [tilespmem:$0x2380]  }
0x19c: {  	v31 =	vld [tilespmem:$0x2580];
	[tilespmem:$0x3400] =	vst v3;
	v3 =	vmul.f32 v4, v47  }
0x19d: {  	v58 =	vld [tilespmem:$0x2400];
	[tilespmem:$0x3680] =	vst v41;
	v35 =	vmul.f32 v46, v45  }
0x19e: {  	v61 =	vld [tilespmem:$0x2480];
	[tilespmem:$0x3500] =	vst v3;
	v3 =	vmul.f32 v9, v8  }
0x19f: {  	v36 =	vld [tilespmem:$0x1280];
	v56 =	vmul.f32 v49, v48;
	[tilespmem:$0x3480] =	vst v35  }
0x1a0: {  	v45 =	vld [tilespmem:$0x1400];
	[tilespmem:$0x3600] =	vst v3;
	v3 =	vmul.f32 v52, v51  }
0x1a1: {  	v46 =	vld [tilespmem:$0x2800];
	[tilespmem:$0x3C80] =	vst v56;
	v50 =	vmul.f32 v31, v30  }
0x1a2: {  	v39 =	vld [tilespmem:$0x1300];
	[tilespmem:$0x3700] =	vst v3;
	v3 =	vmul.f32 v58, v57  }
0x1a3: {  	v40 =	vld [tilespmem:$0x2700];
	v44 =	vmul.f32 v55, v54;
	[tilespmem:$0x3980] =	vst v50  }
0x1a4: {  	v43 =	vld [tilespmem:$0x2780];
	[tilespmem:$0x3800] =	vst v3;
	v3 =	vmul.f32 v28, v63  }
0x1a5: {  	v54 =	vld [tilespmem:$0x2980];
	[tilespmem:$0x3780] =	vst v44;
	v47 =	vmul.f32 v61, v60  }
0x1a6: {  	v51 =	vld [tilespmem:$0x1500];
	[tilespmem:$0x3900] =	vst v3;
	v3 =	vmul.f32 v34, v33  }
0x1a7: {  	v4 =	vmul.f32 v37, v36;
	[tilespmem:$0x3880] =	vst v47;
	v52 =	vld [tilespmem:$0x2900]  }
0x1a8: {  	[tilespmem:$0x3A00] =	vst v3;
	v3 =	vmul.f32 v40, v39  }
0x1a9: {  	[tilespmem:$0x3A80] =	vst v4;
	v55 =	vmul.f32 v43, v42  }
0x1aa: {  	[tilespmem:$0x3B00] =	vst v3;
	v3 =	vmul.f32 v46, v45  }
0x1ab: {  	[tilespmem:$0x3B80] =	vst v55;
	v57 =	vmul.f32 v54, v53  }
0x1ac: {  	[tilespmem:$0x3C00] =	vst v3;
	v3 =	vmul.f32 v52, v51  }
0x1ad: {  	[tilespmem:$0x3D80] =	vst v57  }
0x1ae: {  	[tilespmem:$0x3D00] =	vst v3  }
0x1af: {  	_ =	swait.ge [sflag:s12], $0x2800  }
0x1b0: {  	[sflag:s12] =	ssyncset.done $0x0  }
0x1b1: {  	[sflag:s12] =	ssyncadd.s32 $0xFFFFD800  }
0x1b2: {  	v3 =	vld [tilespmem:$0x100];
	_ =	sdelay $0x4  }
0x1b3: {  	v58 =	vshll.u32 v3, $0x1  }
0x1b4: {  	v3 =	vand.u32 $0x7, v3;
	v4 =	vand.u32 $0xFFFFFFF0, v58  }
0x1b5: {  	v3 =	vor.u32 v3, v4  }
0x1b6: {  	v4 =	vperm.xlane v3, v0;
	_ =	sdelay $0x1  }
0x1b7: {  	v3 =	vperm.xlane v3, v2;
	v4 =	vadd.s32 v1, v4;
	_ =	sdelay $0x1  }
0x1b8: {  	v3 =	vadd.s32 v1, v3;
	_ =	sdelay $0x2  }
0x1b9: {  	[tilespmem:s23], [sflag:$0x7] =	stream.indirect_vreg.gather [hbm4b:s7+s2], $0x80, v4, vm0, $0xb8;
	[tilespmem:$0x1E200] =	vst v63  }
0x1ba: {  	_ = 	snop  }
0x1bb: {  	[tilespmem:s24], [sflag:$0x7] =	stream.indirect_vreg.gather [hbm4b:s7+s2], $0x80, v3, vm0, $0xb8;
	[tilespmem:$0x1E200] =	vst v63  }
0x1bc: {  	v3 =	vld [tilespmem:$0x110];
	_ =	sdelay $0x4  }
0x1bd: {  	v59 =	vshll.u32 v3, $0x1  }
0x1be: {  	v3 =	vand.u32 $0x7, v3;
	v4 =	vand.u32 $0xFFFFFFF0, v59  }
0x1bf: {  	v3 =	vor.u32 v3, v4  }
0x1c0: {  	v4 =	vperm.xlane v3, v0;
	_ =	sdelay $0x1  }
0x1c1: {  	v3 =	vperm.xlane v3, v2;
	v4 =	vadd.s32 v1, v4;
	_ =	sdelay $0x1  }
0x1c2: {  	v3 =	vadd.s32 v1, v3;
	_ =	sdelay $0x2  }
0x1c3: {  	[tilespmem:s25], [sflag:$0x7] =	stream.indirect_vreg.gather [hbm4b:s7+s2], $0x80, v4, vm0, $0xb8;
	[tilespmem:$0x1E200] =	vst v63  }
0x1c4: {  	_ = 	snop  }
0x1c5: {  	[tilespmem:s26], [sflag:$0x7] =	stream.indirect_vreg.gather [hbm4b:s7+s2], $0x80, v3, vm0, $0xb8;
	[tilespmem:$0x1E200] =	vst v63  }
0x1c6: {  	v3 =	vld.msk [tilespmem:$0x120], $0xff;
	_ =	sdelay $0x4  }
0x1c7: {  	v60 =	vshll.u32 v3, $0x1  }
0x1c8: {  	v3 =	vand.u32 $0x7, v3;
	v4 =	vand.u32 $0xFFFFFFF0, v60  }
0x1c9: {  	v3 =	vor.u32 v3, v4  }
0x1ca: {  	v3 =	vperm.xlane v3, v0;
	_ =	sdelay $0x1  }
0x1cb: {  	v3 =	vadd.s32 v1, v3;
	_ =	sdelay $0x4  }
0x1cc: {  	[tilespmem:s28], [sflag:$0x7] =	stream.indirect_vreg.gather [hbm4b:s7+s2], $0x80, v3, vm0, $0xb8;
	[tilespmem:$0x1E200] =	vst v63  }
0x1cd: {  	_ =	swait.ge [sflag:s13], $0x2800  }
0x1ce: {  	[sflag:s13] =	ssyncset.done $0x0  }
0x1cf: {  	[sflag:s13] =	ssyncadd.s32 $0xFFFFD800  }
0x1d0: {  	v3 =	vld [tilespmem:$0x100];
	_ =	sdelay $0x4  }
0x1d1: {  	v61 =	vshll.u32 v3, $0x1  }
0x1d2: {  	v3 =	vand.u32 $0x7, v3;
	v4 =	vand.u32 $0xFFFFFFF0, v61  }
0x1d3: {  	v3 =	vor.u32 v3, v4  }
0x1d4: {  	v4 =	vperm.xlane v3, v0;
	_ =	sdelay $0x1  }
0x1d5: {  	v3 =	vperm.xlane v3, v2;
	v4 =	vadd.s32 v1, v4;
	_ =	sdelay $0x1  }
0x1d6: {  	v3 =	vadd.s32 v1, v3;
	_ =	sdelay $0x2  }
0x1d7: {  	[tilespmem:s29], [sflag:$0x8] =	stream.indirect_vreg.gather [hbm4b:s8+s2], $0x80, v4, vm0, $0xb8;
	[tilespmem:$0x1E200] =	vst v63  }
0x1d8: {  	_ = 	snop  }
0x1d9: {  	[tilespmem:s30], [sflag:$0x8] =	stream.indirect_vreg.gather [hbm4b:s8+s2], $0x80, v3, vm0, $0xb8;
	[tilespmem:$0x1E200] =	vst v63  }
0x1da: {  	v3 =	vld [tilespmem:$0x110];
	_ =	sdelay $0x4  }
0x1db: {  	v62 =	vshll.u32 v3, $0x1  }
0x1dc: {  	v3 =	vand.u32 $0x7, v3;
	v4 =	vand.u32 $0xFFFFFFF0, v62  }
0x1dd: {  	v3 =	vor.u32 v3, v4  }
0x1de: {  	v4 =	vperm.xlane v3, v0;
	_ =	sdelay $0x1  }
0x1df: {  	v3 =	vperm.xlane v3, v2;
	v4 =	vadd.s32 v1, v4;
	_ =	sdelay $0x1  }
0x1e0: {  	v3 =	vadd.s32 v1, v3;
	_ =	sdelay $0x2  }
0x1e1: {  	[tilespmem:s31], [sflag:$0x8] =	stream.indirect_vreg.gather [hbm4b:s8+s2], $0x80, v4, vm0, $0xb8;
	[tilespmem:$0x1E200] =	vst v63  }
0x1e2: {  	_ = 	snop  }
0x1e3: {  	[tilespmem:s0], [sflag:$0x8] =	stream.indirect_vreg.gather [hbm4b:s8+s2], $0x80, v3, vm0, $0xb8;
	[tilespmem:$0x1E200] =	vst v63  }
0x1e4: {  	v3 =	vld.msk [tilespmem:$0x120], $0xff;
	_ =	sdelay $0x4  }
0x1e5: {  	v63 =	vshll.u32 v3, $0x1  }
0x1e6: {  	v3 =	vand.u32 $0x7, v3;
	v4 =	vand.u32 $0xFFFFFFF0, v63  }
0x1e7: {  	v3 =	vor.u32 v3, v4  }
0x1e8: {  	v3 =	vperm.xlane v3, v0;
	_ =	sdelay $0x1  }
0x1e9: {  	v3 =	vadd.s32 v1, v3;
	_ =	sdelay $0x4  }
0x1ea: {  	[tilespmem:s3], [sflag:$0x8] =	stream.indirect_vreg.gather [hbm4b:s8+s2], $0x80, v3, vm0, $0xb8;
	[tilespmem:$0x1E200] =	vst v63  }
0x1eb: {  	_ =	swait.ge [sflag:s12], $0x2800  }
0x1ec: {  	[sflag:s12] =	ssyncset.done $0x0  }
0x1ed: {  	[sflag:s12] =	ssyncadd.s32 $0xFFFFD800  }
0x1ee: {  	_ =	swait.ge [sflag:s13], $0x2800  }
0x1ef: {  	p0 =	sne.s32 s22, $0x4D8;
	[sflag:s13] =	ssyncset.done $0x0  }
.Ltmp0:
0x1f0: {  	[sflag:s13] =	ssyncadd.s32 $0xFFFFD800;
	(pc) =	sbr.rel @p0 .LBB2_2-.Ltmp0, $4  }
0x1f1: {  	[spmem:s16] =	stream.indirect.scatter.add.f32 [tilespmem:s1], [sflag:$0x9], $0x80, s18, s21, $0xb8;
	[tilespmem:$0x1E200] =	vst v63  }
0x1f2: {  	_ =	swait.ge [sflag:s15], $0x1400  }
0x1f3: {  	[sflag:s15] =	ssyncset.done $0x0  }
0x1f4: {  	s22 =	sadd.s32 $0xA, s22;
	s20 =	sadd.s32 $0x500, s20;
	[sflag:s15] =	ssyncadd.s32 $0xFFFFEC00  }
0x1f5: {  	[bflag:$0x0] =	sbarrier.arrive $0xFFFF  }
0x1f6: {  	s18 =	rddreg [dreg:$0x9]  }
0x1f7: {  	s1 =	rddreg [dreg:$0xa]  }
0x1f8: {  	s17 =	rddreg [dreg:$0xd]  }
0x1f9: {  	[hbm:s1], [sflag:s18] =	dma.local [spmem:s17], $0x2800  }
0x1fa: {  	_ =	swait.ge [sflag:s15], $0x2800  }
0x1fb: {  	s10 =	rddreg [dreg:$0xe]  }
0x1fc: {  	s22 =	rddreg [dreg:$0xb];
	s10 =	sadd.s32 $0x1, s10  }
0x1fd: {  	p0 =	sne.s32 s10, s22  }
.Ltmp1:
0x1fe: {  	_ = 	snop;
	(pc) =	sbr.rel @p0 .LBB2_1-.Ltmp1, $3  }
0x1ff: {  	_ =	sdelay $0x1  }
0x200: {  	[sflag:s15] =	ssyncset.done $0x0  }
0x201: {  	[sflag:s15] =	ssyncadd.s32 $0xFFFFD800  }
0x202: {  	_ =	sfence.sel $0x180000  }
0x203: {  	[bflag:$0x0] =	sbarrier.arrive $0xFFFF  }
0x204: {  	_ =	strace $0x90000050  }
0x205: {  	s0 =	stileid.u32;
	[bflag:$0x2] =	sbarrier.arrive $0xFFFF  }
0x206: {  	p0 =	sne.s32 s0, $0x0;
	s0 =	rddreg [dreg:$0x2]  }
0x207: {  	s0 =	sadd.s32 @!p0 $0x100000, s0  }
0x208: {  	[sflag:s0] =	ssyncadd.tile.s32 @!p0 $0x1;
	_ =	shalt  }
.Lfunc_end2:
_tile_overlayer_lowered:
.L_overlay_start_2:
0x209: {  	(tag) =	ssettag $0x2  }
0x20a: {  	s0 =	rddreg [dreg:$0x0];
	s2 =	stileid.u32  }
0x20b: {  	s1 =	rddreg [dreg:$0x1];
	p0 =	sne.s32 s2, $0x0  }
0x20c: {  	s3 =	rddreg [dreg:$0x2];
	[bflag:$0x3] =	sbarrier.arrive $0xFFFF;
	s2 =	simm.s32 @!p0 $0x1C09  }
0x20d: {  	[timem:s3], [sflag:s2] =	dma.local @!p0 [hbm:s0], s1  }
0x20e: {  	s0 =	simm.s32 @!p0 $0x9  }
0x20f: {  	_ =	swait.ge @!p0 [sflag:s0], s1  }
0x210: {  	s1 =	ssub.s32 @!p0 $0x0, s1;
	[sflag:s0] =	ssyncset.done @!p0 $0x0  }
0x211: {  	[sflag:s0] =	ssyncadd.s32 @!p0 s1  }
0x212: {  	[bflag:$0x3] =	sbarrier.arrive $0xFFFF  }
0x213: {  	_ =	shalt  }

</sc_bundles>
